<compile_context>
chip_gen: v7x
topology: tpu7x:2x2x1
jax: 0.10.2.dev20260603
libtpu: 0.0.44.dev20260713+nightly
codegen_flags: <defaults>
</compile_context>

<pallas_src>
import functools

import jax
import jax.numpy as jnp
from jax import lax
from jax.experimental import pallas as pl
from jax.experimental.pallas import tpu as pltpu
from jax.experimental.pallas import tpu_sc as plsc

N_CAT = 26
EMB = 16
PADV = 100096
NROW = 100000
NLANE = N_CAT * EMB
SPLIT = 216
Q = 4096
NW = 32

_SC_PARAMS = dict(
    compiler_params=pltpu.CompilerParams(use_tc_tiling_on_sc=False,
                                         needs_layout_passes=False),
    mesh=plsc.VectorSubcoreMesh(core_axis_name="c", subcore_axis_name="s"),
)


def _sc_cidx(cat1d, nodes, batch, n_cat):
    nq = batch // Q

    @functools.partial(
        pl.kernel,
        out_type=jax.ShapeDtypeStruct((n_cat * batch,), jnp.int32),
        scratch_types=[
            pltpu.VMEM((PADV,), jnp.int32),
            pltpu.VMEM((Q,), jnp.int32),
            pltpu.VMEM((Q,), jnp.int32),
        ],
        **_SC_PARAMS,
    )
    def k(cat_hbm, nodes_hbm, cidx_hbm, big_vm, nodes_vm, vals_vm):
        wid = lax.axis_index("s") * 2 + lax.axis_index("c")

        @pl.when(wid < n_cat)
        def _():
            pltpu.sync_copy(cat_hbm.at[pl.ds(wid * NROW, NROW)],
                            big_vm.at[pl.ds(0, NROW)])
            for q in range(nq):
                pltpu.sync_copy(nodes_hbm.at[pl.ds(q * Q, Q)], nodes_vm)

                def g(i, carry):
                    for u in range(8):
                        i16 = nodes_vm[pl.ds(i * 128 + u * 16, 16)]
                        vals_vm[pl.ds(i * 128 + u * 16, 16)] = \
                            plsc.load_gather(big_vm, [i16])
                    return carry
                lax.fori_loop(0, Q // 128, g, 0)
                pltpu.sync_copy(vals_vm,
                                cidx_hbm.at[pl.ds(wid * batch + q * Q, Q)])

    return k(cat1d, nodes)


def _sc_values(t1d, cidx1d, batch, lane_lo, lane_hi, num1d=None, nodes=None,
               n_num=0):
    nq = batch // Q
    n_tab = lane_hi - lane_lo
    out_rows = n_tab + n_num
    extra = (num1d, nodes) if n_num else ()

    @functools.partial(
        pl.kernel,
        out_type=jax.ShapeDtypeStruct((out_rows * batch,), jnp.float32),
        scratch_types=[
            pltpu.VMEM((PADV,), jnp.float32),
            pltpu.VMEM((batch,), jnp.int32),
            pltpu.VMEM((Q,), jnp.float32),
            pltpu.SemaphoreType.DMA,
            pltpu.SemaphoreType.DMA,
        ],
        **_SC_PARAMS,
    )
    def k(t_hbm, cidx_hbm, *rest):
        (num_hbm, nodes_hbm) = rest[:2] if n_num else (None, None)
        out_hbm, big_vm, cidx_vm, vals_vm, sem_a, sem_b = rest[-6:]
        wid = lax.axis_index("s") * 2 + lax.axis_index("c")

        def quarters(out_row):
            for q in range(nq):
                def g(i, carry):
                    for u in range(8):
                        i16 = cidx_vm[pl.ds(q * Q + i * 128 + u * 16, 16)]
                        vals_vm[pl.ds(i * 128 + u * 16, 16)] = \
                            plsc.load_gather(big_vm, [i16])
                    return carry
                lax.fori_loop(0, Q // 128, g, 0)
                pltpu.sync_copy(
                    vals_vm,
                    out_hbm.at[pl.ds(out_row * batch + q * Q, Q)])

        def tjob(t, carry):
            j = wid + NW * t

            @pl.when(j < n_tab)
            def _():
                f = (lane_lo + j) // EMB
                h1 = pltpu.async_copy(cidx_hbm.at[pl.ds(f * batch, batch)],
                                      cidx_vm, sem_a)
                h2 = pltpu.async_copy(t_hbm.at[pl.ds(j * PADV, PADV)],
                                      big_vm, sem_b)
                h1.wait()
                h2.wait()
                quarters(j)
            return carry
        lax.fori_loop(0, (n_tab + NW - 1) // NW, tjob, 0)

        if n_num:
            kk = wid - (NW - n_num)

            @pl.when(kk >= 0)
            def _num_tail():
                pltpu.sync_copy(nodes_hbm, cidx_vm)
                pltpu.sync_copy(num_hbm.at[pl.ds(kk * NROW, PADV)], big_vm)
                quarters(n_tab + kk)

    return k(t1d, cidx1d, *extra)


def _tc_repack(t_t, blk_lo, n_blk):
    def body(in_ref, out_ref):
        for j in range(8):
            out_ref[pl.ds(j * PADV, PADV)] = in_ref[0, j, :]

    return pl.pallas_call(
        body,
        grid=(n_blk,),
        in_specs=[pl.BlockSpec(
            (1, 8, PADV), lambda b: ((b + blk_lo) // 2, (b + blk_lo) % 2, 0))],
        out_specs=pl.BlockSpec((8 * PADV,), lambda b: (b,)),
        out_shape=jax.ShapeDtypeStruct((n_blk * 8 * PADV,), jnp.float32),
    )(t_t)


def _tc_matmul(emb1, emb2, w1, w2, b2d, batch):
    blk = 2048
    k1, k2 = emb1.shape[0], emb2.shape[0]

    def body(e1_ref, e2_ref, w1_ref, w2_ref, b_ref, out_ref):
        dn = (((0,), (0,)), ((), ()))
        acc = jax.lax.dot_general(
            w1_ref[...], e1_ref[...], dimension_numbers=dn,
            preferred_element_type=jnp.float32,
            precision=lax.Precision.HIGHEST)
        acc += jax.lax.dot_general(
            w2_ref[...], e2_ref[...], dimension_numbers=dn,
            preferred_element_type=jnp.float32,
            precision=lax.Precision.HIGHEST)
        out_ref[...] = acc + b_ref[:, 0:1]

    return pl.pallas_call(
        body,
        grid=(batch // blk,),
        in_specs=[
            pl.BlockSpec((k1, blk), lambda i: (0, i)),
            pl.BlockSpec((k2, blk), lambda i: (0, i)),
            pl.BlockSpec((k1, 64), lambda i: (0, 0)),
            pl.BlockSpec((k2, 64), lambda i: (0, 0)),
            pl.BlockSpec((64, 8), lambda i: (0, 0)),
        ],
        out_specs=pl.BlockSpec((64, blk), lambda i: (0, i)),
        out_shape=jax.ShapeDtypeStruct((64, batch), jnp.float32),
    )(emb1, emb2, w1, w2, b2d)


def kernel(tables, num_feats, W, b, cat_idx, nodes_v):
    n_cat, vrows, emb = tables.shape
    n_rows, n_num = num_feats.shape
    batch = nodes_v.shape[0]
    nodes = nodes_v.astype(jnp.int32)

    t_t = jnp.transpose(tables, (0, 2, 1))
    cat1d = jnp.transpose(cat_idx).reshape(-1).astype(jnp.int32)
    num1d = jnp.pad(jnp.transpose(num_feats).reshape(-1), (0, 96))

    w_t = jnp.transpose(W)

    nb1 = SPLIT // 8
    cidx1d = _sc_cidx(cat1d, nodes, batch, n_cat)

    tA = _tc_repack(t_t, 0, nb1)
    emb1 = _sc_values(tA, cidx1d, batch, 0, SPLIT)

    tB = _tc_repack(t_t, nb1, NLANE // 8 - nb1)
    emb2 = _sc_values(tB, cidx1d, batch, SPLIT, NLANE,
                      num1d=num1d, nodes=nodes, n_num=n_num)

    b2d = jnp.broadcast_to(b[:, None], (64, 8))
    out_t = _tc_matmul(emb1.reshape(SPLIT, batch),
                       emb2.reshape(NLANE - SPLIT + n_num, batch),
                       w_t[:SPLIT], w_t[SPLIT:], b2d, batch)
    return jnp.transpose(out_t)

# --- scband reference (transcript-rebuilt; emitter-appended) ---
"""Pipeline reference for scband-cat-embedding-14422500180539 (READ-ONLY COPY).

The authoritative reference and input builder live on the scoring server;
editing this copy changes nothing except your own understanding.
"""

import jax, jax.numpy as jnp
import numpy as np

N_ROWS = 100000      # number of entities (rows of the feature dataframe / weight matrix)
N_CAT = 26           # number of categorical fields
N_NUM = 13           # number of numeric fields
VOCAB = 100000       # category_origin_dimension per field (table has VOCAB+1 rows)
CAT_EMB = 16         # category_embedding_dimension per field
IN_DIM = N_CAT * CAT_EMB + N_NUM  # 429
EMBED_DIM = 64
BATCH = 16384


def setup_inputs(seed: int = 0) -> dict:
    key = jax.random.key(seed)
    k1, k2, k3, k4, k5 = jax.random.split(key, 5)
    # per-entity categorical indices and numeric features (the 'm_feature' dataframe)
    cat_idx = jax.random.randint(k1, (N_ROWS, N_CAT), 0, VOCAB + 1)
    num_feats = jax.random.normal(k2, (N_ROWS, N_NUM), dtype=jnp.float32)
    # learned parameters
    tables = jax.random.normal(k3, (N_CAT, VOCAB + 1, CAT_EMB), dtype=jnp.float32) * 0.05
    W = jax.random.normal(k4, (EMBED_DIM, IN_DIM), dtype=jnp.float32) * 0.05
    b = jnp.zeros((EMBED_DIM,), dtype=jnp.float32)
    # forward arg
    nodes_v = jax.random.randint(k5, (BATCH,), 0, N_ROWS)
    return {"tables": tables, "num_feats": num_feats, "W": W, "b": b,
            "cat_idx": cat_idx, "nodes_v": nodes_v}


def reference(tables, num_feats, W, b, cat_idx, nodes_v):
    # get_weight: embed each categorical field, concat with numeric feats, linear project
    # gather: [N_CAT, VOCAB+1, CAT_EMB] x [N_ROWS, N_CAT] -> [N_ROWS, N_CAT, CAT_EMB]
    emb = jax.vmap(lambda t, idx: jnp.take(t, idx, axis=0), in_axes=(0, 1), out_axes=1)(tables, cat_idx)
    feat_ebd = jnp.concatenate([emb.reshape(emb.shape[0], N_CAT * CAT_EMB), num_feats], axis=1)  # [N_ROWS, IN_DIM]
    weight = feat_ebd @ W.T + b  # [N_ROWS, EMBED_DIM]
    # forward: index precomputed weight matrix by node ids
    to_feat = jnp.take(weight, nodes_v, axis=0)  # [BATCH, EMBED_DIM]
    return to_feat

if __name__ == "__main__":
    import jax
    _d = setup_inputs()
    print(jax.jit(kernel)(*tuple(_d.values())))

</pallas_src>

<mosaic_0001>
#map = affine_map<(d0, d1) -> (0)>
module attributes {stable_mosaic.version = 14 : i64} {
  func.func @k(%arg0: i32, %arg1: i32, %arg2: memref<21620736xf32, #tpu.memory_space<hbm>>, %arg3: memref<425984xi32, #tpu.memory_space<hbm>>, %arg4: memref<3538944xf32, #tpu.memory_space<hbm>>, %arg5: memref<100096xf32, #tpu.memory_space<vmem>>, %arg6: memref<16384xi32, #tpu.memory_space<vmem>>, %arg7: memref<4096xf32, #tpu.memory_space<vmem>>, %arg8: memref<!tpu.dma_semaphore, #tpu.memory_space<semaphore_mem>>, %arg9: memref<!tpu.dma_semaphore, #tpu.memory_space<semaphore_mem>>) attributes {dimension_semantics = [#tpu.dimension_semantics<core_parallel>, #tpu.dimension_semantics<subcore_parallel>], iteration_bounds = array<i64: 2, 16>, scalar_prefetch = 0 : i64, scratch_operands = 5 : i64, tpu.core_type = #tpu.core_type<sc_vector_subcore>, window_params = [{transform_indices = #map}, {transform_indices = #map}, {transform_indices = #map}]} {
    %mul3A = arith.constant 2 : i32
    %mul3A_0 = arith.muli %arg1, %mul3A : i32
    %add3A = arith.addi %mul3A_0, %arg0 : i32
    %scan3A = arith.constant 0 : i32
    %scan3A_1 = arith.constant 0 : i32
    %scan3A_2 = arith.constant 7 : i32
    %scan3A_3 = arith.addi %scan3A_1, %scan3A_2 : i32
    %scan3A_4 = arith.constant 1 : i32
    scf.for %scan3A_6 = %scan3A_1 to %scan3A_3 step %scan3A_4  : i32 {
      %mul3A_7 = arith.constant 32 : i32
      %mul3A_8 = arith.muli %mul3A_7, %scan3A_6 : i32
      %add3A_9 = arith.addi %add3A, %mul3A_8 : i32
      %lt3A = arith.constant 216 : i32
      %lt3A_10 = arith.cmpi slt, %add3A_9, %lt3A : i32
      %convert_element_type3A = arith.extui %lt3A_10 : i1 to i32
      %cond3A = arith.constant 0 : i32
      %cond3A_11 = arith.cmpi ne, %convert_element_type3A, %cond3A : i32
      scf.if %cond3A_11 {
        %add3A_12 = arith.constant 0 : i32
        %add3A_13 = arith.addi %add3A_12, %add3A_9 : i32
        %jit3A = arith.constant 16 : i32
        %div3A = arith.divsi %add3A_13, %jit3A : i32
        %sign3A = arith.constant 0 : i32
        %sign3A_14 = arith.cmpi sgt, %add3A_13, %sign3A : i32
        %sign3A_15 = arith.extui %sign3A_14 : i1 to i32
        %sign3A_16 = arith.constant 0 : i32
        %sign3A_17 = arith.cmpi slt, %add3A_13, %sign3A_16 : i32
        %sign3A_18 = arith.extui %sign3A_17 : i1 to i32
        %sign3A_19 = arith.subi %sign3A_15, %sign3A_18 : i32
        %sign3A_20 = arith.constant 0 : i32
        %sign3A_21 = arith.cmpi sgt, %jit3A, %sign3A_20 : i32
        %sign3A_22 = arith.extui %sign3A_21 : i1 to i32
        %sign3A_23 = arith.constant 0 : i32
        %sign3A_24 = arith.cmpi slt, %jit3A, %sign3A_23 : i32
        %sign3A_25 = arith.extui %sign3A_24 : i1 to i32
        %sign3A_26 = arith.subi %sign3A_22, %sign3A_25 : i32
        %ne3A = arith.cmpi ne, %sign3A_19, %sign3A_26 : i32
        %rem3A = arith.remsi %add3A_13, %jit3A : i32
        %ne3A_27 = arith.constant 0 : i32
        %ne3A_28 = arith.cmpi ne, %rem3A, %ne3A_27 : i32
        %and3A = arith.andi %ne3A, %ne3A_28 : i1
        %sub3A = arith.constant 1 : i32
        %sub3A_29 = arith.subi %div3A, %sub3A : i32
        %select_n3A = arith.select %and3A, %sub3A_29, %div3A : i32
        %mul3A_30 = arith.constant 16384 : i32
        %mul3A_31 = arith.muli %select_n3A, %mul3A_30 : i32
        %dma_start3A = tpu.memref_slice %arg3[%mul3A_31] : memref<425984xi32, #tpu.memory_space<hbm>> -> memref<16384xi32, #tpu.memory_space<hbm>>
        %dma_start3A_32 = tpu.memref_slice %arg3[%mul3A_31] : memref<425984xi32, #tpu.memory_space<hbm>> -> memref<16384xi32, #tpu.memory_space<hbm>>
        tpu.enqueue_dma source(%dma_start3A_32 : memref<16384xi32, #tpu.memory_space<hbm>>) target(%arg6 : memref<16384xi32, #tpu.memory_space<vmem>>) target_semaphore(%arg8 : memref<!tpu.dma_semaphore, #tpu.memory_space<semaphore_mem>>)
        %mul3A_33 = arith.constant 100096 : i32
        %mul3A_34 = arith.muli %add3A_9, %mul3A_33 : i32
        %dma_start3A_35 = tpu.memref_slice %arg2[%mul3A_34] : memref<21620736xf32, #tpu.memory_space<hbm>> -> memref<100096xf32, #tpu.memory_space<hbm>>
        %dma_start3A_36 = tpu.memref_slice %arg2[%mul3A_34] : memref<21620736xf32, #tpu.memory_space<hbm>> -> memref<100096xf32, #tpu.memory_space<hbm>>
        tpu.enqueue_dma source(%dma_start3A_36 : memref<100096xf32, #tpu.memory_space<hbm>>) target(%arg5 : memref<100096xf32, #tpu.memory_space<vmem>>) target_semaphore(%arg9 : memref<!tpu.dma_semaphore, #tpu.memory_space<semaphore_mem>>)
        %dma_wait3A = tpu.memref_slice %arg3[%mul3A_31] : memref<425984xi32, #tpu.memory_space<hbm>> -> memref<16384xi32, #tpu.memory_space<hbm>>
        %dma_wait3A_37 = tpu.memref_slice %arg3[%mul3A_31] : memref<425984xi32, #tpu.memory_space<hbm>> -> memref<16384xi32, #tpu.memory_space<hbm>>
        tpu.wait_dma2 semaphore(%arg8 : memref<!tpu.dma_semaphore, #tpu.memory_space<semaphore_mem>>) src(%dma_wait3A_37 : memref<16384xi32, #tpu.memory_space<hbm>>) dst(%arg6 : memref<16384xi32, #tpu.memory_space<vmem>>)
        %dma_wait3A_38 = tpu.memref_slice %arg2[%mul3A_34] : memref<21620736xf32, #tpu.memory_space<hbm>> -> memref<100096xf32, #tpu.memory_space<hbm>>
        %dma_wait3A_39 = tpu.memref_slice %arg2[%mul3A_34] : memref<21620736xf32, #tpu.memory_space<hbm>> -> memref<100096xf32, #tpu.memory_space<hbm>>
        tpu.wait_dma2 semaphore(%arg9 : memref<!tpu.dma_semaphore, #tpu.memory_space<semaphore_mem>>) src(%dma_wait3A_39 : memref<100096xf32, #tpu.memory_space<hbm>>) dst(%arg5 : memref<100096xf32, #tpu.memory_space<vmem>>)
        %scan3A_40 = arith.constant 0 : i32
        %scan3A_41 = arith.constant 0 : i32
        %scan3A_42 = arith.constant 32 : i32
        %scan3A_43 = arith.addi %scan3A_41, %scan3A_42 : i32
        %scan3A_44 = arith.constant 1 : i32
        scf.for %scan3A_80 = %scan3A_41 to %scan3A_43 step %scan3A_44  : i32 {
          %mul3A_81 = arith.constant 128 : i32
          %mul3A_82 = arith.muli %scan3A_80, %mul3A_81 : i32
          %add3A_83 = arith.constant 0 : i32
          %add3A_84 = arith.addi %add3A_83, %mul3A_82 : i32
          %add3A_85 = arith.constant 0 : i32
          %add3A_86 = arith.addi %add3A_84, %add3A_85 : i32
          %get3A = arith.index_cast %add3A_86 : i32 to index
          %get3A_87 = tpu.vector_load %arg6[%get3A] {strides = array<i32>} : memref<16384xi32, #tpu.memory_space<vmem>>, vector<16xi32>,
          %gather3A = tpu.vector_load_idx %arg5[%get3A_87] : memref<100096xf32, #tpu.memory_space<vmem>>[vector<16xi32>], vector<16xf32>,
          %mul3A_88 = arith.constant 128 : i32
          %mul3A_89 = arith.muli %scan3A_80, %mul3A_88 : i32
          %add3A_90 = arith.constant 0 : i32
          %add3A_91 = arith.addi %mul3A_89, %add3A_90 : i32
          %swap3A = arith.index_cast %add3A_91 : i32 to index
          %swap3A_92 = tpu.vector_load %arg7[%swap3A] {strides = array<i32>} : memref<4096xf32, #tpu.memory_space<vmem>>, vector<16xf32>,
          tpu.vector_store %arg7[%swap3A], %gather3A {strides = array<i32>} : memref<4096xf32, #tpu.memory_space<vmem>>, vector<16xf32>,
          %mul3A_93 = arith.constant 128 : i32
          %mul3A_94 = arith.muli %scan3A_80, %mul3A_93 : i32
          %add3A_95 = arith.constant 0 : i32
          %add3A_96 = arith.addi %add3A_95, %mul3A_94 : i32
          %add3A_97 = arith.constant 16 : i32
          %add3A_98 = arith.addi %add3A_96, %add3A_97 : i32
          %get3A_99 = arith.index_cast %add3A_98 : i32 to index
          %get3A_100 = tpu.vector_load %arg6[%get3A_99] {strides = array<i32>} : memref<16384xi32, #tpu.memory_space<vmem>>, vector<16xi32>,
          %gather3A_101 = tpu.vector_load_idx %arg5[%get3A_100] : memref<100096xf32, #tpu.memory_space<vmem>>[vector<16xi32>], vector<16xf32>,
          %mul3A_102 = arith.constant 128 : i32
          %mul3A_103 = arith.muli %scan3A_80, %mul3A_102 : i32
          %add3A_104 = arith.constant 16 : i32
          %add3A_105 = arith.addi %mul3A_103, %add3A_104 : i32
          %swap3A_106 = arith.index_cast %add3A_105 : i32 to index
          %swap3A_107 = tpu.vector_load %arg7[%swap3A_106] {strides = array<i32>} : memref<4096xf32, #tpu.memory_space<vmem>>, vector<16xf32>,
          tpu.vector_store %arg7[%swap3A_106], %gather3A_101 {strides = array<i32>} : memref<4096xf32, #tpu.memory_space<vmem>>, vector<16xf32>,
          %mul3A_108 = arith.constant 128 : i32
          %mul3A_109 = arith.muli %scan3A_80, %mul3A_108 : i32
          %add3A_110 = arith.constant 0 : i32
          %add3A_111 = arith.addi %add3A_110, %mul3A_109 : i32
          %add3A_112 = arith.constant 32 : i32
          %add3A_113 = arith.addi %add3A_111, %add3A_112 : i32
          %get3A_114 = arith.index_cast %add3A_113 : i32 to index
          %get3A_115 = tpu.vector_load %arg6[%get3A_114] {strides = array<i32>} : memref<16384xi32, #tpu.memory_space<vmem>>, vector<16xi32>,
          %gather3A_116 = tpu.vector_load_idx %arg5[%get3A_115] : memref<100096xf32, #tpu.memory_space<vmem>>[vector<16xi32>], vector<16xf32>,
          %mul3A_117 = arith.constant 128 : i32
          %mul3A_118 = arith.muli %scan3A_80, %mul3A_117 : i32
          %add3A_119 = arith.constant 32 : i32
          %add3A_120 = arith.addi %mul3A_118, %add3A_119 : i32
          %swap3A_121 = arith.index_cast %add3A_120 : i32 to index
          %swap3A_122 = tpu.vector_load %arg7[%swap3A_121] {strides = array<i32>} : memref<4096xf32, #tpu.memory_space<vmem>>, vector<16xf32>,
          tpu.vector_store %arg7[%swap3A_121], %gather3A_116 {strides = array<i32>} : memref<4096xf32, #tpu.memory_space<vmem>>, vector<16xf32>,
          %mul3A_123 = arith.constant 128 : i32
          %mul3A_124 = arith.muli %scan3A_80, %mul3A_123 : i32
          %add3A_125 = arith.constant 0 : i32
          %add3A_126 = arith.addi %add3A_125, %mul3A_124 : i32
          %add3A_127 = arith.constant 48 : i32
          %add3A_128 = arith.addi %add3A_126, %add3A_127 : i32
          %get3A_129 = arith.index_cast %add3A_128 : i32 to index
          %get3A_130 = tpu.vector_load %arg6[%get3A_129] {strides = array<i32>} : memref<16384xi32, #tpu.memory_space<vmem>>, vector<16xi32>,
          %gather3A_131 = tpu.vector_load_idx %arg5[%get3A_130] : memref<100096xf32, #tpu.memory_space<vmem>>[vector<16xi32>], vector<16xf32>,
          %mul3A_132 = arith.constant 128 : i32
          %mul3A_133 = arith.muli %scan3A_80, %mul3A_132 : i32
          %add3A_134 = arith.constant 48 : i32
          %add3A_135 = arith.addi %mul3A_133, %add3A_134 : i32
          %swap3A_136 = arith.index_cast %add3A_135 : i32 to index
          %swap3A_137 = tpu.vector_load %arg7[%swap3A_136] {strides = array<i32>} : memref<4096xf32, #tpu.memory_space<vmem>>, vector<16xf32>,
          tpu.vector_store %arg7[%swap3A_136], %gather3A_131 {strides = array<i32>} : memref<4096xf32, #tpu.memory_space<vmem>>, vector<16xf32>,
          %mul3A_138 = arith.constant 128 : i32
          %mul3A_139 = arith.muli %scan3A_80, %mul3A_138 : i32
          %add3A_140 = arith.constant 0 : i32
          %add3A_141 = arith.addi %add3A_140, %mul3A_139 : i32
          %add3A_142 = arith.constant 64 : i32
          %add3A_143 = arith.addi %add3A_141, %add3A_142 : i32
          %get3A_144 = arith.index_cast %add3A_143 : i32 to index
          %get3A_145 = tpu.vector_load %arg6[%get3A_144] {strides = array<i32>} : memref<16384xi32, #tpu.memory_space<vmem>>, vector<16xi32>,
          %gather3A_146 = tpu.vector_load_idx %arg5[%get3A_145] : memref<100096xf32, #tpu.memory_space<vmem>>[vector<16xi32>], vector<16xf32>,
          %mul3A_147 = arith.constant 128 : i32
          %mul3A_148 = arith.muli %scan3A_80, %mul3A_147 : i32
          %add3A_149 = arith.constant 64 : i32
          %add3A_150 = arith.addi %mul3A_148, %add3A_149 : i32
          %swap3A_151 = arith.index_cast %add3A_150 : i32 to index
          %swap3A_152 = tpu.vector_load %arg7[%swap3A_151] {strides = array<i32>} : memref<4096xf32, #tpu.memory_space<vmem>>, vector<16xf32>,
          tpu.vector_store %arg7[%swap3A_151], %gather3A_146 {strides = array<i32>} : memref<4096xf32, #tpu.memory_space<vmem>>, vector<16xf32>,
          %mul3A_153 = arith.constant 128 : i32
          %mul3A_154 = arith.muli %scan3A_80, %mul3A_153 : i32
          %add3A_155 = arith.constant 0 : i32
          %add3A_156 = arith.addi %add3A_155, %mul3A_154 : i32
          %add3A_157 = arith.constant 80 : i32
          %add3A_158 = arith.addi %add3A_156, %add3A_157 : i32
          %get3A_159 = arith.index_cast %add3A_158 : i32 to index
          %get3A_160 = tpu.vector_load %arg6[%get3A_159] {strides = array<i32>} : memref<16384xi32, #tpu.memory_space<vmem>>, vector<16xi32>,
          %gather3A_161 = tpu.vector_load_idx %arg5[%get3A_160] : memref<100096xf32, #tpu.memory_space<vmem>>[vector<16xi32>], vector<16xf32>,
          %mul3A_162 = arith.constant 128 : i32
          %mul3A_163 = arith.muli %scan3A_80, %mul3A_162 : i32
          %add3A_164 = arith.constant 80 : i32
          %add3A_165 = arith.addi %mul3A_163, %add3A_164 : i32
          %swap3A_166 = arith.index_cast %add3A_165 : i32 to index
          %swap3A_167 = tpu.vector_load %arg7[%swap3A_166] {strides = array<i32>} : memref<4096xf32, #tpu.memory_space<vmem>>, vector<16xf32>,
          tpu.vector_store %arg7[%swap3A_166], %gather3A_161 {strides = array<i32>} : memref<4096xf32, #tpu.memory_space<vmem>>, vector<16xf32>,
          %mul3A_168 = arith.constant 128 : i32
          %mul3A_169 = arith.muli %scan3A_80, %mul3A_168 : i32
          %add3A_170 = arith.constant 0 : i32
          %add3A_171 = arith.addi %add3A_170, %mul3A_169 : i32
          %add3A_172 = arith.constant 96 : i32
          %add3A_173 = arith.addi %add3A_171, %add3A_172 : i32
          %get3A_174 = arith.index_cast %add3A_173 : i32 to index
          %get3A_175 = tpu.vector_load %arg6[%get3A_174] {strides = array<i32>} : memref<16384xi32, #tpu.memory_space<vmem>>, vector<16xi32>,
          %gather3A_176 = tpu.vector_load_idx %arg5[%get3A_175] : memref<100096xf32, #tpu.memory_space<vmem>>[vector<16xi32>], vector<16xf32>,
          %mul3A_177 = arith.constant 128 : i32
          %mul3A_178 = arith.muli %scan3A_80, %mul3A_177 : i32
          %add3A_179 = arith.constant 96 : i32
          %add3A_180 = arith.addi %mul3A_178, %add3A_179 : i32
          %swap3A_181 = arith.index_cast %add3A_180 : i32 to index
          %swap3A_182 = tpu.vector_load %arg7[%swap3A_181] {strides = array<i32>} : memref<4096xf32, #tpu.memory_space<vmem>>, vector<16xf32>,
          tpu.vector_store %arg7[%swap3A_181], %gather3A_176 {strides = array<i32>} : memref<4096xf32, #tpu.memory_space<vmem>>, vector<16xf32>,
          %mul3A_183 = arith.constant 128 : i32
          %mul3A_184 = arith.muli %scan3A_80, %mul3A_183 : i32
          %add3A_185 = arith.constant 0 : i32
          %add3A_186 = arith.addi %add3A_185, %mul3A_184 : i32
          %add3A_187 = arith.constant 112 : i32
          %add3A_188 = arith.addi %add3A_186, %add3A_187 : i32
          %get3A_189 = arith.index_cast %add3A_188 : i32 to index
          %get3A_190 = tpu.vector_load %arg6[%get3A_189] {strides = array<i32>} : memref<16384xi32, #tpu.memory_space<vmem>>, vector<16xi32>,
          %gather3A_191 = tpu.vector_load_idx %arg5[%get3A_190] : memref<100096xf32, #tpu.memory_space<vmem>>[vector<16xi32>], vector<16xf32>,
          %mul3A_192 = arith.constant 128 : i32
          %mul3A_193 = arith.muli %scan3A_80, %mul3A_192 : i32
          %add3A_194 = arith.constant 112 : i32
          %add3A_195 = arith.addi %mul3A_193, %add3A_194 : i32
          %swap3A_196 = arith.index_cast %add3A_195 : i32 to index
          %swap3A_197 = tpu.vector_load %arg7[%swap3A_196] {strides = array<i32>} : memref<4096xf32, #tpu.memory_space<vmem>>, vector<16xf32>,
          tpu.vector_store %arg7[%swap3A_196], %gather3A_191 {strides = array<i32>} : memref<4096xf32, #tpu.memory_space<vmem>>, vector<16xf32>,
        }
        %scan3A_45 = arith.constant 32 : i32
        %mul3A_46 = arith.constant 16384 : i32
        %mul3A_47 = arith.muli %add3A_9, %mul3A_46 : i32
        %add3A_48 = arith.constant 0 : i32
        %add3A_49 = arith.addi %mul3A_47, %add3A_48 : i32
        "tpu.region"() ({
          %run_scoped3A = tpu.sem_alloc : memref<!tpu.dma_semaphore, #tpu.memory_space<semaphore_mem>>
          %dma_start3A_80 = tpu.memref_slice %arg4[%add3A_49] : memref<3538944xf32, #tpu.memory_space<hbm>> -> memref<4096xf32, #tpu.memory_space<hbm>>
          %dma_start3A_81 = tpu.memref_slice %arg4[%add3A_49] : memref<3538944xf32, #tpu.memory_space<hbm>> -> memref<4096xf32, #tpu.memory_space<hbm>>
          tpu.enqueue_dma source(%arg7 : memref<4096xf32, #tpu.memory_space<vmem>>) target(%dma_start3A_81 : memref<4096xf32, #tpu.memory_space<hbm>>) target_semaphore(%run_scoped3A : memref<!tpu.dma_semaphore, #tpu.memory_space<semaphore_mem>>)
          %dma_wait3A_82 = tpu.memref_slice %arg4[%add3A_49] : memref<3538944xf32, #tpu.memory_space<hbm>> -> memref<4096xf32, #tpu.memory_space<hbm>>
          %dma_wait3A_83 = tpu.memref_slice %arg4[%add3A_49] : memref<3538944xf32, #tpu.memory_space<hbm>> -> memref<4096xf32, #tpu.memory_space<hbm>>
          tpu.wait_dma2 semaphore(%run_scoped3A : memref<!tpu.dma_semaphore, #tpu.memory_space<semaphore_mem>>) src(%arg7 : memref<4096xf32, #tpu.memory_space<vmem>>) dst(%dma_wait3A_83 : memref<4096xf32, #tpu.memory_space<hbm>>)
          tpu.yield
        }) : () -> ()
        %scan3A_50 = arith.constant 0 : i32
        %scan3A_51 = arith.constant 0 : i32
        %scan3A_52 = arith.constant 32 : i32
        %scan3A_53 = arith.addi %scan3A_51, %scan3A_52 : i32
        %scan3A_54 = arith.constant 1 : i32
        scf.for %scan3A_80 = %scan3A_51 to %scan3A_53 step %scan3A_54  : i32 {
          %mul3A_81 = arith.constant 128 : i32
          %mul3A_82 = arith.muli %scan3A_80, %mul3A_81 : i32
          %add3A_83 = arith.constant 4096 : i32
          %add3A_84 = arith.addi %add3A_83, %mul3A_82 : i32
          %add3A_85 = arith.constant 0 : i32
          %add3A_86 = arith.addi %add3A_84, %add3A_85 : i32
          %get3A = arith.index_cast %add3A_86 : i32 to index
          %get3A_87 = tpu.vector_load %arg6[%get3A] {strides = array<i32>} : memref<16384xi32, #tpu.memory_space<vmem>>, vector<16xi32>,
          %gather3A = tpu.vector_load_idx %arg5[%get3A_87] : memref<100096xf32, #tpu.memory_space<vmem>>[vector<16xi32>], vector<16xf32>,
          %mul3A_88 = arith.constant 128 : i32
          %mul3A_89 = arith.muli %scan3A_80, %mul3A_88 : i32
          %add3A_90 = arith.constant 0 : i32
          %add3A_91 = arith.addi %mul3A_89, %add3A_90 : i32
          %swap3A = arith.index_cast %add3A_91 : i32 to index
          %swap3A_92 = tpu.vector_load %arg7[%swap3A] {strides = array<i32>} : memref<4096xf32, #tpu.memory_space<vmem>>, vector<16xf32>,
          tpu.vector_store %arg7[%swap3A], %gather3A {strides = array<i32>} : memref<4096xf32, #tpu.memory_space<vmem>>, vector<16xf32>,
          %mul3A_93 = arith.constant 128 : i32
          %mul3A_94 = arith.muli %scan3A_80, %mul3A_93 : i32
          %add3A_95 = arith.constant 4096 : i32
          %add3A_96 = arith.addi %add3A_95, %mul3A_94 : i32
          %add3A_97 = arith.constant 16 : i32
          %add3A_98 = arith.addi %add3A_96, %add3A_97 : i32
          %get3A_99 = arith.index_cast %add3A_98 : i32 to index
          %get3A_100 = tpu.vector_load %arg6[%get3A_99] {strides = array<i32>} : memref<16384xi32, #tpu.memory_space<vmem>>, vector<16xi32>,
          %gather3A_101 = tpu.vector_load_idx %arg5[%get3A_100] : memref<100096xf32, #tpu.memory_space<vmem>>[vector<16xi32>], vector<16xf32>,
          %mul3A_102 = arith.constant 128 : i32
          %mul3A_103 = arith.muli %scan3A_80, %mul3A_102 : i32
          %add3A_104 = arith.constant 16 : i32
          %add3A_105 = arith.addi %mul3A_103, %add3A_104 : i32
          %swap3A_106 = arith.index_cast %add3A_105 : i32 to index
          %swap3A_107 = tpu.vector_load %arg7[%swap3A_106] {strides = array<i32>} : memref<4096xf32, #tpu.memory_space<vmem>>, vector<16xf32>,
          tpu.vector_store %arg7[%swap3A_106], %gather3A_101 {strides = array<i32>} : memref<4096xf32, #tpu.memory_space<vmem>>, vector<16xf32>,
          %mul3A_108 = arith.constant 128 : i32
          %mul3A_109 = arith.muli %scan3A_80, %mul3A_108 : i32
          %add3A_110 = arith.constant 4096 : i32
          %add3A_111 = arith.addi %add3A_110, %mul3A_109 : i32
          %add3A_112 = arith.constant 32 : i32
          %add3A_113 = arith.addi %add3A_111, %add3A_112 : i32
          %get3A_114 = arith.index_cast %add3A_113 : i32 to index
          %get3A_115 = tpu.vector_load %arg6[%get3A_114] {strides = array<i32>} : memref<16384xi32, #tpu.memory_space<vmem>>, vector<16xi32>,
          %gather3A_116 = tpu.vector_load_idx %arg5[%get3A_115] : memref<100096xf32, #tpu.memory_space<vmem>>[vector<16xi32>], vector<16xf32>,
          %mul3A_117 = arith.constant 128 : i32
          %mul3A_118 = arith.muli %scan3A_80, %mul3A_117 : i32
          %add3A_119 = arith.constant 32 : i32
          %add3A_120 = arith.addi %mul3A_118, %add3A_119 : i32
          %swap3A_121 = arith.index_cast %add3A_120 : i32 to index
          %swap3A_122 = tpu.vector_load %arg7[%swap3A_121] {strides = array<i32>} : memref<4096xf32, #tpu.memory_space<vmem>>, vector<16xf32>,
          tpu.vector_store %arg7[%swap3A_121], %gather3A_116 {strides = array<i32>} : memref<4096xf32, #tpu.memory_space<vmem>>, vector<16xf32>,
          %mul3A_123 = arith.constant 128 : i32
          %mul3A_124 = arith.muli %scan3A_80, %mul3A_123 : i32
          %add3A_125 = arith.constant 4096 : i32
          %add3A_126 = arith.addi %add3A_125, %mul3A_124 : i32
          %add3A_127 = arith.constant 48 : i32
          %add3A_128 = arith.addi %add3A_126, %add3A_127 : i32
          %get3A_129 = arith.index_cast %add3A_128 : i32 to index
          %get3A_130 = tpu.vector_load %arg6[%get3A_129] {strides = array<i32>} : memref<16384xi32, #tpu.memory_space<vmem>>, vector<16xi32>,
          %gather3A_131 = tpu.vector_load_idx %arg5[%get3A_130] : memref<100096xf32, #tpu.memory_space<vmem>>[vector<16xi32>], vector<16xf32>,
          %mul3A_132 = arith.constant 128 : i32
          %mul3A_133 = arith.muli %scan3A_80, %mul3A_132 : i32
          %add3A_134 = arith.constant 48 : i32
          %add3A_135 = arith.addi %mul3A_133, %add3A_134 : i32
          %swap3A_136 = arith.index_cast %add3A_135 : i32 to index
          %swap3A_137 = tpu.vector_load %arg7[%swap3A_136] {strides = array<i32>} : memref<4096xf32, #tpu.memory_space<vmem>>, vector<16xf32>,
          tpu.vector_store %arg7[%swap3A_136], %gather3A_131 {strides = array<i32>} : memref<4096xf32, #tpu.memory_space<vmem>>, vector<16xf32>,
          %mul3A_138 = arith.constant 128 : i32
          %mul3A_139 = arith.muli %scan3A_80, %mul3A_138 : i32
          %add3A_140 = arith.constant 4096 : i32
          %add3A_141 = arith.addi %add3A_140, %mul3A_139 : i32
          %add3A_142 = arith.constant 64 : i32
          %add3A_143 = arith.addi %add3A_141, %add3A_142 : i32
          %get3A_144 = arith.index_cast %add3A_143 : i32 to index
          %get3A_145 = tpu.vector_load %arg6[%get3A_144] {strides = array<i32>} : memref<16384xi32, #tpu.memory_space<vmem>>, vector<16xi32>,
          %gather3A_146 = tpu.vector_load_idx %arg5[%get3A_145] : memref<100096xf32, #tpu.memory_space<vmem>>[vector<16xi32>], vector<16xf32>,
          %mul3A_147 = arith.constant 128 : i32
          %mul3A_148 = arith.muli %scan3A_80, %mul3A_147 : i32
          %add3A_149 = arith.constant 64 : i32
          %add3A_150 = arith.addi %mul3A_148, %add3A_149 : i32
          %swap3A_151 = arith.index_cast %add3A_150 : i32 to index
          %swap3A_152 = tpu.vector_load %arg7[%swap3A_151] {strides = array<i32>} : memref<4096xf32, #tpu.memory_space<vmem>>, vector<16xf32>,
          tpu.vector_store %arg7[%swap3A_151], %gather3A_146 {strides = array<i32>} : memref<4096xf32, #tpu.memory_space<vmem>>, vector<16xf32>,
          %mul3A_153 = arith.constant 128 : i32
          %mul3A_154 = arith.muli %scan3A_80, %mul3A_153 : i32
          %add3A_155 = arith.constant 4096 : i32
          %add3A_156 = arith.addi %add3A_155, %mul3A_154 : i32
          %add3A_157 = arith.constant 80 : i32
          %add3A_158 = arith.addi %add3A_156, %add3A_157 : i32
          %get3A_159 = arith.index_cast %add3A_158 : i32 to index
          %get3A_160 = tpu.vector_load %arg6[%get3A_159] {strides = array<i32>} : memref<16384xi32, #tpu.memory_space<vmem>>, vector<16xi32>,
          %gather3A_161 = tpu.vector_load_idx %arg5[%get3A_160] : memref<100096xf32, #tpu.memory_space<vmem>>[vector<16xi32>], vector<16xf32>,
          %mul3A_162 = arith.constant 128 : i32
          %mul3A_163 = arith.muli %scan3A_80, %mul3A_162 : i32
          %add3A_164 = arith.constant 80 : i32
          %add3A_165 = arith.addi %mul3A_163, %add3A_164 : i32
          %swap3A_166 = arith.index_cast %add3A_165 : i32 to index
          %swap3A_167 = tpu.vector_load %arg7[%swap3A_166] {strides = array<i32>} : memref<4096xf32, #tpu.memory_space<vmem>>, vector<16xf32>,
          tpu.vector_store %arg7[%swap3A_166], %gather3A_161 {strides = array<i32>} : memref<4096xf32, #tpu.memory_space<vmem>>, vector<16xf32>,
          %mul3A_168 = arith.constant 128 : i32
          %mul3A_169 = arith.muli %scan3A_80, %mul3A_168 : i32
          %add3A_170 = arith.constant 4096 : i32
          %add3A_171 = arith.addi %add3A_170, %mul3A_169 : i32
          %add3A_172 = arith.constant 96 : i32
          %add3A_173 = arith.addi %add3A_171, %add3A_172 : i32
          %get3A_174 = arith.index_cast %add3A_173 : i32 to index
          %get3A_175 = tpu.vector_load %arg6[%get3A_174] {strides = array<i32>} : memref<16384xi32, #tpu.memory_space<vmem>>, vector<16xi32>,
          %gather3A_176 = tpu.vector_load_idx %arg5[%get3A_175] : memref<100096xf32, #tpu.memory_space<vmem>>[vector<16xi32>], vector<16xf32>,
          %mul3A_177 = arith.constant 128 : i32
          %mul3A_178 = arith.muli %scan3A_80, %mul3A_177 : i32
          %add3A_179 = arith.constant 96 : i32
          %add3A_180 = arith.addi %mul3A_178, %add3A_179 : i32
          %swap3A_181 = arith.index_cast %add3A_180 : i32 to index
          %swap3A_182 = tpu.vector_load %arg7[%swap3A_181] {strides = array<i32>} : memref<4096xf32, #tpu.memory_space<vmem>>, vector<16xf32>,
          tpu.vector_store %arg7[%swap3A_181], %gather3A_176 {strides = array<i32>} : memref<4096xf32, #tpu.memory_space<vmem>>, vector<16xf32>,
          %mul3A_183 = arith.constant 128 : i32
          %mul3A_184 = arith.muli %scan3A_80, %mul3A_183 : i32
          %add3A_185 = arith.constant 4096 : i32
          %add3A_186 = arith.addi %add3A_185, %mul3A_184 : i32
          %add3A_187 = arith.constant 112 : i32
          %add3A_188 = arith.addi %add3A_186, %add3A_187 : i32
          %get3A_189 = arith.index_cast %add3A_188 : i32 to index
          %get3A_190 = tpu.vector_load %arg6[%get3A_189] {strides = array<i32>} : memref<16384xi32, #tpu.memory_space<vmem>>, vector<16xi32>,
          %gather3A_191 = tpu.vector_load_idx %arg5[%get3A_190] : memref<100096xf32, #tpu.memory_space<vmem>>[vector<16xi32>], vector<16xf32>,
          %mul3A_192 = arith.constant 128 : i32
          %mul3A_193 = arith.muli %scan3A_80, %mul3A_192 : i32
          %add3A_194 = arith.constant 112 : i32
          %add3A_195 = arith.addi %mul3A_193, %add3A_194 : i32
          %swap3A_196 = arith.index_cast %add3A_195 : i32 to index
          %swap3A_197 = tpu.vector_load %arg7[%swap3A_196] {strides = array<i32>} : memref<4096xf32, #tpu.memory_space<vmem>>, vector<16xf32>,
          tpu.vector_store %arg7[%swap3A_196], %gather3A_191 {strides = array<i32>} : memref<4096xf32, #tpu.memory_space<vmem>>, vector<16xf32>,
        }
        %scan3A_55 = arith.constant 32 : i32
        %mul3A_56 = arith.constant 16384 : i32
        %mul3A_57 = arith.muli %add3A_9, %mul3A_56 : i32
        %add3A_58 = arith.constant 4096 : i32
        %add3A_59 = arith.addi %mul3A_57, %add3A_58 : i32
        "tpu.region"() ({
          %run_scoped3A = tpu.sem_alloc : memref<!tpu.dma_semaphore, #tpu.memory_space<semaphore_mem>>
          %dma_start3A_80 = tpu.memref_slice %arg4[%add3A_59] : memref<3538944xf32, #tpu.memory_space<hbm>> -> memref<4096xf32, #tpu.memory_space<hbm>>
          %dma_start3A_81 = tpu.memref_slice %arg4[%add3A_59] : memref<3538944xf32, #tpu.memory_space<hbm>> -> memref<4096xf32, #tpu.memory_space<hbm>>
          tpu.enqueue_dma source(%arg7 : memref<4096xf32, #tpu.memory_space<vmem>>) target(%dma_start3A_81 : memref<4096xf32, #tpu.memory_space<hbm>>) target_semaphore(%run_scoped3A : memref<!tpu.dma_semaphore, #tpu.memory_space<semaphore_mem>>)
          %dma_wait3A_82 = tpu.memref_slice %arg4[%add3A_59] : memref<3538944xf32, #tpu.memory_space<hbm>> -> memref<4096xf32, #tpu.memory_space<hbm>>
          %dma_wait3A_83 = tpu.memref_slice %arg4[%add3A_59] : memref<3538944xf32, #tpu.memory_space<hbm>> -> memref<4096xf32, #tpu.memory_space<hbm>>
          tpu.wait_dma2 semaphore(%run_scoped3A : memref<!tpu.dma_semaphore, #tpu.memory_space<semaphore_mem>>) src(%arg7 : memref<4096xf32, #tpu.memory_space<vmem>>) dst(%dma_wait3A_83 : memref<4096xf32, #tpu.memory_space<hbm>>)
          tpu.yield
        }) : () -> ()
        %scan3A_60 = arith.constant 0 : i32
        %scan3A_61 = arith.constant 0 : i32
        %scan3A_62 = arith.constant 32 : i32
        %scan3A_63 = arith.addi %scan3A_61, %scan3A_62 : i32
        %scan3A_64 = arith.constant 1 : i32
        scf.for %scan3A_80 = %scan3A_61 to %scan3A_63 step %scan3A_64  : i32 {
          %mul3A_81 = arith.constant 128 : i32
          %mul3A_82 = arith.muli %scan3A_80, %mul3A_81 : i32
          %add3A_83 = arith.constant 8192 : i32
          %add3A_84 = arith.addi %add3A_83, %mul3A_82 : i32
          %add3A_85 = arith.constant 0 : i32
          %add3A_86 = arith.addi %add3A_84, %add3A_85 : i32
          %get3A = arith.index_cast %add3A_86 : i32 to index
          %get3A_87 = tpu.vector_load %arg6[%get3A] {strides = array<i32>} : memref<16384xi32, #tpu.memory_space<vmem>>, vector<16xi32>,
          %gather3A = tpu.vector_load_idx %arg5[%get3A_87] : memref<100096xf32, #tpu.memory_space<vmem>>[vector<16xi32>], vector<16xf32>,
          %mul3A_88 = arith.constant 128 : i32
          %mul3A_89 = arith.muli %scan3A_80, %mul3A_88 : i32
          %add3A_90 = arith.constant 0 : i32
          %add3A_91 = arith.addi %mul3A_89, %add3A_90 : i32
          %swap3A = arith.index_cast %add3A_91 : i32 to index
          %swap3A_92 = tpu.vector_load %arg7[%swap3A] {strides = array<i32>} : memref<4096xf32, #tpu.memory_space<vmem>>, vector<16xf32>,
          tpu.vector_store %arg7[%swap3A], %gather3A {strides = array<i32>} : memref<4096xf32, #tpu.memory_space<vmem>>, vector<16xf32>,
          %mul3A_93 = arith.constant 128 : i32
          %mul3A_94 = arith.muli %scan3A_80, %mul3A_93 : i32
          %add3A_95 = arith.constant 8192 : i32
          %add3A_96 = arith.addi %add3A_95, %mul3A_94 : i32
          %add3A_97 = arith.constant 16 : i32
          %add3A_98 = arith.addi %add3A_96, %add3A_97 : i32
          %get3A_99 = arith.index_cast %add3A_98 : i32 to index
          %get3A_100 = tpu.vector_load %arg6[%get3A_99] {strides = array<i32>} : memref<16384xi32, #tpu.memory_space<vmem>>, vector<16xi32>,
          %gather3A_101 = tpu.vector_load_idx %arg5[%get3A_100] : memref<100096xf32, #tpu.memory_space<vmem>>[vector<16xi32>], vector<16xf32>,
          %mul3A_102 = arith.constant 128 : i32
          %mul3A_103 = arith.muli %scan3A_80, %mul3A_102 : i32
          %add3A_104 = arith.constant 16 : i32
          %add3A_105 = arith.addi %mul3A_103, %add3A_104 : i32
          %swap3A_106 = arith.index_cast %add3A_105 : i32 to index
          %swap3A_107 = tpu.vector_load %arg7[%swap3A_106] {strides = array<i32>} : memref<4096xf32, #tpu.memory_space<vmem>>, vector<16xf32>,
          tpu.vector_store %arg7[%swap3A_106], %gather3A_101 {strides = array<i32>} : memref<4096xf32, #tpu.memory_space<vmem>>, vector<16xf32>,
          %mul3A_108 = arith.constant 128 : i32
          %mul3A_109 = arith.muli %scan3A_80, %mul3A_108 : i32
          %add3A_110 = arith.constant 8192 : i32
          %add3A_111 = arith.addi %add3A_110, %mul3A_109 : i32
          %add3A_112 = arith.constant 32 : i32
          %add3A_113 = arith.addi %add3A_111, %add3A_112 : i32
          %get3A_114 = arith.index_cast %add3A_113 : i32 to index
          %get3A_115 = tpu.vector_load %arg6[%get3A_114] {strides = array<i32>} : memref<16384xi32, #tpu.memory_space<vmem>>, vector<16xi32>,
          %gather3A_116 = tpu.vector_load_idx %arg5[%get3A_115] : memref<100096xf32, #tpu.memory_space<vmem>>[vector<16xi32>], vector<16xf32>,
          %mul3A_117 = arith.constant 128 : i32
          %mul3A_118 = arith.muli %scan3A_80, %mul3A_117 : i32
          %add3A_119 = arith.constant 32 : i32
          %add3A_120 = arith.addi %mul3A_118, %add3A_119 : i32
          %swap3A_121 = arith.index_cast %add3A_120 : i32 to index
          %swap3A_122 = tpu.vector_load %arg7[%swap3A_121] {strides = array<i32>} : memref<4096xf32, #tpu.memory_space<vmem>>, vector<16xf32>,
          tpu.vector_store %arg7[%swap3A_121], %gather3A_116 {strides = array<i32>} : memref<4096xf32, #tpu.memory_space<vmem>>, vector<16xf32>,
          %mul3A_123 = arith.constant 128 : i32
          %mul3A_124 = arith.muli %scan3A_80, %mul3A_123 : i32
          %add3A_125 = arith.constant 8192 : i32
          %add3A_126 = arith.addi %add3A_125, %mul3A_124 : i32
          %add3A_127 = arith.constant 48 : i32
          %add3A_128 = arith.addi %add3A_126, %add3A_127 : i32
          %get3A_129 = arith.index_cast %add3A_128 : i32 to index
          %get3A_130 = tpu.vector_load %arg6[%get3A_129] {strides = array<i32>} : memref<16384xi32, #tpu.memory_space<vmem>>, vector<16xi32>,
          %gather3A_131 = tpu.vector_load_idx %arg5[%get3A_130] : memref<100096xf32, #tpu.memory_space<vmem>>[vector<16xi32>], vector<16xf32>,
          %mul3A_132 = arith.constant 128 : i32
          %mul3A_133 = arith.muli %scan3A_80, %mul3A_132 : i32
          %add3A_134 = arith.constant 48 : i32
          %add3A_135 = arith.addi %mul3A_133, %add3A_134 : i32
          %swap3A_136 = arith.index_cast %add3A_135 : i32 to index
          %swap3A_137 = tpu.vector_load %arg7[%swap3A_136] {strides = array<i32>} : memref<4096xf32, #tpu.memory_space<vmem>>, vector<16xf32>,
          tpu.vector_store %arg7[%swap3A_136], %gather3A_131 {strides = array<i32>} : memref<4096xf32, #tpu.memory_space<vmem>>, vector<16xf32>,
          %mul3A_138 = arith.constant 128 : i32
          %mul3A_139 = arith.muli %scan3A_80, %mul3A_138 : i32
          %add3A_140 = arith.constant 8192 : i32
          %add3A_141 = arith.addi %add3A_140, %mul3A_139 : i32
          %add3A_142 = arith.constant 64 : i32
          %add3A_143 = arith.addi %add3A_141, %add3A_142 : i32
          %get3A_144 = arith.index_cast %add3A_143 : i32 to index
          %get3A_145 = tpu.vector_load %arg6[%get3A_144] {strides = array<i32>} : memref<16384xi32, #tpu.memory_space<vmem>>, vector<16xi32>,
          %gather3A_146 = tpu.vector_load_idx %arg5[%get3A_145] : memref<100096xf32, #tpu.memory_space<vmem>>[vector<16xi32>], vector<16xf32>,
          %mul3A_147 = arith.constant 128 : i32
          %mul3A_148 = arith.muli %scan3A_80, %mul3A_147 : i32
          %add3A_149 = arith.constant 64 : i32
          %add3A_150 = arith.addi %mul3A_148, %add3A_149 : i32
          %swap3A_151 = arith.index_cast %add3A_150 : i32 to index
          %swap3A_152 = tpu.vector_load %arg7[%swap3A_151] {strides = array<i32>} : memref<4096xf32, #tpu.memory_space<vmem>>, vector<16xf32>,
          tpu.vector_store %arg7[%swap3A_151], %gather3A_146 {strides = array<i32>} : memref<4096xf32, #tpu.memory_space<vmem>>, vector<16xf32>,
          %mul3A_153 = arith.constant 128 : i32
          %mul3A_154 = arith.muli %scan3A_80, %mul3A_153 : i32
          %add3A_155 = arith.constant 8192 : i32
          %add3A_156 = arith.addi %add3A_155, %mul3A_154 : i32
          %add3A_157 = arith.constant 80 : i32
          %add3A_158 = arith.addi %add3A_156, %add3A_157 : i32
          %get3A_159 = arith.index_cast %add3A_158 : i32 to index
          %get3A_160 = tpu.vector_load %arg6[%get3A_159] {strides = array<i32>} : memref<16384xi32, #tpu.memory_space<vmem>>, vector<16xi32>,
          %gather3A_161 = tpu.vector_load_idx %arg5[%get3A_160] : memref<100096xf32, #tpu.memory_space<vmem>>[vector<16xi32>], vector<16xf32>,
          %mul3A_162 = arith.constant 128 : i32
          %mul3A_163 = arith.muli %scan3A_80, %mul3A_162 : i32
          %add3A_164 = arith.constant 80 : i32
          %add3A_165 = arith.addi %mul3A_163, %add3A_164 : i32
          %swap3A_166 = arith.index_cast %add3A_165 : i32 to index
          %swap3A_167 = tpu.vector_load %arg7[%swap3A_166] {strides = array<i32>} : memref<4096xf32, #tpu.memory_space<vmem>>, vector<16xf32>,
          tpu.vector_store %arg7[%swap3A_166], %gather3A_161 {strides = array<i32>} : memref<4096xf32, #tpu.memory_space<vmem>>, vector<16xf32>,
          %mul3A_168 = arith.constant 128 : i32
          %mul3A_169 = arith.muli %scan3A_80, %mul3A_168 : i32
          %add3A_170 = arith.constant 8192 : i32
          %add3A_171 = arith.addi %add3A_170, %mul3A_169 : i32
          %add3A_172 = arith.constant 96 : i32
          %add3A_173 = arith.addi %add3A_171, %add3A_172 : i32
          %get3A_174 = arith.index_cast %add3A_173 : i32 to index
          %get3A_175 = tpu.vector_load %arg6[%get3A_174] {strides = array<i32>} : memref<16384xi32, #tpu.memory_space<vmem>>, vector<16xi32>,
          %gather3A_176 = tpu.vector_load_idx %arg5[%get3A_175] : memref<100096xf32, #tpu.memory_space<vmem>>[vector<16xi32>], vector<16xf32>,
          %mul3A_177 = arith.constant 128 : i32
          %mul3A_178 = arith.muli %scan3A_80, %mul3A_177 : i32
          %add3A_179 = arith.constant 96 : i32
          %add3A_180 = arith.addi %mul3A_178, %add3A_179 : i32
          %swap3A_181 = arith.index_cast %add3A_180 : i32 to index
          %swap3A_182 = tpu.vector_load %arg7[%swap3A_181] {strides = array<i32>} : memref<4096xf32, #tpu.memory_space<vmem>>, vector<16xf32>,
          tpu.vector_store %arg7[%swap3A_181], %gather3A_176 {strides = array<i32>} : memref<4096xf32, #tpu.memory_space<vmem>>, vector<16xf32>,
          %mul3A_183 = arith.constant 128 : i32
          %mul3A_184 = arith.muli %scan3A_80, %mul3A_183 : i32
          %add3A_185 = arith.constant 8192 : i32
          %add3A_186 = arith.addi %add3A_185, %mul3A_184 : i32
          %add3A_187 = arith.constant 112 : i32
          %add3A_188 = arith.addi %add3A_186, %add3A_187 : i32
          %get3A_189 = arith.index_cast %add3A_188 : i32 to index
          %get3A_190 = tpu.vector_load %arg6[%get3A_189] {strides = array<i32>} : memref<16384xi32, #tpu.memory_space<vmem>>, vector<16xi32>,
          %gather3A_191 = tpu.vector_load_idx %arg5[%get3A_190] : memref<100096xf32, #tpu.memory_space<vmem>>[vector<16xi32>], vector<16xf32>,
          %mul3A_192 = arith.constant 128 : i32
          %mul3A_193 = arith.muli %scan3A_80, %mul3A_192 : i32
          %add3A_194 = arith.constant 112 : i32
          %add3A_195 = arith.addi %mul3A_193, %add3A_194 : i32
          %swap3A_196 = arith.index_cast %add3A_195 : i32 to index
          %swap3A_197 = tpu.vector_load %arg7[%swap3A_196] {strides = array<i32>} : memref<4096xf32, #tpu.memory_space<vmem>>, vector<16xf32>,
          tpu.vector_store %arg7[%swap3A_196], %gather3A_191 {strides = array<i32>} : memref<4096xf32, #tpu.memory_space<vmem>>, vector<16xf32>,
        }
        %scan3A_65 = arith.constant 32 : i32
        %mul3A_66 = arith.constant 16384 : i32
        %mul3A_67 = arith.muli %add3A_9, %mul3A_66 : i32
        %add3A_68 = arith.constant 8192 : i32
        %add3A_69 = arith.addi %mul3A_67, %add3A_68 : i32
        "tpu.region"() ({
          %run_scoped3A = tpu.sem_alloc : memref<!tpu.dma_semaphore, #tpu.memory_space<semaphore_mem>>
          %dma_start3A_80 = tpu.memref_slice %arg4[%add3A_69] : memref<3538944xf32, #tpu.memory_space<hbm>> -> memref<4096xf32, #tpu.memory_space<hbm>>
          %dma_start3A_81 = tpu.memref_slice %arg4[%add3A_69] : memref<3538944xf32, #tpu.memory_space<hbm>> -> memref<4096xf32, #tpu.memory_space<hbm>>
          tpu.enqueue_dma source(%arg7 : memref<4096xf32, #tpu.memory_space<vmem>>) target(%dma_start3A_81 : memref<4096xf32, #tpu.memory_space<hbm>>) target_semaphore(%run_scoped3A : memref<!tpu.dma_semaphore, #tpu.memory_space<semaphore_mem>>)
          %dma_wait3A_82 = tpu.memref_slice %arg4[%add3A_69] : memref<3538944xf32, #tpu.memory_space<hbm>> -> memref<4096xf32, #tpu.memory_space<hbm>>
          %dma_wait3A_83 = tpu.memref_slice %arg4[%add3A_69] : memref<3538944xf32, #tpu.memory_space<hbm>> -> memref<4096xf32, #tpu.memory_space<hbm>>
          tpu.wait_dma2 semaphore(%run_scoped3A : memref<!tpu.dma_semaphore, #tpu.memory_space<semaphore_mem>>) src(%arg7 : memref<4096xf32, #tpu.memory_space<vmem>>) dst(%dma_wait3A_83 : memref<4096xf32, #tpu.memory_space<hbm>>)
          tpu.yield
        }) : () -> ()
        %scan3A_70 = arith.constant 0 : i32
        %scan3A_71 = arith.constant 0 : i32
        %scan3A_72 = arith.constant 32 : i32
        %scan3A_73 = arith.addi %scan3A_71, %scan3A_72 : i32
        %scan3A_74 = arith.constant 1 : i32
        scf.for %scan3A_80 = %scan3A_71 to %scan3A_73 step %scan3A_74  : i32 {
          %mul3A_81 = arith.constant 128 : i32
          %mul3A_82 = arith.muli %scan3A_80, %mul3A_81 : i32
          %add3A_83 = arith.constant 12288 : i32
          %add3A_84 = arith.addi %add3A_83, %mul3A_82 : i32
          %add3A_85 = arith.constant 0 : i32
          %add3A_86 = arith.addi %add3A_84, %add3A_85 : i32
          %get3A = arith.index_cast %add3A_86 : i32 to index
          %get3A_87 = tpu.vector_load %arg6[%get3A] {strides = array<i32>} : memref<16384xi32, #tpu.memory_space<vmem>>, vector<16xi32>,
          %gather3A = tpu.vector_load_idx %arg5[%get3A_87] : memref<100096xf32, #tpu.memory_space<vmem>>[vector<16xi32>], vector<16xf32>,
          %mul3A_88 = arith.constant 128 : i32
          %mul3A_89 = arith.muli %scan3A_80, %mul3A_88 : i32
          %add3A_90 = arith.constant 0 : i32
          %add3A_91 = arith.addi %mul3A_89, %add3A_90 : i32
          %swap3A = arith.index_cast %add3A_91 : i32 to index
          %swap3A_92 = tpu.vector_load %arg7[%swap3A] {strides = array<i32>} : memref<4096xf32, #tpu.memory_space<vmem>>, vector<16xf32>,
          tpu.vector_store %arg7[%swap3A], %gather3A {strides = array<i32>} : memref<4096xf32, #tpu.memory_space<vmem>>, vector<16xf32>,
          %mul3A_93 = arith.constant 128 : i32
          %mul3A_94 = arith.muli %scan3A_80, %mul3A_93 : i32
          %add3A_95 = arith.constant 12288 : i32
          %add3A_96 = arith.addi %add3A_95, %mul3A_94 : i32
          %add3A_97 = arith.constant 16 : i32
          %add3A_98 = arith.addi %add3A_96, %add3A_97 : i32
          %get3A_99 = arith.index_cast %add3A_98 : i32 to index
          %get3A_100 = tpu.vector_load %arg6[%get3A_99] {strides = array<i32>} : memref<16384xi32, #tpu.memory_space<vmem>>, vector<16xi32>,
          %gather3A_101 = tpu.vector_load_idx %arg5[%get3A_100] : memref<100096xf32, #tpu.memory_space<vmem>>[vector<16xi32>], vector<16xf32>,
          %mul3A_102 = arith.constant 128 : i32
          %mul3A_103 = arith.muli %scan3A_80, %mul3A_102 : i32
          %add3A_104 = arith.constant 16 : i32
          %add3A_105 = arith.addi %mul3A_103, %add3A_104 : i32
          %swap3A_106 = arith.index_cast %add3A_105 : i32 to index
          %swap3A_107 = tpu.vector_load %arg7[%swap3A_106] {strides = array<i32>} : memref<4096xf32, #tpu.memory_space<vmem>>, vector<16xf32>,
          tpu.vector_store %arg7[%swap3A_106], %gather3A_101 {strides = array<i32>} : memref<4096xf32, #tpu.memory_space<vmem>>, vector<16xf32>,
          %mul3A_108 = arith.constant 128 : i32
          %mul3A_109 = arith.muli %scan3A_80, %mul3A_108 : i32
          %add3A_110 = arith.constant 12288 : i32
          %add3A_111 = arith.addi %add3A_110, %mul3A_109 : i32
          %add3A_112 = arith.constant 32 : i32
          %add3A_113 = arith.addi %add3A_111, %add3A_112 : i32
          %get3A_114 = arith.index_cast %add3A_113 : i32 to index
          %get3A_115 = tpu.vector_load %arg6[%get3A_114] {strides = array<i32>} : memref<16384xi32, #tpu.memory_space<vmem>>, vector<16xi32>,
          %gather3A_116 = tpu.vector_load_idx %arg5[%get3A_115] : memref<100096xf32, #tpu.memory_space<vmem>>[vector<16xi32>], vector<16xf32>,
          %mul3A_117 = arith.constant 128 : i32
          %mul3A_118 = arith.muli %scan3A_80, %mul3A_117 : i32
          %add3A_119 = arith.constant 32 : i32
          %add3A_120 = arith.addi %mul3A_118, %add3A_119 : i32
          %swap3A_121 = arith.index_cast %add3A_120 : i32 to index
          %swap3A_122 = tpu.vector_load %arg7[%swap3A_121] {strides = array<i32>} : memref<4096xf32, #tpu.memory_space<vmem>>, vector<16xf32>,
          tpu.vector_store %arg7[%swap3A_121], %gather3A_116 {strides = array<i32>} : memref<4096xf32, #tpu.memory_space<vmem>>, vector<16xf32>,
          %mul3A_123 = arith.constant 128 : i32
          %mul3A_124 = arith.muli %scan3A_80, %mul3A_123 : i32
          %add3A_125 = arith.constant 12288 : i32
          %add3A_126 = arith.addi %add3A_125, %mul3A_124 : i32
          %add3A_127 = arith.constant 48 : i32
          %add3A_128 = arith.addi %add3A_126, %add3A_127 : i32
          %get3A_129 = arith.index_cast %add3A_128 : i32 to index
          %get3A_130 = tpu.vector_load %arg6[%get3A_129] {strides = array<i32>} : memref<16384xi32, #tpu.memory_space<vmem>>, vector<16xi32>,
          %gather3A_131 = tpu.vector_load_idx %arg5[%get3A_130] : memref<100096xf32, #tpu.memory_space<vmem>>[vector<16xi32>], vector<16xf32>,
          %mul3A_132 = arith.constant 128 : i32
          %mul3A_133 = arith.muli %scan3A_80, %mul3A_132 : i32
          %add3A_134 = arith.constant 48 : i32
          %add3A_135 = arith.addi %mul3A_133, %add3A_134 : i32
          %swap3A_136 = arith.index_cast %add3A_135 : i32 to index
          %swap3A_137 = tpu.vector_load %arg7[%swap3A_136] {strides = array<i32>} : memref<4096xf32, #tpu.memory_space<vmem>>, vector<16xf32>,
          tpu.vector_store %arg7[%swap3A_136], %gather3A_131 {strides = array<i32>} : memref<4096xf32, #tpu.memory_space<vmem>>, vector<16xf32>,
          %mul3A_138 = arith.constant 128 : i32
          %mul3A_139 = arith.muli %scan3A_80, %mul3A_138 : i32
          %add3A_140 = arith.constant 12288 : i32
          %add3A_141 = arith.addi %add3A_140, %mul3A_139 : i32
          %add3A_142 = arith.constant 64 : i32
          %add3A_143 = arith.addi %add3A_141, %add3A_142 : i32
          %get3A_144 = arith.index_cast %add3A_143 : i32 to index
          %get3A_145 = tpu.vector_load %arg6[%get3A_144] {strides = array<i32>} : memref<16384xi32, #tpu.memory_space<vmem>>, vector<16xi32>,
          %gather3A_146 = tpu.vector_load_idx %arg5[%get3A_145] : memref<100096xf32, #tpu.memory_space<vmem>>[vector<16xi32>], vector<16xf32>,
          %mul3A_147 = arith.constant 128 : i32
          %mul3A_148 = arith.muli %scan3A_80, %mul3A_147 : i32
          %add3A_149 = arith.constant 64 : i32
          %add3A_150 = arith.addi %mul3A_148, %add3A_149 : i32
          %swap3A_151 = arith.index_cast %add3A_150 : i32 to index
          %swap3A_152 = tpu.vector_load %arg7[%swap3A_151] {strides = array<i32>} : memref<4096xf32, #tpu.memory_space<vmem>>, vector<16xf32>,
          tpu.vector_store %arg7[%swap3A_151], %gather3A_146 {strides = array<i32>} : memref<4096xf32, #tpu.memory_space<vmem>>, vector<16xf32>,
          %mul3A_153 = arith.constant 128 : i32
          %mul3A_154 = arith.muli %scan3A_80, %mul3A_153 : i32
          %add3A_155 = arith.constant 12288 : i32
          %add3A_156 = arith.addi %add3A_155, %mul3A_154 : i32
          %add3A_157 = arith.constant 80 : i32
          %add3A_158 = arith.addi %add3A_156, %add3A_157 : i32
          %get3A_159 = arith.index_cast %add3A_158 : i32 to index
          %get3A_160 = tpu.vector_load %arg6[%get3A_159] {strides = array<i32>} : memref<16384xi32, #tpu.memory_space<vmem>>, vector<16xi32>,
          %gather3A_161 = tpu.vector_load_idx %arg5[%get3A_160] : memref<100096xf32, #tpu.memory_space<vmem>>[vector<16xi32>], vector<16xf32>,
          %mul3A_162 = arith.constant 128 : i32
          %mul3A_163 = arith.muli %scan3A_80, %mul3A_162 : i32
          %add3A_164 = arith.constant 80 : i32
          %add3A_165 = arith.addi %mul3A_163, %add3A_164 : i32
          %swap3A_166 = arith.index_cast %add3A_165 : i32 to index
          %swap3A_167 = tpu.vector_load %arg7[%swap3A_166] {strides = array<i32>} : memref<4096xf32, #tpu.memory_space<vmem>>, vector<16xf32>,
          tpu.vector_store %arg7[%swap3A_166], %gather3A_161 {strides = array<i32>} : memref<4096xf32, #tpu.memory_space<vmem>>, vector<16xf32>,
          %mul3A_168 = arith.constant 128 : i32
          %mul3A_169 = arith.muli %scan3A_80, %mul3A_168 : i32
          %add3A_170 = arith.constant 12288 : i32
          %add3A_171 = arith.addi %add3A_170, %mul3A_169 : i32
          %add3A_172 = arith.constant 96 : i32
          %add3A_173 = arith.addi %add3A_171, %add3A_172 : i32
          %get3A_174 = arith.index_cast %add3A_173 : i32 to index
          %get3A_175 = tpu.vector_load %arg6[%get3A_174] {strides = array<i32>} : memref<16384xi32, #tpu.memory_space<vmem>>, vector<16xi32>,
          %gather3A_176 = tpu.vector_load_idx %arg5[%get3A_175] : memref<100096xf32, #tpu.memory_space<vmem>>[vector<16xi32>], vector<16xf32>,
          %mul3A_177 = arith.constant 128 : i32
          %mul3A_178 = arith.muli %scan3A_80, %mul3A_177 : i32
          %add3A_179 = arith.constant 96 : i32
          %add3A_180 = arith.addi %mul3A_178, %add3A_179 : i32
          %swap3A_181 = arith.index_cast %add3A_180 : i32 to index
          %swap3A_182 = tpu.vector_load %arg7[%swap3A_181] {strides = array<i32>} : memref<4096xf32, #tpu.memory_space<vmem>>, vector<16xf32>,
          tpu.vector_store %arg7[%swap3A_181], %gather3A_176 {strides = array<i32>} : memref<4096xf32, #tpu.memory_space<vmem>>, vector<16xf32>,
          %mul3A_183 = arith.constant 128 : i32
          %mul3A_184 = arith.muli %scan3A_80, %mul3A_183 : i32
          %add3A_185 = arith.constant 12288 : i32
          %add3A_186 = arith.addi %add3A_185, %mul3A_184 : i32
          %add3A_187 = arith.constant 112 : i32
          %add3A_188 = arith.addi %add3A_186, %add3A_187 : i32
          %get3A_189 = arith.index_cast %add3A_188 : i32 to index
          %get3A_190 = tpu.vector_load %arg6[%get3A_189] {strides = array<i32>} : memref<16384xi32, #tpu.memory_space<vmem>>, vector<16xi32>,
          %gather3A_191 = tpu.vector_load_idx %arg5[%get3A_190] : memref<100096xf32, #tpu.memory_space<vmem>>[vector<16xi32>], vector<16xf32>,
          %mul3A_192 = arith.constant 128 : i32
          %mul3A_193 = arith.muli %scan3A_80, %mul3A_192 : i32
          %add3A_194 = arith.constant 112 : i32
          %add3A_195 = arith.addi %mul3A_193, %add3A_194 : i32
          %swap3A_196 = arith.index_cast %add3A_195 : i32 to index
          %swap3A_197 = tpu.vector_load %arg7[%swap3A_196] {strides = array<i32>} : memref<4096xf32, #tpu.memory_space<vmem>>, vector<16xf32>,
          tpu.vector_store %arg7[%swap3A_196], %gather3A_191 {strides = array<i32>} : memref<4096xf32, #tpu.memory_space<vmem>>, vector<16xf32>,
        }
        %scan3A_75 = arith.constant 32 : i32
        %mul3A_76 = arith.constant 16384 : i32
        %mul3A_77 = arith.muli %add3A_9, %mul3A_76 : i32
        %add3A_78 = arith.constant 12288 : i32
        %add3A_79 = arith.addi %mul3A_77, %add3A_78 : i32
        "tpu.region"() ({
          %run_scoped3A = tpu.sem_alloc : memref<!tpu.dma_semaphore, #tpu.memory_space<semaphore_mem>>
          %dma_start3A_80 = tpu.memref_slice %arg4[%add3A_79] : memref<3538944xf32, #tpu.memory_space<hbm>> -> memref<4096xf32, #tpu.memory_space<hbm>>
          %dma_start3A_81 = tpu.memref_slice %arg4[%add3A_79] : memref<3538944xf32, #tpu.memory_space<hbm>> -> memref<4096xf32, #tpu.memory_space<hbm>>
          tpu.enqueue_dma source(%arg7 : memref<4096xf32, #tpu.memory_space<vmem>>) target(%dma_start3A_81 : memref<4096xf32, #tpu.memory_space<hbm>>) target_semaphore(%run_scoped3A : memref<!tpu.dma_semaphore, #tpu.memory_space<semaphore_mem>>)
          %dma_wait3A_82 = tpu.memref_slice %arg4[%add3A_79] : memref<3538944xf32, #tpu.memory_space<hbm>> -> memref<4096xf32, #tpu.memory_space<hbm>>
          %dma_wait3A_83 = tpu.memref_slice %arg4[%add3A_79] : memref<3538944xf32, #tpu.memory_space<hbm>> -> memref<4096xf32, #tpu.memory_space<hbm>>
          tpu.wait_dma2 semaphore(%run_scoped3A : memref<!tpu.dma_semaphore, #tpu.memory_space<semaphore_mem>>) src(%arg7 : memref<4096xf32, #tpu.memory_space<vmem>>) dst(%dma_wait3A_83 : memref<4096xf32, #tpu.memory_space<hbm>>)
          tpu.yield
        }) : () -> ()
      } else {
      }
    }
    %scan3A_5 = arith.constant 7 : i32
    return
  }
}

#map = affine_map<(d0, d1) -> (0)>
module attributes {stable_mosaic.version = 14 : i64} {
  func.func @k(%arg0: i32, %arg1: i32, %arg2: memref<2600000xi32, #tpu.memory_space<hbm>>, %arg3: memref<16384xi32, #tpu.memory_space<hbm>>, %arg4: memref<425984xi32, #tpu.memory_space<hbm>>, %arg5: memref<100096xi32, #tpu.memory_space<vmem>>, %arg6: memref<4096xi32, #tpu.memory_space<vmem>>, %arg7: memref<4096xi32, #tpu.memory_space<vmem>>) attributes {dimension_semantics = [#tpu.dimension_semantics<core_parallel>, #tpu.dimension_semantics<subcore_parallel>], iteration_bounds = array<i64: 2, 16>, scalar_prefetch = 0 : i64, scratch_operands = 3 : i64, tpu.core_type = #tpu.core_type<sc_vector_subcore>, window_params = [{transform_indices = #map}, {transform_indices = #map}, {transform_indices = #map}]} {
    %mul3A = arith.constant 2 : i32
    %mul3A_0 = arith.muli %arg1, %mul3A : i32
    %add3A = arith.addi %mul3A_0, %arg0 : i32
    %lt3A = arith.constant 26 : i32
    %lt3A_1 = arith.cmpi slt, %add3A, %lt3A : i32
    %convert_element_type3A = arith.extui %lt3A_1 : i1 to i32
    %cond3A = arith.constant 0 : i32
    %cond3A_2 = arith.cmpi ne, %convert_element_type3A, %cond3A : i32
    scf.if %cond3A_2 {
      %mul3A_3 = arith.constant 100000 : i32
      %mul3A_4 = arith.muli %add3A, %mul3A_3 : i32
      "tpu.region"() ({
        %run_scoped3A = tpu.sem_alloc : memref<!tpu.dma_semaphore, #tpu.memory_space<semaphore_mem>>
        %dma_start3A = arith.constant 0 : i32
        %dma_start3A_44 = tpu.memref_slice %arg5[%dma_start3A] : memref<100096xi32, #tpu.memory_space<vmem>> -> memref<100000xi32, #tpu.memory_space<vmem>>
        %dma_start3A_45 = tpu.memref_slice %arg2[%mul3A_4] : memref<2600000xi32, #tpu.memory_space<hbm>> -> memref<100000xi32, #tpu.memory_space<hbm>>
        %dma_start3A_46 = arith.constant 0 : i32
        %dma_start3A_47 = tpu.memref_slice %arg5[%dma_start3A_46] : memref<100096xi32, #tpu.memory_space<vmem>> -> memref<100000xi32, #tpu.memory_space<vmem>>
        %dma_start3A_48 = tpu.memref_slice %arg2[%mul3A_4] : memref<2600000xi32, #tpu.memory_space<hbm>> -> memref<100000xi32, #tpu.memory_space<hbm>>
        tpu.enqueue_dma source(%dma_start3A_48 : memref<100000xi32, #tpu.memory_space<hbm>>) target(%dma_start3A_47 : memref<100000xi32, #tpu.memory_space<vmem>>) target_semaphore(%run_scoped3A : memref<!tpu.dma_semaphore, #tpu.memory_space<semaphore_mem>>)
        %dma_wait3A = arith.constant 0 : i32
        %dma_wait3A_49 = tpu.memref_slice %arg5[%dma_wait3A] : memref<100096xi32, #tpu.memory_space<vmem>> -> memref<100000xi32, #tpu.memory_space<vmem>>
        %dma_wait3A_50 = tpu.memref_slice %arg2[%mul3A_4] : memref<2600000xi32, #tpu.memory_space<hbm>> -> memref<100000xi32, #tpu.memory_space<hbm>>
        %dma_wait3A_51 = arith.constant 0 : i32
        %dma_wait3A_52 = tpu.memref_slice %arg5[%dma_wait3A_51] : memref<100096xi32, #tpu.memory_space<vmem>> -> memref<100000xi32, #tpu.memory_space<vmem>>
        %dma_wait3A_53 = tpu.memref_slice %arg2[%mul3A_4] : memref<2600000xi32, #tpu.memory_space<hbm>> -> memref<100000xi32, #tpu.memory_space<hbm>>
        tpu.wait_dma2 semaphore(%run_scoped3A : memref<!tpu.dma_semaphore, #tpu.memory_space<semaphore_mem>>) src(%dma_wait3A_53 : memref<100000xi32, #tpu.memory_space<hbm>>) dst(%dma_wait3A_52 : memref<100000xi32, #tpu.memory_space<vmem>>)
        tpu.yield
      }) : () -> ()
      "tpu.region"() ({
        %run_scoped3A = tpu.sem_alloc : memref<!tpu.dma_semaphore, #tpu.memory_space<semaphore_mem>>
        %dma_start3A = arith.constant 0 : i32
        %dma_start3A_44 = tpu.memref_slice %arg3[%dma_start3A] : memref<16384xi32, #tpu.memory_space<hbm>> -> memref<4096xi32, #tpu.memory_space<hbm>>
        %dma_start3A_45 = arith.constant 0 : i32
        %dma_start3A_46 = tpu.memref_slice %arg3[%dma_start3A_45] : memref<16384xi32, #tpu.memory_space<hbm>> -> memref<4096xi32, #tpu.memory_space<hbm>>
        tpu.enqueue_dma source(%dma_start3A_46 : memref<4096xi32, #tpu.memory_space<hbm>>) target(%arg6 : memref<4096xi32, #tpu.memory_space<vmem>>) target_semaphore(%run_scoped3A : memref<!tpu.dma_semaphore, #tpu.memory_space<semaphore_mem>>)
        %dma_wait3A = arith.constant 0 : i32
        %dma_wait3A_47 = tpu.memref_slice %arg3[%dma_wait3A] : memref<16384xi32, #tpu.memory_space<hbm>> -> memref<4096xi32, #tpu.memory_space<hbm>>
        %dma_wait3A_48 = arith.constant 0 : i32
        %dma_wait3A_49 = tpu.memref_slice %arg3[%dma_wait3A_48] : memref<16384xi32, #tpu.memory_space<hbm>> -> memref<4096xi32, #tpu.memory_space<hbm>>
        tpu.wait_dma2 semaphore(%run_scoped3A : memref<!tpu.dma_semaphore, #tpu.memory_space<semaphore_mem>>) src(%dma_wait3A_49 : memref<4096xi32, #tpu.memory_space<hbm>>) dst(%arg6 : memref<4096xi32, #tpu.memory_space<vmem>>)
        tpu.yield
      }) : () -> ()
      %scan3A = arith.constant 0 : i32
      %scan3A_5 = arith.constant 0 : i32
      %scan3A_6 = arith.constant 32 : i32
      %scan3A_7 = arith.addi %scan3A_5, %scan3A_6 : i32
      %scan3A_8 = arith.constant 1 : i32
      scf.for %scan3A_44 = %scan3A_5 to %scan3A_7 step %scan3A_8  : i32 {
        %mul3A_45 = arith.constant 128 : i32
        %mul3A_46 = arith.muli %scan3A_44, %mul3A_45 : i32
        %add3A_47 = arith.constant 0 : i32
        %add3A_48 = arith.addi %mul3A_46, %add3A_47 : i32
        %get3A = arith.index_cast %add3A_48 : i32 to index
        %get3A_49 = tpu.vector_load %arg6[%get3A] {strides = array<i32>} : memref<4096xi32, #tpu.memory_space<vmem>>, vector<16xi32>,
        %gather3A = tpu.vector_load_idx %arg5[%get3A_49] : memref<100096xi32, #tpu.memory_space<vmem>>[vector<16xi32>], vector<16xi32>,
        %mul3A_50 = arith.constant 128 : i32
        %mul3A_51 = arith.muli %scan3A_44, %mul3A_50 : i32
        %add3A_52 = arith.constant 0 : i32
        %add3A_53 = arith.addi %mul3A_51, %add3A_52 : i32
        %swap3A = arith.index_cast %add3A_53 : i32 to index
        %swap3A_54 = tpu.vector_load %arg7[%swap3A] {strides = array<i32>} : memref<4096xi32, #tpu.memory_space<vmem>>, vector<16xi32>,
        tpu.vector_store %arg7[%swap3A], %gather3A {strides = array<i32>} : memref<4096xi32, #tpu.memory_space<vmem>>, vector<16xi32>,
        %mul3A_55 = arith.constant 128 : i32
        %mul3A_56 = arith.muli %scan3A_44, %mul3A_55 : i32
        %add3A_57 = arith.constant 16 : i32
        %add3A_58 = arith.addi %mul3A_56, %add3A_57 : i32
        %get3A_59 = arith.index_cast %add3A_58 : i32 to index
        %get3A_60 = tpu.vector_load %arg6[%get3A_59] {strides = array<i32>} : memref<4096xi32, #tpu.memory_space<vmem>>, vector<16xi32>,
        %gather3A_61 = tpu.vector_load_idx %arg5[%get3A_60] : memref<100096xi32, #tpu.memory_space<vmem>>[vector<16xi32>], vector<16xi32>,
        %mul3A_62 = arith.constant 128 : i32
        %mul3A_63 = arith.muli %scan3A_44, %mul3A_62 : i32
        %add3A_64 = arith.constant 16 : i32
        %add3A_65 = arith.addi %mul3A_63, %add3A_64 : i32
        %swap3A_66 = arith.index_cast %add3A_65 : i32 to index
        %swap3A_67 = tpu.vector_load %arg7[%swap3A_66] {strides = array<i32>} : memref<4096xi32, #tpu.memory_space<vmem>>, vector<16xi32>,
        tpu.vector_store %arg7[%swap3A_66], %gather3A_61 {strides = array<i32>} : memref<4096xi32, #tpu.memory_space<vmem>>, vector<16xi32>,
        %mul3A_68 = arith.constant 128 : i32
        %mul3A_69 = arith.muli %scan3A_44, %mul3A_68 : i32
        %add3A_70 = arith.constant 32 : i32
        %add3A_71 = arith.addi %mul3A_69, %add3A_70 : i32
        %get3A_72 = arith.index_cast %add3A_71 : i32 to index
        %get3A_73 = tpu.vector_load %arg6[%get3A_72] {strides = array<i32>} : memref<4096xi32, #tpu.memory_space<vmem>>, vector<16xi32>,
        %gather3A_74 = tpu.vector_load_idx %arg5[%get3A_73] : memref<100096xi32, #tpu.memory_space<vmem>>[vector<16xi32>], vector<16xi32>,
        %mul3A_75 = arith.constant 128 : i32
        %mul3A_76 = arith.muli %scan3A_44, %mul3A_75 : i32
        %add3A_77 = arith.constant 32 : i32
        %add3A_78 = arith.addi %mul3A_76, %add3A_77 : i32
        %swap3A_79 = arith.index_cast %add3A_78 : i32 to index
        %swap3A_80 = tpu.vector_load %arg7[%swap3A_79] {strides = array<i32>} : memref<4096xi32, #tpu.memory_space<vmem>>, vector<16xi32>,
        tpu.vector_store %arg7[%swap3A_79], %gather3A_74 {strides = array<i32>} : memref<4096xi32, #tpu.memory_space<vmem>>, vector<16xi32>,
        %mul3A_81 = arith.constant 128 : i32
        %mul3A_82 = arith.muli %scan3A_44, %mul3A_81 : i32
        %add3A_83 = arith.constant 48 : i32
        %add3A_84 = arith.addi %mul3A_82, %add3A_83 : i32
        %get3A_85 = arith.index_cast %add3A_84 : i32 to index
        %get3A_86 = tpu.vector_load %arg6[%get3A_85] {strides = array<i32>} : memref<4096xi32, #tpu.memory_space<vmem>>, vector<16xi32>,
        %gather3A_87 = tpu.vector_load_idx %arg5[%get3A_86] : memref<100096xi32, #tpu.memory_space<vmem>>[vector<16xi32>], vector<16xi32>,
        %mul3A_88 = arith.constant 128 : i32
        %mul3A_89 = arith.muli %scan3A_44, %mul3A_88 : i32
        %add3A_90 = arith.constant 48 : i32
        %add3A_91 = arith.addi %mul3A_89, %add3A_90 : i32
        %swap3A_92 = arith.index_cast %add3A_91 : i32 to index
        %swap3A_93 = tpu.vector_load %arg7[%swap3A_92] {strides = array<i32>} : memref<4096xi32, #tpu.memory_space<vmem>>, vector<16xi32>,
        tpu.vector_store %arg7[%swap3A_92], %gather3A_87 {strides = array<i32>} : memref<4096xi32, #tpu.memory_space<vmem>>, vector<16xi32>,
        %mul3A_94 = arith.constant 128 : i32
        %mul3A_95 = arith.muli %scan3A_44, %mul3A_94 : i32
        %add3A_96 = arith.constant 64 : i32
        %add3A_97 = arith.addi %mul3A_95, %add3A_96 : i32
        %get3A_98 = arith.index_cast %add3A_97 : i32 to index
        %get3A_99 = tpu.vector_load %arg6[%get3A_98] {strides = array<i32>} : memref<4096xi32, #tpu.memory_space<vmem>>, vector<16xi32>,
        %gather3A_100 = tpu.vector_load_idx %arg5[%get3A_99] : memref<100096xi32, #tpu.memory_space<vmem>>[vector<16xi32>], vector<16xi32>,
        %mul3A_101 = arith.constant 128 : i32
        %mul3A_102 = arith.muli %scan3A_44, %mul3A_101 : i32
        %add3A_103 = arith.constant 64 : i32
        %add3A_104 = arith.addi %mul3A_102, %add3A_103 : i32
        %swap3A_105 = arith.index_cast %add3A_104 : i32 to index
        %swap3A_106 = tpu.vector_load %arg7[%swap3A_105] {strides = array<i32>} : memref<4096xi32, #tpu.memory_space<vmem>>, vector<16xi32>,
        tpu.vector_store %arg7[%swap3A_105], %gather3A_100 {strides = array<i32>} : memref<4096xi32, #tpu.memory_space<vmem>>, vector<16xi32>,
        %mul3A_107 = arith.constant 128 : i32
        %mul3A_108 = arith.muli %scan3A_44, %mul3A_107 : i32
        %add3A_109 = arith.constant 80 : i32
        %add3A_110 = arith.addi %mul3A_108, %add3A_109 : i32
        %get3A_111 = arith.index_cast %add3A_110 : i32 to index
        %get3A_112 = tpu.vector_load %arg6[%get3A_111] {strides = array<i32>} : memref<4096xi32, #tpu.memory_space<vmem>>, vector<16xi32>,
        %gather3A_113 = tpu.vector_load_idx %arg5[%get3A_112] : memref<100096xi32, #tpu.memory_space<vmem>>[vector<16xi32>], vector<16xi32>,
        %mul3A_114 = arith.constant 128 : i32
        %mul3A_115 = arith.muli %scan3A_44, %mul3A_114 : i32
        %add3A_116 = arith.constant 80 : i32
        %add3A_117 = arith.addi %mul3A_115, %add3A_116 : i32
        %swap3A_118 = arith.index_cast %add3A_117 : i32 to index
        %swap3A_119 = tpu.vector_load %arg7[%swap3A_118] {strides = array<i32>} : memref<4096xi32, #tpu.memory_space<vmem>>, vector<16xi32>,
        tpu.vector_store %arg7[%swap3A_118], %gather3A_113 {strides = array<i32>} : memref<4096xi32, #tpu.memory_space<vmem>>, vector<16xi32>,
        %mul3A_120 = arith.constant 128 : i32
        %mul3A_121 = arith.muli %scan3A_44, %mul3A_120 : i32
        %add3A_122 = arith.constant 96 : i32
        %add3A_123 = arith.addi %mul3A_121, %add3A_122 : i32
        %get3A_124 = arith.index_cast %add3A_123 : i32 to index
        %get3A_125 = tpu.vector_load %arg6[%get3A_124] {strides = array<i32>} : memref<4096xi32, #tpu.memory_space<vmem>>, vector<16xi32>,
        %gather3A_126 = tpu.vector_load_idx %arg5[%get3A_125] : memref<100096xi32, #tpu.memory_space<vmem>>[vector<16xi32>], vector<16xi32>,
        %mul3A_127 = arith.constant 128 : i32
        %mul3A_128 = arith.muli %scan3A_44, %mul3A_127 : i32
        %add3A_129 = arith.constant 96 : i32
        %add3A_130 = arith.addi %mul3A_128, %add3A_129 : i32
        %swap3A_131 = arith.index_cast %add3A_130 : i32 to index
        %swap3A_132 = tpu.vector_load %arg7[%swap3A_131] {strides = array<i32>} : memref<4096xi32, #tpu.memory_space<vmem>>, vector<16xi32>,
        tpu.vector_store %arg7[%swap3A_131], %gather3A_126 {strides = array<i32>} : memref<4096xi32, #tpu.memory_space<vmem>>, vector<16xi32>,
        %mul3A_133 = arith.constant 128 : i32
        %mul3A_134 = arith.muli %scan3A_44, %mul3A_133 : i32
        %add3A_135 = arith.constant 112 : i32
        %add3A_136 = arith.addi %mul3A_134, %add3A_135 : i32
        %get3A_137 = arith.index_cast %add3A_136 : i32 to index
        %get3A_138 = tpu.vector_load %arg6[%get3A_137] {strides = array<i32>} : memref<4096xi32, #tpu.memory_space<vmem>>, vector<16xi32>,
        %gather3A_139 = tpu.vector_load_idx %arg5[%get3A_138] : memref<100096xi32, #tpu.memory_space<vmem>>[vector<16xi32>], vector<16xi32>,
        %mul3A_140 = arith.constant 128 : i32
        %mul3A_141 = arith.muli %scan3A_44, %mul3A_140 : i32
        %add3A_142 = arith.constant 112 : i32
        %add3A_143 = arith.addi %mul3A_141, %add3A_142 : i32
        %swap3A_144 = arith.index_cast %add3A_143 : i32 to index
        %swap3A_145 = tpu.vector_load %arg7[%swap3A_144] {strides = array<i32>} : memref<4096xi32, #tpu.memory_space<vmem>>, vector<16xi32>,
        tpu.vector_store %arg7[%swap3A_144], %gather3A_139 {strides = array<i32>} : memref<4096xi32, #tpu.memory_space<vmem>>, vector<16xi32>,
      }
      %scan3A_9 = arith.constant 32 : i32
      %mul3A_10 = arith.constant 16384 : i32
      %mul3A_11 = arith.muli %add3A, %mul3A_10 : i32
      %add3A_12 = arith.constant 0 : i32
      %add3A_13 = arith.addi %mul3A_11, %add3A_12 : i32
      "tpu.region"() ({
        %run_scoped3A = tpu.sem_alloc : memref<!tpu.dma_semaphore, #tpu.memory_space<semaphore_mem>>
        %dma_start3A = tpu.memref_slice %arg4[%add3A_13] : memref<425984xi32, #tpu.memory_space<hbm>> -> memref<4096xi32, #tpu.memory_space<hbm>>
        %dma_start3A_44 = tpu.memref_slice %arg4[%add3A_13] : memref<425984xi32, #tpu.memory_space<hbm>> -> memref<4096xi32, #tpu.memory_space<hbm>>
        tpu.enqueue_dma source(%arg7 : memref<4096xi32, #tpu.memory_space<vmem>>) target(%dma_start3A_44 : memref<4096xi32, #tpu.memory_space<hbm>>) target_semaphore(%run_scoped3A : memref<!tpu.dma_semaphore, #tpu.memory_space<semaphore_mem>>)
        %dma_wait3A = tpu.memref_slice %arg4[%add3A_13] : memref<425984xi32, #tpu.memory_space<hbm>> -> memref<4096xi32, #tpu.memory_space<hbm>>
        %dma_wait3A_45 = tpu.memref_slice %arg4[%add3A_13] : memref<425984xi32, #tpu.memory_space<hbm>> -> memref<4096xi32, #tpu.memory_space<hbm>>
        tpu.wait_dma2 semaphore(%run_scoped3A : memref<!tpu.dma_semaphore, #tpu.memory_space<semaphore_mem>>) src(%arg7 : memref<4096xi32, #tpu.memory_space<vmem>>) dst(%dma_wait3A_45 : memref<4096xi32, #tpu.memory_space<hbm>>)
        tpu.yield
      }) : () -> ()
      "tpu.region"() ({
        %run_scoped3A = tpu.sem_alloc : memref<!tpu.dma_semaphore, #tpu.memory_space<semaphore_mem>>
        %dma_start3A = arith.constant 4096 : i32
        %dma_start3A_44 = tpu.memref_slice %arg3[%dma_start3A] : memref<16384xi32, #tpu.memory_space<hbm>> -> memref<4096xi32, #tpu.memory_space<hbm>>
        %dma_start3A_45 = arith.constant 4096 : i32
        %dma_start3A_46 = tpu.memref_slice %arg3[%dma_start3A_45] : memref<16384xi32, #tpu.memory_space<hbm>> -> memref<4096xi32, #tpu.memory_space<hbm>>
        tpu.enqueue_dma source(%dma_start3A_46 : memref<4096xi32, #tpu.memory_space<hbm>>) target(%arg6 : memref<4096xi32, #tpu.memory_space<vmem>>) target_semaphore(%run_scoped3A : memref<!tpu.dma_semaphore, #tpu.memory_space<semaphore_mem>>)
        %dma_wait3A = arith.constant 4096 : i32
        %dma_wait3A_47 = tpu.memref_slice %arg3[%dma_wait3A] : memref<16384xi32, #tpu.memory_space<hbm>> -> memref<4096xi32, #tpu.memory_space<hbm>>
        %dma_wait3A_48 = arith.constant 4096 : i32
        %dma_wait3A_49 = tpu.memref_slice %arg3[%dma_wait3A_48] : memref<16384xi32, #tpu.memory_space<hbm>> -> memref<4096xi32, #tpu.memory_space<hbm>>
        tpu.wait_dma2 semaphore(%run_scoped3A : memref<!tpu.dma_semaphore, #tpu.memory_space<semaphore_mem>>) src(%dma_wait3A_49 : memref<4096xi32, #tpu.memory_space<hbm>>) dst(%arg6 : memref<4096xi32, #tpu.memory_space<vmem>>)
        tpu.yield
      }) : () -> ()
      %scan3A_14 = arith.constant 0 : i32
      %scan3A_15 = arith.constant 0 : i32
      %scan3A_16 = arith.constant 32 : i32
      %scan3A_17 = arith.addi %scan3A_15, %scan3A_16 : i32
      %scan3A_18 = arith.constant 1 : i32
      scf.for %scan3A_44 = %scan3A_15 to %scan3A_17 step %scan3A_18  : i32 {
        %mul3A_45 = arith.constant 128 : i32
        %mul3A_46 = arith.muli %scan3A_44, %mul3A_45 : i32
        %add3A_47 = arith.constant 0 : i32
        %add3A_48 = arith.addi %mul3A_46, %add3A_47 : i32
        %get3A = arith.index_cast %add3A_48 : i32 to index
        %get3A_49 = tpu.vector_load %arg6[%get3A] {strides = array<i32>} : memref<4096xi32, #tpu.memory_space<vmem>>, vector<16xi32>,
        %gather3A = tpu.vector_load_idx %arg5[%get3A_49] : memref<100096xi32, #tpu.memory_space<vmem>>[vector<16xi32>], vector<16xi32>,
        %mul3A_50 = arith.constant 128 : i32
        %mul3A_51 = arith.muli %scan3A_44, %mul3A_50 : i32
        %add3A_52 = arith.constant 0 : i32
        %add3A_53 = arith.addi %mul3A_51, %add3A_52 : i32
        %swap3A = arith.index_cast %add3A_53 : i32 to index
        %swap3A_54 = tpu.vector_load %arg7[%swap3A] {strides = array<i32>} : memref<4096xi32, #tpu.memory_space<vmem>>, vector<16xi32>,
        tpu.vector_store %arg7[%swap3A], %gather3A {strides = array<i32>} : memref<4096xi32, #tpu.memory_space<vmem>>, vector<16xi32>,
        %mul3A_55 = arith.constant 128 : i32
        %mul3A_56 = arith.muli %scan3A_44, %mul3A_55 : i32
        %add3A_57 = arith.constant 16 : i32
        %add3A_58 = arith.addi %mul3A_56, %add3A_57 : i32
        %get3A_59 = arith.index_cast %add3A_58 : i32 to index
        %get3A_60 = tpu.vector_load %arg6[%get3A_59] {strides = array<i32>} : memref<4096xi32, #tpu.memory_space<vmem>>, vector<16xi32>,
        %gather3A_61 = tpu.vector_load_idx %arg5[%get3A_60] : memref<100096xi32, #tpu.memory_space<vmem>>[vector<16xi32>], vector<16xi32>,
        %mul3A_62 = arith.constant 128 : i32
        %mul3A_63 = arith.muli %scan3A_44, %mul3A_62 : i32
        %add3A_64 = arith.constant 16 : i32
        %add3A_65 = arith.addi %mul3A_63, %add3A_64 : i32
        %swap3A_66 = arith.index_cast %add3A_65 : i32 to index
        %swap3A_67 = tpu.vector_load %arg7[%swap3A_66] {strides = array<i32>} : memref<4096xi32, #tpu.memory_space<vmem>>, vector<16xi32>,
        tpu.vector_store %arg7[%swap3A_66], %gather3A_61 {strides = array<i32>} : memref<4096xi32, #tpu.memory_space<vmem>>, vector<16xi32>,
        %mul3A_68 = arith.constant 128 : i32
        %mul3A_69 = arith.muli %scan3A_44, %mul3A_68 : i32
        %add3A_70 = arith.constant 32 : i32
        %add3A_71 = arith.addi %mul3A_69, %add3A_70 : i32
        %get3A_72 = arith.index_cast %add3A_71 : i32 to index
        %get3A_73 = tpu.vector_load %arg6[%get3A_72] {strides = array<i32>} : memref<4096xi32, #tpu.memory_space<vmem>>, vector<16xi32>,
        %gather3A_74 = tpu.vector_load_idx %arg5[%get3A_73] : memref<100096xi32, #tpu.memory_space<vmem>>[vector<16xi32>], vector<16xi32>,
        %mul3A_75 = arith.constant 128 : i32
        %mul3A_76 = arith.muli %scan3A_44, %mul3A_75 : i32
        %add3A_77 = arith.constant 32 : i32
        %add3A_78 = arith.addi %mul3A_76, %add3A_77 : i32
        %swap3A_79 = arith.index_cast %add3A_78 : i32 to index
        %swap3A_80 = tpu.vector_load %arg7[%swap3A_79] {strides = array<i32>} : memref<4096xi32, #tpu.memory_space<vmem>>, vector<16xi32>,
        tpu.vector_store %arg7[%swap3A_79], %gather3A_74 {strides = array<i32>} : memref<4096xi32, #tpu.memory_space<vmem>>, vector<16xi32>,
        %mul3A_81 = arith.constant 128 : i32
        %mul3A_82 = arith.muli %scan3A_44, %mul3A_81 : i32
        %add3A_83 = arith.constant 48 : i32
        %add3A_84 = arith.addi %mul3A_82, %add3A_83 : i32
        %get3A_85 = arith.index_cast %add3A_84 : i32 to index
        %get3A_86 = tpu.vector_load %arg6[%get3A_85] {strides = array<i32>} : memref<4096xi32, #tpu.memory_space<vmem>>, vector<16xi32>,
        %gather3A_87 = tpu.vector_load_idx %arg5[%get3A_86] : memref<100096xi32, #tpu.memory_space<vmem>>[vector<16xi32>], vector<16xi32>,
        %mul3A_88 = arith.constant 128 : i32
        %mul3A_89 = arith.muli %scan3A_44, %mul3A_88 : i32
        %add3A_90 = arith.constant 48 : i32
        %add3A_91 = arith.addi %mul3A_89, %add3A_90 : i32
        %swap3A_92 = arith.index_cast %add3A_91 : i32 to index
        %swap3A_93 = tpu.vector_load %arg7[%swap3A_92] {strides = array<i32>} : memref<4096xi32, #tpu.memory_space<vmem>>, vector<16xi32>,
        tpu.vector_store %arg7[%swap3A_92], %gather3A_87 {strides = array<i32>} : memref<4096xi32, #tpu.memory_space<vmem>>, vector<16xi32>,
        %mul3A_94 = arith.constant 128 : i32
        %mul3A_95 = arith.muli %scan3A_44, %mul3A_94 : i32
        %add3A_96 = arith.constant 64 : i32
        %add3A_97 = arith.addi %mul3A_95, %add3A_96 : i32
        %get3A_98 = arith.index_cast %add3A_97 : i32 to index
        %get3A_99 = tpu.vector_load %arg6[%get3A_98] {strides = array<i32>} : memref<4096xi32, #tpu.memory_space<vmem>>, vector<16xi32>,
        %gather3A_100 = tpu.vector_load_idx %arg5[%get3A_99] : memref<100096xi32, #tpu.memory_space<vmem>>[vector<16xi32>], vector<16xi32>,
        %mul3A_101 = arith.constant 128 : i32
        %mul3A_102 = arith.muli %scan3A_44, %mul3A_101 : i32
        %add3A_103 = arith.constant 64 : i32
        %add3A_104 = arith.addi %mul3A_102, %add3A_103 : i32
        %swap3A_105 = arith.index_cast %add3A_104 : i32 to index
        %swap3A_106 = tpu.vector_load %arg7[%swap3A_105] {strides = array<i32>} : memref<4096xi32, #tpu.memory_space<vmem>>, vector<16xi32>,
        tpu.vector_store %arg7[%swap3A_105], %gather3A_100 {strides = array<i32>} : memref<4096xi32, #tpu.memory_space<vmem>>, vector<16xi32>,
        %mul3A_107 = arith.constant 128 : i32
        %mul3A_108 = arith.muli %scan3A_44, %mul3A_107 : i32
        %add3A_109 = arith.constant 80 : i32
        %add3A_110 = arith.addi %mul3A_108, %add3A_109 : i32
        %get3A_111 = arith.index_cast %add3A_110 : i32 to index
        %get3A_112 = tpu.vector_load %arg6[%get3A_111] {strides = array<i32>} : memref<4096xi32, #tpu.memory_space<vmem>>, vector<16xi32>,
        %gather3A_113 = tpu.vector_load_idx %arg5[%get3A_112] : memref<100096xi32, #tpu.memory_space<vmem>>[vector<16xi32>], vector<16xi32>,
        %mul3A_114 = arith.constant 128 : i32
        %mul3A_115 = arith.muli %scan3A_44, %mul3A_114 : i32
        %add3A_116 = arith.constant 80 : i32
        %add3A_117 = arith.addi %mul3A_115, %add3A_116 : i32
        %swap3A_118 = arith.index_cast %add3A_117 : i32 to index
        %swap3A_119 = tpu.vector_load %arg7[%swap3A_118] {strides = array<i32>} : memref<4096xi32, #tpu.memory_space<vmem>>, vector<16xi32>,
        tpu.vector_store %arg7[%swap3A_118], %gather3A_113 {strides = array<i32>} : memref<4096xi32, #tpu.memory_space<vmem>>, vector<16xi32>,
        %mul3A_120 = arith.constant 128 : i32
        %mul3A_121 = arith.muli %scan3A_44, %mul3A_120 : i32
        %add3A_122 = arith.constant 96 : i32
        %add3A_123 = arith.addi %mul3A_121, %add3A_122 : i32
        %get3A_124 = arith.index_cast %add3A_123 : i32 to index
        %get3A_125 = tpu.vector_load %arg6[%get3A_124] {strides = array<i32>} : memref<4096xi32, #tpu.memory_space<vmem>>, vector<16xi32>,
        %gather3A_126 = tpu.vector_load_idx %arg5[%get3A_125] : memref<100096xi32, #tpu.memory_space<vmem>>[vector<16xi32>], vector<16xi32>,
        %mul3A_127 = arith.constant 128 : i32
        %mul3A_128 = arith.muli %scan3A_44, %mul3A_127 : i32
        %add3A_129 = arith.constant 96 : i32
        %add3A_130 = arith.addi %mul3A_128, %add3A_129 : i32
        %swap3A_131 = arith.index_cast %add3A_130 : i32 to index
        %swap3A_132 = tpu.vector_load %arg7[%swap3A_131] {strides = array<i32>} : memref<4096xi32, #tpu.memory_space<vmem>>, vector<16xi32>,
        tpu.vector_store %arg7[%swap3A_131], %gather3A_126 {strides = array<i32>} : memref<4096xi32, #tpu.memory_space<vmem>>, vector<16xi32>,
        %mul3A_133 = arith.constant 128 : i32
        %mul3A_134 = arith.muli %scan3A_44, %mul3A_133 : i32
        %add3A_135 = arith.constant 112 : i32
        %add3A_136 = arith.addi %mul3A_134, %add3A_135 : i32
        %get3A_137 = arith.index_cast %add3A_136 : i32 to index
        %get3A_138 = tpu.vector_load %arg6[%get3A_137] {strides = array<i32>} : memref<4096xi32, #tpu.memory_space<vmem>>, vector<16xi32>,
        %gather3A_139 = tpu.vector_load_idx %arg5[%get3A_138] : memref<100096xi32, #tpu.memory_space<vmem>>[vector<16xi32>], vector<16xi32>,
        %mul3A_140 = arith.constant 128 : i32
        %mul3A_141 = arith.muli %scan3A_44, %mul3A_140 : i32
        %add3A_142 = arith.constant 112 : i32
        %add3A_143 = arith.addi %mul3A_141, %add3A_142 : i32
        %swap3A_144 = arith.index_cast %add3A_143 : i32 to index
        %swap3A_145 = tpu.vector_load %arg7[%swap3A_144] {strides = array<i32>} : memref<4096xi32, #tpu.memory_space<vmem>>, vector<16xi32>,
        tpu.vector_store %arg7[%swap3A_144], %gather3A_139 {strides = array<i32>} : memref<4096xi32, #tpu.memory_space<vmem>>, vector<16xi32>,
      }
      %scan3A_19 = arith.constant 32 : i32
      %mul3A_20 = arith.constant 16384 : i32
      %mul3A_21 = arith.muli %add3A, %mul3A_20 : i32
      %add3A_22 = arith.constant 4096 : i32
      %add3A_23 = arith.addi %mul3A_21, %add3A_22 : i32
      "tpu.region"() ({
        %run_scoped3A = tpu.sem_alloc : memref<!tpu.dma_semaphore, #tpu.memory_space<semaphore_mem>>
        %dma_start3A = tpu.memref_slice %arg4[%add3A_23] : memref<425984xi32, #tpu.memory_space<hbm>> -> memref<4096xi32, #tpu.memory_space<hbm>>
        %dma_start3A_44 = tpu.memref_slice %arg4[%add3A_23] : memref<425984xi32, #tpu.memory_space<hbm>> -> memref<4096xi32, #tpu.memory_space<hbm>>
        tpu.enqueue_dma source(%arg7 : memref<4096xi32, #tpu.memory_space<vmem>>) target(%dma_start3A_44 : memref<4096xi32, #tpu.memory_space<hbm>>) target_semaphore(%run_scoped3A : memref<!tpu.dma_semaphore, #tpu.memory_space<semaphore_mem>>)
        %dma_wait3A = tpu.memref_slice %arg4[%add3A_23] : memref<425984xi32, #tpu.memory_space<hbm>> -> memref<4096xi32, #tpu.memory_space<hbm>>
        %dma_wait3A_45 = tpu.memref_slice %arg4[%add3A_23] : memref<425984xi32, #tpu.memory_space<hbm>> -> memref<4096xi32, #tpu.memory_space<hbm>>
        tpu.wait_dma2 semaphore(%run_scoped3A : memref<!tpu.dma_semaphore, #tpu.memory_space<semaphore_mem>>) src(%arg7 : memref<4096xi32, #tpu.memory_space<vmem>>) dst(%dma_wait3A_45 : memref<4096xi32, #tpu.memory_space<hbm>>)
        tpu.yield
      }) : () -> ()
      "tpu.region"() ({
        %run_scoped3A = tpu.sem_alloc : memref<!tpu.dma_semaphore, #tpu.memory_space<semaphore_mem>>
        %dma_start3A = arith.constant 8192 : i32
        %dma_start3A_44 = tpu.memref_slice %arg3[%dma_start3A] : memref<16384xi32, #tpu.memory_space<hbm>> -> memref<4096xi32, #tpu.memory_space<hbm>>
        %dma_start3A_45 = arith.constant 8192 : i32
        %dma_start3A_46 = tpu.memref_slice %arg3[%dma_start3A_45] : memref<16384xi32, #tpu.memory_space<hbm>> -> memref<4096xi32, #tpu.memory_space<hbm>>
        tpu.enqueue_dma source(%dma_start3A_46 : memref<4096xi32, #tpu.memory_space<hbm>>) target(%arg6 : memref<4096xi32, #tpu.memory_space<vmem>>) target_semaphore(%run_scoped3A : memref<!tpu.dma_semaphore, #tpu.memory_space<semaphore_mem>>)
        %dma_wait3A = arith.constant 8192 : i32
        %dma_wait3A_47 = tpu.memref_slice %arg3[%dma_wait3A] : memref<16384xi32, #tpu.memory_space<hbm>> -> memref<4096xi32, #tpu.memory_space<hbm>>
        %dma_wait3A_48 = arith.constant 8192 : i32
        %dma_wait3A_49 = tpu.memref_slice %arg3[%dma_wait3A_48] : memref<16384xi32, #tpu.memory_space<hbm>> -> memref<4096xi32, #tpu.memory_space<hbm>>
        tpu.wait_dma2 semaphore(%run_scoped3A : memref<!tpu.dma_semaphore, #tpu.memory_space<semaphore_mem>>) src(%dma_wait3A_49 : memref<4096xi32, #tpu.memory_space<hbm>>) dst(%arg6 : memref<4096xi32, #tpu.memory_space<vmem>>)
        tpu.yield
      }) : () -> ()
      %scan3A_24 = arith.constant 0 : i32
      %scan3A_25 = arith.constant 0 : i32
      %scan3A_26 = arith.constant 32 : i32
      %scan3A_27 = arith.addi %scan3A_25, %scan3A_26 : i32
      %scan3A_28 = arith.constant 1 : i32
      scf.for %scan3A_44 = %scan3A_25 to %scan3A_27 step %scan3A_28  : i32 {
        %mul3A_45 = arith.constant 128 : i32
        %mul3A_46 = arith.muli %scan3A_44, %mul3A_45 : i32
        %add3A_47 = arith.constant 0 : i32
        %add3A_48 = arith.addi %mul3A_46, %add3A_47 : i32
        %get3A = arith.index_cast %add3A_48 : i32 to index
        %get3A_49 = tpu.vector_load %arg6[%get3A] {strides = array<i32>} : memref<4096xi32, #tpu.memory_space<vmem>>, vector<16xi32>,
        %gather3A = tpu.vector_load_idx %arg5[%get3A_49] : memref<100096xi32, #tpu.memory_space<vmem>>[vector<16xi32>], vector<16xi32>,
        %mul3A_50 = arith.constant 128 : i32
        %mul3A_51 = arith.muli %scan3A_44, %mul3A_50 : i32
        %add3A_52 = arith.constant 0 : i32
        %add3A_53 = arith.addi %mul3A_51, %add3A_52 : i32
        %swap3A = arith.index_cast %add3A_53 : i32 to index
        %swap3A_54 = tpu.vector_load %arg7[%swap3A] {strides = array<i32>} : memref<4096xi32, #tpu.memory_space<vmem>>, vector<16xi32>,
        tpu.vector_store %arg7[%swap3A], %gather3A {strides = array<i32>} : memref<4096xi32, #tpu.memory_space<vmem>>, vector<16xi32>,
        %mul3A_55 = arith.constant 128 : i32
        %mul3A_56 = arith.muli %scan3A_44, %mul3A_55 : i32
        %add3A_57 = arith.constant 16 : i32
        %add3A_58 = arith.addi %mul3A_56, %add3A_57 : i32
        %get3A_59 = arith.index_cast %add3A_58 : i32 to index
        %get3A_60 = tpu.vector_load %arg6[%get3A_59] {strides = array<i32>} : memref<4096xi32, #tpu.memory_space<vmem>>, vector<16xi32>,
        %gather3A_61 = tpu.vector_load_idx %arg5[%get3A_60] : memref<100096xi32, #tpu.memory_space<vmem>>[vector<16xi32>], vector<16xi32>,
        %mul3A_62 = arith.constant 128 : i32
        %mul3A_63 = arith.muli %scan3A_44, %mul3A_62 : i32
        %add3A_64 = arith.constant 16 : i32
        %add3A_65 = arith.addi %mul3A_63, %add3A_64 : i32
        %swap3A_66 = arith.index_cast %add3A_65 : i32 to index
        %swap3A_67 = tpu.vector_load %arg7[%swap3A_66] {strides = array<i32>} : memref<4096xi32, #tpu.memory_space<vmem>>, vector<16xi32>,
        tpu.vector_store %arg7[%swap3A_66], %gather3A_61 {strides = array<i32>} : memref<4096xi32, #tpu.memory_space<vmem>>, vector<16xi32>,
        %mul3A_68 = arith.constant 128 : i32
        %mul3A_69 = arith.muli %scan3A_44, %mul3A_68 : i32
        %add3A_70 = arith.constant 32 : i32
        %add3A_71 = arith.addi %mul3A_69, %add3A_70 : i32
        %get3A_72 = arith.index_cast %add3A_71 : i32 to index
        %get3A_73 = tpu.vector_load %arg6[%get3A_72] {strides = array<i32>} : memref<4096xi32, #tpu.memory_space<vmem>>, vector<16xi32>,
        %gather3A_74 = tpu.vector_load_idx %arg5[%get3A_73] : memref<100096xi32, #tpu.memory_space<vmem>>[vector<16xi32>], vector<16xi32>,
        %mul3A_75 = arith.constant 128 : i32
        %mul3A_76 = arith.muli %scan3A_44, %mul3A_75 : i32
        %add3A_77 = arith.constant 32 : i32
        %add3A_78 = arith.addi %mul3A_76, %add3A_77 : i32
        %swap3A_79 = arith.index_cast %add3A_78 : i32 to index
        %swap3A_80 = tpu.vector_load %arg7[%swap3A_79] {strides = array<i32>} : memref<4096xi32, #tpu.memory_space<vmem>>, vector<16xi32>,
        tpu.vector_store %arg7[%swap3A_79], %gather3A_74 {strides = array<i32>} : memref<4096xi32, #tpu.memory_space<vmem>>, vector<16xi32>,
        %mul3A_81 = arith.constant 128 : i32
        %mul3A_82 = arith.muli %scan3A_44, %mul3A_81 : i32
        %add3A_83 = arith.constant 48 : i32
        %add3A_84 = arith.addi %mul3A_82, %add3A_83 : i32
        %get3A_85 = arith.index_cast %add3A_84 : i32 to index
        %get3A_86 = tpu.vector_load %arg6[%get3A_85] {strides = array<i32>} : memref<4096xi32, #tpu.memory_space<vmem>>, vector<16xi32>,
        %gather3A_87 = tpu.vector_load_idx %arg5[%get3A_86] : memref<100096xi32, #tpu.memory_space<vmem>>[vector<16xi32>], vector<16xi32>,
        %mul3A_88 = arith.constant 128 : i32
        %mul3A_89 = arith.muli %scan3A_44, %mul3A_88 : i32
        %add3A_90 = arith.constant 48 : i32
        %add3A_91 = arith.addi %mul3A_89, %add3A_90 : i32
        %swap3A_92 = arith.index_cast %add3A_91 : i32 to index
        %swap3A_93 = tpu.vector_load %arg7[%swap3A_92] {strides = array<i32>} : memref<4096xi32, #tpu.memory_space<vmem>>, vector<16xi32>,
        tpu.vector_store %arg7[%swap3A_92], %gather3A_87 {strides = array<i32>} : memref<4096xi32, #tpu.memory_space<vmem>>, vector<16xi32>,
        %mul3A_94 = arith.constant 128 : i32
        %mul3A_95 = arith.muli %scan3A_44, %mul3A_94 : i32
        %add3A_96 = arith.constant 64 : i32
        %add3A_97 = arith.addi %mul3A_95, %add3A_96 : i32
        %get3A_98 = arith.index_cast %add3A_97 : i32 to index
        %get3A_99 = tpu.vector_load %arg6[%get3A_98] {strides = array<i32>} : memref<4096xi32, #tpu.memory_space<vmem>>, vector<16xi32>,
        %gather3A_100 = tpu.vector_load_idx %arg5[%get3A_99] : memref<100096xi32, #tpu.memory_space<vmem>>[vector<16xi32>], vector<16xi32>,
        %mul3A_101 = arith.constant 128 : i32
        %mul3A_102 = arith.muli %scan3A_44, %mul3A_101 : i32
        %add3A_103 = arith.constant 64 : i32
        %add3A_104 = arith.addi %mul3A_102, %add3A_103 : i32
        %swap3A_105 = arith.index_cast %add3A_104 : i32 to index
        %swap3A_106 = tpu.vector_load %arg7[%swap3A_105] {strides = array<i32>} : memref<4096xi32, #tpu.memory_space<vmem>>, vector<16xi32>,
        tpu.vector_store %arg7[%swap3A_105], %gather3A_100 {strides = array<i32>} : memref<4096xi32, #tpu.memory_space<vmem>>, vector<16xi32>,
        %mul3A_107 = arith.constant 128 : i32
        %mul3A_108 = arith.muli %scan3A_44, %mul3A_107 : i32
        %add3A_109 = arith.constant 80 : i32
        %add3A_110 = arith.addi %mul3A_108, %add3A_109 : i32
        %get3A_111 = arith.index_cast %add3A_110 : i32 to index
        %get3A_112 = tpu.vector_load %arg6[%get3A_111] {strides = array<i32>} : memref<4096xi32, #tpu.memory_space<vmem>>, vector<16xi32>,
        %gather3A_113 = tpu.vector_load_idx %arg5[%get3A_112] : memref<100096xi32, #tpu.memory_space<vmem>>[vector<16xi32>], vector<16xi32>,
        %mul3A_114 = arith.constant 128 : i32
        %mul3A_115 = arith.muli %scan3A_44, %mul3A_114 : i32
        %add3A_116 = arith.constant 80 : i32
        %add3A_117 = arith.addi %mul3A_115, %add3A_116 : i32
        %swap3A_118 = arith.index_cast %add3A_117 : i32 to index
        %swap3A_119 = tpu.vector_load %arg7[%swap3A_118] {strides = array<i32>} : memref<4096xi32, #tpu.memory_space<vmem>>, vector<16xi32>,
        tpu.vector_store %arg7[%swap3A_118], %gather3A_113 {strides = array<i32>} : memref<4096xi32, #tpu.memory_space<vmem>>, vector<16xi32>,
        %mul3A_120 = arith.constant 128 : i32
        %mul3A_121 = arith.muli %scan3A_44, %mul3A_120 : i32
        %add3A_122 = arith.constant 96 : i32
        %add3A_123 = arith.addi %mul3A_121, %add3A_122 : i32
        %get3A_124 = arith.index_cast %add3A_123 : i32 to index
        %get3A_125 = tpu.vector_load %arg6[%get3A_124] {strides = array<i32>} : memref<4096xi32, #tpu.memory_space<vmem>>, vector<16xi32>,
        %gather3A_126 = tpu.vector_load_idx %arg5[%get3A_125] : memref<100096xi32, #tpu.memory_space<vmem>>[vector<16xi32>], vector<16xi32>,
        %mul3A_127 = arith.constant 128 : i32
        %mul3A_128 = arith.muli %scan3A_44, %mul3A_127 : i32
        %add3A_129 = arith.constant 96 : i32
        %add3A_130 = arith.addi %mul3A_128, %add3A_129 : i32
        %swap3A_131 = arith.index_cast %add3A_130 : i32 to index
        %swap3A_132 = tpu.vector_load %arg7[%swap3A_131] {strides = array<i32>} : memref<4096xi32, #tpu.memory_space<vmem>>, vector<16xi32>,
        tpu.vector_store %arg7[%swap3A_131], %gather3A_126 {strides = array<i32>} : memref<4096xi32, #tpu.memory_space<vmem>>, vector<16xi32>,
        %mul3A_133 = arith.constant 128 : i32
        %mul3A_134 = arith.muli %scan3A_44, %mul3A_133 : i32
        %add3A_135 = arith.constant 112 : i32
        %add3A_136 = arith.addi %mul3A_134, %add3A_135 : i32
        %get3A_137 = arith.index_cast %add3A_136 : i32 to index
        %get3A_138 = tpu.vector_load %arg6[%get3A_137] {strides = array<i32>} : memref<4096xi32, #tpu.memory_space<vmem>>, vector<16xi32>,
        %gather3A_139 = tpu.vector_load_idx %arg5[%get3A_138] : memref<100096xi32, #tpu.memory_space<vmem>>[vector<16xi32>], vector<16xi32>,
        %mul3A_140 = arith.constant 128 : i32
        %mul3A_141 = arith.muli %scan3A_44, %mul3A_140 : i32
        %add3A_142 = arith.constant 112 : i32
        %add3A_143 = arith.addi %mul3A_141, %add3A_142 : i32
        %swap3A_144 = arith.index_cast %add3A_143 : i32 to index
        %swap3A_145 = tpu.vector_load %arg7[%swap3A_144] {strides = array<i32>} : memref<4096xi32, #tpu.memory_space<vmem>>, vector<16xi32>,
        tpu.vector_store %arg7[%swap3A_144], %gather3A_139 {strides = array<i32>} : memref<4096xi32, #tpu.memory_space<vmem>>, vector<16xi32>,
      }
      %scan3A_29 = arith.constant 32 : i32
      %mul3A_30 = arith.constant 16384 : i32
      %mul3A_31 = arith.muli %add3A, %mul3A_30 : i32
      %add3A_32 = arith.constant 8192 : i32
      %add3A_33 = arith.addi %mul3A_31, %add3A_32 : i32
      "tpu.region"() ({
        %run_scoped3A = tpu.sem_alloc : memref<!tpu.dma_semaphore, #tpu.memory_space<semaphore_mem>>
        %dma_start3A = tpu.memref_slice %arg4[%add3A_33] : memref<425984xi32, #tpu.memory_space<hbm>> -> memref<4096xi32, #tpu.memory_space<hbm>>
        %dma_start3A_44 = tpu.memref_slice %arg4[%add3A_33] : memref<425984xi32, #tpu.memory_space<hbm>> -> memref<4096xi32, #tpu.memory_space<hbm>>
        tpu.enqueue_dma source(%arg7 : memref<4096xi32, #tpu.memory_space<vmem>>) target(%dma_start3A_44 : memref<4096xi32, #tpu.memory_space<hbm>>) target_semaphore(%run_scoped3A : memref<!tpu.dma_semaphore, #tpu.memory_space<semaphore_mem>>)
        %dma_wait3A = tpu.memref_slice %arg4[%add3A_33] : memref<425984xi32, #tpu.memory_space<hbm>> -> memref<4096xi32, #tpu.memory_space<hbm>>
        %dma_wait3A_45 = tpu.memref_slice %arg4[%add3A_33] : memref<425984xi32, #tpu.memory_space<hbm>> -> memref<4096xi32, #tpu.memory_space<hbm>>
        tpu.wait_dma2 semaphore(%run_scoped3A : memref<!tpu.dma_semaphore, #tpu.memory_space<semaphore_mem>>) src(%arg7 : memref<4096xi32, #tpu.memory_space<vmem>>) dst(%dma_wait3A_45 : memref<4096xi32, #tpu.memory_space<hbm>>)
        tpu.yield
      }) : () -> ()
      "tpu.region"() ({
        %run_scoped3A = tpu.sem_alloc : memref<!tpu.dma_semaphore, #tpu.memory_space<semaphore_mem>>
        %dma_start3A = arith.constant 12288 : i32
        %dma_start3A_44 = tpu.memref_slice %arg3[%dma_start3A] : memref<16384xi32, #tpu.memory_space<hbm>> -> memref<4096xi32, #tpu.memory_space<hbm>>
        %dma_start3A_45 = arith.constant 12288 : i32
        %dma_start3A_46 = tpu.memref_slice %arg3[%dma_start3A_45] : memref<16384xi32, #tpu.memory_space<hbm>> -> memref<4096xi32, #tpu.memory_space<hbm>>
        tpu.enqueue_dma source(%dma_start3A_46 : memref<4096xi32, #tpu.memory_space<hbm>>) target(%arg6 : memref<4096xi32, #tpu.memory_space<vmem>>) target_semaphore(%run_scoped3A : memref<!tpu.dma_semaphore, #tpu.memory_space<semaphore_mem>>)
        %dma_wait3A = arith.constant 12288 : i32
        %dma_wait3A_47 = tpu.memref_slice %arg3[%dma_wait3A] : memref<16384xi32, #tpu.memory_space<hbm>> -> memref<4096xi32, #tpu.memory_space<hbm>>
        %dma_wait3A_48 = arith.constant 12288 : i32
        %dma_wait3A_49 = tpu.memref_slice %arg3[%dma_wait3A_48] : memref<16384xi32, #tpu.memory_space<hbm>> -> memref<4096xi32, #tpu.memory_space<hbm>>
        tpu.wait_dma2 semaphore(%run_scoped3A : memref<!tpu.dma_semaphore, #tpu.memory_space<semaphore_mem>>) src(%dma_wait3A_49 : memref<4096xi32, #tpu.memory_space<hbm>>) dst(%arg6 : memref<4096xi32, #tpu.memory_space<vmem>>)
        tpu.yield
      }) : () -> ()
      %scan3A_34 = arith.constant 0 : i32
      %scan3A_35 = arith.constant 0 : i32
      %scan3A_36 = arith.constant 32 : i32
      %scan3A_37 = arith.addi %scan3A_35, %scan3A_36 : i32
      %scan3A_38 = arith.constant 1 : i32
      scf.for %scan3A_44 = %scan3A_35 to %scan3A_37 step %scan3A_38  : i32 {
        %mul3A_45 = arith.constant 128 : i32
        %mul3A_46 = arith.muli %scan3A_44, %mul3A_45 : i32
        %add3A_47 = arith.constant 0 : i32
        %add3A_48 = arith.addi %mul3A_46, %add3A_47 : i32
        %get3A = arith.index_cast %add3A_48 : i32 to index
        %get3A_49 = tpu.vector_load %arg6[%get3A] {strides = array<i32>} : memref<4096xi32, #tpu.memory_space<vmem>>, vector<16xi32>,
        %gather3A = tpu.vector_load_idx %arg5[%get3A_49] : memref<100096xi32, #tpu.memory_space<vmem>>[vector<16xi32>], vector<16xi32>,
        %mul3A_50 = arith.constant 128 : i32
        %mul3A_51 = arith.muli %scan3A_44, %mul3A_50 : i32
        %add3A_52 = arith.constant 0 : i32
        %add3A_53 = arith.addi %mul3A_51, %add3A_52 : i32
        %swap3A = arith.index_cast %add3A_53 : i32 to index
        %swap3A_54 = tpu.vector_load %arg7[%swap3A] {strides = array<i32>} : memref<4096xi32, #tpu.memory_space<vmem>>, vector<16xi32>,
        tpu.vector_store %arg7[%swap3A], %gather3A {strides = array<i32>} : memref<4096xi32, #tpu.memory_space<vmem>>, vector<16xi32>,
        %mul3A_55 = arith.constant 128 : i32
        %mul3A_56 = arith.muli %scan3A_44, %mul3A_55 : i32
        %add3A_57 = arith.constant 16 : i32
        %add3A_58 = arith.addi %mul3A_56, %add3A_57 : i32
        %get3A_59 = arith.index_cast %add3A_58 : i32 to index
        %get3A_60 = tpu.vector_load %arg6[%get3A_59] {strides = array<i32>} : memref<4096xi32, #tpu.memory_space<vmem>>, vector<16xi32>,
        %gather3A_61 = tpu.vector_load_idx %arg5[%get3A_60] : memref<100096xi32, #tpu.memory_space<vmem>>[vector<16xi32>], vector<16xi32>,
        %mul3A_62 = arith.constant 128 : i32
        %mul3A_63 = arith.muli %scan3A_44, %mul3A_62 : i32
        %add3A_64 = arith.constant 16 : i32
        %add3A_65 = arith.addi %mul3A_63, %add3A_64 : i32
        %swap3A_66 = arith.index_cast %add3A_65 : i32 to index
        %swap3A_67 = tpu.vector_load %arg7[%swap3A_66] {strides = array<i32>} : memref<4096xi32, #tpu.memory_space<vmem>>, vector<16xi32>,
        tpu.vector_store %arg7[%swap3A_66], %gather3A_61 {strides = array<i32>} : memref<4096xi32, #tpu.memory_space<vmem>>, vector<16xi32>,
        %mul3A_68 = arith.constant 128 : i32
        %mul3A_69 = arith.muli %scan3A_44, %mul3A_68 : i32
        %add3A_70 = arith.constant 32 : i32
        %add3A_71 = arith.addi %mul3A_69, %add3A_70 : i32
        %get3A_72 = arith.index_cast %add3A_71 : i32 to index
        %get3A_73 = tpu.vector_load %arg6[%get3A_72] {strides = array<i32>} : memref<4096xi32, #tpu.memory_space<vmem>>, vector<16xi32>,
        %gather3A_74 = tpu.vector_load_idx %arg5[%get3A_73] : memref<100096xi32, #tpu.memory_space<vmem>>[vector<16xi32>], vector<16xi32>,
        %mul3A_75 = arith.constant 128 : i32
        %mul3A_76 = arith.muli %scan3A_44, %mul3A_75 : i32
        %add3A_77 = arith.constant 32 : i32
        %add3A_78 = arith.addi %mul3A_76, %add3A_77 : i32
        %swap3A_79 = arith.index_cast %add3A_78 : i32 to index
        %swap3A_80 = tpu.vector_load %arg7[%swap3A_79] {strides = array<i32>} : memref<4096xi32, #tpu.memory_space<vmem>>, vector<16xi32>,
        tpu.vector_store %arg7[%swap3A_79], %gather3A_74 {strides = array<i32>} : memref<4096xi32, #tpu.memory_space<vmem>>, vector<16xi32>,
        %mul3A_81 = arith.constant 128 : i32
        %mul3A_82 = arith.muli %scan3A_44, %mul3A_81 : i32
        %add3A_83 = arith.constant 48 : i32
        %add3A_84 = arith.addi %mul3A_82, %add3A_83 : i32
        %get3A_85 = arith.index_cast %add3A_84 : i32 to index
        %get3A_86 = tpu.vector_load %arg6[%get3A_85] {strides = array<i32>} : memref<4096xi32, #tpu.memory_space<vmem>>, vector<16xi32>,
        %gather3A_87 = tpu.vector_load_idx %arg5[%get3A_86] : memref<100096xi32, #tpu.memory_space<vmem>>[vector<16xi32>], vector<16xi32>,
        %mul3A_88 = arith.constant 128 : i32
        %mul3A_89 = arith.muli %scan3A_44, %mul3A_88 : i32
        %add3A_90 = arith.constant 48 : i32
        %add3A_91 = arith.addi %mul3A_89, %add3A_90 : i32
        %swap3A_92 = arith.index_cast %add3A_91 : i32 to index
        %swap3A_93 = tpu.vector_load %arg7[%swap3A_92] {strides = array<i32>} : memref<4096xi32, #tpu.memory_space<vmem>>, vector<16xi32>,
        tpu.vector_store %arg7[%swap3A_92], %gather3A_87 {strides = array<i32>} : memref<4096xi32, #tpu.memory_space<vmem>>, vector<16xi32>,
        %mul3A_94 = arith.constant 128 : i32
        %mul3A_95 = arith.muli %scan3A_44, %mul3A_94 : i32
        %add3A_96 = arith.constant 64 : i32
        %add3A_97 = arith.addi %mul3A_95, %add3A_96 : i32
        %get3A_98 = arith.index_cast %add3A_97 : i32 to index
        %get3A_99 = tpu.vector_load %arg6[%get3A_98] {strides = array<i32>} : memref<4096xi32, #tpu.memory_space<vmem>>, vector<16xi32>,
        %gather3A_100 = tpu.vector_load_idx %arg5[%get3A_99] : memref<100096xi32, #tpu.memory_space<vmem>>[vector<16xi32>], vector<16xi32>,
        %mul3A_101 = arith.constant 128 : i32
        %mul3A_102 = arith.muli %scan3A_44, %mul3A_101 : i32
        %add3A_103 = arith.constant 64 : i32
        %add3A_104 = arith.addi %mul3A_102, %add3A_103 : i32
        %swap3A_105 = arith.index_cast %add3A_104 : i32 to index
        %swap3A_106 = tpu.vector_load %arg7[%swap3A_105] {strides = array<i32>} : memref<4096xi32, #tpu.memory_space<vmem>>, vector<16xi32>,
        tpu.vector_store %arg7[%swap3A_105], %gather3A_100 {strides = array<i32>} : memref<4096xi32, #tpu.memory_space<vmem>>, vector<16xi32>,
        %mul3A_107 = arith.constant 128 : i32
        %mul3A_108 = arith.muli %scan3A_44, %mul3A_107 : i32
        %add3A_109 = arith.constant 80 : i32
        %add3A_110 = arith.addi %mul3A_108, %add3A_109 : i32
        %get3A_111 = arith.index_cast %add3A_110 : i32 to index
        %get3A_112 = tpu.vector_load %arg6[%get3A_111] {strides = array<i32>} : memref<4096xi32, #tpu.memory_space<vmem>>, vector<16xi32>,
        %gather3A_113 = tpu.vector_load_idx %arg5[%get3A_112] : memref<100096xi32, #tpu.memory_space<vmem>>[vector<16xi32>], vector<16xi32>,
        %mul3A_114 = arith.constant 128 : i32
        %mul3A_115 = arith.muli %scan3A_44, %mul3A_114 : i32
        %add3A_116 = arith.constant 80 : i32
        %add3A_117 = arith.addi %mul3A_115, %add3A_116 : i32
        %swap3A_118 = arith.index_cast %add3A_117 : i32 to index
        %swap3A_119 = tpu.vector_load %arg7[%swap3A_118] {strides = array<i32>} : memref<4096xi32, #tpu.memory_space<vmem>>, vector<16xi32>,
        tpu.vector_store %arg7[%swap3A_118], %gather3A_113 {strides = array<i32>} : memref<4096xi32, #tpu.memory_space<vmem>>, vector<16xi32>,
        %mul3A_120 = arith.constant 128 : i32
        %mul3A_121 = arith.muli %scan3A_44, %mul3A_120 : i32
        %add3A_122 = arith.constant 96 : i32
        %add3A_123 = arith.addi %mul3A_121, %add3A_122 : i32
        %get3A_124 = arith.index_cast %add3A_123 : i32 to index
        %get3A_125 = tpu.vector_load %arg6[%get3A_124] {strides = array<i32>} : memref<4096xi32, #tpu.memory_space<vmem>>, vector<16xi32>,
        %gather3A_126 = tpu.vector_load_idx %arg5[%get3A_125] : memref<100096xi32, #tpu.memory_space<vmem>>[vector<16xi32>], vector<16xi32>,
        %mul3A_127 = arith.constant 128 : i32
        %mul3A_128 = arith.muli %scan3A_44, %mul3A_127 : i32
        %add3A_129 = arith.constant 96 : i32
        %add3A_130 = arith.addi %mul3A_128, %add3A_129 : i32
        %swap3A_131 = arith.index_cast %add3A_130 : i32 to index
        %swap3A_132 = tpu.vector_load %arg7[%swap3A_131] {strides = array<i32>} : memref<4096xi32, #tpu.memory_space<vmem>>, vector<16xi32>,
        tpu.vector_store %arg7[%swap3A_131], %gather3A_126 {strides = array<i32>} : memref<4096xi32, #tpu.memory_space<vmem>>, vector<16xi32>,
        %mul3A_133 = arith.constant 128 : i32
        %mul3A_134 = arith.muli %scan3A_44, %mul3A_133 : i32
        %add3A_135 = arith.constant 112 : i32
        %add3A_136 = arith.addi %mul3A_134, %add3A_135 : i32
        %get3A_137 = arith.index_cast %add3A_136 : i32 to index
        %get3A_138 = tpu.vector_load %arg6[%get3A_137] {strides = array<i32>} : memref<4096xi32, #tpu.memory_space<vmem>>, vector<16xi32>,
        %gather3A_139 = tpu.vector_load_idx %arg5[%get3A_138] : memref<100096xi32, #tpu.memory_space<vmem>>[vector<16xi32>], vector<16xi32>,
        %mul3A_140 = arith.constant 128 : i32
        %mul3A_141 = arith.muli %scan3A_44, %mul3A_140 : i32
        %add3A_142 = arith.constant 112 : i32
        %add3A_143 = arith.addi %mul3A_141, %add3A_142 : i32
        %swap3A_144 = arith.index_cast %add3A_143 : i32 to index
        %swap3A_145 = tpu.vector_load %arg7[%swap3A_144] {strides = array<i32>} : memref<4096xi32, #tpu.memory_space<vmem>>, vector<16xi32>,
        tpu.vector_store %arg7[%swap3A_144], %gather3A_139 {strides = array<i32>} : memref<4096xi32, #tpu.memory_space<vmem>>, vector<16xi32>,
      }
      %scan3A_39 = arith.constant 32 : i32
      %mul3A_40 = arith.constant 16384 : i32
      %mul3A_41 = arith.muli %add3A, %mul3A_40 : i32
      %add3A_42 = arith.constant 12288 : i32
      %add3A_43 = arith.addi %mul3A_41, %add3A_42 : i32
      "tpu.region"() ({
        %run_scoped3A = tpu.sem_alloc : memref<!tpu.dma_semaphore, #tpu.memory_space<semaphore_mem>>
        %dma_start3A = tpu.memref_slice %arg4[%add3A_43] : memref<425984xi32, #tpu.memory_space<hbm>> -> memref<4096xi32, #tpu.memory_space<hbm>>
        %dma_start3A_44 = tpu.memref_slice %arg4[%add3A_43] : memref<425984xi32, #tpu.memory_space<hbm>> -> memref<4096xi32, #tpu.memory_space<hbm>>
        tpu.enqueue_dma source(%arg7 : memref<4096xi32, #tpu.memory_space<vmem>>) target(%dma_start3A_44 : memref<4096xi32, #tpu.memory_space<hbm>>) target_semaphore(%run_scoped3A : memref<!tpu.dma_semaphore, #tpu.memory_space<semaphore_mem>>)
        %dma_wait3A = tpu.memref_slice %arg4[%add3A_43] : memref<425984xi32, #tpu.memory_space<hbm>> -> memref<4096xi32, #tpu.memory_space<hbm>>
        %dma_wait3A_45 = tpu.memref_slice %arg4[%add3A_43] : memref<425984xi32, #tpu.memory_space<hbm>> -> memref<4096xi32, #tpu.memory_space<hbm>>
        tpu.wait_dma2 semaphore(%run_scoped3A : memref<!tpu.dma_semaphore, #tpu.memory_space<semaphore_mem>>) src(%arg7 : memref<4096xi32, #tpu.memory_space<vmem>>) dst(%dma_wait3A_45 : memref<4096xi32, #tpu.memory_space<hbm>>)
        tpu.yield
      }) : () -> ()
    } else {
    }
    return
  }
}

#map = affine_map<(d0, d1) -> (0)>
module attributes {stable_mosaic.version = 14 : i64} {
  func.func @k(%arg0: i32, %arg1: i32, %arg2: memref<20019200xf32, #tpu.memory_space<hbm>>, %arg3: memref<425984xi32, #tpu.memory_space<hbm>>, %arg4: memref<1300096xf32, #tpu.memory_space<hbm>>, %arg5: memref<16384xi32, #tpu.memory_space<hbm>>, %arg6: memref<3489792xf32, #tpu.memory_space<hbm>>, %arg7: memref<100096xf32, #tpu.memory_space<vmem>>, %arg8: memref<16384xi32, #tpu.memory_space<vmem>>, %arg9: memref<4096xf32, #tpu.memory_space<vmem>>, %arg10: memref<!tpu.dma_semaphore, #tpu.memory_space<semaphore_mem>>, %arg11: memref<!tpu.dma_semaphore, #tpu.memory_space<semaphore_mem>>) attributes {dimension_semantics = [#tpu.dimension_semantics<core_parallel>, #tpu.dimension_semantics<subcore_parallel>], iteration_bounds = array<i64: 2, 16>, scalar_prefetch = 0 : i64, scratch_operands = 5 : i64, tpu.core_type = #tpu.core_type<sc_vector_subcore>, window_params = [{transform_indices = #map}, {transform_indices = #map}, {transform_indices = #map}, {transform_indices = #map}, {transform_indices = #map}]} {
    %mul3A = arith.constant 2 : i32
    %mul3A_0 = arith.muli %arg1, %mul3A : i32
    %add3A = arith.addi %mul3A_0, %arg0 : i32
    %scan3A = arith.constant 0 : i32
    %scan3A_1 = arith.constant 0 : i32
    %scan3A_2 = arith.constant 7 : i32
    %scan3A_3 = arith.addi %scan3A_1, %scan3A_2 : i32
    %scan3A_4 = arith.constant 1 : i32
    scf.for %scan3A_9 = %scan3A_1 to %scan3A_3 step %scan3A_4  : i32 {
      %mul3A_10 = arith.constant 32 : i32
      %mul3A_11 = arith.muli %mul3A_10, %scan3A_9 : i32
      %add3A_12 = arith.addi %add3A, %mul3A_11 : i32
      %lt3A = arith.constant 200 : i32
      %lt3A_13 = arith.cmpi slt, %add3A_12, %lt3A : i32
      %convert_element_type3A_14 = arith.extui %lt3A_13 : i1 to i32
      %cond3A_15 = arith.constant 0 : i32
      %cond3A_16 = arith.cmpi ne, %convert_element_type3A_14, %cond3A_15 : i32
      scf.if %cond3A_16 {
        %add3A_17 = arith.constant 216 : i32
        %add3A_18 = arith.addi %add3A_17, %add3A_12 : i32
        %jit3A = arith.constant 16 : i32
        %div3A = arith.divsi %add3A_18, %jit3A : i32
        %sign3A = arith.constant 0 : i32
        %sign3A_19 = arith.cmpi sgt, %add3A_18, %sign3A : i32
        %sign3A_20 = arith.extui %sign3A_19 : i1 to i32
        %sign3A_21 = arith.constant 0 : i32
        %sign3A_22 = arith.cmpi slt, %add3A_18, %sign3A_21 : i32
        %sign3A_23 = arith.extui %sign3A_22 : i1 to i32
        %sign3A_24 = arith.subi %sign3A_20, %sign3A_23 : i32
        %sign3A_25 = arith.constant 0 : i32
        %sign3A_26 = arith.cmpi sgt, %jit3A, %sign3A_25 : i32
        %sign3A_27 = arith.extui %sign3A_26 : i1 to i32
        %sign3A_28 = arith.constant 0 : i32
        %sign3A_29 = arith.cmpi slt, %jit3A, %sign3A_28 : i32
        %sign3A_30 = arith.extui %sign3A_29 : i1 to i32
        %sign3A_31 = arith.subi %sign3A_27, %sign3A_30 : i32
        %ne3A = arith.cmpi ne, %sign3A_24, %sign3A_31 : i32
        %rem3A = arith.remsi %add3A_18, %jit3A : i32
        %ne3A_32 = arith.constant 0 : i32
        %ne3A_33 = arith.cmpi ne, %rem3A, %ne3A_32 : i32
        %and3A = arith.andi %ne3A, %ne3A_33 : i1
        %sub3A_34 = arith.constant 1 : i32
        %sub3A_35 = arith.subi %div3A, %sub3A_34 : i32
        %select_n3A = arith.select %and3A, %sub3A_35, %div3A : i32
        %mul3A_36 = arith.constant 16384 : i32
        %mul3A_37 = arith.muli %select_n3A, %mul3A_36 : i32
        %dma_start3A = tpu.memref_slice %arg3[%mul3A_37] : memref<425984xi32, #tpu.memory_space<hbm>> -> memref<16384xi32, #tpu.memory_space<hbm>>
        %dma_start3A_38 = tpu.memref_slice %arg3[%mul3A_37] : memref<425984xi32, #tpu.memory_space<hbm>> -> memref<16384xi32, #tpu.memory_space<hbm>>
        tpu.enqueue_dma source(%dma_start3A_38 : memref<16384xi32, #tpu.memory_space<hbm>>) target(%arg8 : memref<16384xi32, #tpu.memory_space<vmem>>) target_semaphore(%arg10 : memref<!tpu.dma_semaphore, #tpu.memory_space<semaphore_mem>>)
        %mul3A_39 = arith.constant 100096 : i32
        %mul3A_40 = arith.muli %add3A_12, %mul3A_39 : i32
        %dma_start3A_41 = tpu.memref_slice %arg2[%mul3A_40] : memref<20019200xf32, #tpu.memory_space<hbm>> -> memref<100096xf32, #tpu.memory_space<hbm>>
        %dma_start3A_42 = tpu.memref_slice %arg2[%mul3A_40] : memref<20019200xf32, #tpu.memory_space<hbm>> -> memref<100096xf32, #tpu.memory_space<hbm>>
        tpu.enqueue_dma source(%dma_start3A_42 : memref<100096xf32, #tpu.memory_space<hbm>>) target(%arg7 : memref<100096xf32, #tpu.memory_space<vmem>>) target_semaphore(%arg11 : memref<!tpu.dma_semaphore, #tpu.memory_space<semaphore_mem>>)
        %dma_wait3A = tpu.memref_slice %arg3[%mul3A_37] : memref<425984xi32, #tpu.memory_space<hbm>> -> memref<16384xi32, #tpu.memory_space<hbm>>
        %dma_wait3A_43 = tpu.memref_slice %arg3[%mul3A_37] : memref<425984xi32, #tpu.memory_space<hbm>> -> memref<16384xi32, #tpu.memory_space<hbm>>
        tpu.wait_dma2 semaphore(%arg10 : memref<!tpu.dma_semaphore, #tpu.memory_space<semaphore_mem>>) src(%dma_wait3A_43 : memref<16384xi32, #tpu.memory_space<hbm>>) dst(%arg8 : memref<16384xi32, #tpu.memory_space<vmem>>)
        %dma_wait3A_44 = tpu.memref_slice %arg2[%mul3A_40] : memref<20019200xf32, #tpu.memory_space<hbm>> -> memref<100096xf32, #tpu.memory_space<hbm>>
        %dma_wait3A_45 = tpu.memref_slice %arg2[%mul3A_40] : memref<20019200xf32, #tpu.memory_space<hbm>> -> memref<100096xf32, #tpu.memory_space<hbm>>
        tpu.wait_dma2 semaphore(%arg11 : memref<!tpu.dma_semaphore, #tpu.memory_space<semaphore_mem>>) src(%dma_wait3A_45 : memref<100096xf32, #tpu.memory_space<hbm>>) dst(%arg7 : memref<100096xf32, #tpu.memory_space<vmem>>)
        %scan3A_46 = arith.constant 0 : i32
        %scan3A_47 = arith.constant 0 : i32
        %scan3A_48 = arith.constant 32 : i32
        %scan3A_49 = arith.addi %scan3A_47, %scan3A_48 : i32
        %scan3A_50 = arith.constant 1 : i32
        scf.for %scan3A_86 = %scan3A_47 to %scan3A_49 step %scan3A_50  : i32 {
          %mul3A_87 = arith.constant 128 : i32
          %mul3A_88 = arith.muli %scan3A_86, %mul3A_87 : i32
          %add3A_89 = arith.constant 0 : i32
          %add3A_90 = arith.addi %add3A_89, %mul3A_88 : i32
          %add3A_91 = arith.constant 0 : i32
          %add3A_92 = arith.addi %add3A_90, %add3A_91 : i32
          %get3A = arith.index_cast %add3A_92 : i32 to index
          %get3A_93 = tpu.vector_load %arg8[%get3A] {strides = array<i32>} : memref<16384xi32, #tpu.memory_space<vmem>>, vector<16xi32>,
          %gather3A = tpu.vector_load_idx %arg7[%get3A_93] : memref<100096xf32, #tpu.memory_space<vmem>>[vector<16xi32>], vector<16xf32>,
          %mul3A_94 = arith.constant 128 : i32
          %mul3A_95 = arith.muli %scan3A_86, %mul3A_94 : i32
          %add3A_96 = arith.constant 0 : i32
          %add3A_97 = arith.addi %mul3A_95, %add3A_96 : i32
          %swap3A = arith.index_cast %add3A_97 : i32 to index
          %swap3A_98 = tpu.vector_load %arg9[%swap3A] {strides = array<i32>} : memref<4096xf32, #tpu.memory_space<vmem>>, vector<16xf32>,
          tpu.vector_store %arg9[%swap3A], %gather3A {strides = array<i32>} : memref<4096xf32, #tpu.memory_space<vmem>>, vector<16xf32>,
          %mul3A_99 = arith.constant 128 : i32
          %mul3A_100 = arith.muli %scan3A_86, %mul3A_99 : i32
          %add3A_101 = arith.constant 0 : i32
          %add3A_102 = arith.addi %add3A_101, %mul3A_100 : i32
          %add3A_103 = arith.constant 16 : i32
          %add3A_104 = arith.addi %add3A_102, %add3A_103 : i32
          %get3A_105 = arith.index_cast %add3A_104 : i32 to index
          %get3A_106 = tpu.vector_load %arg8[%get3A_105] {strides = array<i32>} : memref<16384xi32, #tpu.memory_space<vmem>>, vector<16xi32>,
          %gather3A_107 = tpu.vector_load_idx %arg7[%get3A_106] : memref<100096xf32, #tpu.memory_space<vmem>>[vector<16xi32>], vector<16xf32>,
          %mul3A_108 = arith.constant 128 : i32
          %mul3A_109 = arith.muli %scan3A_86, %mul3A_108 : i32
          %add3A_110 = arith.constant 16 : i32
          %add3A_111 = arith.addi %mul3A_109, %add3A_110 : i32
          %swap3A_112 = arith.index_cast %add3A_111 : i32 to index
          %swap3A_113 = tpu.vector_load %arg9[%swap3A_112] {strides = array<i32>} : memref<4096xf32, #tpu.memory_space<vmem>>, vector<16xf32>,
          tpu.vector_store %arg9[%swap3A_112], %gather3A_107 {strides = array<i32>} : memref<4096xf32, #tpu.memory_space<vmem>>, vector<16xf32>,
          %mul3A_114 = arith.constant 128 : i32
          %mul3A_115 = arith.muli %scan3A_86, %mul3A_114 : i32
          %add3A_116 = arith.constant 0 : i32
          %add3A_117 = arith.addi %add3A_116, %mul3A_115 : i32
          %add3A_118 = arith.constant 32 : i32
          %add3A_119 = arith.addi %add3A_117, %add3A_118 : i32
          %get3A_120 = arith.index_cast %add3A_119 : i32 to index
          %get3A_121 = tpu.vector_load %arg8[%get3A_120] {strides = array<i32>} : memref<16384xi32, #tpu.memory_space<vmem>>, vector<16xi32>,
          %gather3A_122 = tpu.vector_load_idx %arg7[%get3A_121] : memref<100096xf32, #tpu.memory_space<vmem>>[vector<16xi32>], vector<16xf32>,
          %mul3A_123 = arith.constant 128 : i32
          %mul3A_124 = arith.muli %scan3A_86, %mul3A_123 : i32
          %add3A_125 = arith.constant 32 : i32
          %add3A_126 = arith.addi %mul3A_124, %add3A_125 : i32
          %swap3A_127 = arith.index_cast %add3A_126 : i32 to index
          %swap3A_128 = tpu.vector_load %arg9[%swap3A_127] {strides = array<i32>} : memref<4096xf32, #tpu.memory_space<vmem>>, vector<16xf32>,
          tpu.vector_store %arg9[%swap3A_127], %gather3A_122 {strides = array<i32>} : memref<4096xf32, #tpu.memory_space<vmem>>, vector<16xf32>,
          %mul3A_129 = arith.constant 128 : i32
          %mul3A_130 = arith.muli %scan3A_86, %mul3A_129 : i32
          %add3A_131 = arith.constant 0 : i32
          %add3A_132 = arith.addi %add3A_131, %mul3A_130 : i32
          %add3A_133 = arith.constant 48 : i32
          %add3A_134 = arith.addi %add3A_132, %add3A_133 : i32
          %get3A_135 = arith.index_cast %add3A_134 : i32 to index
          %get3A_136 = tpu.vector_load %arg8[%get3A_135] {strides = array<i32>} : memref<16384xi32, #tpu.memory_space<vmem>>, vector<16xi32>,
          %gather3A_137 = tpu.vector_load_idx %arg7[%get3A_136] : memref<100096xf32, #tpu.memory_space<vmem>>[vector<16xi32>], vector<16xf32>,
          %mul3A_138 = arith.constant 128 : i32
          %mul3A_139 = arith.muli %scan3A_86, %mul3A_138 : i32
          %add3A_140 = arith.constant 48 : i32
          %add3A_141 = arith.addi %mul3A_139, %add3A_140 : i32
          %swap3A_142 = arith.index_cast %add3A_141 : i32 to index
          %swap3A_143 = tpu.vector_load %arg9[%swap3A_142] {strides = array<i32>} : memref<4096xf32, #tpu.memory_space<vmem>>, vector<16xf32>,
          tpu.vector_store %arg9[%swap3A_142], %gather3A_137 {strides = array<i32>} : memref<4096xf32, #tpu.memory_space<vmem>>, vector<16xf32>,
          %mul3A_144 = arith.constant 128 : i32
          %mul3A_145 = arith.muli %scan3A_86, %mul3A_144 : i32
          %add3A_146 = arith.constant 0 : i32
          %add3A_147 = arith.addi %add3A_146, %mul3A_145 : i32
          %add3A_148 = arith.constant 64 : i32
          %add3A_149 = arith.addi %add3A_147, %add3A_148 : i32
          %get3A_150 = arith.index_cast %add3A_149 : i32 to index
          %get3A_151 = tpu.vector_load %arg8[%get3A_150] {strides = array<i32>} : memref<16384xi32, #tpu.memory_space<vmem>>, vector<16xi32>,
          %gather3A_152 = tpu.vector_load_idx %arg7[%get3A_151] : memref<100096xf32, #tpu.memory_space<vmem>>[vector<16xi32>], vector<16xf32>,
          %mul3A_153 = arith.constant 128 : i32
          %mul3A_154 = arith.muli %scan3A_86, %mul3A_153 : i32
          %add3A_155 = arith.constant 64 : i32
          %add3A_156 = arith.addi %mul3A_154, %add3A_155 : i32
          %swap3A_157 = arith.index_cast %add3A_156 : i32 to index
          %swap3A_158 = tpu.vector_load %arg9[%swap3A_157] {strides = array<i32>} : memref<4096xf32, #tpu.memory_space<vmem>>, vector<16xf32>,
          tpu.vector_store %arg9[%swap3A_157], %gather3A_152 {strides = array<i32>} : memref<4096xf32, #tpu.memory_space<vmem>>, vector<16xf32>,
          %mul3A_159 = arith.constant 128 : i32
          %mul3A_160 = arith.muli %scan3A_86, %mul3A_159 : i32
          %add3A_161 = arith.constant 0 : i32
          %add3A_162 = arith.addi %add3A_161, %mul3A_160 : i32
          %add3A_163 = arith.constant 80 : i32
          %add3A_164 = arith.addi %add3A_162, %add3A_163 : i32
          %get3A_165 = arith.index_cast %add3A_164 : i32 to index
          %get3A_166 = tpu.vector_load %arg8[%get3A_165] {strides = array<i32>} : memref<16384xi32, #tpu.memory_space<vmem>>, vector<16xi32>,
          %gather3A_167 = tpu.vector_load_idx %arg7[%get3A_166] : memref<100096xf32, #tpu.memory_space<vmem>>[vector<16xi32>], vector<16xf32>,
          %mul3A_168 = arith.constant 128 : i32
          %mul3A_169 = arith.muli %scan3A_86, %mul3A_168 : i32
          %add3A_170 = arith.constant 80 : i32
          %add3A_171 = arith.addi %mul3A_169, %add3A_170 : i32
          %swap3A_172 = arith.index_cast %add3A_171 : i32 to index
          %swap3A_173 = tpu.vector_load %arg9[%swap3A_172] {strides = array<i32>} : memref<4096xf32, #tpu.memory_space<vmem>>, vector<16xf32>,
          tpu.vector_store %arg9[%swap3A_172], %gather3A_167 {strides = array<i32>} : memref<4096xf32, #tpu.memory_space<vmem>>, vector<16xf32>,
          %mul3A_174 = arith.constant 128 : i32
          %mul3A_175 = arith.muli %scan3A_86, %mul3A_174 : i32
          %add3A_176 = arith.constant 0 : i32
          %add3A_177 = arith.addi %add3A_176, %mul3A_175 : i32
          %add3A_178 = arith.constant 96 : i32
          %add3A_179 = arith.addi %add3A_177, %add3A_178 : i32
          %get3A_180 = arith.index_cast %add3A_179 : i32 to index
          %get3A_181 = tpu.vector_load %arg8[%get3A_180] {strides = array<i32>} : memref<16384xi32, #tpu.memory_space<vmem>>, vector<16xi32>,
          %gather3A_182 = tpu.vector_load_idx %arg7[%get3A_181] : memref<100096xf32, #tpu.memory_space<vmem>>[vector<16xi32>], vector<16xf32>,
          %mul3A_183 = arith.constant 128 : i32
          %mul3A_184 = arith.muli %scan3A_86, %mul3A_183 : i32
          %add3A_185 = arith.constant 96 : i32
          %add3A_186 = arith.addi %mul3A_184, %add3A_185 : i32
          %swap3A_187 = arith.index_cast %add3A_186 : i32 to index
          %swap3A_188 = tpu.vector_load %arg9[%swap3A_187] {strides = array<i32>} : memref<4096xf32, #tpu.memory_space<vmem>>, vector<16xf32>,
          tpu.vector_store %arg9[%swap3A_187], %gather3A_182 {strides = array<i32>} : memref<4096xf32, #tpu.memory_space<vmem>>, vector<16xf32>,
          %mul3A_189 = arith.constant 128 : i32
          %mul3A_190 = arith.muli %scan3A_86, %mul3A_189 : i32
          %add3A_191 = arith.constant 0 : i32
          %add3A_192 = arith.addi %add3A_191, %mul3A_190 : i32
          %add3A_193 = arith.constant 112 : i32
          %add3A_194 = arith.addi %add3A_192, %add3A_193 : i32
          %get3A_195 = arith.index_cast %add3A_194 : i32 to index
          %get3A_196 = tpu.vector_load %arg8[%get3A_195] {strides = array<i32>} : memref<16384xi32, #tpu.memory_space<vmem>>, vector<16xi32>,
          %gather3A_197 = tpu.vector_load_idx %arg7[%get3A_196] : memref<100096xf32, #tpu.memory_space<vmem>>[vector<16xi32>], vector<16xf32>,
          %mul3A_198 = arith.constant 128 : i32
          %mul3A_199 = arith.muli %scan3A_86, %mul3A_198 : i32
          %add3A_200 = arith.constant 112 : i32
          %add3A_201 = arith.addi %mul3A_199, %add3A_200 : i32
          %swap3A_202 = arith.index_cast %add3A_201 : i32 to index
          %swap3A_203 = tpu.vector_load %arg9[%swap3A_202] {strides = array<i32>} : memref<4096xf32, #tpu.memory_space<vmem>>, vector<16xf32>,
          tpu.vector_store %arg9[%swap3A_202], %gather3A_197 {strides = array<i32>} : memref<4096xf32, #tpu.memory_space<vmem>>, vector<16xf32>,
        }
        %scan3A_51 = arith.constant 32 : i32
        %mul3A_52 = arith.constant 16384 : i32
        %mul3A_53 = arith.muli %add3A_12, %mul3A_52 : i32
        %add3A_54 = arith.constant 0 : i32
        %add3A_55 = arith.addi %mul3A_53, %add3A_54 : i32
        "tpu.region"() ({
          %run_scoped3A = tpu.sem_alloc : memref<!tpu.dma_semaphore, #tpu.memory_space<semaphore_mem>>
          %dma_start3A_86 = tpu.memref_slice %arg6[%add3A_55] : memref<3489792xf32, #tpu.memory_space<hbm>> -> memref<4096xf32, #tpu.memory_space<hbm>>
          %dma_start3A_87 = tpu.memref_slice %arg6[%add3A_55] : memref<3489792xf32, #tpu.memory_space<hbm>> -> memref<4096xf32, #tpu.memory_space<hbm>>
          tpu.enqueue_dma source(%arg9 : memref<4096xf32, #tpu.memory_space<vmem>>) target(%dma_start3A_87 : memref<4096xf32, #tpu.memory_space<hbm>>) target_semaphore(%run_scoped3A : memref<!tpu.dma_semaphore, #tpu.memory_space<semaphore_mem>>)
          %dma_wait3A_88 = tpu.memref_slice %arg6[%add3A_55] : memref<3489792xf32, #tpu.memory_space<hbm>> -> memref<4096xf32, #tpu.memory_space<hbm>>
          %dma_wait3A_89 = tpu.memref_slice %arg6[%add3A_55] : memref<3489792xf32, #tpu.memory_space<hbm>> -> memref<4096xf32, #tpu.memory_space<hbm>>
          tpu.wait_dma2 semaphore(%run_scoped3A : memref<!tpu.dma_semaphore, #tpu.memory_space<semaphore_mem>>) src(%arg9 : memref<4096xf32, #tpu.memory_space<vmem>>) dst(%dma_wait3A_89 : memref<4096xf32, #tpu.memory_space<hbm>>)
          tpu.yield
        }) : () -> ()
        %scan3A_56 = arith.constant 0 : i32
        %scan3A_57 = arith.constant 0 : i32
        %scan3A_58 = arith.constant 32 : i32
        %scan3A_59 = arith.addi %scan3A_57, %scan3A_58 : i32
        %scan3A_60 = arith.constant 1 : i32
        scf.for %scan3A_86 = %scan3A_57 to %scan3A_59 step %scan3A_60  : i32 {
          %mul3A_87 = arith.constant 128 : i32
          %mul3A_88 = arith.muli %scan3A_86, %mul3A_87 : i32
          %add3A_89 = arith.constant 4096 : i32
          %add3A_90 = arith.addi %add3A_89, %mul3A_88 : i32
          %add3A_91 = arith.constant 0 : i32
          %add3A_92 = arith.addi %add3A_90, %add3A_91 : i32
          %get3A = arith.index_cast %add3A_92 : i32 to index
          %get3A_93 = tpu.vector_load %arg8[%get3A] {strides = array<i32>} : memref<16384xi32, #tpu.memory_space<vmem>>, vector<16xi32>,
          %gather3A = tpu.vector_load_idx %arg7[%get3A_93] : memref<100096xf32, #tpu.memory_space<vmem>>[vector<16xi32>], vector<16xf32>,
          %mul3A_94 = arith.constant 128 : i32
          %mul3A_95 = arith.muli %scan3A_86, %mul3A_94 : i32
          %add3A_96 = arith.constant 0 : i32
          %add3A_97 = arith.addi %mul3A_95, %add3A_96 : i32
          %swap3A = arith.index_cast %add3A_97 : i32 to index
          %swap3A_98 = tpu.vector_load %arg9[%swap3A] {strides = array<i32>} : memref<4096xf32, #tpu.memory_space<vmem>>, vector<16xf32>,
          tpu.vector_store %arg9[%swap3A], %gather3A {strides = array<i32>} : memref<4096xf32, #tpu.memory_space<vmem>>, vector<16xf32>,
          %mul3A_99 = arith.constant 128 : i32
          %mul3A_100 = arith.muli %scan3A_86, %mul3A_99 : i32
          %add3A_101 = arith.constant 4096 : i32
          %add3A_102 = arith.addi %add3A_101, %mul3A_100 : i32
          %add3A_103 = arith.constant 16 : i32
          %add3A_104 = arith.addi %add3A_102, %add3A_103 : i32
          %get3A_105 = arith.index_cast %add3A_104 : i32 to index
          %get3A_106 = tpu.vector_load %arg8[%get3A_105] {strides = array<i32>} : memref<16384xi32, #tpu.memory_space<vmem>>, vector<16xi32>,
          %gather3A_107 = tpu.vector_load_idx %arg7[%get3A_106] : memref<100096xf32, #tpu.memory_space<vmem>>[vector<16xi32>], vector<16xf32>,
          %mul3A_108 = arith.constant 128 : i32
          %mul3A_109 = arith.muli %scan3A_86, %mul3A_108 : i32
          %add3A_110 = arith.constant 16 : i32
          %add3A_111 = arith.addi %mul3A_109, %add3A_110 : i32
          %swap3A_112 = arith.index_cast %add3A_111 : i32 to index
          %swap3A_113 = tpu.vector_load %arg9[%swap3A_112] {strides = array<i32>} : memref<4096xf32, #tpu.memory_space<vmem>>, vector<16xf32>,
          tpu.vector_store %arg9[%swap3A_112], %gather3A_107 {strides = array<i32>} : memref<4096xf32, #tpu.memory_space<vmem>>, vector<16xf32>,
          %mul3A_114 = arith.constant 128 : i32
          %mul3A_115 = arith.muli %scan3A_86, %mul3A_114 : i32
          %add3A_116 = arith.constant 4096 : i32
          %add3A_117 = arith.addi %add3A_116, %mul3A_115 : i32
          %add3A_118 = arith.constant 32 : i32
          %add3A_119 = arith.addi %add3A_117, %add3A_118 : i32
          %get3A_120 = arith.index_cast %add3A_119 : i32 to index
          %get3A_121 = tpu.vector_load %arg8[%get3A_120] {strides = array<i32>} : memref<16384xi32, #tpu.memory_space<vmem>>, vector<16xi32>,
          %gather3A_122 = tpu.vector_load_idx %arg7[%get3A_121] : memref<100096xf32, #tpu.memory_space<vmem>>[vector<16xi32>], vector<16xf32>,
          %mul3A_123 = arith.constant 128 : i32
          %mul3A_124 = arith.muli %scan3A_86, %mul3A_123 : i32
          %add3A_125 = arith.constant 32 : i32
          %add3A_126 = arith.addi %mul3A_124, %add3A_125 : i32
          %swap3A_127 = arith.index_cast %add3A_126 : i32 to index
          %swap3A_128 = tpu.vector_load %arg9[%swap3A_127] {strides = array<i32>} : memref<4096xf32, #tpu.memory_space<vmem>>, vector<16xf32>,
          tpu.vector_store %arg9[%swap3A_127], %gather3A_122 {strides = array<i32>} : memref<4096xf32, #tpu.memory_space<vmem>>, vector<16xf32>,
          %mul3A_129 = arith.constant 128 : i32
          %mul3A_130 = arith.muli %scan3A_86, %mul3A_129 : i32
          %add3A_131 = arith.constant 4096 : i32
          %add3A_132 = arith.addi %add3A_131, %mul3A_130 : i32
          %add3A_133 = arith.constant 48 : i32
          %add3A_134 = arith.addi %add3A_132, %add3A_133 : i32
          %get3A_135 = arith.index_cast %add3A_134 : i32 to index
          %get3A_136 = tpu.vector_load %arg8[%get3A_135] {strides = array<i32>} : memref<16384xi32, #tpu.memory_space<vmem>>, vector<16xi32>,
          %gather3A_137 = tpu.vector_load_idx %arg7[%get3A_136] : memref<100096xf32, #tpu.memory_space<vmem>>[vector<16xi32>], vector<16xf32>,
          %mul3A_138 = arith.constant 128 : i32
          %mul3A_139 = arith.muli %scan3A_86, %mul3A_138 : i32
          %add3A_140 = arith.constant 48 : i32
          %add3A_141 = arith.addi %mul3A_139, %add3A_140 : i32
          %swap3A_142 = arith.index_cast %add3A_141 : i32 to index
          %swap3A_143 = tpu.vector_load %arg9[%swap3A_142] {strides = array<i32>} : memref<4096xf32, #tpu.memory_space<vmem>>, vector<16xf32>,
          tpu.vector_store %arg9[%swap3A_142], %gather3A_137 {strides = array<i32>} : memref<4096xf32, #tpu.memory_space<vmem>>, vector<16xf32>,
          %mul3A_144 = arith.constant 128 : i32
          %mul3A_145 = arith.muli %scan3A_86, %mul3A_144 : i32
          %add3A_146 = arith.constant 4096 : i32
          %add3A_147 = arith.addi %add3A_146, %mul3A_145 : i32
          %add3A_148 = arith.constant 64 : i32
          %add3A_149 = arith.addi %add3A_147, %add3A_148 : i32
          %get3A_150 = arith.index_cast %add3A_149 : i32 to index
          %get3A_151 = tpu.vector_load %arg8[%get3A_150] {strides = array<i32>} : memref<16384xi32, #tpu.memory_space<vmem>>, vector<16xi32>,
          %gather3A_152 = tpu.vector_load_idx %arg7[%get3A_151] : memref<100096xf32, #tpu.memory_space<vmem>>[vector<16xi32>], vector<16xf32>,
          %mul3A_153 = arith.constant 128 : i32
          %mul3A_154 = arith.muli %scan3A_86, %mul3A_153 : i32
          %add3A_155 = arith.constant 64 : i32
          %add3A_156 = arith.addi %mul3A_154, %add3A_155 : i32
          %swap3A_157 = arith.index_cast %add3A_156 : i32 to index
          %swap3A_158 = tpu.vector_load %arg9[%swap3A_157] {strides = array<i32>} : memref<4096xf32, #tpu.memory_space<vmem>>, vector<16xf32>,
          tpu.vector_store %arg9[%swap3A_157], %gather3A_152 {strides = array<i32>} : memref<4096xf32, #tpu.memory_space<vmem>>, vector<16xf32>,
          %mul3A_159 = arith.constant 128 : i32
          %mul3A_160 = arith.muli %scan3A_86, %mul3A_159 : i32
          %add3A_161 = arith.constant 4096 : i32
          %add3A_162 = arith.addi %add3A_161, %mul3A_160 : i32
          %add3A_163 = arith.constant 80 : i32
          %add3A_164 = arith.addi %add3A_162, %add3A_163 : i32
          %get3A_165 = arith.index_cast %add3A_164 : i32 to index
          %get3A_166 = tpu.vector_load %arg8[%get3A_165] {strides = array<i32>} : memref<16384xi32, #tpu.memory_space<vmem>>, vector<16xi32>,
          %gather3A_167 = tpu.vector_load_idx %arg7[%get3A_166] : memref<100096xf32, #tpu.memory_space<vmem>>[vector<16xi32>], vector<16xf32>,
          %mul3A_168 = arith.constant 128 : i32
          %mul3A_169 = arith.muli %scan3A_86, %mul3A_168 : i32
          %add3A_170 = arith.constant 80 : i32
          %add3A_171 = arith.addi %mul3A_169, %add3A_170 : i32
          %swap3A_172 = arith.index_cast %add3A_171 : i32 to index
          %swap3A_173 = tpu.vector_load %arg9[%swap3A_172] {strides = array<i32>} : memref<4096xf32, #tpu.memory_space<vmem>>, vector<16xf32>,
          tpu.vector_store %arg9[%swap3A_172], %gather3A_167 {strides = array<i32>} : memref<4096xf32, #tpu.memory_space<vmem>>, vector<16xf32>,
          %mul3A_174 = arith.constant 128 : i32
          %mul3A_175 = arith.muli %scan3A_86, %mul3A_174 : i32
          %add3A_176 = arith.constant 4096 : i32
          %add3A_177 = arith.addi %add3A_176, %mul3A_175 : i32
          %add3A_178 = arith.constant 96 : i32
          %add3A_179 = arith.addi %add3A_177, %add3A_178 : i32
          %get3A_180 = arith.index_cast %add3A_179 : i32 to index
          %get3A_181 = tpu.vector_load %arg8[%get3A_180] {strides = array<i32>} : memref<16384xi32, #tpu.memory_space<vmem>>, vector<16xi32>,
          %gather3A_182 = tpu.vector_load_idx %arg7[%get3A_181] : memref<100096xf32, #tpu.memory_space<vmem>>[vector<16xi32>], vector<16xf32>,
          %mul3A_183 = arith.constant 128 : i32
          %mul3A_184 = arith.muli %scan3A_86, %mul3A_183 : i32
          %add3A_185 = arith.constant 96 : i32
          %add3A_186 = arith.addi %mul3A_184, %add3A_185 : i32
          %swap3A_187 = arith.index_cast %add3A_186 : i32 to index
          %swap3A_188 = tpu.vector_load %arg9[%swap3A_187] {strides = array<i32>} : memref<4096xf32, #tpu.memory_space<vmem>>, vector<16xf32>,
          tpu.vector_store %arg9[%swap3A_187], %gather3A_182 {strides = array<i32>} : memref<4096xf32, #tpu.memory_space<vmem>>, vector<16xf32>,
          %mul3A_189 = arith.constant 128 : i32
          %mul3A_190 = arith.muli %scan3A_86, %mul3A_189 : i32
          %add3A_191 = arith.constant 4096 : i32
          %add3A_192 = arith.addi %add3A_191, %mul3A_190 : i32
          %add3A_193 = arith.constant 112 : i32
          %add3A_194 = arith.addi %add3A_192, %add3A_193 : i32
          %get3A_195 = arith.index_cast %add3A_194 : i32 to index
          %get3A_196 = tpu.vector_load %arg8[%get3A_195] {strides = array<i32>} : memref<16384xi32, #tpu.memory_space<vmem>>, vector<16xi32>,
          %gather3A_197 = tpu.vector_load_idx %arg7[%get3A_196] : memref<100096xf32, #tpu.memory_space<vmem>>[vector<16xi32>], vector<16xf32>,
          %mul3A_198 = arith.constant 128 : i32
          %mul3A_199 = arith.muli %scan3A_86, %mul3A_198 : i32
          %add3A_200 = arith.constant 112 : i32
          %add3A_201 = arith.addi %mul3A_199, %add3A_200 : i32
          %swap3A_202 = arith.index_cast %add3A_201 : i32 to index
          %swap3A_203 = tpu.vector_load %arg9[%swap3A_202] {strides = array<i32>} : memref<4096xf32, #tpu.memory_space<vmem>>, vector<16xf32>,
          tpu.vector_store %arg9[%swap3A_202], %gather3A_197 {strides = array<i32>} : memref<4096xf32, #tpu.memory_space<vmem>>, vector<16xf32>,
        }
        %scan3A_61 = arith.constant 32 : i32
        %mul3A_62 = arith.constant 16384 : i32
        %mul3A_63 = arith.muli %add3A_12, %mul3A_62 : i32
        %add3A_64 = arith.constant 4096 : i32
        %add3A_65 = arith.addi %mul3A_63, %add3A_64 : i32
        "tpu.region"() ({
          %run_scoped3A = tpu.sem_alloc : memref<!tpu.dma_semaphore, #tpu.memory_space<semaphore_mem>>
          %dma_start3A_86 = tpu.memref_slice %arg6[%add3A_65] : memref<3489792xf32, #tpu.memory_space<hbm>> -> memref<4096xf32, #tpu.memory_space<hbm>>
          %dma_start3A_87 = tpu.memref_slice %arg6[%add3A_65] : memref<3489792xf32, #tpu.memory_space<hbm>> -> memref<4096xf32, #tpu.memory_space<hbm>>
          tpu.enqueue_dma source(%arg9 : memref<4096xf32, #tpu.memory_space<vmem>>) target(%dma_start3A_87 : memref<4096xf32, #tpu.memory_space<hbm>>) target_semaphore(%run_scoped3A : memref<!tpu.dma_semaphore, #tpu.memory_space<semaphore_mem>>)
          %dma_wait3A_88 = tpu.memref_slice %arg6[%add3A_65] : memref<3489792xf32, #tpu.memory_space<hbm>> -> memref<4096xf32, #tpu.memory_space<hbm>>
          %dma_wait3A_89 = tpu.memref_slice %arg6[%add3A_65] : memref<3489792xf32, #tpu.memory_space<hbm>> -> memref<4096xf32, #tpu.memory_space<hbm>>
          tpu.wait_dma2 semaphore(%run_scoped3A : memref<!tpu.dma_semaphore, #tpu.memory_space<semaphore_mem>>) src(%arg9 : memref<4096xf32, #tpu.memory_space<vmem>>) dst(%dma_wait3A_89 : memref<4096xf32, #tpu.memory_space<hbm>>)
          tpu.yield
        }) : () -> ()
        %scan3A_66 = arith.constant 0 : i32
        %scan3A_67 = arith.constant 0 : i32
        %scan3A_68 = arith.constant 32 : i32
        %scan3A_69 = arith.addi %scan3A_67, %scan3A_68 : i32
        %scan3A_70 = arith.constant 1 : i32
        scf.for %scan3A_86 = %scan3A_67 to %scan3A_69 step %scan3A_70  : i32 {
          %mul3A_87 = arith.constant 128 : i32
          %mul3A_88 = arith.muli %scan3A_86, %mul3A_87 : i32
          %add3A_89 = arith.constant 8192 : i32
          %add3A_90 = arith.addi %add3A_89, %mul3A_88 : i32
          %add3A_91 = arith.constant 0 : i32
          %add3A_92 = arith.addi %add3A_90, %add3A_91 : i32
          %get3A = arith.index_cast %add3A_92 : i32 to index
          %get3A_93 = tpu.vector_load %arg8[%get3A] {strides = array<i32>} : memref<16384xi32, #tpu.memory_space<vmem>>, vector<16xi32>,
          %gather3A = tpu.vector_load_idx %arg7[%get3A_93] : memref<100096xf32, #tpu.memory_space<vmem>>[vector<16xi32>], vector<16xf32>,
          %mul3A_94 = arith.constant 128 : i32
          %mul3A_95 = arith.muli %scan3A_86, %mul3A_94 : i32
          %add3A_96 = arith.constant 0 : i32
          %add3A_97 = arith.addi %mul3A_95, %add3A_96 : i32
          %swap3A = arith.index_cast %add3A_97 : i32 to index
          %swap3A_98 = tpu.vector_load %arg9[%swap3A] {strides = array<i32>} : memref<4096xf32, #tpu.memory_space<vmem>>, vector<16xf32>,
          tpu.vector_store %arg9[%swap3A], %gather3A {strides = array<i32>} : memref<4096xf32, #tpu.memory_space<vmem>>, vector<16xf32>,
          %mul3A_99 = arith.constant 128 : i32
          %mul3A_100 = arith.muli %scan3A_86, %mul3A_99 : i32
          %add3A_101 = arith.constant 8192 : i32
          %add3A_102 = arith.addi %add3A_101, %mul3A_100 : i32
          %add3A_103 = arith.constant 16 : i32
          %add3A_104 = arith.addi %add3A_102, %add3A_103 : i32
          %get3A_105 = arith.index_cast %add3A_104 : i32 to index
          %get3A_106 = tpu.vector_load %arg8[%get3A_105] {strides = array<i32>} : memref<16384xi32, #tpu.memory_space<vmem>>, vector<16xi32>,
          %gather3A_107 = tpu.vector_load_idx %arg7[%get3A_106] : memref<100096xf32, #tpu.memory_space<vmem>>[vector<16xi32>], vector<16xf32>,
          %mul3A_108 = arith.constant 128 : i32
          %mul3A_109 = arith.muli %scan3A_86, %mul3A_108 : i32
          %add3A_110 = arith.constant 16 : i32
          %add3A_111 = arith.addi %mul3A_109, %add3A_110 : i32
          %swap3A_112 = arith.index_cast %add3A_111 : i32 to index
          %swap3A_113 = tpu.vector_load %arg9[%swap3A_112] {strides = array<i32>} : memref<4096xf32, #tpu.memory_space<vmem>>, vector<16xf32>,
          tpu.vector_store %arg9[%swap3A_112], %gather3A_107 {strides = array<i32>} : memref<4096xf32, #tpu.memory_space<vmem>>, vector<16xf32>,
          %mul3A_114 = arith.constant 128 : i32
          %mul3A_115 = arith.muli %scan3A_86, %mul3A_114 : i32
          %add3A_116 = arith.constant 8192 : i32
          %add3A_117 = arith.addi %add3A_116, %mul3A_115 : i32
          %add3A_118 = arith.constant 32 : i32
          %add3A_119 = arith.addi %add3A_117, %add3A_118 : i32
          %get3A_120 = arith.index_cast %add3A_119 : i32 to index
          %get3A_121 = tpu.vector_load %arg8[%get3A_120] {strides = array<i32>} : memref<16384xi32, #tpu.memory_space<vmem>>, vector<16xi32>,
          %gather3A_122 = tpu.vector_load_idx %arg7[%get3A_121] : memref<100096xf32, #tpu.memory_space<vmem>>[vector<16xi32>], vector<16xf32>,
          %mul3A_123 = arith.constant 128 : i32
          %mul3A_124 = arith.muli %scan3A_86, %mul3A_123 : i32
          %add3A_125 = arith.constant 32 : i32
          %add3A_126 = arith.addi %mul3A_124, %add3A_125 : i32
          %swap3A_127 = arith.index_cast %add3A_126 : i32 to index
          %swap3A_128 = tpu.vector_load %arg9[%swap3A_127] {strides = array<i32>} : memref<4096xf32, #tpu.memory_space<vmem>>, vector<16xf32>,
          tpu.vector_store %arg9[%swap3A_127], %gather3A_122 {strides = array<i32>} : memref<4096xf32, #tpu.memory_space<vmem>>, vector<16xf32>,
          %mul3A_129 = arith.constant 128 : i32
          %mul3A_130 = arith.muli %scan3A_86, %mul3A_129 : i32
          %add3A_131 = arith.constant 8192 : i32
          %add3A_132 = arith.addi %add3A_131, %mul3A_130 : i32
          %add3A_133 = arith.constant 48 : i32
          %add3A_134 = arith.addi %add3A_132, %add3A_133 : i32
          %get3A_135 = arith.index_cast %add3A_134 : i32 to index
          %get3A_136 = tpu.vector_load %arg8[%get3A_135] {strides = array<i32>} : memref<16384xi32, #tpu.memory_space<vmem>>, vector<16xi32>,
          %gather3A_137 = tpu.vector_load_idx %arg7[%get3A_136] : memref<100096xf32, #tpu.memory_space<vmem>>[vector<16xi32>], vector<16xf32>,
          %mul3A_138 = arith.constant 128 : i32
          %mul3A_139 = arith.muli %scan3A_86, %mul3A_138 : i32
          %add3A_140 = arith.constant 48 : i32
          %add3A_141 = arith.addi %mul3A_139, %add3A_140 : i32
          %swap3A_142 = arith.index_cast %add3A_141 : i32 to index
          %swap3A_143 = tpu.vector_load %arg9[%swap3A_142] {strides = array<i32>} : memref<4096xf32, #tpu.memory_space<vmem>>, vector<16xf32>,
          tpu.vector_store %arg9[%swap3A_142], %gather3A_137 {strides = array<i32>} : memref<4096xf32, #tpu.memory_space<vmem>>, vector<16xf32>,
          %mul3A_144 = arith.constant 128 : i32
          %mul3A_145 = arith.muli %scan3A_86, %mul3A_144 : i32
          %add3A_146 = arith.constant 8192 : i32
          %add3A_147 = arith.addi %add3A_146, %mul3A_145 : i32
          %add3A_148 = arith.constant 64 : i32
          %add3A_149 = arith.addi %add3A_147, %add3A_148 : i32
          %get3A_150 = arith.index_cast %add3A_149 : i32 to index
          %get3A_151 = tpu.vector_load %arg8[%get3A_150] {strides = array<i32>} : memref<16384xi32, #tpu.memory_space<vmem>>, vector<16xi32>,
          %gather3A_152 = tpu.vector_load_idx %arg7[%get3A_151] : memref<100096xf32, #tpu.memory_space<vmem>>[vector<16xi32>], vector<16xf32>,
          %mul3A_153 = arith.constant 128 : i32
          %mul3A_154 = arith.muli %scan3A_86, %mul3A_153 : i32
          %add3A_155 = arith.constant 64 : i32
          %add3A_156 = arith.addi %mul3A_154, %add3A_155 : i32
          %swap3A_157 = arith.index_cast %add3A_156 : i32 to index
          %swap3A_158 = tpu.vector_load %arg9[%swap3A_157] {strides = array<i32>} : memref<4096xf32, #tpu.memory_space<vmem>>, vector<16xf32>,
          tpu.vector_store %arg9[%swap3A_157], %gather3A_152 {strides = array<i32>} : memref<4096xf32, #tpu.memory_space<vmem>>, vector<16xf32>,
          %mul3A_159 = arith.constant 128 : i32
          %mul3A_160 = arith.muli %scan3A_86, %mul3A_159 : i32
          %add3A_161 = arith.constant 8192 : i32
          %add3A_162 = arith.addi %add3A_161, %mul3A_160 : i32
          %add3A_163 = arith.constant 80 : i32
          %add3A_164 = arith.addi %add3A_162, %add3A_163 : i32
          %get3A_165 = arith.index_cast %add3A_164 : i32 to index
          %get3A_166 = tpu.vector_load %arg8[%get3A_165] {strides = array<i32>} : memref<16384xi32, #tpu.memory_space<vmem>>, vector<16xi32>,
          %gather3A_167 = tpu.vector_load_idx %arg7[%get3A_166] : memref<100096xf32, #tpu.memory_space<vmem>>[vector<16xi32>], vector<16xf32>,
          %mul3A_168 = arith.constant 128 : i32
          %mul3A_169 = arith.muli %scan3A_86, %mul3A_168 : i32
          %add3A_170 = arith.constant 80 : i32
          %add3A_171 = arith.addi %mul3A_169, %add3A_170 : i32
          %swap3A_172 = arith.index_cast %add3A_171 : i32 to index
          %swap3A_173 = tpu.vector_load %arg9[%swap3A_172] {strides = array<i32>} : memref<4096xf32, #tpu.memory_space<vmem>>, vector<16xf32>,
          tpu.vector_store %arg9[%swap3A_172], %gather3A_167 {strides = array<i32>} : memref<4096xf32, #tpu.memory_space<vmem>>, vector<16xf32>,
          %mul3A_174 = arith.constant 128 : i32
          %mul3A_175 = arith.muli %scan3A_86, %mul3A_174 : i32
          %add3A_176 = arith.constant 8192 : i32
          %add3A_177 = arith.addi %add3A_176, %mul3A_175 : i32
          %add3A_178 = arith.constant 96 : i32
          %add3A_179 = arith.addi %add3A_177, %add3A_178 : i32
          %get3A_180 = arith.index_cast %add3A_179 : i32 to index
          %get3A_181 = tpu.vector_load %arg8[%get3A_180] {strides = array<i32>} : memref<16384xi32, #tpu.memory_space<vmem>>, vector<16xi32>,
          %gather3A_182 = tpu.vector_load_idx %arg7[%get3A_181] : memref<100096xf32, #tpu.memory_space<vmem>>[vector<16xi32>], vector<16xf32>,
          %mul3A_183 = arith.constant 128 : i32
          %mul3A_184 = arith.muli %scan3A_86, %mul3A_183 : i32
          %add3A_185 = arith.constant 96 : i32
          %add3A_186 = arith.addi %mul3A_184, %add3A_185 : i32
          %swap3A_187 = arith.index_cast %add3A_186 : i32 to index
          %swap3A_188 = tpu.vector_load %arg9[%swap3A_187] {strides = array<i32>} : memref<4096xf32, #tpu.memory_space<vmem>>, vector<16xf32>,
          tpu.vector_store %arg9[%swap3A_187], %gather3A_182 {strides = array<i32>} : memref<4096xf32, #tpu.memory_space<vmem>>, vector<16xf32>,
          %mul3A_189 = arith.constant 128 : i32
          %mul3A_190 = arith.muli %scan3A_86, %mul3A_189 : i32
          %add3A_191 = arith.constant 8192 : i32
          %add3A_192 = arith.addi %add3A_191, %mul3A_190 : i32
          %add3A_193 = arith.constant 112 : i32
          %add3A_194 = arith.addi %add3A_192, %add3A_193 : i32
          %get3A_195 = arith.index_cast %add3A_194 : i32 to index
          %get3A_196 = tpu.vector_load %arg8[%get3A_195] {strides = array<i32>} : memref<16384xi32, #tpu.memory_space<vmem>>, vector<16xi32>,
          %gather3A_197 = tpu.vector_load_idx %arg7[%get3A_196] : memref<100096xf32, #tpu.memory_space<vmem>>[vector<16xi32>], vector<16xf32>,
          %mul3A_198 = arith.constant 128 : i32
          %mul3A_199 = arith.muli %scan3A_86, %mul3A_198 : i32
          %add3A_200 = arith.constant 112 : i32
          %add3A_201 = arith.addi %mul3A_199, %add3A_200 : i32
          %swap3A_202 = arith.index_cast %add3A_201 : i32 to index
          %swap3A_203 = tpu.vector_load %arg9[%swap3A_202] {strides = array<i32>} : memref<4096xf32, #tpu.memory_space<vmem>>, vector<16xf32>,
          tpu.vector_store %arg9[%swap3A_202], %gather3A_197 {strides = array<i32>} : memref<4096xf32, #tpu.memory_space<vmem>>, vector<16xf32>,
        }
        %scan3A_71 = arith.constant 32 : i32
        %mul3A_72 = arith.constant 16384 : i32
        %mul3A_73 = arith.muli %add3A_12, %mul3A_72 : i32
        %add3A_74 = arith.constant 8192 : i32
        %add3A_75 = arith.addi %mul3A_73, %add3A_74 : i32
        "tpu.region"() ({
          %run_scoped3A = tpu.sem_alloc : memref<!tpu.dma_semaphore, #tpu.memory_space<semaphore_mem>>
          %dma_start3A_86 = tpu.memref_slice %arg6[%add3A_75] : memref<3489792xf32, #tpu.memory_space<hbm>> -> memref<4096xf32, #tpu.memory_space<hbm>>
          %dma_start3A_87 = tpu.memref_slice %arg6[%add3A_75] : memref<3489792xf32, #tpu.memory_space<hbm>> -> memref<4096xf32, #tpu.memory_space<hbm>>
          tpu.enqueue_dma source(%arg9 : memref<4096xf32, #tpu.memory_space<vmem>>) target(%dma_start3A_87 : memref<4096xf32, #tpu.memory_space<hbm>>) target_semaphore(%run_scoped3A : memref<!tpu.dma_semaphore, #tpu.memory_space<semaphore_mem>>)
          %dma_wait3A_88 = tpu.memref_slice %arg6[%add3A_75] : memref<3489792xf32, #tpu.memory_space<hbm>> -> memref<4096xf32, #tpu.memory_space<hbm>>
          %dma_wait3A_89 = tpu.memref_slice %arg6[%add3A_75] : memref<3489792xf32, #tpu.memory_space<hbm>> -> memref<4096xf32, #tpu.memory_space<hbm>>
          tpu.wait_dma2 semaphore(%run_scoped3A : memref<!tpu.dma_semaphore, #tpu.memory_space<semaphore_mem>>) src(%arg9 : memref<4096xf32, #tpu.memory_space<vmem>>) dst(%dma_wait3A_89 : memref<4096xf32, #tpu.memory_space<hbm>>)
          tpu.yield
        }) : () -> ()
        %scan3A_76 = arith.constant 0 : i32
        %scan3A_77 = arith.constant 0 : i32
        %scan3A_78 = arith.constant 32 : i32
        %scan3A_79 = arith.addi %scan3A_77, %scan3A_78 : i32
        %scan3A_80 = arith.constant 1 : i32
        scf.for %scan3A_86 = %scan3A_77 to %scan3A_79 step %scan3A_80  : i32 {
          %mul3A_87 = arith.constant 128 : i32
          %mul3A_88 = arith.muli %scan3A_86, %mul3A_87 : i32
          %add3A_89 = arith.constant 12288 : i32
          %add3A_90 = arith.addi %add3A_89, %mul3A_88 : i32
          %add3A_91 = arith.constant 0 : i32
          %add3A_92 = arith.addi %add3A_90, %add3A_91 : i32
          %get3A = arith.index_cast %add3A_92 : i32 to index
          %get3A_93 = tpu.vector_load %arg8[%get3A] {strides = array<i32>} : memref<16384xi32, #tpu.memory_space<vmem>>, vector<16xi32>,
          %gather3A = tpu.vector_load_idx %arg7[%get3A_93] : memref<100096xf32, #tpu.memory_space<vmem>>[vector<16xi32>], vector<16xf32>,
          %mul3A_94 = arith.constant 128 : i32
          %mul3A_95 = arith.muli %scan3A_86, %mul3A_94 : i32
          %add3A_96 = arith.constant 0 : i32
          %add3A_97 = arith.addi %mul3A_95, %add3A_96 : i32
          %swap3A = arith.index_cast %add3A_97 : i32 to index
          %swap3A_98 = tpu.vector_load %arg9[%swap3A] {strides = array<i32>} : memref<4096xf32, #tpu.memory_space<vmem>>, vector<16xf32>,
          tpu.vector_store %arg9[%swap3A], %gather3A {strides = array<i32>} : memref<4096xf32, #tpu.memory_space<vmem>>, vector<16xf32>,
          %mul3A_99 = arith.constant 128 : i32
          %mul3A_100 = arith.muli %scan3A_86, %mul3A_99 : i32
          %add3A_101 = arith.constant 12288 : i32
          %add3A_102 = arith.addi %add3A_101, %mul3A_100 : i32
          %add3A_103 = arith.constant 16 : i32
          %add3A_104 = arith.addi %add3A_102, %add3A_103 : i32
          %get3A_105 = arith.index_cast %add3A_104 : i32 to index
          %get3A_106 = tpu.vector_load %arg8[%get3A_105] {strides = array<i32>} : memref<16384xi32, #tpu.memory_space<vmem>>, vector<16xi32>,
          %gather3A_107 = tpu.vector_load_idx %arg7[%get3A_106] : memref<100096xf32, #tpu.memory_space<vmem>>[vector<16xi32>], vector<16xf32>,
          %mul3A_108 = arith.constant 128 : i32
          %mul3A_109 = arith.muli %scan3A_86, %mul3A_108 : i32
          %add3A_110 = arith.constant 16 : i32
          %add3A_111 = arith.addi %mul3A_109, %add3A_110 : i32
          %swap3A_112 = arith.index_cast %add3A_111 : i32 to index
          %swap3A_113 = tpu.vector_load %arg9[%swap3A_112] {strides = array<i32>} : memref<4096xf32, #tpu.memory_space<vmem>>, vector<16xf32>,
          tpu.vector_store %arg9[%swap3A_112], %gather3A_107 {strides = array<i32>} : memref<4096xf32, #tpu.memory_space<vmem>>, vector<16xf32>,
          %mul3A_114 = arith.constant 128 : i32
          %mul3A_115 = arith.muli %scan3A_86, %mul3A_114 : i32
          %add3A_116 = arith.constant 12288 : i32
          %add3A_117 = arith.addi %add3A_116, %mul3A_115 : i32
          %add3A_118 = arith.constant 32 : i32
          %add3A_119 = arith.addi %add3A_117, %add3A_118 : i32
          %get3A_120 = arith.index_cast %add3A_119 : i32 to index
          %get3A_121 = tpu.vector_load %arg8[%get3A_120] {strides = array<i32>} : memref<16384xi32, #tpu.memory_space<vmem>>, vector<16xi32>,
          %gather3A_122 = tpu.vector_load_idx %arg7[%get3A_121] : memref<100096xf32, #tpu.memory_space<vmem>>[vector<16xi32>], vector<16xf32>,
          %mul3A_123 = arith.constant 128 : i32
          %mul3A_124 = arith.muli %scan3A_86, %mul3A_123 : i32
          %add3A_125 = arith.constant 32 : i32
          %add3A_126 = arith.addi %mul3A_124, %add3A_125 : i32
          %swap3A_127 = arith.index_cast %add3A_126 : i32 to index
          %swap3A_128 = tpu.vector_load %arg9[%swap3A_127] {strides = array<i32>} : memref<4096xf32, #tpu.memory_space<vmem>>, vector<16xf32>,
          tpu.vector_store %arg9[%swap3A_127], %gather3A_122 {strides = array<i32>} : memref<4096xf32, #tpu.memory_space<vmem>>, vector<16xf32>,
          %mul3A_129 = arith.constant 128 : i32
          %mul3A_130 = arith.muli %scan3A_86, %mul3A_129 : i32
          %add3A_131 = arith.constant 12288 : i32
          %add3A_132 = arith.addi %add3A_131, %mul3A_130 : i32
          %add3A_133 = arith.constant 48 : i32
          %add3A_134 = arith.addi %add3A_132, %add3A_133 : i32
          %get3A_135 = arith.index_cast %add3A_134 : i32 to index
          %get3A_136 = tpu.vector_load %arg8[%get3A_135] {strides = array<i32>} : memref<16384xi32, #tpu.memory_space<vmem>>, vector<16xi32>,
          %gather3A_137 = tpu.vector_load_idx %arg7[%get3A_136] : memref<100096xf32, #tpu.memory_space<vmem>>[vector<16xi32>], vector<16xf32>,
          %mul3A_138 = arith.constant 128 : i32
          %mul3A_139 = arith.muli %scan3A_86, %mul3A_138 : i32
          %add3A_140 = arith.constant 48 : i32
          %add3A_141 = arith.addi %mul3A_139, %add3A_140 : i32
          %swap3A_142 = arith.index_cast %add3A_141 : i32 to index
          %swap3A_143 = tpu.vector_load %arg9[%swap3A_142] {strides = array<i32>} : memref<4096xf32, #tpu.memory_space<vmem>>, vector<16xf32>,
          tpu.vector_store %arg9[%swap3A_142], %gather3A_137 {strides = array<i32>} : memref<4096xf32, #tpu.memory_space<vmem>>, vector<16xf32>,
          %mul3A_144 = arith.constant 128 : i32
          %mul3A_145 = arith.muli %scan3A_86, %mul3A_144 : i32
          %add3A_146 = arith.constant 12288 : i32
          %add3A_147 = arith.addi %add3A_146, %mul3A_145 : i32
          %add3A_148 = arith.constant 64 : i32
          %add3A_149 = arith.addi %add3A_147, %add3A_148 : i32
          %get3A_150 = arith.index_cast %add3A_149 : i32 to index
          %get3A_151 = tpu.vector_load %arg8[%get3A_150] {strides = array<i32>} : memref<16384xi32, #tpu.memory_space<vmem>>, vector<16xi32>,
          %gather3A_152 = tpu.vector_load_idx %arg7[%get3A_151] : memref<100096xf32, #tpu.memory_space<vmem>>[vector<16xi32>], vector<16xf32>,
          %mul3A_153 = arith.constant 128 : i32
          %mul3A_154 = arith.muli %scan3A_86, %mul3A_153 : i32
          %add3A_155 = arith.constant 64 : i32
          %add3A_156 = arith.addi %mul3A_154, %add3A_155 : i32
          %swap3A_157 = arith.index_cast %add3A_156 : i32 to index
          %swap3A_158 = tpu.vector_load %arg9[%swap3A_157] {strides = array<i32>} : memref<4096xf32, #tpu.memory_space<vmem>>, vector<16xf32>,
          tpu.vector_store %arg9[%swap3A_157], %gather3A_152 {strides = array<i32>} : memref<4096xf32, #tpu.memory_space<vmem>>, vector<16xf32>,
          %mul3A_159 = arith.constant 128 : i32
          %mul3A_160 = arith.muli %scan3A_86, %mul3A_159 : i32
          %add3A_161 = arith.constant 12288 : i32
          %add3A_162 = arith.addi %add3A_161, %mul3A_160 : i32
          %add3A_163 = arith.constant 80 : i32
          %add3A_164 = arith.addi %add3A_162, %add3A_163 : i32
          %get3A_165 = arith.index_cast %add3A_164 : i32 to index
          %get3A_166 = tpu.vector_load %arg8[%get3A_165] {strides = array<i32>} : memref<16384xi32, #tpu.memory_space<vmem>>, vector<16xi32>,
          %gather3A_167 = tpu.vector_load_idx %arg7[%get3A_166] : memref<100096xf32, #tpu.memory_space<vmem>>[vector<16xi32>], vector<16xf32>,
          %mul3A_168 = arith.constant 128 : i32
          %mul3A_169 = arith.muli %scan3A_86, %mul3A_168 : i32
          %add3A_170 = arith.constant 80 : i32
          %add3A_171 = arith.addi %mul3A_169, %add3A_170 : i32
          %swap3A_172 = arith.index_cast %add3A_171 : i32 to index
          %swap3A_173 = tpu.vector_load %arg9[%swap3A_172] {strides = array<i32>} : memref<4096xf32, #tpu.memory_space<vmem>>, vector<16xf32>,
          tpu.vector_store %arg9[%swap3A_172], %gather3A_167 {strides = array<i32>} : memref<4096xf32, #tpu.memory_space<vmem>>, vector<16xf32>,
          %mul3A_174 = arith.constant 128 : i32
          %mul3A_175 = arith.muli %scan3A_86, %mul3A_174 : i32
          %add3A_176 = arith.constant 12288 : i32
          %add3A_177 = arith.addi %add3A_176, %mul3A_175 : i32
          %add3A_178 = arith.constant 96 : i32
          %add3A_179 = arith.addi %add3A_177, %add3A_178 : i32
          %get3A_180 = arith.index_cast %add3A_179 : i32 to index
          %get3A_181 = tpu.vector_load %arg8[%get3A_180] {strides = array<i32>} : memref<16384xi32, #tpu.memory_space<vmem>>, vector<16xi32>,
          %gather3A_182 = tpu.vector_load_idx %arg7[%get3A_181] : memref<100096xf32, #tpu.memory_space<vmem>>[vector<16xi32>], vector<16xf32>,
          %mul3A_183 = arith.constant 128 : i32
          %mul3A_184 = arith.muli %scan3A_86, %mul3A_183 : i32
          %add3A_185 = arith.constant 96 : i32
          %add3A_186 = arith.addi %mul3A_184, %add3A_185 : i32
          %swap3A_187 = arith.index_cast %add3A_186 : i32 to index
          %swap3A_188 = tpu.vector_load %arg9[%swap3A_187] {strides = array<i32>} : memref<4096xf32, #tpu.memory_space<vmem>>, vector<16xf32>,
          tpu.vector_store %arg9[%swap3A_187], %gather3A_182 {strides = array<i32>} : memref<4096xf32, #tpu.memory_space<vmem>>, vector<16xf32>,
          %mul3A_189 = arith.constant 128 : i32
          %mul3A_190 = arith.muli %scan3A_86, %mul3A_189 : i32
          %add3A_191 = arith.constant 12288 : i32
          %add3A_192 = arith.addi %add3A_191, %mul3A_190 : i32
          %add3A_193 = arith.constant 112 : i32
          %add3A_194 = arith.addi %add3A_192, %add3A_193 : i32
          %get3A_195 = arith.index_cast %add3A_194 : i32 to index
          %get3A_196 = tpu.vector_load %arg8[%get3A_195] {strides = array<i32>} : memref<16384xi32, #tpu.memory_space<vmem>>, vector<16xi32>,
          %gather3A_197 = tpu.vector_load_idx %arg7[%get3A_196] : memref<100096xf32, #tpu.memory_space<vmem>>[vector<16xi32>], vector<16xf32>,
          %mul3A_198 = arith.constant 128 : i32
          %mul3A_199 = arith.muli %scan3A_86, %mul3A_198 : i32
          %add3A_200 = arith.constant 112 : i32
          %add3A_201 = arith.addi %mul3A_199, %add3A_200 : i32
          %swap3A_202 = arith.index_cast %add3A_201 : i32 to index
          %swap3A_203 = tpu.vector_load %arg9[%swap3A_202] {strides = array<i32>} : memref<4096xf32, #tpu.memory_space<vmem>>, vector<16xf32>,
          tpu.vector_store %arg9[%swap3A_202], %gather3A_197 {strides = array<i32>} : memref<4096xf32, #tpu.memory_space<vmem>>, vector<16xf32>,
        }
        %scan3A_81 = arith.constant 32 : i32
        %mul3A_82 = arith.constant 16384 : i32
        %mul3A_83 = arith.muli %add3A_12, %mul3A_82 : i32
        %add3A_84 = arith.constant 12288 : i32
        %add3A_85 = arith.addi %mul3A_83, %add3A_84 : i32
        "tpu.region"() ({
          %run_scoped3A = tpu.sem_alloc : memref<!tpu.dma_semaphore, #tpu.memory_space<semaphore_mem>>
          %dma_start3A_86 = tpu.memref_slice %arg6[%add3A_85] : memref<3489792xf32, #tpu.memory_space<hbm>> -> memref<4096xf32, #tpu.memory_space<hbm>>
          %dma_start3A_87 = tpu.memref_slice %arg6[%add3A_85] : memref<3489792xf32, #tpu.memory_space<hbm>> -> memref<4096xf32, #tpu.memory_space<hbm>>
          tpu.enqueue_dma source(%arg9 : memref<4096xf32, #tpu.memory_space<vmem>>) target(%dma_start3A_87 : memref<4096xf32, #tpu.memory_space<hbm>>) target_semaphore(%run_scoped3A : memref<!tpu.dma_semaphore, #tpu.memory_space<semaphore_mem>>)
          %dma_wait3A_88 = tpu.memref_slice %arg6[%add3A_85] : memref<3489792xf32, #tpu.memory_space<hbm>> -> memref<4096xf32, #tpu.memory_space<hbm>>
          %dma_wait3A_89 = tpu.memref_slice %arg6[%add3A_85] : memref<3489792xf32, #tpu.memory_space<hbm>> -> memref<4096xf32, #tpu.memory_space<hbm>>
          tpu.wait_dma2 semaphore(%run_scoped3A : memref<!tpu.dma_semaphore, #tpu.memory_space<semaphore_mem>>) src(%arg9 : memref<4096xf32, #tpu.memory_space<vmem>>) dst(%dma_wait3A_89 : memref<4096xf32, #tpu.memory_space<hbm>>)
          tpu.yield
        }) : () -> ()
      } else {
      }
    }
    %scan3A_5 = arith.constant 7 : i32
    %sub3A = arith.constant 19 : i32
    %sub3A_6 = arith.subi %add3A, %sub3A : i32
    %ge3A = arith.constant 0 : i32
    %ge3A_7 = arith.cmpi sge, %sub3A_6, %ge3A : i32
    %convert_element_type3A = arith.extui %ge3A_7 : i1 to i32
    %cond3A = arith.constant 0 : i32
    %cond3A_8 = arith.cmpi ne, %convert_element_type3A, %cond3A : i32
    scf.if %cond3A_8 {
      "tpu.region"() ({
        %run_scoped3A = tpu.sem_alloc : memref<!tpu.dma_semaphore, #tpu.memory_space<semaphore_mem>>
        tpu.enqueue_dma source(%arg5 : memref<16384xi32, #tpu.memory_space<hbm>>) target(%arg8 : memref<16384xi32, #tpu.memory_space<vmem>>) target_semaphore(%run_scoped3A : memref<!tpu.dma_semaphore, #tpu.memory_space<semaphore_mem>>)
        tpu.wait_dma2 semaphore(%run_scoped3A : memref<!tpu.dma_semaphore, #tpu.memory_space<semaphore_mem>>) src(%arg5 : memref<16384xi32, #tpu.memory_space<hbm>>) dst(%arg8 : memref<16384xi32, #tpu.memory_space<vmem>>)
        tpu.yield
      }) : () -> ()
      %mul3A_9 = arith.constant 100000 : i32
      %mul3A_10 = arith.muli %sub3A_6, %mul3A_9 : i32
      "tpu.region"() ({
        %run_scoped3A = tpu.sem_alloc : memref<!tpu.dma_semaphore, #tpu.memory_space<semaphore_mem>>
        %dma_start3A = tpu.memref_slice %arg4[%mul3A_10] : memref<1300096xf32, #tpu.memory_space<hbm>> -> memref<100096xf32, #tpu.memory_space<hbm>>
        %dma_start3A_53 = tpu.memref_slice %arg4[%mul3A_10] : memref<1300096xf32, #tpu.memory_space<hbm>> -> memref<100096xf32, #tpu.memory_space<hbm>>
        tpu.enqueue_dma source(%dma_start3A_53 : memref<100096xf32, #tpu.memory_space<hbm>>) target(%arg7 : memref<100096xf32, #tpu.memory_space<vmem>>) target_semaphore(%run_scoped3A : memref<!tpu.dma_semaphore, #tpu.memory_space<semaphore_mem>>)
        %dma_wait3A = tpu.memref_slice %arg4[%mul3A_10] : memref<1300096xf32, #tpu.memory_space<hbm>> -> memref<100096xf32, #tpu.memory_space<hbm>>
        %dma_wait3A_54 = tpu.memref_slice %arg4[%mul3A_10] : memref<1300096xf32, #tpu.memory_space<hbm>> -> memref<100096xf32, #tpu.memory_space<hbm>>
        tpu.wait_dma2 semaphore(%run_scoped3A : memref<!tpu.dma_semaphore, #tpu.memory_space<semaphore_mem>>) src(%dma_wait3A_54 : memref<100096xf32, #tpu.memory_space<hbm>>) dst(%arg7 : memref<100096xf32, #tpu.memory_space<vmem>>)
        tpu.yield
      }) : () -> ()
      %add3A_11 = arith.constant 200 : i32
      %add3A_12 = arith.addi %add3A_11, %sub3A_6 : i32
      %scan3A_13 = arith.constant 0 : i32
      %scan3A_14 = arith.constant 0 : i32
      %scan3A_15 = arith.constant 32 : i32
      %scan3A_16 = arith.addi %scan3A_14, %scan3A_15 : i32
      %scan3A_17 = arith.constant 1 : i32
      scf.for %scan3A_53 = %scan3A_14 to %scan3A_16 step %scan3A_17  : i32 {
        %mul3A_54 = arith.constant 128 : i32
        %mul3A_55 = arith.muli %scan3A_53, %mul3A_54 : i32
        %add3A_56 = arith.constant 0 : i32
        %add3A_57 = arith.addi %add3A_56, %mul3A_55 : i32
        %add3A_58 = arith.constant 0 : i32
        %add3A_59 = arith.addi %add3A_57, %add3A_58 : i32
        %get3A = arith.index_cast %add3A_59 : i32 to index
        %get3A_60 = tpu.vector_load %arg8[%get3A] {strides = array<i32>} : memref<16384xi32, #tpu.memory_space<vmem>>, vector<16xi32>,
        %gather3A = tpu.vector_load_idx %arg7[%get3A_60] : memref<100096xf32, #tpu.memory_space<vmem>>[vector<16xi32>], vector<16xf32>,
        %mul3A_61 = arith.constant 128 : i32
        %mul3A_62 = arith.muli %scan3A_53, %mul3A_61 : i32
        %add3A_63 = arith.constant 0 : i32
        %add3A_64 = arith.addi %mul3A_62, %add3A_63 : i32
        %swap3A = arith.index_cast %add3A_64 : i32 to index
        %swap3A_65 = tpu.vector_load %arg9[%swap3A] {strides = array<i32>} : memref<4096xf32, #tpu.memory_space<vmem>>, vector<16xf32>,
        tpu.vector_store %arg9[%swap3A], %gather3A {strides = array<i32>} : memref<4096xf32, #tpu.memory_space<vmem>>, vector<16xf32>,
        %mul3A_66 = arith.constant 128 : i32
        %mul3A_67 = arith.muli %scan3A_53, %mul3A_66 : i32
        %add3A_68 = arith.constant 0 : i32
        %add3A_69 = arith.addi %add3A_68, %mul3A_67 : i32
        %add3A_70 = arith.constant 16 : i32
        %add3A_71 = arith.addi %add3A_69, %add3A_70 : i32
        %get3A_72 = arith.index_cast %add3A_71 : i32 to index
        %get3A_73 = tpu.vector_load %arg8[%get3A_72] {strides = array<i32>} : memref<16384xi32, #tpu.memory_space<vmem>>, vector<16xi32>,
        %gather3A_74 = tpu.vector_load_idx %arg7[%get3A_73] : memref<100096xf32, #tpu.memory_space<vmem>>[vector<16xi32>], vector<16xf32>,
        %mul3A_75 = arith.constant 128 : i32
        %mul3A_76 = arith.muli %scan3A_53, %mul3A_75 : i32
        %add3A_77 = arith.constant 16 : i32
        %add3A_78 = arith.addi %mul3A_76, %add3A_77 : i32
        %swap3A_79 = arith.index_cast %add3A_78 : i32 to index
        %swap3A_80 = tpu.vector_load %arg9[%swap3A_79] {strides = array<i32>} : memref<4096xf32, #tpu.memory_space<vmem>>, vector<16xf32>,
        tpu.vector_store %arg9[%swap3A_79], %gather3A_74 {strides = array<i32>} : memref<4096xf32, #tpu.memory_space<vmem>>, vector<16xf32>,
        %mul3A_81 = arith.constant 128 : i32
        %mul3A_82 = arith.muli %scan3A_53, %mul3A_81 : i32
        %add3A_83 = arith.constant 0 : i32
        %add3A_84 = arith.addi %add3A_83, %mul3A_82 : i32
        %add3A_85 = arith.constant 32 : i32
        %add3A_86 = arith.addi %add3A_84, %add3A_85 : i32
        %get3A_87 = arith.index_cast %add3A_86 : i32 to index
        %get3A_88 = tpu.vector_load %arg8[%get3A_87] {strides = array<i32>} : memref<16384xi32, #tpu.memory_space<vmem>>, vector<16xi32>,
        %gather3A_89 = tpu.vector_load_idx %arg7[%get3A_88] : memref<100096xf32, #tpu.memory_space<vmem>>[vector<16xi32>], vector<16xf32>,
        %mul3A_90 = arith.constant 128 : i32
        %mul3A_91 = arith.muli %scan3A_53, %mul3A_90 : i32
        %add3A_92 = arith.constant 32 : i32
        %add3A_93 = arith.addi %mul3A_91, %add3A_92 : i32
        %swap3A_94 = arith.index_cast %add3A_93 : i32 to index
        %swap3A_95 = tpu.vector_load %arg9[%swap3A_94] {strides = array<i32>} : memref<4096xf32, #tpu.memory_space<vmem>>, vector<16xf32>,
        tpu.vector_store %arg9[%swap3A_94], %gather3A_89 {strides = array<i32>} : memref<4096xf32, #tpu.memory_space<vmem>>, vector<16xf32>,
        %mul3A_96 = arith.constant 128 : i32
        %mul3A_97 = arith.muli %scan3A_53, %mul3A_96 : i32
        %add3A_98 = arith.constant 0 : i32
        %add3A_99 = arith.addi %add3A_98, %mul3A_97 : i32
        %add3A_100 = arith.constant 48 : i32
        %add3A_101 = arith.addi %add3A_99, %add3A_100 : i32
        %get3A_102 = arith.index_cast %add3A_101 : i32 to index
        %get3A_103 = tpu.vector_load %arg8[%get3A_102] {strides = array<i32>} : memref<16384xi32, #tpu.memory_space<vmem>>, vector<16xi32>,
        %gather3A_104 = tpu.vector_load_idx %arg7[%get3A_103] : memref<100096xf32, #tpu.memory_space<vmem>>[vector<16xi32>], vector<16xf32>,
        %mul3A_105 = arith.constant 128 : i32
        %mul3A_106 = arith.muli %scan3A_53, %mul3A_105 : i32
        %add3A_107 = arith.constant 48 : i32
        %add3A_108 = arith.addi %mul3A_106, %add3A_107 : i32
        %swap3A_109 = arith.index_cast %add3A_108 : i32 to index
        %swap3A_110 = tpu.vector_load %arg9[%swap3A_109] {strides = array<i32>} : memref<4096xf32, #tpu.memory_space<vmem>>, vector<16xf32>,
        tpu.vector_store %arg9[%swap3A_109], %gather3A_104 {strides = array<i32>} : memref<4096xf32, #tpu.memory_space<vmem>>, vector<16xf32>,
        %mul3A_111 = arith.constant 128 : i32
        %mul3A_112 = arith.muli %scan3A_53, %mul3A_111 : i32
        %add3A_113 = arith.constant 0 : i32
        %add3A_114 = arith.addi %add3A_113, %mul3A_112 : i32
        %add3A_115 = arith.constant 64 : i32
        %add3A_116 = arith.addi %add3A_114, %add3A_115 : i32
        %get3A_117 = arith.index_cast %add3A_116 : i32 to index
        %get3A_118 = tpu.vector_load %arg8[%get3A_117] {strides = array<i32>} : memref<16384xi32, #tpu.memory_space<vmem>>, vector<16xi32>,
        %gather3A_119 = tpu.vector_load_idx %arg7[%get3A_118] : memref<100096xf32, #tpu.memory_space<vmem>>[vector<16xi32>], vector<16xf32>,
        %mul3A_120 = arith.constant 128 : i32
        %mul3A_121 = arith.muli %scan3A_53, %mul3A_120 : i32
        %add3A_122 = arith.constant 64 : i32
        %add3A_123 = arith.addi %mul3A_121, %add3A_122 : i32
        %swap3A_124 = arith.index_cast %add3A_123 : i32 to index
        %swap3A_125 = tpu.vector_load %arg9[%swap3A_124] {strides = array<i32>} : memref<4096xf32, #tpu.memory_space<vmem>>, vector<16xf32>,
        tpu.vector_store %arg9[%swap3A_124], %gather3A_119 {strides = array<i32>} : memref<4096xf32, #tpu.memory_space<vmem>>, vector<16xf32>,
        %mul3A_126 = arith.constant 128 : i32
        %mul3A_127 = arith.muli %scan3A_53, %mul3A_126 : i32
        %add3A_128 = arith.constant 0 : i32
        %add3A_129 = arith.addi %add3A_128, %mul3A_127 : i32
        %add3A_130 = arith.constant 80 : i32
        %add3A_131 = arith.addi %add3A_129, %add3A_130 : i32
        %get3A_132 = arith.index_cast %add3A_131 : i32 to index
        %get3A_133 = tpu.vector_load %arg8[%get3A_132] {strides = array<i32>} : memref<16384xi32, #tpu.memory_space<vmem>>, vector<16xi32>,
        %gather3A_134 = tpu.vector_load_idx %arg7[%get3A_133] : memref<100096xf32, #tpu.memory_space<vmem>>[vector<16xi32>], vector<16xf32>,
        %mul3A_135 = arith.constant 128 : i32
        %mul3A_136 = arith.muli %scan3A_53, %mul3A_135 : i32
        %add3A_137 = arith.constant 80 : i32
        %add3A_138 = arith.addi %mul3A_136, %add3A_137 : i32
        %swap3A_139 = arith.index_cast %add3A_138 : i32 to index
        %swap3A_140 = tpu.vector_load %arg9[%swap3A_139] {strides = array<i32>} : memref<4096xf32, #tpu.memory_space<vmem>>, vector<16xf32>,
        tpu.vector_store %arg9[%swap3A_139], %gather3A_134 {strides = array<i32>} : memref<4096xf32, #tpu.memory_space<vmem>>, vector<16xf32>,
        %mul3A_141 = arith.constant 128 : i32
        %mul3A_142 = arith.muli %scan3A_53, %mul3A_141 : i32
        %add3A_143 = arith.constant 0 : i32
        %add3A_144 = arith.addi %add3A_143, %mul3A_142 : i32
        %add3A_145 = arith.constant 96 : i32
        %add3A_146 = arith.addi %add3A_144, %add3A_145 : i32
        %get3A_147 = arith.index_cast %add3A_146 : i32 to index
        %get3A_148 = tpu.vector_load %arg8[%get3A_147] {strides = array<i32>} : memref<16384xi32, #tpu.memory_space<vmem>>, vector<16xi32>,
        %gather3A_149 = tpu.vector_load_idx %arg7[%get3A_148] : memref<100096xf32, #tpu.memory_space<vmem>>[vector<16xi32>], vector<16xf32>,
        %mul3A_150 = arith.constant 128 : i32
        %mul3A_151 = arith.muli %scan3A_53, %mul3A_150 : i32
        %add3A_152 = arith.constant 96 : i32
        %add3A_153 = arith.addi %mul3A_151, %add3A_152 : i32
        %swap3A_154 = arith.index_cast %add3A_153 : i32 to index
        %swap3A_155 = tpu.vector_load %arg9[%swap3A_154] {strides = array<i32>} : memref<4096xf32, #tpu.memory_space<vmem>>, vector<16xf32>,
        tpu.vector_store %arg9[%swap3A_154], %gather3A_149 {strides = array<i32>} : memref<4096xf32, #tpu.memory_space<vmem>>, vector<16xf32>,
        %mul3A_156 = arith.constant 128 : i32
        %mul3A_157 = arith.muli %scan3A_53, %mul3A_156 : i32
        %add3A_158 = arith.constant 0 : i32
        %add3A_159 = arith.addi %add3A_158, %mul3A_157 : i32
        %add3A_160 = arith.constant 112 : i32
        %add3A_161 = arith.addi %add3A_159, %add3A_160 : i32
        %get3A_162 = arith.index_cast %add3A_161 : i32 to index
        %get3A_163 = tpu.vector_load %arg8[%get3A_162] {strides = array<i32>} : memref<16384xi32, #tpu.memory_space<vmem>>, vector<16xi32>,
        %gather3A_164 = tpu.vector_load_idx %arg7[%get3A_163] : memref<100096xf32, #tpu.memory_space<vmem>>[vector<16xi32>], vector<16xf32>,
        %mul3A_165 = arith.constant 128 : i32
        %mul3A_166 = arith.muli %scan3A_53, %mul3A_165 : i32
        %add3A_167 = arith.constant 112 : i32
        %add3A_168 = arith.addi %mul3A_166, %add3A_167 : i32
        %swap3A_169 = arith.index_cast %add3A_168 : i32 to index
        %swap3A_170 = tpu.vector_load %arg9[%swap3A_169] {strides = array<i32>} : memref<4096xf32, #tpu.memory_space<vmem>>, vector<16xf32>,
        tpu.vector_store %arg9[%swap3A_169], %gather3A_164 {strides = array<i32>} : memref<4096xf32, #tpu.memory_space<vmem>>, vector<16xf32>,
      }
      %scan3A_18 = arith.constant 32 : i32
      %mul3A_19 = arith.constant 16384 : i32
      %mul3A_20 = arith.muli %add3A_12, %mul3A_19 : i32
      %add3A_21 = arith.constant 0 : i32
      %add3A_22 = arith.addi %mul3A_20, %add3A_21 : i32
      "tpu.region"() ({
        %run_scoped3A = tpu.sem_alloc : memref<!tpu.dma_semaphore, #tpu.memory_space<semaphore_mem>>
        %dma_start3A = tpu.memref_slice %arg6[%add3A_22] : memref<3489792xf32, #tpu.memory_space<hbm>> -> memref<4096xf32, #tpu.memory_space<hbm>>
        %dma_start3A_53 = tpu.memref_slice %arg6[%add3A_22] : memref<3489792xf32, #tpu.memory_space<hbm>> -> memref<4096xf32, #tpu.memory_space<hbm>>
        tpu.enqueue_dma source(%arg9 : memref<4096xf32, #tpu.memory_space<vmem>>) target(%dma_start3A_53 : memref<4096xf32, #tpu.memory_space<hbm>>) target_semaphore(%run_scoped3A : memref<!tpu.dma_semaphore, #tpu.memory_space<semaphore_mem>>)
        %dma_wait3A = tpu.memref_slice %arg6[%add3A_22] : memref<3489792xf32, #tpu.memory_space<hbm>> -> memref<4096xf32, #tpu.memory_space<hbm>>
        %dma_wait3A_54 = tpu.memref_slice %arg6[%add3A_22] : memref<3489792xf32, #tpu.memory_space<hbm>> -> memref<4096xf32, #tpu.memory_space<hbm>>
        tpu.wait_dma2 semaphore(%run_scoped3A : memref<!tpu.dma_semaphore, #tpu.memory_space<semaphore_mem>>) src(%arg9 : memref<4096xf32, #tpu.memory_space<vmem>>) dst(%dma_wait3A_54 : memref<4096xf32, #tpu.memory_space<hbm>>)
        tpu.yield
      }) : () -> ()
      %scan3A_23 = arith.constant 0 : i32
      %scan3A_24 = arith.constant 0 : i32
      %scan3A_25 = arith.constant 32 : i32
      %scan3A_26 = arith.addi %scan3A_24, %scan3A_25 : i32
      %scan3A_27 = arith.constant 1 : i32
      scf.for %scan3A_53 = %scan3A_24 to %scan3A_26 step %scan3A_27  : i32 {
        %mul3A_54 = arith.constant 128 : i32
        %mul3A_55 = arith.muli %scan3A_53, %mul3A_54 : i32
        %add3A_56 = arith.constant 4096 : i32
        %add3A_57 = arith.addi %add3A_56, %mul3A_55 : i32
        %add3A_58 = arith.constant 0 : i32
        %add3A_59 = arith.addi %add3A_57, %add3A_58 : i32
        %get3A = arith.index_cast %add3A_59 : i32 to index
        %get3A_60 = tpu.vector_load %arg8[%get3A] {strides = array<i32>} : memref<16384xi32, #tpu.memory_space<vmem>>, vector<16xi32>,
        %gather3A = tpu.vector_load_idx %arg7[%get3A_60] : memref<100096xf32, #tpu.memory_space<vmem>>[vector<16xi32>], vector<16xf32>,
        %mul3A_61 = arith.constant 128 : i32
        %mul3A_62 = arith.muli %scan3A_53, %mul3A_61 : i32
        %add3A_63 = arith.constant 0 : i32
        %add3A_64 = arith.addi %mul3A_62, %add3A_63 : i32
        %swap3A = arith.index_cast %add3A_64 : i32 to index
        %swap3A_65 = tpu.vector_load %arg9[%swap3A] {strides = array<i32>} : memref<4096xf32, #tpu.memory_space<vmem>>, vector<16xf32>,
        tpu.vector_store %arg9[%swap3A], %gather3A {strides = array<i32>} : memref<4096xf32, #tpu.memory_space<vmem>>, vector<16xf32>,
        %mul3A_66 = arith.constant 128 : i32
        %mul3A_67 = arith.muli %scan3A_53, %mul3A_66 : i32
        %add3A_68 = arith.constant 4096 : i32
        %add3A_69 = arith.addi %add3A_68, %mul3A_67 : i32
        %add3A_70 = arith.constant 16 : i32
        %add3A_71 = arith.addi %add3A_69, %add3A_70 : i32
        %get3A_72 = arith.index_cast %add3A_71 : i32 to index
        %get3A_73 = tpu.vector_load %arg8[%get3A_72] {strides = array<i32>} : memref<16384xi32, #tpu.memory_space<vmem>>, vector<16xi32>,
        %gather3A_74 = tpu.vector_load_idx %arg7[%get3A_73] : memref<100096xf32, #tpu.memory_space<vmem>>[vector<16xi32>], vector<16xf32>,
        %mul3A_75 = arith.constant 128 : i32
        %mul3A_76 = arith.muli %scan3A_53, %mul3A_75 : i32
        %add3A_77 = arith.constant 16 : i32
        %add3A_78 = arith.addi %mul3A_76, %add3A_77 : i32
        %swap3A_79 = arith.index_cast %add3A_78 : i32 to index
        %swap3A_80 = tpu.vector_load %arg9[%swap3A_79] {strides = array<i32>} : memref<4096xf32, #tpu.memory_space<vmem>>, vector<16xf32>,
        tpu.vector_store %arg9[%swap3A_79], %gather3A_74 {strides = array<i32>} : memref<4096xf32, #tpu.memory_space<vmem>>, vector<16xf32>,
        %mul3A_81 = arith.constant 128 : i32
        %mul3A_82 = arith.muli %scan3A_53, %mul3A_81 : i32
        %add3A_83 = arith.constant 4096 : i32
        %add3A_84 = arith.addi %add3A_83, %mul3A_82 : i32
        %add3A_85 = arith.constant 32 : i32
        %add3A_86 = arith.addi %add3A_84, %add3A_85 : i32
        %get3A_87 = arith.index_cast %add3A_86 : i32 to index
        %get3A_88 = tpu.vector_load %arg8[%get3A_87] {strides = array<i32>} : memref<16384xi32, #tpu.memory_space<vmem>>, vector<16xi32>,
        %gather3A_89 = tpu.vector_load_idx %arg7[%get3A_88] : memref<100096xf32, #tpu.memory_space<vmem>>[vector<16xi32>], vector<16xf32>,
        %mul3A_90 = arith.constant 128 : i32
        %mul3A_91 = arith.muli %scan3A_53, %mul3A_90 : i32
        %add3A_92 = arith.constant 32 : i32
        %add3A_93 = arith.addi %mul3A_91, %add3A_92 : i32
        %swap3A_94 = arith.index_cast %add3A_93 : i32 to index
        %swap3A_95 = tpu.vector_load %arg9[%swap3A_94] {strides = array<i32>} : memref<4096xf32, #tpu.memory_space<vmem>>, vector<16xf32>,
        tpu.vector_store %arg9[%swap3A_94], %gather3A_89 {strides = array<i32>} : memref<4096xf32, #tpu.memory_space<vmem>>, vector<16xf32>,
        %mul3A_96 = arith.constant 128 : i32
        %mul3A_97 = arith.muli %scan3A_53, %mul3A_96 : i32
        %add3A_98 = arith.constant 4096 : i32
        %add3A_99 = arith.addi %add3A_98, %mul3A_97 : i32
        %add3A_100 = arith.constant 48 : i32
        %add3A_101 = arith.addi %add3A_99, %add3A_100 : i32
        %get3A_102 = arith.index_cast %add3A_101 : i32 to index
        %get3A_103 = tpu.vector_load %arg8[%get3A_102] {strides = array<i32>} : memref<16384xi32, #tpu.memory_space<vmem>>, vector<16xi32>,
        %gather3A_104 = tpu.vector_load_idx %arg7[%get3A_103] : memref<100096xf32, #tpu.memory_space<vmem>>[vector<16xi32>], vector<16xf32>,
        %mul3A_105 = arith.constant 128 : i32
        %mul3A_106 = arith.muli %scan3A_53, %mul3A_105 : i32
        %add3A_107 = arith.constant 48 : i32
        %add3A_108 = arith.addi %mul3A_106, %add3A_107 : i32
        %swap3A_109 = arith.index_cast %add3A_108 : i32 to index
        %swap3A_110 = tpu.vector_load %arg9[%swap3A_109] {strides = array<i32>} : memref<4096xf32, #tpu.memory_space<vmem>>, vector<16xf32>,
        tpu.vector_store %arg9[%swap3A_109], %gather3A_104 {strides = array<i32>} : memref<4096xf32, #tpu.memory_space<vmem>>, vector<16xf32>,
        %mul3A_111 = arith.constant 128 : i32
        %mul3A_112 = arith.muli %scan3A_53, %mul3A_111 : i32
        %add3A_113 = arith.constant 4096 : i32
        %add3A_114 = arith.addi %add3A_113, %mul3A_112 : i32
        %add3A_115 = arith.constant 64 : i32
        %add3A_116 = arith.addi %add3A_114, %add3A_115 : i32
        %get3A_117 = arith.index_cast %add3A_116 : i32 to index
        %get3A_118 = tpu.vector_load %arg8[%get3A_117] {strides = array<i32>} : memref<16384xi32, #tpu.memory_space<vmem>>, vector<16xi32>,
        %gather3A_119 = tpu.vector_load_idx %arg7[%get3A_118] : memref<100096xf32, #tpu.memory_space<vmem>>[vector<16xi32>], vector<16xf32>,
        %mul3A_120 = arith.constant 128 : i32
        %mul3A_121 = arith.muli %scan3A_53, %mul3A_120 : i32
        %add3A_122 = arith.constant 64 : i32
        %add3A_123 = arith.addi %mul3A_121, %add3A_122 : i32
        %swap3A_124 = arith.index_cast %add3A_123 : i32 to index
        %swap3A_125 = tpu.vector_load %arg9[%swap3A_124] {strides = array<i32>} : memref<4096xf32, #tpu.memory_space<vmem>>, vector<16xf32>,
        tpu.vector_store %arg9[%swap3A_124], %gather3A_119 {strides = array<i32>} : memref<4096xf32, #tpu.memory_space<vmem>>, vector<16xf32>,
        %mul3A_126 = arith.constant 128 : i32
        %mul3A_127 = arith.muli %scan3A_53, %mul3A_126 : i32
        %add3A_128 = arith.constant 4096 : i32
        %add3A_129 = arith.addi %add3A_128, %mul3A_127 : i32
        %add3A_130 = arith.constant 80 : i32
        %add3A_131 = arith.addi %add3A_129, %add3A_130 : i32
        %get3A_132 = arith.index_cast %add3A_131 : i32 to index
        %get3A_133 = tpu.vector_load %arg8[%get3A_132] {strides = array<i32>} : memref<16384xi32, #tpu.memory_space<vmem>>, vector<16xi32>,
        %gather3A_134 = tpu.vector_load_idx %arg7[%get3A_133] : memref<100096xf32, #tpu.memory_space<vmem>>[vector<16xi32>], vector<16xf32>,
        %mul3A_135 = arith.constant 128 : i32
        %mul3A_136 = arith.muli %scan3A_53, %mul3A_135 : i32
        %add3A_137 = arith.constant 80 : i32
        %add3A_138 = arith.addi %mul3A_136, %add3A_137 : i32
        %swap3A_139 = arith.index_cast %add3A_138 : i32 to index
        %swap3A_140 = tpu.vector_load %arg9[%swap3A_139] {strides = array<i32>} : memref<4096xf32, #tpu.memory_space<vmem>>, vector<16xf32>,
        tpu.vector_store %arg9[%swap3A_139], %gather3A_134 {strides = array<i32>} : memref<4096xf32, #tpu.memory_space<vmem>>, vector<16xf32>,
        %mul3A_141 = arith.constant 128 : i32
        %mul3A_142 = arith.muli %scan3A_53, %mul3A_141 : i32
        %add3A_143 = arith.constant 4096 : i32
        %add3A_144 = arith.addi %add3A_143, %mul3A_142 : i32
        %add3A_145 = arith.constant 96 : i32
        %add3A_146 = arith.addi %add3A_144, %add3A_145 : i32
        %get3A_147 = arith.index_cast %add3A_146 : i32 to index
        %get3A_148 = tpu.vector_load %arg8[%get3A_147] {strides = array<i32>} : memref<16384xi32, #tpu.memory_space<vmem>>, vector<16xi32>,
        %gather3A_149 = tpu.vector_load_idx %arg7[%get3A_148] : memref<100096xf32, #tpu.memory_space<vmem>>[vector<16xi32>], vector<16xf32>,
        %mul3A_150 = arith.constant 128 : i32
        %mul3A_151 = arith.muli %scan3A_53, %mul3A_150 : i32
        %add3A_152 = arith.constant 96 : i32
        %add3A_153 = arith.addi %mul3A_151, %add3A_152 : i32
        %swap3A_154 = arith.index_cast %add3A_153 : i32 to index
        %swap3A_155 = tpu.vector_load %arg9[%swap3A_154] {strides = array<i32>} : memref<4096xf32, #tpu.memory_space<vmem>>, vector<16xf32>,
        tpu.vector_store %arg9[%swap3A_154], %gather3A_149 {strides = array<i32>} : memref<4096xf32, #tpu.memory_space<vmem>>, vector<16xf32>,
        %mul3A_156 = arith.constant 128 : i32
        %mul3A_157 = arith.muli %scan3A_53, %mul3A_156 : i32
        %add3A_158 = arith.constant 4096 : i32
        %add3A_159 = arith.addi %add3A_158, %mul3A_157 : i32
        %add3A_160 = arith.constant 112 : i32
        %add3A_161 = arith.addi %add3A_159, %add3A_160 : i32
        %get3A_162 = arith.index_cast %add3A_161 : i32 to index
        %get3A_163 = tpu.vector_load %arg8[%get3A_162] {strides = array<i32>} : memref<16384xi32, #tpu.memory_space<vmem>>, vector<16xi32>,
        %gather3A_164 = tpu.vector_load_idx %arg7[%get3A_163] : memref<100096xf32, #tpu.memory_space<vmem>>[vector<16xi32>], vector<16xf32>,
        %mul3A_165 = arith.constant 128 : i32
        %mul3A_166 = arith.muli %scan3A_53, %mul3A_165 : i32
        %add3A_167 = arith.constant 112 : i32
        %add3A_168 = arith.addi %mul3A_166, %add3A_167 : i32
        %swap3A_169 = arith.index_cast %add3A_168 : i32 to index
        %swap3A_170 = tpu.vector_load %arg9[%swap3A_169] {strides = array<i32>} : memref<4096xf32, #tpu.memory_space<vmem>>, vector<16xf32>,
        tpu.vector_store %arg9[%swap3A_169], %gather3A_164 {strides = array<i32>} : memref<4096xf32, #tpu.memory_space<vmem>>, vector<16xf32>,
      }
      %scan3A_28 = arith.constant 32 : i32
      %mul3A_29 = arith.constant 16384 : i32
      %mul3A_30 = arith.muli %add3A_12, %mul3A_29 : i32
      %add3A_31 = arith.constant 4096 : i32
      %add3A_32 = arith.addi %mul3A_30, %add3A_31 : i32
      "tpu.region"() ({
        %run_scoped3A = tpu.sem_alloc : memref<!tpu.dma_semaphore, #tpu.memory_space<semaphore_mem>>
        %dma_start3A = tpu.memref_slice %arg6[%add3A_32] : memref<3489792xf32, #tpu.memory_space<hbm>> -> memref<4096xf32, #tpu.memory_space<hbm>>
        %dma_start3A_53 = tpu.memref_slice %arg6[%add3A_32] : memref<3489792xf32, #tpu.memory_space<hbm>> -> memref<4096xf32, #tpu.memory_space<hbm>>
        tpu.enqueue_dma source(%arg9 : memref<4096xf32, #tpu.memory_space<vmem>>) target(%dma_start3A_53 : memref<4096xf32, #tpu.memory_space<hbm>>) target_semaphore(%run_scoped3A : memref<!tpu.dma_semaphore, #tpu.memory_space<semaphore_mem>>)
        %dma_wait3A = tpu.memref_slice %arg6[%add3A_32] : memref<3489792xf32, #tpu.memory_space<hbm>> -> memref<4096xf32, #tpu.memory_space<hbm>>
        %dma_wait3A_54 = tpu.memref_slice %arg6[%add3A_32] : memref<3489792xf32, #tpu.memory_space<hbm>> -> memref<4096xf32, #tpu.memory_space<hbm>>
        tpu.wait_dma2 semaphore(%run_scoped3A : memref<!tpu.dma_semaphore, #tpu.memory_space<semaphore_mem>>) src(%arg9 : memref<4096xf32, #tpu.memory_space<vmem>>) dst(%dma_wait3A_54 : memref<4096xf32, #tpu.memory_space<hbm>>)
        tpu.yield
      }) : () -> ()
      %scan3A_33 = arith.constant 0 : i32
      %scan3A_34 = arith.constant 0 : i32
      %scan3A_35 = arith.constant 32 : i32
      %scan3A_36 = arith.addi %scan3A_34, %scan3A_35 : i32
      %scan3A_37 = arith.constant 1 : i32
      scf.for %scan3A_53 = %scan3A_34 to %scan3A_36 step %scan3A_37  : i32 {
        %mul3A_54 = arith.constant 128 : i32
        %mul3A_55 = arith.muli %scan3A_53, %mul3A_54 : i32
        %add3A_56 = arith.constant 8192 : i32
        %add3A_57 = arith.addi %add3A_56, %mul3A_55 : i32
        %add3A_58 = arith.constant 0 : i32
        %add3A_59 = arith.addi %add3A_57, %add3A_58 : i32
        %get3A = arith.index_cast %add3A_59 : i32 to index
        %get3A_60 = tpu.vector_load %arg8[%get3A] {strides = array<i32>} : memref<16384xi32, #tpu.memory_space<vmem>>, vector<16xi32>,
        %gather3A = tpu.vector_load_idx %arg7[%get3A_60] : memref<100096xf32, #tpu.memory_space<vmem>>[vector<16xi32>], vector<16xf32>,
        %mul3A_61 = arith.constant 128 : i32
        %mul3A_62 = arith.muli %scan3A_53, %mul3A_61 : i32
        %add3A_63 = arith.constant 0 : i32
        %add3A_64 = arith.addi %mul3A_62, %add3A_63 : i32
        %swap3A = arith.index_cast %add3A_64 : i32 to index
        %swap3A_65 = tpu.vector_load %arg9[%swap3A] {strides = array<i32>} : memref<4096xf32, #tpu.memory_space<vmem>>, vector<16xf32>,
        tpu.vector_store %arg9[%swap3A], %gather3A {strides = array<i32>} : memref<4096xf32, #tpu.memory_space<vmem>>, vector<16xf32>,
        %mul3A_66 = arith.constant 128 : i32
        %mul3A_67 = arith.muli %scan3A_53, %mul3A_66 : i32
        %add3A_68 = arith.constant 8192 : i32
        %add3A_69 = arith.addi %add3A_68, %mul3A_67 : i32
        %add3A_70 = arith.constant 16 : i32
        %add3A_71 = arith.addi %add3A_69, %add3A_70 : i32
        %get3A_72 = arith.index_cast %add3A_71 : i32 to index
        %get3A_73 = tpu.vector_load %arg8[%get3A_72] {strides = array<i32>} : memref<16384xi32, #tpu.memory_space<vmem>>, vector<16xi32>,
        %gather3A_74 = tpu.vector_load_idx %arg7[%get3A_73] : memref<100096xf32, #tpu.memory_space<vmem>>[vector<16xi32>], vector<16xf32>,
        %mul3A_75 = arith.constant 128 : i32
        %mul3A_76 = arith.muli %scan3A_53, %mul3A_75 : i32
        %add3A_77 = arith.constant 16 : i32
        %add3A_78 = arith.addi %mul3A_76, %add3A_77 : i32
        %swap3A_79 = arith.index_cast %add3A_78 : i32 to index
        %swap3A_80 = tpu.vector_load %arg9[%swap3A_79] {strides = array<i32>} : memref<4096xf32, #tpu.memory_space<vmem>>, vector<16xf32>,
        tpu.vector_store %arg9[%swap3A_79], %gather3A_74 {strides = array<i32>} : memref<4096xf32, #tpu.memory_space<vmem>>, vector<16xf32>,
        %mul3A_81 = arith.constant 128 : i32
        %mul3A_82 = arith.muli %scan3A_53, %mul3A_81 : i32
        %add3A_83 = arith.constant 8192 : i32
        %add3A_84 = arith.addi %add3A_83, %mul3A_82 : i32
        %add3A_85 = arith.constant 32 : i32
        %add3A_86 = arith.addi %add3A_84, %add3A_85 : i32
        %get3A_87 = arith.index_cast %add3A_86 : i32 to index
        %get3A_88 = tpu.vector_load %arg8[%get3A_87] {strides = array<i32>} : memref<16384xi32, #tpu.memory_space<vmem>>, vector<16xi32>,
        %gather3A_89 = tpu.vector_load_idx %arg7[%get3A_88] : memref<100096xf32, #tpu.memory_space<vmem>>[vector<16xi32>], vector<16xf32>,
        %mul3A_90 = arith.constant 128 : i32
        %mul3A_91 = arith.muli %scan3A_53, %mul3A_90 : i32
        %add3A_92 = arith.constant 32 : i32
        %add3A_93 = arith.addi %mul3A_91, %add3A_92 : i32
        %swap3A_94 = arith.index_cast %add3A_93 : i32 to index
        %swap3A_95 = tpu.vector_load %arg9[%swap3A_94] {strides = array<i32>} : memref<4096xf32, #tpu.memory_space<vmem>>, vector<16xf32>,
        tpu.vector_store %arg9[%swap3A_94], %gather3A_89 {strides = array<i32>} : memref<4096xf32, #tpu.memory_space<vmem>>, vector<16xf32>,
        %mul3A_96 = arith.constant 128 : i32
        %mul3A_97 = arith.muli %scan3A_53, %mul3A_96 : i32
        %add3A_98 = arith.constant 8192 : i32
        %add3A_99 = arith.addi %add3A_98, %mul3A_97 : i32
        %add3A_100 = arith.constant 48 : i32
        %add3A_101 = arith.addi %add3A_99, %add3A_100 : i32
        %get3A_102 = arith.index_cast %add3A_101 : i32 to index
        %get3A_103 = tpu.vector_load %arg8[%get3A_102] {strides = array<i32>} : memref<16384xi32, #tpu.memory_space<vmem>>, vector<16xi32>,
        %gather3A_104 = tpu.vector_load_idx %arg7[%get3A_103] : memref<100096xf32, #tpu.memory_space<vmem>>[vector<16xi32>], vector<16xf32>,
        %mul3A_105 = arith.constant 128 : i32
        %mul3A_106 = arith.muli %scan3A_53, %mul3A_105 : i32
        %add3A_107 = arith.constant 48 : i32
        %add3A_108 = arith.addi %mul3A_106, %add3A_107 : i32
        %swap3A_109 = arith.index_cast %add3A_108 : i32 to index
        %swap3A_110 = tpu.vector_load %arg9[%swap3A_109] {strides = array<i32>} : memref<4096xf32, #tpu.memory_space<vmem>>, vector<16xf32>,
        tpu.vector_store %arg9[%swap3A_109], %gather3A_104 {strides = array<i32>} : memref<4096xf32, #tpu.memory_space<vmem>>, vector<16xf32>,
        %mul3A_111 = arith.constant 128 : i32
        %mul3A_112 = arith.muli %scan3A_53, %mul3A_111 : i32
        %add3A_113 = arith.constant 8192 : i32
        %add3A_114 = arith.addi %add3A_113, %mul3A_112 : i32
        %add3A_115 = arith.constant 64 : i32
        %add3A_116 = arith.addi %add3A_114, %add3A_115 : i32
        %get3A_117 = arith.index_cast %add3A_116 : i32 to index
        %get3A_118 = tpu.vector_load %arg8[%get3A_117] {strides = array<i32>} : memref<16384xi32, #tpu.memory_space<vmem>>, vector<16xi32>,
        %gather3A_119 = tpu.vector_load_idx %arg7[%get3A_118] : memref<100096xf32, #tpu.memory_space<vmem>>[vector<16xi32>], vector<16xf32>,
        %mul3A_120 = arith.constant 128 : i32
        %mul3A_121 = arith.muli %scan3A_53, %mul3A_120 : i32
        %add3A_122 = arith.constant 64 : i32
        %add3A_123 = arith.addi %mul3A_121, %add3A_122 : i32
        %swap3A_124 = arith.index_cast %add3A_123 : i32 to index
        %swap3A_125 = tpu.vector_load %arg9[%swap3A_124] {strides = array<i32>} : memref<4096xf32, #tpu.memory_space<vmem>>, vector<16xf32>,
        tpu.vector_store %arg9[%swap3A_124], %gather3A_119 {strides = array<i32>} : memref<4096xf32, #tpu.memory_space<vmem>>, vector<16xf32>,
        %mul3A_126 = arith.constant 128 : i32
        %mul3A_127 = arith.muli %scan3A_53, %mul3A_126 : i32
        %add3A_128 = arith.constant 8192 : i32
        %add3A_129 = arith.addi %add3A_128, %mul3A_127 : i32
        %add3A_130 = arith.constant 80 : i32
        %add3A_131 = arith.addi %add3A_129, %add3A_130 : i32
        %get3A_132 = arith.index_cast %add3A_131 : i32 to index
        %get3A_133 = tpu.vector_load %arg8[%get3A_132] {strides = array<i32>} : memref<16384xi32, #tpu.memory_space<vmem>>, vector<16xi32>,
        %gather3A_134 = tpu.vector_load_idx %arg7[%get3A_133] : memref<100096xf32, #tpu.memory_space<vmem>>[vector<16xi32>], vector<16xf32>,
        %mul3A_135 = arith.constant 128 : i32
        %mul3A_136 = arith.muli %scan3A_53, %mul3A_135 : i32
        %add3A_137 = arith.constant 80 : i32
        %add3A_138 = arith.addi %mul3A_136, %add3A_137 : i32
        %swap3A_139 = arith.index_cast %add3A_138 : i32 to index
        %swap3A_140 = tpu.vector_load %arg9[%swap3A_139] {strides = array<i32>} : memref<4096xf32, #tpu.memory_space<vmem>>, vector<16xf32>,
        tpu.vector_store %arg9[%swap3A_139], %gather3A_134 {strides = array<i32>} : memref<4096xf32, #tpu.memory_space<vmem>>, vector<16xf32>,
        %mul3A_141 = arith.constant 128 : i32
        %mul3A_142 = arith.muli %scan3A_53, %mul3A_141 : i32
        %add3A_143 = arith.constant 8192 : i32
        %add3A_144 = arith.addi %add3A_143, %mul3A_142 : i32
        %add3A_145 = arith.constant 96 : i32
        %add3A_146 = arith.addi %add3A_144, %add3A_145 : i32
        %get3A_147 = arith.index_cast %add3A_146 : i32 to index
        %get3A_148 = tpu.vector_load %arg8[%get3A_147] {strides = array<i32>} : memref<16384xi32, #tpu.memory_space<vmem>>, vector<16xi32>,
        %gather3A_149 = tpu.vector_load_idx %arg7[%get3A_148] : memref<100096xf32, #tpu.memory_space<vmem>>[vector<16xi32>], vector<16xf32>,
        %mul3A_150 = arith.constant 128 : i32
        %mul3A_151 = arith.muli %scan3A_53, %mul3A_150 : i32
        %add3A_152 = arith.constant 96 : i32
        %add3A_153 = arith.addi %mul3A_151, %add3A_152 : i32
        %swap3A_154 = arith.index_cast %add3A_153 : i32 to index
        %swap3A_155 = tpu.vector_load %arg9[%swap3A_154] {strides = array<i32>} : memref<4096xf32, #tpu.memory_space<vmem>>, vector<16xf32>,
        tpu.vector_store %arg9[%swap3A_154], %gather3A_149 {strides = array<i32>} : memref<4096xf32, #tpu.memory_space<vmem>>, vector<16xf32>,
        %mul3A_156 = arith.constant 128 : i32
        %mul3A_157 = arith.muli %scan3A_53, %mul3A_156 : i32
        %add3A_158 = arith.constant 8192 : i32
        %add3A_159 = arith.addi %add3A_158, %mul3A_157 : i32
        %add3A_160 = arith.constant 112 : i32
        %add3A_161 = arith.addi %add3A_159, %add3A_160 : i32
        %get3A_162 = arith.index_cast %add3A_161 : i32 to index
        %get3A_163 = tpu.vector_load %arg8[%get3A_162] {strides = array<i32>} : memref<16384xi32, #tpu.memory_space<vmem>>, vector<16xi32>,
        %gather3A_164 = tpu.vector_load_idx %arg7[%get3A_163] : memref<100096xf32, #tpu.memory_space<vmem>>[vector<16xi32>], vector<16xf32>,
        %mul3A_165 = arith.constant 128 : i32
        %mul3A_166 = arith.muli %scan3A_53, %mul3A_165 : i32
        %add3A_167 = arith.constant 112 : i32
        %add3A_168 = arith.addi %mul3A_166, %add3A_167 : i32
        %swap3A_169 = arith.index_cast %add3A_168 : i32 to index
        %swap3A_170 = tpu.vector_load %arg9[%swap3A_169] {strides = array<i32>} : memref<4096xf32, #tpu.memory_space<vmem>>, vector<16xf32>,
        tpu.vector_store %arg9[%swap3A_169], %gather3A_164 {strides = array<i32>} : memref<4096xf32, #tpu.memory_space<vmem>>, vector<16xf32>,
      }
      %scan3A_38 = arith.constant 32 : i32
      %mul3A_39 = arith.constant 16384 : i32
      %mul3A_40 = arith.muli %add3A_12, %mul3A_39 : i32
      %add3A_41 = arith.constant 8192 : i32
      %add3A_42 = arith.addi %mul3A_40, %add3A_41 : i32
      "tpu.region"() ({
        %run_scoped3A = tpu.sem_alloc : memref<!tpu.dma_semaphore, #tpu.memory_space<semaphore_mem>>
        %dma_start3A = tpu.memref_slice %arg6[%add3A_42] : memref<3489792xf32, #tpu.memory_space<hbm>> -> memref<4096xf32, #tpu.memory_space<hbm>>
        %dma_start3A_53 = tpu.memref_slice %arg6[%add3A_42] : memref<3489792xf32, #tpu.memory_space<hbm>> -> memref<4096xf32, #tpu.memory_space<hbm>>
        tpu.enqueue_dma source(%arg9 : memref<4096xf32, #tpu.memory_space<vmem>>) target(%dma_start3A_53 : memref<4096xf32, #tpu.memory_space<hbm>>) target_semaphore(%run_scoped3A : memref<!tpu.dma_semaphore, #tpu.memory_space<semaphore_mem>>)
        %dma_wait3A = tpu.memref_slice %arg6[%add3A_42] : memref<3489792xf32, #tpu.memory_space<hbm>> -> memref<4096xf32, #tpu.memory_space<hbm>>
        %dma_wait3A_54 = tpu.memref_slice %arg6[%add3A_42] : memref<3489792xf32, #tpu.memory_space<hbm>> -> memref<4096xf32, #tpu.memory_space<hbm>>
        tpu.wait_dma2 semaphore(%run_scoped3A : memref<!tpu.dma_semaphore, #tpu.memory_space<semaphore_mem>>) src(%arg9 : memref<4096xf32, #tpu.memory_space<vmem>>) dst(%dma_wait3A_54 : memref<4096xf32, #tpu.memory_space<hbm>>)
        tpu.yield
      }) : () -> ()
      %scan3A_43 = arith.constant 0 : i32
      %scan3A_44 = arith.constant 0 : i32
      %scan3A_45 = arith.constant 32 : i32
      %scan3A_46 = arith.addi %scan3A_44, %scan3A_45 : i32
      %scan3A_47 = arith.constant 1 : i32
      scf.for %scan3A_53 = %scan3A_44 to %scan3A_46 step %scan3A_47  : i32 {
        %mul3A_54 = arith.constant 128 : i32
        %mul3A_55 = arith.muli %scan3A_53, %mul3A_54 : i32
        %add3A_56 = arith.constant 12288 : i32
        %add3A_57 = arith.addi %add3A_56, %mul3A_55 : i32
        %add3A_58 = arith.constant 0 : i32
        %add3A_59 = arith.addi %add3A_57, %add3A_58 : i32
        %get3A = arith.index_cast %add3A_59 : i32 to index
        %get3A_60 = tpu.vector_load %arg8[%get3A] {strides = array<i32>} : memref<16384xi32, #tpu.memory_space<vmem>>, vector<16xi32>,
        %gather3A = tpu.vector_load_idx %arg7[%get3A_60] : memref<100096xf32, #tpu.memory_space<vmem>>[vector<16xi32>], vector<16xf32>,
        %mul3A_61 = arith.constant 128 : i32
        %mul3A_62 = arith.muli %scan3A_53, %mul3A_61 : i32
        %add3A_63 = arith.constant 0 : i32
        %add3A_64 = arith.addi %mul3A_62, %add3A_63 : i32
        %swap3A = arith.index_cast %add3A_64 : i32 to index
        %swap3A_65 = tpu.vector_load %arg9[%swap3A] {strides = array<i32>} : memref<4096xf32, #tpu.memory_space<vmem>>, vector<16xf32>,
        tpu.vector_store %arg9[%swap3A], %gather3A {strides = array<i32>} : memref<4096xf32, #tpu.memory_space<vmem>>, vector<16xf32>,
        %mul3A_66 = arith.constant 128 : i32
        %mul3A_67 = arith.muli %scan3A_53, %mul3A_66 : i32
        %add3A_68 = arith.constant 12288 : i32
        %add3A_69 = arith.addi %add3A_68, %mul3A_67 : i32
        %add3A_70 = arith.constant 16 : i32
        %add3A_71 = arith.addi %add3A_69, %add3A_70 : i32
        %get3A_72 = arith.index_cast %add3A_71 : i32 to index
        %get3A_73 = tpu.vector_load %arg8[%get3A_72] {strides = array<i32>} : memref<16384xi32, #tpu.memory_space<vmem>>, vector<16xi32>,
        %gather3A_74 = tpu.vector_load_idx %arg7[%get3A_73] : memref<100096xf32, #tpu.memory_space<vmem>>[vector<16xi32>], vector<16xf32>,
        %mul3A_75 = arith.constant 128 : i32
        %mul3A_76 = arith.muli %scan3A_53, %mul3A_75 : i32
        %add3A_77 = arith.constant 16 : i32
        %add3A_78 = arith.addi %mul3A_76, %add3A_77 : i32
        %swap3A_79 = arith.index_cast %add3A_78 : i32 to index
        %swap3A_80 = tpu.vector_load %arg9[%swap3A_79] {strides = array<i32>} : memref<4096xf32, #tpu.memory_space<vmem>>, vector<16xf32>,
        tpu.vector_store %arg9[%swap3A_79], %gather3A_74 {strides = array<i32>} : memref<4096xf32, #tpu.memory_space<vmem>>, vector<16xf32>,
        %mul3A_81 = arith.constant 128 : i32
        %mul3A_82 = arith.muli %scan3A_53, %mul3A_81 : i32
        %add3A_83 = arith.constant 12288 : i32
        %add3A_84 = arith.addi %add3A_83, %mul3A_82 : i32
        %add3A_85 = arith.constant 32 : i32
        %add3A_86 = arith.addi %add3A_84, %add3A_85 : i32
        %get3A_87 = arith.index_cast %add3A_86 : i32 to index
        %get3A_88 = tpu.vector_load %arg8[%get3A_87] {strides = array<i32>} : memref<16384xi32, #tpu.memory_space<vmem>>, vector<16xi32>,
        %gather3A_89 = tpu.vector_load_idx %arg7[%get3A_88] : memref<100096xf32, #tpu.memory_space<vmem>>[vector<16xi32>], vector<16xf32>,
        %mul3A_90 = arith.constant 128 : i32
        %mul3A_91 = arith.muli %scan3A_53, %mul3A_90 : i32
        %add3A_92 = arith.constant 32 : i32
        %add3A_93 = arith.addi %mul3A_91, %add3A_92 : i32
        %swap3A_94 = arith.index_cast %add3A_93 : i32 to index
        %swap3A_95 = tpu.vector_load %arg9[%swap3A_94] {strides = array<i32>} : memref<4096xf32, #tpu.memory_space<vmem>>, vector<16xf32>,
        tpu.vector_store %arg9[%swap3A_94], %gather3A_89 {strides = array<i32>} : memref<4096xf32, #tpu.memory_space<vmem>>, vector<16xf32>,
        %mul3A_96 = arith.constant 128 : i32
        %mul3A_97 = arith.muli %scan3A_53, %mul3A_96 : i32
        %add3A_98 = arith.constant 12288 : i32
        %add3A_99 = arith.addi %add3A_98, %mul3A_97 : i32
        %add3A_100 = arith.constant 48 : i32
        %add3A_101 = arith.addi %add3A_99, %add3A_100 : i32
        %get3A_102 = arith.index_cast %add3A_101 : i32 to index
        %get3A_103 = tpu.vector_load %arg8[%get3A_102] {strides = array<i32>} : memref<16384xi32, #tpu.memory_space<vmem>>, vector<16xi32>,
        %gather3A_104 = tpu.vector_load_idx %arg7[%get3A_103] : memref<100096xf32, #tpu.memory_space<vmem>>[vector<16xi32>], vector<16xf32>,
        %mul3A_105 = arith.constant 128 : i32
        %mul3A_106 = arith.muli %scan3A_53, %mul3A_105 : i32
        %add3A_107 = arith.constant 48 : i32
        %add3A_108 = arith.addi %mul3A_106, %add3A_107 : i32
        %swap3A_109 = arith.index_cast %add3A_108 : i32 to index
        %swap3A_110 = tpu.vector_load %arg9[%swap3A_109] {strides = array<i32>} : memref<4096xf32, #tpu.memory_space<vmem>>, vector<16xf32>,
        tpu.vector_store %arg9[%swap3A_109], %gather3A_104 {strides = array<i32>} : memref<4096xf32, #tpu.memory_space<vmem>>, vector<16xf32>,
        %mul3A_111 = arith.constant 128 : i32
        %mul3A_112 = arith.muli %scan3A_53, %mul3A_111 : i32
        %add3A_113 = arith.constant 12288 : i32
        %add3A_114 = arith.addi %add3A_113, %mul3A_112 : i32
        %add3A_115 = arith.constant 64 : i32
        %add3A_116 = arith.addi %add3A_114, %add3A_115 : i32
        %get3A_117 = arith.index_cast %add3A_116 : i32 to index
        %get3A_118 = tpu.vector_load %arg8[%get3A_117] {strides = array<i32>} : memref<16384xi32, #tpu.memory_space<vmem>>, vector<16xi32>,
        %gather3A_119 = tpu.vector_load_idx %arg7[%get3A_118] : memref<100096xf32, #tpu.memory_space<vmem>>[vector<16xi32>], vector<16xf32>,
        %mul3A_120 = arith.constant 128 : i32
        %mul3A_121 = arith.muli %scan3A_53, %mul3A_120 : i32
        %add3A_122 = arith.constant 64 : i32
        %add3A_123 = arith.addi %mul3A_121, %add3A_122 : i32
        %swap3A_124 = arith.index_cast %add3A_123 : i32 to index
        %swap3A_125 = tpu.vector_load %arg9[%swap3A_124] {strides = array<i32>} : memref<4096xf32, #tpu.memory_space<vmem>>, vector<16xf32>,
        tpu.vector_store %arg9[%swap3A_124], %gather3A_119 {strides = array<i32>} : memref<4096xf32, #tpu.memory_space<vmem>>, vector<16xf32>,
        %mul3A_126 = arith.constant 128 : i32
        %mul3A_127 = arith.muli %scan3A_53, %mul3A_126 : i32
        %add3A_128 = arith.constant 12288 : i32
        %add3A_129 = arith.addi %add3A_128, %mul3A_127 : i32
        %add3A_130 = arith.constant 80 : i32
        %add3A_131 = arith.addi %add3A_129, %add3A_130 : i32
        %get3A_132 = arith.index_cast %add3A_131 : i32 to index
        %get3A_133 = tpu.vector_load %arg8[%get3A_132] {strides = array<i32>} : memref<16384xi32, #tpu.memory_space<vmem>>, vector<16xi32>,
        %gather3A_134 = tpu.vector_load_idx %arg7[%get3A_133] : memref<100096xf32, #tpu.memory_space<vmem>>[vector<16xi32>], vector<16xf32>,
        %mul3A_135 = arith.constant 128 : i32
        %mul3A_136 = arith.muli %scan3A_53, %mul3A_135 : i32
        %add3A_137 = arith.constant 80 : i32
        %add3A_138 = arith.addi %mul3A_136, %add3A_137 : i32
        %swap3A_139 = arith.index_cast %add3A_138 : i32 to index
        %swap3A_140 = tpu.vector_load %arg9[%swap3A_139] {strides = array<i32>} : memref<4096xf32, #tpu.memory_space<vmem>>, vector<16xf32>,
        tpu.vector_store %arg9[%swap3A_139], %gather3A_134 {strides = array<i32>} : memref<4096xf32, #tpu.memory_space<vmem>>, vector<16xf32>,
        %mul3A_141 = arith.constant 128 : i32
        %mul3A_142 = arith.muli %scan3A_53, %mul3A_141 : i32
        %add3A_143 = arith.constant 12288 : i32
        %add3A_144 = arith.addi %add3A_143, %mul3A_142 : i32
        %add3A_145 = arith.constant 96 : i32
        %add3A_146 = arith.addi %add3A_144, %add3A_145 : i32
        %get3A_147 = arith.index_cast %add3A_146 : i32 to index
        %get3A_148 = tpu.vector_load %arg8[%get3A_147] {strides = array<i32>} : memref<16384xi32, #tpu.memory_space<vmem>>, vector<16xi32>,
        %gather3A_149 = tpu.vector_load_idx %arg7[%get3A_148] : memref<100096xf32, #tpu.memory_space<vmem>>[vector<16xi32>], vector<16xf32>,
        %mul3A_150 = arith.constant 128 : i32
        %mul3A_151 = arith.muli %scan3A_53, %mul3A_150 : i32
        %add3A_152 = arith.constant 96 : i32
        %add3A_153 = arith.addi %mul3A_151, %add3A_152 : i32
        %swap3A_154 = arith.index_cast %add3A_153 : i32 to index
        %swap3A_155 = tpu.vector_load %arg9[%swap3A_154] {strides = array<i32>} : memref<4096xf32, #tpu.memory_space<vmem>>, vector<16xf32>,
        tpu.vector_store %arg9[%swap3A_154], %gather3A_149 {strides = array<i32>} : memref<4096xf32, #tpu.memory_space<vmem>>, vector<16xf32>,
        %mul3A_156 = arith.constant 128 : i32
        %mul3A_157 = arith.muli %scan3A_53, %mul3A_156 : i32
        %add3A_158 = arith.constant 12288 : i32
        %add3A_159 = arith.addi %add3A_158, %mul3A_157 : i32
        %add3A_160 = arith.constant 112 : i32
        %add3A_161 = arith.addi %add3A_159, %add3A_160 : i32
        %get3A_162 = arith.index_cast %add3A_161 : i32 to index
        %get3A_163 = tpu.vector_load %arg8[%get3A_162] {strides = array<i32>} : memref<16384xi32, #tpu.memory_space<vmem>>, vector<16xi32>,
        %gather3A_164 = tpu.vector_load_idx %arg7[%get3A_163] : memref<100096xf32, #tpu.memory_space<vmem>>[vector<16xi32>], vector<16xf32>,
        %mul3A_165 = arith.constant 128 : i32
        %mul3A_166 = arith.muli %scan3A_53, %mul3A_165 : i32
        %add3A_167 = arith.constant 112 : i32
        %add3A_168 = arith.addi %mul3A_166, %add3A_167 : i32
        %swap3A_169 = arith.index_cast %add3A_168 : i32 to index
        %swap3A_170 = tpu.vector_load %arg9[%swap3A_169] {strides = array<i32>} : memref<4096xf32, #tpu.memory_space<vmem>>, vector<16xf32>,
        tpu.vector_store %arg9[%swap3A_169], %gather3A_164 {strides = array<i32>} : memref<4096xf32, #tpu.memory_space<vmem>>, vector<16xf32>,
      }
      %scan3A_48 = arith.constant 32 : i32
      %mul3A_49 = arith.constant 16384 : i32
      %mul3A_50 = arith.muli %add3A_12, %mul3A_49 : i32
      %add3A_51 = arith.constant 12288 : i32
      %add3A_52 = arith.addi %mul3A_50, %add3A_51 : i32
      "tpu.region"() ({
        %run_scoped3A = tpu.sem_alloc : memref<!tpu.dma_semaphore, #tpu.memory_space<semaphore_mem>>
        %dma_start3A = tpu.memref_slice %arg6[%add3A_52] : memref<3489792xf32, #tpu.memory_space<hbm>> -> memref<4096xf32, #tpu.memory_space<hbm>>
        %dma_start3A_53 = tpu.memref_slice %arg6[%add3A_52] : memref<3489792xf32, #tpu.memory_space<hbm>> -> memref<4096xf32, #tpu.memory_space<hbm>>
        tpu.enqueue_dma source(%arg9 : memref<4096xf32, #tpu.memory_space<vmem>>) target(%dma_start3A_53 : memref<4096xf32, #tpu.memory_space<hbm>>) target_semaphore(%run_scoped3A : memref<!tpu.dma_semaphore, #tpu.memory_space<semaphore_mem>>)
        %dma_wait3A = tpu.memref_slice %arg6[%add3A_52] : memref<3489792xf32, #tpu.memory_space<hbm>> -> memref<4096xf32, #tpu.memory_space<hbm>>
        %dma_wait3A_54 = tpu.memref_slice %arg6[%add3A_52] : memref<3489792xf32, #tpu.memory_space<hbm>> -> memref<4096xf32, #tpu.memory_space<hbm>>
        tpu.wait_dma2 semaphore(%run_scoped3A : memref<!tpu.dma_semaphore, #tpu.memory_space<semaphore_mem>>) src(%arg9 : memref<4096xf32, #tpu.memory_space<vmem>>) dst(%dma_wait3A_54 : memref<4096xf32, #tpu.memory_space<hbm>>)
        tpu.yield
      }) : () -> ()
    } else {
    }
    return
  }
}

module attributes {stable_mosaic.version = 14 : i64} {
  func.func @body(%arg0: i32, %arg1: memref<1x8x100096xf32, #tpu.memory_space<vmem>>, %arg2: memref<800768xf32, #tpu.memory_space<vmem>>) attributes {dimension_semantics = [#tpu.dimension_semantics<arbitrary>], iteration_bounds = array<i64: 27>, scalar_prefetch = 0 : i64, scratch_operands = 0 : i64, tpu.core_type = #tpu.core_type<tc>, window_params = [{transform_indices = @transform_0, window_bounds = array<i64: 1, 8, 100096>}, {transform_indices = @transform_1, window_bounds = array<i64: 800768>}]} {
    %get3A = arith.constant 0 : index
    %get3A_0 = arith.constant 0 : index
    %get3A_1 = arith.constant 0 : index
    %get3A_2 = vector.load %arg1[%get3A, %get3A_0, %get3A_1] : memref<1x8x100096xf32, #tpu.memory_space<vmem>>, vector<1x1x100096xf32>
    %get3A_3 = vector.shape_cast %get3A_2 : vector<1x1x100096xf32> to vector<100096xf32>
    %swap3A = arith.constant 0 : index
    %swap3A_4 = vector.load %arg2[%swap3A] : memref<800768xf32, #tpu.memory_space<vmem>>, vector<100096xf32>
    tpu.vector_store %arg2[%swap3A], %get3A_3 {strides = array<i32>} : memref<800768xf32, #tpu.memory_space<vmem>>, vector<100096xf32>,
    %get3A_5 = arith.constant 0 : index
    %get3A_6 = arith.constant 1 : index
    %get3A_7 = arith.constant 0 : index
    %get3A_8 = vector.load %arg1[%get3A_5, %get3A_6, %get3A_7] : memref<1x8x100096xf32, #tpu.memory_space<vmem>>, vector<1x1x100096xf32>
    %get3A_9 = vector.shape_cast %get3A_8 : vector<1x1x100096xf32> to vector<100096xf32>
    %swap3A_10 = arith.constant 100096 : index
    %swap3A_11 = vector.load %arg2[%swap3A_10] : memref<800768xf32, #tpu.memory_space<vmem>>, vector<100096xf32>
    tpu.vector_store %arg2[%swap3A_10], %get3A_9 {strides = array<i32>} : memref<800768xf32, #tpu.memory_space<vmem>>, vector<100096xf32>,
    %get3A_12 = arith.constant 0 : index
    %get3A_13 = arith.constant 2 : index
    %get3A_14 = arith.constant 0 : index
    %get3A_15 = vector.load %arg1[%get3A_12, %get3A_13, %get3A_14] : memref<1x8x100096xf32, #tpu.memory_space<vmem>>, vector<1x1x100096xf32>
    %get3A_16 = vector.shape_cast %get3A_15 : vector<1x1x100096xf32> to vector<100096xf32>
    %swap3A_17 = arith.constant 200192 : index
    %swap3A_18 = vector.load %arg2[%swap3A_17] : memref<800768xf32, #tpu.memory_space<vmem>>, vector<100096xf32>
    tpu.vector_store %arg2[%swap3A_17], %get3A_16 {strides = array<i32>} : memref<800768xf32, #tpu.memory_space<vmem>>, vector<100096xf32>,
    %get3A_19 = arith.constant 0 : index
    %get3A_20 = arith.constant 3 : index
    %get3A_21 = arith.constant 0 : index
    %get3A_22 = vector.load %arg1[%get3A_19, %get3A_20, %get3A_21] : memref<1x8x100096xf32, #tpu.memory_space<vmem>>, vector<1x1x100096xf32>
    %get3A_23 = vector.shape_cast %get3A_22 : vector<1x1x100096xf32> to vector<100096xf32>
    %swap3A_24 = arith.constant 300288 : index
    %swap3A_25 = vector.load %arg2[%swap3A_24] : memref<800768xf32, #tpu.memory_space<vmem>>, vector<100096xf32>
    tpu.vector_store %arg2[%swap3A_24], %get3A_23 {strides = array<i32>} : memref<800768xf32, #tpu.memory_space<vmem>>, vector<100096xf32>,
    %get3A_26 = arith.constant 0 : index
    %get3A_27 = arith.constant 4 : index
    %get3A_28 = arith.constant 0 : index
    %get3A_29 = vector.load %arg1[%get3A_26, %get3A_27, %get3A_28] : memref<1x8x100096xf32, #tpu.memory_space<vmem>>, vector<1x1x100096xf32>
    %get3A_30 = vector.shape_cast %get3A_29 : vector<1x1x100096xf32> to vector<100096xf32>
    %swap3A_31 = arith.constant 400384 : index
    %swap3A_32 = vector.load %arg2[%swap3A_31] : memref<800768xf32, #tpu.memory_space<vmem>>, vector<100096xf32>
    tpu.vector_store %arg2[%swap3A_31], %get3A_30 {strides = array<i32>} : memref<800768xf32, #tpu.memory_space<vmem>>, vector<100096xf32>,
    %get3A_33 = arith.constant 0 : index
    %get3A_34 = arith.constant 5 : index
    %get3A_35 = arith.constant 0 : index
    %get3A_36 = vector.load %arg1[%get3A_33, %get3A_34, %get3A_35] : memref<1x8x100096xf32, #tpu.memory_space<vmem>>, vector<1x1x100096xf32>
    %get3A_37 = vector.shape_cast %get3A_36 : vector<1x1x100096xf32> to vector<100096xf32>
    %swap3A_38 = arith.constant 500480 : index
    %swap3A_39 = vector.load %arg2[%swap3A_38] : memref<800768xf32, #tpu.memory_space<vmem>>, vector<100096xf32>
    tpu.vector_store %arg2[%swap3A_38], %get3A_37 {strides = array<i32>} : memref<800768xf32, #tpu.memory_space<vmem>>, vector<100096xf32>,
    %get3A_40 = arith.constant 0 : index
    %get3A_41 = arith.constant 6 : index
    %get3A_42 = arith.constant 0 : index
    %get3A_43 = vector.load %arg1[%get3A_40, %get3A_41, %get3A_42] : memref<1x8x100096xf32, #tpu.memory_space<vmem>>, vector<1x1x100096xf32>
    %get3A_44 = vector.shape_cast %get3A_43 : vector<1x1x100096xf32> to vector<100096xf32>
    %swap3A_45 = arith.constant 600576 : index
    %swap3A_46 = vector.load %arg2[%swap3A_45] : memref<800768xf32, #tpu.memory_space<vmem>>, vector<100096xf32>
    tpu.vector_store %arg2[%swap3A_45], %get3A_44 {strides = array<i32>} : memref<800768xf32, #tpu.memory_space<vmem>>, vector<100096xf32>,
    %get3A_47 = arith.constant 0 : index
    %get3A_48 = arith.constant 7 : index
    %get3A_49 = arith.constant 0 : index
    %get3A_50 = vector.load %arg1[%get3A_47, %get3A_48, %get3A_49] : memref<1x8x100096xf32, #tpu.memory_space<vmem>>, vector<1x1x100096xf32>
    %get3A_51 = vector.shape_cast %get3A_50 : vector<1x1x100096xf32> to vector<100096xf32>
    %swap3A_52 = arith.constant 700672 : index
    %swap3A_53 = vector.load %arg2[%swap3A_52] : memref<800768xf32, #tpu.memory_space<vmem>>, vector<100096xf32>
    tpu.vector_store %arg2[%swap3A_52], %get3A_51 {strides = array<i32>} : memref<800768xf32, #tpu.memory_space<vmem>>, vector<100096xf32>,
    return
  }
  func.func @transform_0(%arg0: i32) -> (i32, i32, i32) {
    %add3A = arith.constant 0 : i32
    %add3A_0 = arith.addi %arg0, %add3A : i32
    %jit3A = arith.constant 2 : i32
    %div3A = arith.divsi %add3A_0, %jit3A : i32
    %sign3A = arith.constant 0 : i32
    %sign3A_1 = arith.cmpi sgt, %add3A_0, %sign3A : i32
    %sign3A_2 = arith.extui %sign3A_1 : i1 to i32
    %sign3A_3 = arith.constant 0 : i32
    %sign3A_4 = arith.cmpi slt, %add3A_0, %sign3A_3 : i32
    %sign3A_5 = arith.extui %sign3A_4 : i1 to i32
    %sign3A_6 = arith.subi %sign3A_2, %sign3A_5 : i32
    %sign3A_7 = arith.constant 0 : i32
    %sign3A_8 = arith.cmpi sgt, %jit3A, %sign3A_7 : i32
    %sign3A_9 = arith.extui %sign3A_8 : i1 to i32
    %sign3A_10 = arith.constant 0 : i32
    %sign3A_11 = arith.cmpi slt, %jit3A, %sign3A_10 : i32
    %sign3A_12 = arith.extui %sign3A_11 : i1 to i32
    %sign3A_13 = arith.subi %sign3A_9, %sign3A_12 : i32
    %ne3A = arith.cmpi ne, %sign3A_6, %sign3A_13 : i32
    %rem3A = arith.remsi %add3A_0, %jit3A : i32
    %ne3A_14 = arith.constant 0 : i32
    %ne3A_15 = arith.cmpi ne, %rem3A, %ne3A_14 : i32
    %and3A = arith.andi %ne3A, %ne3A_15 : i1
    %sub3A = arith.constant 1 : i32
    %sub3A_16 = arith.subi %div3A, %sub3A : i32
    %select_n3A = arith.select %and3A, %sub3A_16, %div3A : i32
    %add3A_17 = arith.constant 0 : i32
    %add3A_18 = arith.addi %arg0, %add3A_17 : i32
    %jit3A_19 = arith.constant 2 : i32
    %eq3A = arith.constant 0 : i32
    %eq3A_20 = arith.cmpi eq, %jit3A_19, %eq3A : i32
    %jit3A_21 = arith.constant 1 : i32
    %select_n3A_22 = arith.select %eq3A_20, %jit3A_21, %jit3A_19 : i32
    %rem3A_23 = arith.remsi %add3A_18, %select_n3A_22 : i32
    %ne3A_24 = arith.constant 0 : i32
    %ne3A_25 = arith.cmpi ne, %rem3A_23, %ne3A_24 : i32
    %lt3A = arith.constant 0 : i32
    %lt3A_26 = arith.cmpi slt, %rem3A_23, %lt3A : i32
    %lt3A_27 = arith.constant 0 : i32
    %lt3A_28 = arith.cmpi slt, %select_n3A_22, %lt3A_27 : i32
    %ne3A_29 = arith.xori %lt3A_26, %lt3A_28 : i1
    %and3A_30 = arith.andi %ne3A_29, %ne3A_25 : i1
    %add3A_31 = arith.addi %rem3A_23, %select_n3A_22 : i32
    %select_n3A_32 = arith.select %and3A_30, %add3A_31, %rem3A_23 : i32
    %c0_i32 = arith.constant 0 : i32
    %c0_i32_33 = arith.constant 0 : i32
    return %select_n3A, %select_n3A_32, %c0_i32 : i32, i32, i32
  }
  func.func @transform_1(%arg0: i32) -> i32 {
    %c0_i32 = arith.constant 0 : i32
    return %arg0 : i32
  }
}

module attributes {stable_mosaic.version = 14 : i64} {
  func.func @body(%arg0: i32, %arg1: memref<1x8x100096xf32, #tpu.memory_space<vmem>>, %arg2: memref<800768xf32, #tpu.memory_space<vmem>>) attributes {dimension_semantics = [#tpu.dimension_semantics<arbitrary>], iteration_bounds = array<i64: 25>, scalar_prefetch = 0 : i64, scratch_operands = 0 : i64, tpu.core_type = #tpu.core_type<tc>, window_params = [{transform_indices = @transform_0, window_bounds = array<i64: 1, 8, 100096>}, {transform_indices = @transform_1, window_bounds = array<i64: 800768>}]} {
    %get3A = arith.constant 0 : index
    %get3A_0 = arith.constant 0 : index
    %get3A_1 = arith.constant 0 : index
    %get3A_2 = vector.load %arg1[%get3A, %get3A_0, %get3A_1] : memref<1x8x100096xf32, #tpu.memory_space<vmem>>, vector<1x1x100096xf32>
    %get3A_3 = vector.shape_cast %get3A_2 : vector<1x1x100096xf32> to vector<100096xf32>
    %swap3A = arith.constant 0 : index
    %swap3A_4 = vector.load %arg2[%swap3A] : memref<800768xf32, #tpu.memory_space<vmem>>, vector<100096xf32>
    tpu.vector_store %arg2[%swap3A], %get3A_3 {strides = array<i32>} : memref<800768xf32, #tpu.memory_space<vmem>>, vector<100096xf32>,
    %get3A_5 = arith.constant 0 : index
    %get3A_6 = arith.constant 1 : index
    %get3A_7 = arith.constant 0 : index
    %get3A_8 = vector.load %arg1[%get3A_5, %get3A_6, %get3A_7] : memref<1x8x100096xf32, #tpu.memory_space<vmem>>, vector<1x1x100096xf32>
    %get3A_9 = vector.shape_cast %get3A_8 : vector<1x1x100096xf32> to vector<100096xf32>
    %swap3A_10 = arith.constant 100096 : index
    %swap3A_11 = vector.load %arg2[%swap3A_10] : memref<800768xf32, #tpu.memory_space<vmem>>, vector<100096xf32>
    tpu.vector_store %arg2[%swap3A_10], %get3A_9 {strides = array<i32>} : memref<800768xf32, #tpu.memory_space<vmem>>, vector<100096xf32>,
    %get3A_12 = arith.constant 0 : index
    %get3A_13 = arith.constant 2 : index
    %get3A_14 = arith.constant 0 : index
    %get3A_15 = vector.load %arg1[%get3A_12, %get3A_13, %get3A_14] : memref<1x8x100096xf32, #tpu.memory_space<vmem>>, vector<1x1x100096xf32>
    %get3A_16 = vector.shape_cast %get3A_15 : vector<1x1x100096xf32> to vector<100096xf32>
    %swap3A_17 = arith.constant 200192 : index
    %swap3A_18 = vector.load %arg2[%swap3A_17] : memref<800768xf32, #tpu.memory_space<vmem>>, vector<100096xf32>
    tpu.vector_store %arg2[%swap3A_17], %get3A_16 {strides = array<i32>} : memref<800768xf32, #tpu.memory_space<vmem>>, vector<100096xf32>,
    %get3A_19 = arith.constant 0 : index
    %get3A_20 = arith.constant 3 : index
    %get3A_21 = arith.constant 0 : index
    %get3A_22 = vector.load %arg1[%get3A_19, %get3A_20, %get3A_21] : memref<1x8x100096xf32, #tpu.memory_space<vmem>>, vector<1x1x100096xf32>
    %get3A_23 = vector.shape_cast %get3A_22 : vector<1x1x100096xf32> to vector<100096xf32>
    %swap3A_24 = arith.constant 300288 : index
    %swap3A_25 = vector.load %arg2[%swap3A_24] : memref<800768xf32, #tpu.memory_space<vmem>>, vector<100096xf32>
    tpu.vector_store %arg2[%swap3A_24], %get3A_23 {strides = array<i32>} : memref<800768xf32, #tpu.memory_space<vmem>>, vector<100096xf32>,
    %get3A_26 = arith.constant 0 : index
    %get3A_27 = arith.constant 4 : index
    %get3A_28 = arith.constant 0 : index
    %get3A_29 = vector.load %arg1[%get3A_26, %get3A_27, %get3A_28] : memref<1x8x100096xf32, #tpu.memory_space<vmem>>, vector<1x1x100096xf32>
    %get3A_30 = vector.shape_cast %get3A_29 : vector<1x1x100096xf32> to vector<100096xf32>
    %swap3A_31 = arith.constant 400384 : index
    %swap3A_32 = vector.load %arg2[%swap3A_31] : memref<800768xf32, #tpu.memory_space<vmem>>, vector<100096xf32>
    tpu.vector_store %arg2[%swap3A_31], %get3A_30 {strides = array<i32>} : memref<800768xf32, #tpu.memory_space<vmem>>, vector<100096xf32>,
    %get3A_33 = arith.constant 0 : index
    %get3A_34 = arith.constant 5 : index
    %get3A_35 = arith.constant 0 : index
    %get3A_36 = vector.load %arg1[%get3A_33, %get3A_34, %get3A_35] : memref<1x8x100096xf32, #tpu.memory_space<vmem>>, vector<1x1x100096xf32>
    %get3A_37 = vector.shape_cast %get3A_36 : vector<1x1x100096xf32> to vector<100096xf32>
    %swap3A_38 = arith.constant 500480 : index
    %swap3A_39 = vector.load %arg2[%swap3A_38] : memref<800768xf32, #tpu.memory_space<vmem>>, vector<100096xf32>
    tpu.vector_store %arg2[%swap3A_38], %get3A_37 {strides = array<i32>} : memref<800768xf32, #tpu.memory_space<vmem>>, vector<100096xf32>,
    %get3A_40 = arith.constant 0 : index
    %get3A_41 = arith.constant 6 : index
    %get3A_42 = arith.constant 0 : index
    %get3A_43 = vector.load %arg1[%get3A_40, %get3A_41, %get3A_42] : memref<1x8x100096xf32, #tpu.memory_space<vmem>>, vector<1x1x100096xf32>
    %get3A_44 = vector.shape_cast %get3A_43 : vector<1x1x100096xf32> to vector<100096xf32>
    %swap3A_45 = arith.constant 600576 : index
    %swap3A_46 = vector.load %arg2[%swap3A_45] : memref<800768xf32, #tpu.memory_space<vmem>>, vector<100096xf32>
    tpu.vector_store %arg2[%swap3A_45], %get3A_44 {strides = array<i32>} : memref<800768xf32, #tpu.memory_space<vmem>>, vector<100096xf32>,
    %get3A_47 = arith.constant 0 : index
    %get3A_48 = arith.constant 7 : index
    %get3A_49 = arith.constant 0 : index
    %get3A_50 = vector.load %arg1[%get3A_47, %get3A_48, %get3A_49] : memref<1x8x100096xf32, #tpu.memory_space<vmem>>, vector<1x1x100096xf32>
    %get3A_51 = vector.shape_cast %get3A_50 : vector<1x1x100096xf32> to vector<100096xf32>
    %swap3A_52 = arith.constant 700672 : index
    %swap3A_53 = vector.load %arg2[%swap3A_52] : memref<800768xf32, #tpu.memory_space<vmem>>, vector<100096xf32>
    tpu.vector_store %arg2[%swap3A_52], %get3A_51 {strides = array<i32>} : memref<800768xf32, #tpu.memory_space<vmem>>, vector<100096xf32>,
    return
  }
  func.func @transform_0(%arg0: i32) -> (i32, i32, i32) {
    %add3A = arith.constant 27 : i32
    %add3A_0 = arith.addi %arg0, %add3A : i32
    %jit3A = arith.constant 2 : i32
    %div3A = arith.divsi %add3A_0, %jit3A : i32
    %sign3A = arith.constant 0 : i32
    %sign3A_1 = arith.cmpi sgt, %add3A_0, %sign3A : i32
    %sign3A_2 = arith.extui %sign3A_1 : i1 to i32
    %sign3A_3 = arith.constant 0 : i32
    %sign3A_4 = arith.cmpi slt, %add3A_0, %sign3A_3 : i32
    %sign3A_5 = arith.extui %sign3A_4 : i1 to i32
    %sign3A_6 = arith.subi %sign3A_2, %sign3A_5 : i32
    %sign3A_7 = arith.constant 0 : i32
    %sign3A_8 = arith.cmpi sgt, %jit3A, %sign3A_7 : i32
    %sign3A_9 = arith.extui %sign3A_8 : i1 to i32
    %sign3A_10 = arith.constant 0 : i32
    %sign3A_11 = arith.cmpi slt, %jit3A, %sign3A_10 : i32
    %sign3A_12 = arith.extui %sign3A_11 : i1 to i32
    %sign3A_13 = arith.subi %sign3A_9, %sign3A_12 : i32
    %ne3A = arith.cmpi ne, %sign3A_6, %sign3A_13 : i32
    %rem3A = arith.remsi %add3A_0, %jit3A : i32
    %ne3A_14 = arith.constant 0 : i32
    %ne3A_15 = arith.cmpi ne, %rem3A, %ne3A_14 : i32
    %and3A = arith.andi %ne3A, %ne3A_15 : i1
    %sub3A = arith.constant 1 : i32
    %sub3A_16 = arith.subi %div3A, %sub3A : i32
    %select_n3A = arith.select %and3A, %sub3A_16, %div3A : i32
    %add3A_17 = arith.constant 27 : i32
    %add3A_18 = arith.addi %arg0, %add3A_17 : i32
    %jit3A_19 = arith.constant 2 : i32
    %eq3A = arith.constant 0 : i32
    %eq3A_20 = arith.cmpi eq, %jit3A_19, %eq3A : i32
    %jit3A_21 = arith.constant 1 : i32
    %select_n3A_22 = arith.select %eq3A_20, %jit3A_21, %jit3A_19 : i32
    %rem3A_23 = arith.remsi %add3A_18, %select_n3A_22 : i32
    %ne3A_24 = arith.constant 0 : i32
    %ne3A_25 = arith.cmpi ne, %rem3A_23, %ne3A_24 : i32
    %lt3A = arith.constant 0 : i32
    %lt3A_26 = arith.cmpi slt, %rem3A_23, %lt3A : i32
    %lt3A_27 = arith.constant 0 : i32
    %lt3A_28 = arith.cmpi slt, %select_n3A_22, %lt3A_27 : i32
    %ne3A_29 = arith.xori %lt3A_26, %lt3A_28 : i1
    %and3A_30 = arith.andi %ne3A_29, %ne3A_25 : i1
    %add3A_31 = arith.addi %rem3A_23, %select_n3A_22 : i32
    %select_n3A_32 = arith.select %and3A_30, %add3A_31, %rem3A_23 : i32
    %c0_i32 = arith.constant 0 : i32
    %c0_i32_33 = arith.constant 0 : i32
    return %select_n3A, %select_n3A_32, %c0_i32 : i32, i32, i32
  }
  func.func @transform_1(%arg0: i32) -> i32 {
    %c0_i32 = arith.constant 0 : i32
    return %arg0 : i32
  }
}

module attributes {stable_mosaic.version = 14 : i64} {
  func.func @body(%arg0: i32, %arg1: memref<216x2048xf32, #tpu.memory_space<vmem>>, %arg2: memref<213x2048xf32, #tpu.memory_space<vmem>>, %arg3: memref<216x64xf32, #tpu.memory_space<vmem>>, %arg4: memref<213x64xf32, #tpu.memory_space<vmem>>, %arg5: memref<64x8xf32, #tpu.memory_space<vmem>>, %arg6: memref<64x2048xf32, #tpu.memory_space<vmem>>) attributes {dimension_semantics = [#tpu.dimension_semantics<arbitrary>], iteration_bounds = array<i64: 8>, scalar_prefetch = 0 : i64, scratch_operands = 0 : i64, tpu.core_type = #tpu.core_type<tc>, window_params = [{transform_indices = @transform_0, window_bounds = array<i64: 216, 2048>}, {transform_indices = @transform_1, window_bounds = array<i64: 213, 2048>}, {pipeline_mode = #tpu.pipeline_mode<synchronous>, transform_indices = @transform_2, window_bounds = array<i64: 216, 64>}, {pipeline_mode = #tpu.pipeline_mode<synchronous>, transform_indices = @transform_3, window_bounds = array<i64: 213, 64>}, {pipeline_mode = #tpu.pipeline_mode<synchronous>, transform_indices = @transform_4, window_bounds = array<i64: 64, 8>}, {transform_indices = @transform_5, window_bounds = array<i64: 64, 2048>}]} {
    %get3A = arith.constant 0 : index
    %get3A_0 = arith.constant 0 : index
    %get3A_1 = vector.load %arg3[%get3A, %get3A_0] : memref<216x64xf32, #tpu.memory_space<vmem>>, vector<216x64xf32>
    %get3A_2 = arith.constant 0 : index
    %get3A_3 = arith.constant 0 : index
    %get3A_4 = vector.load %arg1[%get3A_2, %get3A_3] : memref<216x2048xf32, #tpu.memory_space<vmem>>, vector<216x2048xf32>
    %dot_general3A = arith.constant dense<0.000000e+00> : vector<64x2048xf32>
    %dot_general3A_5 = tpu.matmul %get3A_1, %get3A_4, %dot_general3A {dimension_numbers = #tpu.dot_dimension_numbers<[0], [0], [1], [1], [0, 1, 1, 1], [], []>, precision = #tpu.contract_precision<fp32>, transpose_lhs_hint = false} : vector<216x64xf32>, vector<216x2048xf32>, vector<64x2048xf32> -> vector<64x2048xf32>
    %get3A_6 = arith.constant 0 : index
    %get3A_7 = arith.constant 0 : index
    %get3A_8 = vector.load %arg4[%get3A_6, %get3A_7] : memref<213x64xf32, #tpu.memory_space<vmem>>, vector<213x64xf32>
    %get3A_9 = arith.constant 0 : index
    %get3A_10 = arith.constant 0 : index
    %get3A_11 = vector.load %arg2[%get3A_9, %get3A_10] : memref<213x2048xf32, #tpu.memory_space<vmem>>, vector<213x2048xf32>
    %dot_general3A_12 = arith.constant dense<0.000000e+00> : vector<64x2048xf32>
    %dot_general3A_13 = tpu.matmul %get3A_8, %get3A_11, %dot_general3A_12 {dimension_numbers = #tpu.dot_dimension_numbers<[0], [0], [1], [1], [0, 1, 1, 1], [], []>, precision = #tpu.contract_precision<fp32>, transpose_lhs_hint = false} : vector<213x64xf32>, vector<213x2048xf32>, vector<64x2048xf32> -> vector<64x2048xf32>
    %add3A = arith.addf %dot_general3A_5, %dot_general3A_13 : vector<64x2048xf32>
    %get3A_14 = arith.constant 0 : index
    %get3A_15 = arith.constant 0 : index
    %get3A_16 = vector.load %arg5[%get3A_14, %get3A_15] : memref<64x8xf32, #tpu.memory_space<vmem>>, vector<64x1xf32>
    %add3A_17 = vector.broadcast %get3A_16 : vector<64x1xf32> to vector<64x2048xf32>
    %add3A_18 = arith.addf %add3A, %add3A_17 : vector<64x2048xf32>
    %swap3A = arith.constant 0 : index
    %swap3A_19 = arith.constant 0 : index
    %swap3A_20 = vector.load %arg6[%swap3A, %swap3A_19] : memref<64x2048xf32, #tpu.memory_space<vmem>>, vector<64x2048xf32>
    tpu.vector_store %arg6[%swap3A, %swap3A_19], %add3A_18 {strides = array<i32>} : memref<64x2048xf32, #tpu.memory_space<vmem>>, vector<64x2048xf32>,
    return
  }
  func.func @transform_0(%arg0: i32) -> (i32, i32) {
    %c0_i32 = arith.constant 0 : i32
    %c0_i32_0 = arith.constant 0 : i32
    return %c0_i32, %arg0 : i32, i32
  }
  func.func @transform_1(%arg0: i32) -> (i32, i32) {
    %c0_i32 = arith.constant 0 : i32
    %c0_i32_0 = arith.constant 0 : i32
    return %c0_i32, %arg0 : i32, i32
  }
  func.func @transform_2(%arg0: i32) -> (i32, i32) {
    %c0_i32 = arith.constant 0 : i32
    %c0_i32_0 = arith.constant 0 : i32
    %c0_i32_1 = arith.constant 0 : i32
    return %c0_i32, %c0_i32_0 : i32, i32
  }
  func.func @transform_3(%arg0: i32) -> (i32, i32) {
    %c0_i32 = arith.constant 0 : i32
    %c0_i32_0 = arith.constant 0 : i32
    %c0_i32_1 = arith.constant 0 : i32
    return %c0_i32, %c0_i32_0 : i32, i32
  }
  func.func @transform_4(%arg0: i32) -> (i32, i32) {
    %c0_i32 = arith.constant 0 : i32
    %c0_i32_0 = arith.constant 0 : i32
    %c0_i32_1 = arith.constant 0 : i32
    return %c0_i32, %c0_i32_0 : i32, i32
  }
  func.func @transform_5(%arg0: i32) -> (i32, i32) {
    %c0_i32 = arith.constant 0 : i32
    %c0_i32_0 = arith.constant 0 : i32
    return %c0_i32, %arg0 : i32, i32
  }
}

</mosaic_0001>

<sc_bundles>
// kernel: kernel.11.cloned.1.call-start
scs
__scs_entry_jumppad:
0x0: {  	(pc) =	sbr.rel $0x88, $3  }
0x1: {  	(tag) =	ssettag $0x0;
	lr =	simm.s32 $0x1  }
0x2: {  	[smem:$0x3F9B] =	sst lr;
	_ =	strace $0xD0000000  }
0x3: {  	_ = 	snop  }
0x4: {  	_ = 	snop  }
0x5: {  	_ = 	snop  }
0x6: {  	_ = 	snop  }
0x7: {  	_ = 	snop  }
__scs_overlays_trampoline_lowered:
0x8: {  	[smem:$0x3FAA] =	sst s0  }
0x9: {  	[smem:$0x3FAB] =	sst s1  }
0xa: {  	[smem:$0x3FAC] =	sst s2  }
0xb: {  	[smem:$0x3FAD] =	sst s3  }
0xc: {  	[smem:$0x3FAE] =	sst s4  }
0xd: {  	[smem:$0x3FAF] =	sst s5  }
0xe: {  	[smem:$0x3FB0] =	sst s6  }
0xf: {  	[smem:$0x3FB1] =	sst s7  }
0x10: {  	[smem:$0x3FB2] =	sst s8  }
0x11: {  	[smem:$0x3FB3] =	sst s9;
	s0 =	simm.s32 @!p0 $0x0  }
0x12: {  	s1 =	sld [smem:$0x3F99];
	s0 =	simm.s32 @p0 $0x1  }
0x13: {  	[smem:$0x3FB4] =	sst s0;
	s0 =	simm.s32 @!p1 $0x0  }
0x14: {  	s2 =	sld [smem:$0x3F98];
	s0 =	simm.s32 @p1 $0x1  }
0x15: {  	[smem:$0x3FB5] =	sst s0;
	s0 =	simm.s32 @!p2 $0x0  }
0x16: {  	s3 =	sld [smem:$0x3FDB];
	s0 =	simm.s32 @p2 $0x1  }
0x17: {  	s4 =	simm.s32 $0x1BF5;
	[smem:$0x3FB7] =	sst s0  }
0x18: {  	s0 =	sld [smem:$0x3F9A];
	_ =	swait.ge [sflag:s4], $0x0  }
0x19: {  	s7 =	sld [smem:$0x3F9B]  }
0x1a: {  	s8 =	sadd.s32 $0xFFFFE003, lr  }
0x1b: {  	s9 =	sadd.s32 $0xFFFFFEF7, lr;
	s5 =	simm.s32 $0xFFFFFFFF;
	p2 =	slt.u32 s8, $0xFFFFF086  }
0x1c: {  	p1 =	slt.u32 s9, $0xF7A;
	s5 =	simm.s32 @!p2 $0x0  }
0x1d: {  	s5 =	simm.s32 @p1 $0x1;
	p0 =	seq.s32 s7, s2  }
0x1e: {  	s7 =	smul.u32 @!p0 $0xF7A, s2;
	p2 =	seq.s32 @!p0 s5, $0x0  }
0x1f: {  	s9 =	smul.u32 $0xF7A, s1;
	s8 =	simm.s32 @!p0 $0x1BF5;
	p2 =	por !p2, p0  }
0x20: {  	[sflag:s8] =	ssyncset.s32 @!p0 $0xFFFFF086;
	s6 =	sadd.s32 @!p0 s3, s7;
	s7 =	simm.s32 @!p0 $0x108  }
0x21: {  	s3 =	sadd.s32 s3, s9;
	s6 =	sadd.s32 @!p0 $0x88, s6;
	s7 =	simm.s32 @p2 $0x1082  }
0x22: {  	[simem:s7], [sflag:s8] =	dma.local @!p0 [hbm:s6], $0xF7A  }
0x23: {  	s9 =	sor.u32 $0xD0000000, s2;
	s6 =	simm.s32 $0x108;
	_ =	swait.ge @!p0 [sflag:s8], $0x0  }
0x24: {  	s3 =	sadd.s32 $0x88, s3;
	s6 =	simm.s32 @!p1 $0x1082;
	[sflag:s4] =	ssyncset.s32 $0xFFFFF086  }
0x25: {  	[simem:s6], [sflag:s4] =	dma.local [hbm:s3], $0xF7A  }
0x26: {  	[smem:$0x3F9B] =	sst s1;
	(tag) =	ssettag s2;
	_ =	strace s9  }
0x27: {  	s1 =	sld [smem:$0x3FAB]  }
0x28: {  	s2 =	sld [smem:$0x3FAC]  }
0x29: {  	s4 =	sld [smem:$0x3FAE]  }
0x2a: {  	p0 =	seq.s32 s5, $0x0;
	s5 =	sld [smem:$0x3FAF]  }
0x2b: {  	s6 =	sld [smem:$0x3FB0]  }
0x2c: {  	s7 =	sld [smem:$0x3FB1]  }
0x2d: {  	s3 =	simm.s32 $0x108;
	s8 =	sld [smem:$0x3FB2]  }
0x2e: {  	s3 =	simm.s32 @!p0 $0x1082;
	s9 =	sld [smem:$0x3FB3]  }
0x2f: {  	lr =	sadd.s32 s0, s3;
	s0 =	sld [smem:$0x3FAA]  }
0x30: {  	s3 =	sld [smem:$0x3FAD]  }
0x31: {  	[smem:$0x3FB6] =	sst s10  }
0x32: {  	s10 =	sld [smem:$0x3FB4];
	_ =	sdelay $0x3  }
0x33: {  	p0 =	seq.s32 s10, $0x1;
	s10 =	sld [smem:$0x3FB6];
	_ =	sdelay $0x3  }
0x34: {  	[smem:$0x3FB6] =	sst s10  }
0x35: {  	s10 =	sld [smem:$0x3FB5];
	_ =	sdelay $0x3  }
0x36: {  	p1 =	seq.s32 s10, $0x1;
	s10 =	sld [smem:$0x3FB6];
	_ =	sdelay $0x3  }
0x37: {  	[smem:$0x3FB6] =	sst s10  }
0x38: {  	s10 =	sld [smem:$0x3FB7]  }
0x39: {  	_ = 	snop;
	(pc) =	sbr.ind lr, $3  }
0x3a: {  	_ = 	snop  }
0x3b: {  	_ = 	snop  }
0x3c: {  	p2 =	seq.s32 s10, $0x1;
	s10 =	sld [smem:$0x3FB6]  }
0x3d: {  	_ =	shalt  }
0x3e: {  	_ =	shalt  }
0x3f: {  	_ =	shalt  }
0x40: {  	_ =	shalt  }
0x41: {  	_ =	shalt  }
0x42: {  	_ =	shalt  }
0x43: {  	_ =	shalt  }
0x44: {  	_ =	shalt  }
0x45: {  	_ =	shalt  }
0x46: {  	_ =	shalt  }
0x47: {  	_ =	shalt  }
0x48: {  	_ =	shalt  }
0x49: {  	_ =	shalt  }
0x4a: {  	_ =	shalt  }
0x4b: {  	_ =	shalt  }
0x4c: {  	_ =	shalt  }
0x4d: {  	_ =	shalt  }
0x4e: {  	_ =	shalt  }
0x4f: {  	_ =	shalt  }
0x50: {  	_ =	shalt  }
0x51: {  	_ =	shalt  }
0x52: {  	_ =	shalt  }
0x53: {  	_ =	shalt  }
0x54: {  	_ =	shalt  }
0x55: {  	_ =	shalt  }
0x56: {  	_ =	shalt  }
0x57: {  	_ =	shalt  }
0x58: {  	_ =	shalt  }
0x59: {  	_ =	shalt  }
0x5a: {  	_ =	shalt  }
0x5b: {  	_ =	shalt  }
0x5c: {  	_ =	shalt  }
0x5d: {  	_ =	shalt  }
0x5e: {  	_ =	shalt  }
0x5f: {  	_ =	shalt  }
0x60: {  	_ =	shalt  }
0x61: {  	_ =	shalt  }
0x62: {  	_ =	shalt  }
0x63: {  	_ =	shalt  }
0x64: {  	_ =	shalt  }
0x65: {  	_ =	shalt  }
0x66: {  	_ =	shalt  }
0x67: {  	_ =	shalt  }
0x68: {  	_ =	shalt  }
0x69: {  	_ =	shalt  }
0x6a: {  	_ =	shalt  }
0x6b: {  	_ =	shalt  }
0x6c: {  	_ =	shalt  }
0x6d: {  	_ =	shalt  }
0x6e: {  	_ =	shalt  }
0x6f: {  	_ =	shalt  }
0x70: {  	_ =	shalt  }
0x71: {  	_ =	shalt  }
0x72: {  	_ =	shalt  }
0x73: {  	_ =	shalt  }
0x74: {  	_ =	shalt  }
0x75: {  	_ =	shalt  }
0x76: {  	_ =	shalt  }
0x77: {  	_ =	shalt  }
0x78: {  	_ =	shalt  }
0x79: {  	_ =	shalt  }
0x7a: {  	_ =	shalt  }
0x7b: {  	_ =	shalt  }
0x7c: {  	_ =	shalt  }
0x7d: {  	_ =	shalt  }
0x7e: {  	_ =	shalt  }
0x7f: {  	_ =	shalt  }
0x80: {  	_ =	shalt  }
0x81: {  	_ =	shalt  }
0x82: {  	_ =	shalt  }
0x83: {  	_ =	shalt  }
0x84: {  	_ =	shalt  }
0x85: {  	_ =	shalt  }
0x86: {  	_ =	shalt  }
0x87: {  	_ =	shalt  }
.Lfunc_end0:
.L_simem_size_0:
called_computation.1_lowered:
.L_overlay_start_0:
0x88: {  	s2 =	sld [smem:$0x3FD9]  }
0x89: {  	s3 =	sld [smem:$0x3FFE];
	_ =	sdelay $0x1  }
0x8a: {  	s1 =	srdreg.scid  }
0x8b: {  	s0 =	sand.u32 $0x1, s1  }
0x8c: {  	s17 =	sshll.u32 s0, $0xA;
	s2 =	sadd.s32 s3, s2  }
0x8d: {  	s2 =	sadd.s32 s2, s17  }
0x8e: {  	[smem:$0x3FC2] =	sst s2  }
0x8f: {  	_ = 	snop  }
0x90: {  	s2 =	sld [smem:$0x3FD0];
	(tm) =	ssettm $0x1  }
0x91: {  	s18 =	sld [smem:$0x3FFB];
	_ =	sdelay $0x3  }
0x92: {  	_ =	strace s18  }
0x93: {  	s3 =	sld [smem:$0x3FFC];
	_ =	sdelay $0x3  }
0x94: {  	_ =	strace s3  }
0x95: {  	s3 =	sld [smem:$0x3FFD];
	_ =	sdelay $0x3  }
0x96: {  	_ =	strace s3  }
0x97: {  	_ =	strace $0x8FFFFFFF  }
0x98: {  	s19 =	sld [smem:$0x3FDB];
	_ =	sdelay $0x1  }
0x99: {  	s4 =	simm.s32 $_scs_section_size  }
0x9a: {  	s5 =	simm.s32 $_size__tile_overlayer_lowered;
	s6 =	simm.s32 $_tile_overlayer_lowered  }
0x9b: {  	s22 =	simm.s32 $0x1BFF;
	s21 =	sshll.u32 s6, $0x1;
	s3 =	sadd.s32 s4, s19  }
0x9c: {  	s7 =	simm.s32 $0x0;
	s20 =	sshll.u32 s5, $0x1;
	s5 =	sadd.s32 s21, s3  }
0x9d: {  	[timem:s7], [sflag:s22] =	dma.local [hbm:s5], s20  }
0x9e: {  	_ =	swait.ge [sflag:s22], s20  }
0x9f: {  	s4 =	ssub.s32 $0x0, s20;
	[sflag:s22] =	ssyncset.done $0x0  }
0xa0: {  	[sflag:s22] =	ssyncadd.s32 s4;
	_ =	sdelay $0x1  }
0xa1: {  	s23 =	simm.s32 $0x1B8B  }
0xa2: {  	_ =	swait.ge [sflag:s23], $0x1  }
0xa3: {  	[sflag:s23] =	ssyncset.done $0x0  }
0xa4: {  	s25 =	simm.s32 $0x1B8E;
	s24 =	sld [smem:$0x3FFE];
	[sflag:s23] =	ssyncadd.s32 $0xFFFFFFFF  }
0xa5: {  	s26 =	simm.s32 $execute0_lowered;
	[smem:$0x3FD2] =	sst s25  }
0xa6: {  	s5 =	sshll.u32 s26, $0x1;
	_ =	strace $0x80000049;
	[dreg:$0x1] =	wrdreg $0xFFFFFFFF  }
0xa7: {  	s28 =	simm.s32 $_size_execute0_lowered;
	s3 =	sadd.s32 s3, s5;
	[dreg:$0x0] =	wrdreg $0x0  }
0xa8: {  	s5 =	sshll.u32 s28, $0x1;
	[dreg:$0x2] =	wrdreg s3  }
0xa9: {  	[dreg:$0x3] =	wrdreg s5  }
0xaa: {  	[dreg:$0x4] =	wrdreg $0xC0  }
0xab: {  	_ =	task [dreg:s7], $0x5FFFF  }
0xac: {  	[dreg:$0x1] =	wrdreg $0xFFFFFFFF  }
0xad: {  	[dreg:$0x0] =	wrdreg $0x60  }
0xae: {  	[dreg:$0x2] =	wrdreg s24  }
0xaf: {  	[dreg:$0x3] =	wrdreg s2  }
0xb0: {  	[dreg:$0x4] =	wrdreg $0x9  }
0xb1: {  	_ =	task.clear_ibuf [dreg:s7], $0x5FFFF;
	_ =	strace $0x90000049  }
0xb2: {  	s29 =	simm.s32 $0x9;
	_ =	strace $0x8000004B  }
0xb3: {  	_ =	swait.ge [sflag:s29], $0x1  }
0xb4: {  	[sflag:s29] =	ssyncadd.s32 $0xFFFFFFFF  }
0xb5: {  	_ =	strace $0x9000004B  }
0xb6: {  	_ =	sfence  }
0xb7: {  	s30 =	sld [smem:$0x0];
	_ =	sdelay $0x2  }
0xb8: {  	s31 =	sshll.u32 s1, $0xD;
	s1 =	sshrl.u32 s1, $0x2  }
0xb9: {  	s3 =	sand.u32 $0x4000, s31;
	s1 =	sadd.s32 s1, s30  }
0xba: {  	s0 =	sor.u32 s3, s0;
	s1 =	sshll.u32 s1, $0x11  }
0xbb: {  	s0 =	sor.u32 s1, s0  }
0xbc: {  	s0 =	sadd.s32 $0x8F2B, s0  }
0xbd: {  	[sflag:s0] =	ssyncadd.remote.s32 $0x1  }
0xbe: {  	_ =	sfence.sel $0xFFFF  }
0xbf: {  	[dreg:$0x0] =	wrdreg $0xFFFFFFFF;
	(pc) =	sbr.abs _section_cstart, $3  }
0xc0: {  	[dreg:$0x1] =	wrdreg $0xFFFFFFFF  }
0xc1: {  	_ =	task.clear_ibuf [dreg:s7], $0x2FFFF;
	_ =	strace $0x9FFFFFFF  }
0xc2: {  	(tm) =	ssettm $0x7FFFFFFF  }
0xc3: {  	_ =	shalt  }
tec
execute0_lowered:
.L_overlay_start_1:
0x0: {  	(tag) =	ssettag $0x1  }
0x1: {  	s9 =	rddreg [dreg:$0x0]  }
0x2: {  	s1 =	rddreg [dreg:$0x1]  }
0x3: {  	s0 =	rddreg [dreg:$0x2]  }
0x4: {  	s3 =	simm.s32 $0x0;
	s5 =	srdreg.scid;
	s2 =	stileid.u32  }
0x5: {  	s12 =	simm.s32 $0x18700;
	s13 =	simm.s32 $0x2;
	s14 =	simm.s32 $0x1C700  }
0x6: {  	s15 =	simm.s32 $0x4;
	s16 =	simm.s32 $0x3;
	s17 =	simm.s32 $0x0  }
0x7: {  	[smem:$0x7FF] =	sst s3;
	s4 =	sadd.s32 $0x50800, s9;
	s6 =	sand.u32 $0x1, s5  }
.Ltmp0:
0x8: {  	s7 =	sshll.u32 s2, $0x1;
	s5 =	sadd.s32 $0x2E4600, s9;
	(pc) =	sbr.rel .LBB2_1-.Ltmp0, $4  }
0x9: {  	_ =	strace $0x8000004A;
	s8 =	ssub.s32 $0x2, s6;
	s6 =	sor.u32 s6, s7  }
0xa: {  	s7 =	sadd.s32 $0x2E4800, s9;
	s10 =	sshrl.u32 s8, $0x1;
	s11 =	sand.u32 $0xF, s6  }
0xb: {  	s10 =	ssub.s32 s8, s10;
	s8 =	sadd.s32 $0x2E4A00, s9;
	s9 =	sadd.s32 $0x2E4C00, s9  }
0xc: {  	p0 =	sne.s32 s11, $0x0;
	s11 =	simm.s32 $0x1;
	s10 =	smax.u32 s10, $0x1  }
.LBB2_13:
0xd: {  	s17 =	sadd.s32 $0x1, s17  }
0xe: {  	p1 =	sne.s32 s17, s10  }
.Ltmp1:
0xf: {  	_ = 	snop;
	(pc) =	sbr.rel @!p1 .LBB2_14-.Ltmp1, $1  }
0x10: {  	_ =	sdelay $0x3  }
.LBB2_1:
.Ltmp2:
0x11: {  	(pc) =	sbr.rel .LBB2_2-.Ltmp2, $2  }
0x12: {  	_ =	sdelay $0x2  }
0x13: {  	s18 =	simm.s32 $0x0  }
.LBB2_12:
0x14: {  	s18 =	sadd.s32 $0x1, s18  }
0x15: {  	p1 =	sne.s32 s18, $0x7  }
.Ltmp3:
0x16: {  	_ = 	snop;
	(pc) =	sbr.rel @!p1 .LBB2_13-.Ltmp3, $1  }
0x17: {  	_ =	sdelay $0x3  }
.LBB2_2:
0x18: {  	s19 =	sshll.u32 s18, $0x5  }
0x19: {  	s19 =	sor.u32 s6, s19  }
0x1a: {  	p1 =	sgt.u32 s19, $0xD7  }
.Ltmp4:
0x1b: {  	_ = 	snop;
	(pc) =	sbr.rel @p1 .LBB2_12-.Ltmp4, $1  }
0x1c: {  	_ =	sdelay $0x3  }
0x1d: {  	p1 =	seq.s32 s19, $0x0  }
0x1e: {  	p1 =	por !p0, !p1  }
0x1f: {  	s20 =	simm.s32 $0x1;
	p1 =	por !p1, !p1  }
0x20: {  	s21 =	sshrl.u32 s19, $0x4;
	s20 =	simm.s32 @!p1 $0x0  }
0x21: {  	s20 =	ssub.s32 s21, s20  }
0x22: {  	s20 =	sshll.u32 s20, $0xB  }
0x23: {  	s20 =	sand.u32 $0x1FFFF800, s20  }
0x24: {  	s30 =	simm.s32 $0x0;
	s22 =	smul.u32 $0x30E0, s19;
	s20 =	sadd.s32 s1, s20  }
0x25: {  	[tilespmem:s12], [sflag:$0x1] =	stream.linear.gather [hbm4b:s20+s30], $0x4000, $0x38;
	[tilespmem:$0x1D700] =	vst v63  }
0x26: {  	s31 =	sadd.s32 s4, s22  }
0x27: {  	[tilespmem:s30], [sflag:$0x2] =	stream.linear.gather [hbm4b:s31+s30], $0x18700, $0x38;
	[tilespmem:$0x1D700] =	vst v63  }
0x28: {  	_ =	swait.ge [sflag:s11], $0x4000  }
0x29: {  	[sflag:s11] =	ssyncset.done $0x0  }
0x2a: {  	[sflag:s11] =	ssyncadd.s32 $0xFFFFC000  }
0x2b: {  	_ =	swait.ge [sflag:s13], $0x18700  }
0x2c: {  	[sflag:s13] =	ssyncset.done $0x0  }
0x2d: {  	s20 =	simm.s32 $0x0;
	[sflag:s13] =	ssyncadd.s32 $0xFFFE7900  }
0x2e: {  	v0 =	vld [tilespmem:s20+$0x18700];
	_ =	sdelay $0x5  }
0x2f: {  	v1 =	vld [tilespmem:s20+$0x18710];
	_ =	sdelay $0x1  }
0x30: {  	v0 =	vld.idx.msk [tilespmem:v0+s3+$0x0], $0xffff;
	_ =	sdelay $0x4  }
0x31: {  	[tilespmem:s20+$0x1C700] =	vst v0;
	v0 =	vld [tilespmem:s20+$0x18720]  }
0x32: {  	v1 =	vld.idx.msk [tilespmem:v1+s3+$0x0], $0xffff;
	_ =	sdelay $0x4  }
0x33: {  	[tilespmem:s20+$0x1C710] =	vst v1;
	v1 =	vld [tilespmem:s20+$0x18730];
	_ =	sdelay $0x1  }
0x34: {  	v0 =	vld.idx.msk [tilespmem:v0+s3+$0x0], $0xffff;
	_ =	sdelay $0x4  }
0x35: {  	[tilespmem:s20+$0x1C720] =	vst v0;
	v0 =	vld [tilespmem:s20+$0x18740]  }
0x36: {  	v1 =	vld.idx.msk [tilespmem:v1+s3+$0x0], $0xffff;
	_ =	sdelay $0x4  }
0x37: {  	[tilespmem:s20+$0x1C730] =	vst v1;
	v1 =	vld [tilespmem:s20+$0x18750];
	_ =	sdelay $0x1  }
0x38: {  	v0 =	vld.idx.msk [tilespmem:v0+s3+$0x0], $0xffff;
	_ =	sdelay $0x4  }
0x39: {  	v2 =	vld [tilespmem:s20+$0x18760];
	[tilespmem:s20+$0x1C740] =	vst v0  }
0x3a: {  	v0 =	vld.idx.msk [tilespmem:v1+s3+$0x0], $0xffff;
	_ =	sdelay $0x4  }
0x3b: {  	[tilespmem:s20+$0x1C750] =	vst v0;
	v0 =	vld [tilespmem:s20+$0x18770];
	_ =	sdelay $0x1  }
0x3c: {  	v1 =	vld.idx.msk [tilespmem:v2+s3+$0x0], $0xffff;
	_ =	sdelay $0x3  }
0x3d: {  	s22 =	simm.s32 $0x80;
	s21 =	simm.s32 $0x400  }
.LBB2_4:
0x3e: {  	p1 =	sne.s32 s21, $0x3E00;
	v2 =	vld [tilespmem:s22+$0x18700];
	[tilespmem:s20+$0x1C760] =	vst v1  }
0x3f: {  	v0 =	vld.idx.msk [tilespmem:v0+s3+$0x0], $0xffff;
	_ =	sdelay $0x5  }
0x40: {  	v1 =	vld [tilespmem:s22+$0x18710];
	[tilespmem:s20+$0x1C770] =	vst v0;
	s20 =	smov.u32 s22  }
0x41: {  	v0 =	vld.idx.msk [tilespmem:v2+s3+$0x0], $0xffff;
	_ =	sdelay $0x5  }
0x42: {  	[tilespmem:s20+$0x1C700] =	vst v0;
	v0 =	vld [tilespmem:s20+$0x18720]  }
0x43: {  	v1 =	vld.idx.msk [tilespmem:v1+s3+$0x0], $0xffff;
	_ =	sdelay $0x5  }
0x44: {  	[tilespmem:s20+$0x1C710] =	vst v1;
	v1 =	vld [tilespmem:s20+$0x18730]  }
0x45: {  	v0 =	vld.idx.msk [tilespmem:v0+s3+$0x0], $0xffff;
	_ =	sdelay $0x5  }
0x46: {  	[tilespmem:s20+$0x1C720] =	vst v0;
	v0 =	vld [tilespmem:s20+$0x18740]  }
0x47: {  	v1 =	vld.idx.msk [tilespmem:v1+s3+$0x0], $0xffff;
	_ =	sdelay $0x5  }
0x48: {  	[tilespmem:s20+$0x1C730] =	vst v1;
	v1 =	vld [tilespmem:s20+$0x18750]  }
0x49: {  	v0 =	vld.idx.msk [tilespmem:v0+s3+$0x0], $0xffff;
	_ =	sdelay $0x5  }
0x4a: {  	[tilespmem:s20+$0x1C740] =	vst v0;
	v2 =	vld [tilespmem:s20+$0x18760]  }
0x4b: {  	v0 =	vld.idx.msk [tilespmem:v1+s3+$0x0], $0xffff;
	_ =	sdelay $0x5  }
0x4c: {  	[tilespmem:s20+$0x1C750] =	vst v0;
	v0 =	vld [tilespmem:s20+$0x18770]  }
0x4d: {  	v1 =	vld.idx.msk [tilespmem:v2+s3+$0x0], $0xffff  }
.Ltmp5:
0x4e: {  	(pc) =	sbr.rel @p1 .LBB2_4-.Ltmp5, $2  }
0x4f: {  	_ =	sdelay $0x2  }
0x50: {  	s22 =	sshra.s32 s21, $0x2;
	s21 =	sadd.s32 $0x200, s21  }
0x51: {  	_ =	sdelay $0x1  }
0x52: {  	v2 =	vld [tilespmem:s22+$0x18700]  }
0x53: {  	[tilespmem:s20+$0x1C760] =	vst v1  }
0x54: {  	v0 =	vld.idx.msk [tilespmem:v0+s3+$0x0], $0xffff;
	_ =	sdelay $0x3  }
0x55: {  	v1 =	vld [tilespmem:s22+$0x18710]  }
0x56: {  	[tilespmem:s20+$0x1C770] =	vst v0  }
0x57: {  	v0 =	vld.idx.msk [tilespmem:v2+s3+$0x0], $0xffff;
	_ =	sdelay $0x4  }
0x58: {  	[tilespmem:s22+$0x1C700] =	vst v0;
	v0 =	vld [tilespmem:s22+$0x18720]  }
0x59: {  	v1 =	vld.idx.msk [tilespmem:v1+s3+$0x0], $0xffff;
	_ =	sdelay $0x4  }
0x5a: {  	[tilespmem:s22+$0x1C710] =	vst v1;
	v1 =	vld [tilespmem:s22+$0x18730];
	_ =	sdelay $0x1  }
0x5b: {  	v0 =	vld.idx.msk [tilespmem:v0+s3+$0x0], $0xffff;
	_ =	sdelay $0x4  }
0x5c: {  	[tilespmem:s22+$0x1C720] =	vst v0;
	v0 =	vld [tilespmem:s22+$0x18740]  }
0x5d: {  	v1 =	vld.idx.msk [tilespmem:v1+s3+$0x0], $0xffff;
	_ =	sdelay $0x4  }
0x5e: {  	[tilespmem:s22+$0x1C730] =	vst v1;
	v1 =	vld [tilespmem:s22+$0x18750];
	_ =	sdelay $0x1  }
0x5f: {  	v0 =	vld.idx.msk [tilespmem:v0+s3+$0x0], $0xffff;
	_ =	sdelay $0x4  }
0x60: {  	[tilespmem:s22+$0x1C740] =	vst v0;
	v0 =	vld [tilespmem:s22+$0x18760]  }
0x61: {  	v1 =	vld.idx.msk [tilespmem:v1+s3+$0x0], $0xffff;
	_ =	sdelay $0x4  }
0x62: {  	[tilespmem:s22+$0x1C750] =	vst v1;
	v1 =	vld [tilespmem:s22+$0x18770];
	_ =	sdelay $0x1  }
0x63: {  	v0 =	vld.idx.msk [tilespmem:v0+s3+$0x0], $0xffff;
	_ =	sdelay $0x4  }
0x64: {  	[tilespmem:s22+$0x1C760] =	vst v0  }
0x65: {  	v0 =	vld.idx.msk [tilespmem:v1+s3+$0x0], $0xffff;
	_ =	sdelay $0x3  }
0x66: {  	s19 =	sshll.u32 s19, $0xB  }
0x67: {  	s21 =	simm.s32 $0x0;
	s31 =	sadd.s32 s5, s19;
	[tilespmem:s22+$0x1C770] =	vst v0  }
0x68: {  	[hbm4b:s31+s21] =	stream.linear.scatter [tilespmem:s14], [sflag:$0x4], $0x1000, $0x38;
	[tilespmem:$0x1D700] =	vst v63  }
0x69: {  	_ =	swait.ge [sflag:s15], $0x1000  }
0x6a: {  	[sflag:s15] =	ssyncset.done $0x0  }
0x6b: {  	s20 =	simm.s32 $0x0;
	[sflag:s15] =	ssyncadd.s32 $0xFFFFF000  }
0x6c: {  	v0 =	vld [tilespmem:s20+$0x19700];
	_ =	sdelay $0x5  }
0x6d: {  	v1 =	vld [tilespmem:s20+$0x19710];
	_ =	sdelay $0x1  }
0x6e: {  	v0 =	vld.idx.msk [tilespmem:v0+s3+$0x0], $0xffff;
	_ =	sdelay $0x4  }
0x6f: {  	[tilespmem:s20+$0x1C700] =	vst v0;
	v0 =	vld [tilespmem:s20+$0x19720]  }
0x70: {  	v1 =	vld.idx.msk [tilespmem:v1+s3+$0x0], $0xffff;
	_ =	sdelay $0x4  }
0x71: {  	[tilespmem:s20+$0x1C710] =	vst v1;
	v1 =	vld [tilespmem:s20+$0x19730];
	_ =	sdelay $0x1  }
0x72: {  	v0 =	vld.idx.msk [tilespmem:v0+s3+$0x0], $0xffff;
	_ =	sdelay $0x4  }
0x73: {  	[tilespmem:s20+$0x1C720] =	vst v0;
	v0 =	vld [tilespmem:s20+$0x19740]  }
0x74: {  	v1 =	vld.idx.msk [tilespmem:v1+s3+$0x0], $0xffff;
	_ =	sdelay $0x4  }
0x75: {  	[tilespmem:s20+$0x1C730] =	vst v1;
	v1 =	vld [tilespmem:s20+$0x19750];
	_ =	sdelay $0x1  }
0x76: {  	v0 =	vld.idx.msk [tilespmem:v0+s3+$0x0], $0xffff;
	_ =	sdelay $0x4  }
0x77: {  	v2 =	vld [tilespmem:s20+$0x19760];
	[tilespmem:s20+$0x1C740] =	vst v0  }
0x78: {  	v0 =	vld.idx.msk [tilespmem:v1+s3+$0x0], $0xffff;
	_ =	sdelay $0x4  }
0x79: {  	[tilespmem:s20+$0x1C750] =	vst v0;
	v0 =	vld [tilespmem:s20+$0x19770];
	_ =	sdelay $0x1  }
0x7a: {  	v1 =	vld.idx.msk [tilespmem:v2+s3+$0x0], $0xffff;
	_ =	sdelay $0x3  }
0x7b: {  	s22 =	simm.s32 $0x80;
	s21 =	simm.s32 $0x400  }
.LBB2_6:
0x7c: {  	p1 =	sne.s32 s21, $0x3E00;
	v2 =	vld [tilespmem:s22+$0x19700];
	[tilespmem:s20+$0x1C760] =	vst v1  }
0x7d: {  	v0 =	vld.idx.msk [tilespmem:v0+s3+$0x0], $0xffff;
	_ =	sdelay $0x5  }
0x7e: {  	v1 =	vld [tilespmem:s22+$0x19710];
	[tilespmem:s20+$0x1C770] =	vst v0;
	s20 =	smov.u32 s22  }
0x7f: {  	v0 =	vld.idx.msk [tilespmem:v2+s3+$0x0], $0xffff;
	_ =	sdelay $0x5  }
0x80: {  	[tilespmem:s20+$0x1C700] =	vst v0;
	v0 =	vld [tilespmem:s20+$0x19720]  }
0x81: {  	v1 =	vld.idx.msk [tilespmem:v1+s3+$0x0], $0xffff;
	_ =	sdelay $0x5  }
0x82: {  	[tilespmem:s20+$0x1C710] =	vst v1;
	v1 =	vld [tilespmem:s20+$0x19730]  }
0x83: {  	v0 =	vld.idx.msk [tilespmem:v0+s3+$0x0], $0xffff;
	_ =	sdelay $0x5  }
0x84: {  	[tilespmem:s20+$0x1C720] =	vst v0;
	v0 =	vld [tilespmem:s20+$0x19740]  }
0x85: {  	v1 =	vld.idx.msk [tilespmem:v1+s3+$0x0], $0xffff;
	_ =	sdelay $0x5  }
0x86: {  	[tilespmem:s20+$0x1C730] =	vst v1;
	v1 =	vld [tilespmem:s20+$0x19750]  }
0x87: {  	v0 =	vld.idx.msk [tilespmem:v0+s3+$0x0], $0xffff;
	_ =	sdelay $0x5  }
0x88: {  	[tilespmem:s20+$0x1C740] =	vst v0;
	v2 =	vld [tilespmem:s20+$0x19760]  }
0x89: {  	v0 =	vld.idx.msk [tilespmem:v1+s3+$0x0], $0xffff;
	_ =	sdelay $0x5  }
0x8a: {  	[tilespmem:s20+$0x1C750] =	vst v0;
	v0 =	vld [tilespmem:s20+$0x19770]  }
0x8b: {  	v1 =	vld.idx.msk [tilespmem:v2+s3+$0x0], $0xffff  }
.Ltmp6:
0x8c: {  	(pc) =	sbr.rel @p1 .LBB2_6-.Ltmp6, $2  }
0x8d: {  	_ =	sdelay $0x2  }
0x8e: {  	s22 =	sshra.s32 s21, $0x2;
	s21 =	sadd.s32 $0x200, s21  }
0x8f: {  	_ =	sdelay $0x1  }
0x90: {  	v2 =	vld [tilespmem:s22+$0x19700]  }
0x91: {  	[tilespmem:s20+$0x1C760] =	vst v1  }
0x92: {  	v0 =	vld.idx.msk [tilespmem:v0+s3+$0x0], $0xffff;
	_ =	sdelay $0x3  }
0x93: {  	v1 =	vld [tilespmem:s22+$0x19710]  }
0x94: {  	[tilespmem:s20+$0x1C770] =	vst v0  }
0x95: {  	v0 =	vld.idx.msk [tilespmem:v2+s3+$0x0], $0xffff;
	_ =	sdelay $0x4  }
0x96: {  	[tilespmem:s22+$0x1C700] =	vst v0;
	v0 =	vld [tilespmem:s22+$0x19720]  }
0x97: {  	v1 =	vld.idx.msk [tilespmem:v1+s3+$0x0], $0xffff;
	_ =	sdelay $0x4  }
0x98: {  	[tilespmem:s22+$0x1C710] =	vst v1;
	v1 =	vld [tilespmem:s22+$0x19730];
	_ =	sdelay $0x1  }
0x99: {  	v0 =	vld.idx.msk [tilespmem:v0+s3+$0x0], $0xffff;
	_ =	sdelay $0x4  }
0x9a: {  	[tilespmem:s22+$0x1C720] =	vst v0;
	v0 =	vld [tilespmem:s22+$0x19740]  }
0x9b: {  	v1 =	vld.idx.msk [tilespmem:v1+s3+$0x0], $0xffff;
	_ =	sdelay $0x4  }
0x9c: {  	[tilespmem:s22+$0x1C730] =	vst v1;
	v1 =	vld [tilespmem:s22+$0x19750];
	_ =	sdelay $0x1  }
0x9d: {  	v0 =	vld.idx.msk [tilespmem:v0+s3+$0x0], $0xffff;
	_ =	sdelay $0x4  }
0x9e: {  	[tilespmem:s22+$0x1C740] =	vst v0;
	v0 =	vld [tilespmem:s22+$0x19760]  }
0x9f: {  	v1 =	vld.idx.msk [tilespmem:v1+s3+$0x0], $0xffff;
	_ =	sdelay $0x4  }
0xa0: {  	[tilespmem:s22+$0x1C750] =	vst v1;
	v1 =	vld [tilespmem:s22+$0x19770];
	_ =	sdelay $0x1  }
0xa1: {  	v0 =	vld.idx.msk [tilespmem:v0+s3+$0x0], $0xffff;
	_ =	sdelay $0x4  }
0xa2: {  	[tilespmem:s22+$0x1C760] =	vst v0  }
0xa3: {  	v0 =	vld.idx.msk [tilespmem:v1+s3+$0x0], $0xffff;
	_ =	sdelay $0x4  }
0xa4: {  	s31 =	sadd.s32 s19, s7;
	s21 =	simm.s32 $0x0;
	[tilespmem:s22+$0x1C770] =	vst v0  }
0xa5: {  	[hbm4b:s31+s21] =	stream.linear.scatter [tilespmem:s14], [sflag:$0x4], $0x1000, $0x38;
	[tilespmem:$0x1D700] =	vst v63  }
0xa6: {  	_ =	swait.ge [sflag:s15], $0x1000  }
0xa7: {  	[sflag:s15] =	ssyncset.done $0x0  }
0xa8: {  	s20 =	simm.s32 $0x0;
	[sflag:s15] =	ssyncadd.s32 $0xFFFFF000  }
0xa9: {  	v0 =	vld [tilespmem:s20+$0x1A700];
	_ =	sdelay $0x5  }
0xaa: {  	v1 =	vld [tilespmem:s20+$0x1A710];
	_ =	sdelay $0x1  }
0xab: {  	v0 =	vld.idx.msk [tilespmem:v0+s3+$0x0], $0xffff;
	_ =	sdelay $0x4  }
0xac: {  	[tilespmem:s20+$0x1C700] =	vst v0;
	v0 =	vld [tilespmem:s20+$0x1A720]  }
0xad: {  	v1 =	vld.idx.msk [tilespmem:v1+s3+$0x0], $0xffff;
	_ =	sdelay $0x4  }
0xae: {  	[tilespmem:s20+$0x1C710] =	vst v1;
	v1 =	vld [tilespmem:s20+$0x1A730];
	_ =	sdelay $0x1  }
0xaf: {  	v0 =	vld.idx.msk [tilespmem:v0+s3+$0x0], $0xffff;
	_ =	sdelay $0x4  }
0xb0: {  	[tilespmem:s20+$0x1C720] =	vst v0;
	v0 =	vld [tilespmem:s20+$0x1A740]  }
0xb1: {  	v1 =	vld.idx.msk [tilespmem:v1+s3+$0x0], $0xffff;
	_ =	sdelay $0x4  }
0xb2: {  	[tilespmem:s20+$0x1C730] =	vst v1;
	v1 =	vld [tilespmem:s20+$0x1A750];
	_ =	sdelay $0x1  }
0xb3: {  	v0 =	vld.idx.msk [tilespmem:v0+s3+$0x0], $0xffff;
	_ =	sdelay $0x4  }
0xb4: {  	v2 =	vld [tilespmem:s20+$0x1A760];
	[tilespmem:s20+$0x1C740] =	vst v0  }
0xb5: {  	v0 =	vld.idx.msk [tilespmem:v1+s3+$0x0], $0xffff;
	_ =	sdelay $0x4  }
0xb6: {  	[tilespmem:s20+$0x1C750] =	vst v0;
	v0 =	vld [tilespmem:s20+$0x1A770];
	_ =	sdelay $0x1  }
0xb7: {  	v1 =	vld.idx.msk [tilespmem:v2+s3+$0x0], $0xffff;
	_ =	sdelay $0x3  }
0xb8: {  	s22 =	simm.s32 $0x80;
	s21 =	simm.s32 $0x400  }
.LBB2_8:
0xb9: {  	p1 =	sne.s32 s21, $0x3E00;
	v2 =	vld [tilespmem:s22+$0x1A700];
	[tilespmem:s20+$0x1C760] =	vst v1  }
0xba: {  	v0 =	vld.idx.msk [tilespmem:v0+s3+$0x0], $0xffff;
	_ =	sdelay $0x5  }
0xbb: {  	v1 =	vld [tilespmem:s22+$0x1A710];
	[tilespmem:s20+$0x1C770] =	vst v0;
	s20 =	smov.u32 s22  }
0xbc: {  	v0 =	vld.idx.msk [tilespmem:v2+s3+$0x0], $0xffff;
	_ =	sdelay $0x5  }
0xbd: {  	[tilespmem:s20+$0x1C700] =	vst v0;
	v0 =	vld [tilespmem:s20+$0x1A720]  }
0xbe: {  	v1 =	vld.idx.msk [tilespmem:v1+s3+$0x0], $0xffff;
	_ =	sdelay $0x5  }
0xbf: {  	[tilespmem:s20+$0x1C710] =	vst v1;
	v1 =	vld [tilespmem:s20+$0x1A730]  }
0xc0: {  	v0 =	vld.idx.msk [tilespmem:v0+s3+$0x0], $0xffff;
	_ =	sdelay $0x5  }
0xc1: {  	[tilespmem:s20+$0x1C720] =	vst v0;
	v0 =	vld [tilespmem:s20+$0x1A740]  }
0xc2: {  	v1 =	vld.idx.msk [tilespmem:v1+s3+$0x0], $0xffff;
	_ =	sdelay $0x5  }
0xc3: {  	[tilespmem:s20+$0x1C730] =	vst v1;
	v1 =	vld [tilespmem:s20+$0x1A750]  }
0xc4: {  	v0 =	vld.idx.msk [tilespmem:v0+s3+$0x0], $0xffff;
	_ =	sdelay $0x5  }
0xc5: {  	[tilespmem:s20+$0x1C740] =	vst v0;
	v2 =	vld [tilespmem:s20+$0x1A760]  }
0xc6: {  	v0 =	vld.idx.msk [tilespmem:v1+s3+$0x0], $0xffff;
	_ =	sdelay $0x5  }
0xc7: {  	[tilespmem:s20+$0x1C750] =	vst v0;
	v0 =	vld [tilespmem:s20+$0x1A770]  }
0xc8: {  	v1 =	vld.idx.msk [tilespmem:v2+s3+$0x0], $0xffff  }
.Ltmp7:
0xc9: {  	(pc) =	sbr.rel @p1 .LBB2_8-.Ltmp7, $2  }
0xca: {  	_ =	sdelay $0x2  }
0xcb: {  	s22 =	sshra.s32 s21, $0x2;
	s21 =	sadd.s32 $0x200, s21  }
0xcc: {  	_ =	sdelay $0x1  }
0xcd: {  	v2 =	vld [tilespmem:s22+$0x1A700]  }
0xce: {  	[tilespmem:s20+$0x1C760] =	vst v1  }
0xcf: {  	v0 =	vld.idx.msk [tilespmem:v0+s3+$0x0], $0xffff;
	_ =	sdelay $0x3  }
0xd0: {  	v1 =	vld [tilespmem:s22+$0x1A710]  }
0xd1: {  	[tilespmem:s20+$0x1C770] =	vst v0  }
0xd2: {  	v0 =	vld.idx.msk [tilespmem:v2+s3+$0x0], $0xffff;
	_ =	sdelay $0x4  }
0xd3: {  	[tilespmem:s22+$0x1C700] =	vst v0;
	v0 =	vld [tilespmem:s22+$0x1A720]  }
0xd4: {  	v1 =	vld.idx.msk [tilespmem:v1+s3+$0x0], $0xffff;
	_ =	sdelay $0x4  }
0xd5: {  	[tilespmem:s22+$0x1C710] =	vst v1;
	v1 =	vld [tilespmem:s22+$0x1A730];
	_ =	sdelay $0x1  }
0xd6: {  	v0 =	vld.idx.msk [tilespmem:v0+s3+$0x0], $0xffff;
	_ =	sdelay $0x4  }
0xd7: {  	[tilespmem:s22+$0x1C720] =	vst v0;
	v0 =	vld [tilespmem:s22+$0x1A740]  }
0xd8: {  	v1 =	vld.idx.msk [tilespmem:v1+s3+$0x0], $0xffff;
	_ =	sdelay $0x4  }
0xd9: {  	[tilespmem:s22+$0x1C730] =	vst v1;
	v1 =	vld [tilespmem:s22+$0x1A750];
	_ =	sdelay $0x1  }
0xda: {  	v0 =	vld.idx.msk [tilespmem:v0+s3+$0x0], $0xffff;
	_ =	sdelay $0x4  }
0xdb: {  	[tilespmem:s22+$0x1C740] =	vst v0;
	v0 =	vld [tilespmem:s22+$0x1A760]  }
0xdc: {  	v1 =	vld.idx.msk [tilespmem:v1+s3+$0x0], $0xffff;
	_ =	sdelay $0x4  }
0xdd: {  	[tilespmem:s22+$0x1C750] =	vst v1;
	v1 =	vld [tilespmem:s22+$0x1A770];
	_ =	sdelay $0x1  }
0xde: {  	v0 =	vld.idx.msk [tilespmem:v0+s3+$0x0], $0xffff;
	_ =	sdelay $0x4  }
0xdf: {  	[tilespmem:s22+$0x1C760] =	vst v0  }
0xe0: {  	v0 =	vld.idx.msk [tilespmem:v1+s3+$0x0], $0xffff;
	_ =	sdelay $0x4  }
0xe1: {  	s31 =	sadd.s32 s19, s8;
	s21 =	simm.s32 $0x0;
	[tilespmem:s22+$0x1C770] =	vst v0  }
0xe2: {  	[hbm4b:s31+s21] =	stream.linear.scatter [tilespmem:s14], [sflag:$0x4], $0x1000, $0x38;
	[tilespmem:$0x1D700] =	vst v63  }
0xe3: {  	_ =	swait.ge [sflag:s15], $0x1000  }
0xe4: {  	[sflag:s15] =	ssyncset.done $0x0  }
0xe5: {  	s20 =	simm.s32 $0x0;
	[sflag:s15] =	ssyncadd.s32 $0xFFFFF000  }
0xe6: {  	v0 =	vld [tilespmem:s20+$0x1B700];
	_ =	sdelay $0x5  }
0xe7: {  	v1 =	vld [tilespmem:s20+$0x1B710];
	_ =	sdelay $0x1  }
0xe8: {  	v0 =	vld.idx.msk [tilespmem:v0+s3+$0x0], $0xffff;
	_ =	sdelay $0x4  }
0xe9: {  	[tilespmem:s20+$0x1C700] =	vst v0;
	v0 =	vld [tilespmem:s20+$0x1B720]  }
0xea: {  	v1 =	vld.idx.msk [tilespmem:v1+s3+$0x0], $0xffff;
	_ =	sdelay $0x4  }
0xeb: {  	[tilespmem:s20+$0x1C710] =	vst v1;
	v1 =	vld [tilespmem:s20+$0x1B730];
	_ =	sdelay $0x1  }
0xec: {  	v0 =	vld.idx.msk [tilespmem:v0+s3+$0x0], $0xffff;
	_ =	sdelay $0x4  }
0xed: {  	[tilespmem:s20+$0x1C720] =	vst v0;
	v0 =	vld [tilespmem:s20+$0x1B740]  }
0xee: {  	v1 =	vld.idx.msk [tilespmem:v1+s3+$0x0], $0xffff;
	_ =	sdelay $0x4  }
0xef: {  	[tilespmem:s20+$0x1C730] =	vst v1;
	v1 =	vld [tilespmem:s20+$0x1B750];
	_ =	sdelay $0x1  }
0xf0: {  	v0 =	vld.idx.msk [tilespmem:v0+s3+$0x0], $0xffff;
	_ =	sdelay $0x4  }
0xf1: {  	v2 =	vld [tilespmem:s20+$0x1B760];
	[tilespmem:s20+$0x1C740] =	vst v0  }
0xf2: {  	v0 =	vld.idx.msk [tilespmem:v1+s3+$0x0], $0xffff;
	_ =	sdelay $0x4  }
0xf3: {  	[tilespmem:s20+$0x1C750] =	vst v0;
	v0 =	vld [tilespmem:s20+$0x1B770];
	_ =	sdelay $0x1  }
0xf4: {  	v1 =	vld.idx.msk [tilespmem:v2+s3+$0x0], $0xffff;
	_ =	sdelay $0x3  }
0xf5: {  	s22 =	simm.s32 $0x80;
	s21 =	simm.s32 $0x400  }
.LBB2_10:
0xf6: {  	p1 =	sne.s32 s21, $0x3E00;
	v2 =	vld [tilespmem:s22+$0x1B700];
	[tilespmem:s20+$0x1C760] =	vst v1  }
0xf7: {  	v0 =	vld.idx.msk [tilespmem:v0+s3+$0x0], $0xffff;
	_ =	sdelay $0x5  }
0xf8: {  	v1 =	vld [tilespmem:s22+$0x1B710];
	[tilespmem:s20+$0x1C770] =	vst v0;
	s20 =	smov.u32 s22  }
0xf9: {  	v0 =	vld.idx.msk [tilespmem:v2+s3+$0x0], $0xffff;
	_ =	sdelay $0x5  }
0xfa: {  	[tilespmem:s20+$0x1C700] =	vst v0;
	v0 =	vld [tilespmem:s20+$0x1B720]  }
0xfb: {  	v1 =	vld.idx.msk [tilespmem:v1+s3+$0x0], $0xffff;
	_ =	sdelay $0x5  }
0xfc: {  	[tilespmem:s20+$0x1C710] =	vst v1;
	v1 =	vld [tilespmem:s20+$0x1B730]  }
0xfd: {  	v0 =	vld.idx.msk [tilespmem:v0+s3+$0x0], $0xffff;
	_ =	sdelay $0x5  }
0xfe: {  	[tilespmem:s20+$0x1C720] =	vst v0;
	v0 =	vld [tilespmem:s20+$0x1B740]  }
0xff: {  	v1 =	vld.idx.msk [tilespmem:v1+s3+$0x0], $0xffff;
	_ =	sdelay $0x5  }
0x100: {  	[tilespmem:s20+$0x1C730] =	vst v1;
	v1 =	vld [tilespmem:s20+$0x1B750]  }
0x101: {  	v0 =	vld.idx.msk [tilespmem:v0+s3+$0x0], $0xffff;
	_ =	sdelay $0x5  }
0x102: {  	[tilespmem:s20+$0x1C740] =	vst v0;
	v2 =	vld [tilespmem:s20+$0x1B760]  }
0x103: {  	v0 =	vld.idx.msk [tilespmem:v1+s3+$0x0], $0xffff;
	_ =	sdelay $0x5  }
0x104: {  	[tilespmem:s20+$0x1C750] =	vst v0;
	v0 =	vld [tilespmem:s20+$0x1B770]  }
0x105: {  	v1 =	vld.idx.msk [tilespmem:v2+s3+$0x0], $0xffff  }
.Ltmp8:
0x106: {  	(pc) =	sbr.rel @p1 .LBB2_10-.Ltmp8, $2  }
0x107: {  	_ =	sdelay $0x2  }
0x108: {  	s22 =	sshra.s32 s21, $0x2;
	s21 =	sadd.s32 $0x200, s21  }
0x109: {  	_ =	sdelay $0x1  }
0x10a: {  	v2 =	vld [tilespmem:s22+$0x1B700]  }
0x10b: {  	[tilespmem:s20+$0x1C760] =	vst v1  }
0x10c: {  	v0 =	vld.idx.msk [tilespmem:v0+s3+$0x0], $0xffff;
	_ =	sdelay $0x3  }
0x10d: {  	v1 =	vld [tilespmem:s22+$0x1B710]  }
0x10e: {  	[tilespmem:s20+$0x1C770] =	vst v0  }
0x10f: {  	v0 =	vld.idx.msk [tilespmem:v2+s3+$0x0], $0xffff;
	_ =	sdelay $0x3  }
0x110: {  	v58 =	vld [tilespmem:s22+$0x1B720]  }
0x111: {  	[tilespmem:s22+$0x1C700] =	vst v0  }
0x112: {  	v1 =	vld.idx.msk [tilespmem:v1+s3+$0x0], $0xffff;
	_ =	sdelay $0x3  }
0x113: {  	v59 =	vld [tilespmem:s22+$0x1B730]  }
0x114: {  	[tilespmem:s22+$0x1C710] =	vst v1  }
0x115: {  	v0 =	vld.idx.msk [tilespmem:v58+s3+$0x0], $0xffff;
	_ =	sdelay $0x3  }
0x116: {  	v60 =	vld [tilespmem:s22+$0x1B740]  }
0x117: {  	[tilespmem:s22+$0x1C720] =	vst v0  }
0x118: {  	v1 =	vld.idx.msk [tilespmem:v59+s3+$0x0], $0xffff;
	_ =	sdelay $0x3  }
0x119: {  	v61 =	vld [tilespmem:s22+$0x1B750]  }
0x11a: {  	[tilespmem:s22+$0x1C730] =	vst v1  }
0x11b: {  	v0 =	vld.idx.msk [tilespmem:v60+s3+$0x0], $0xffff;
	_ =	sdelay $0x3  }
0x11c: {  	v62 =	vld [tilespmem:s22+$0x1B760]  }
0x11d: {  	[tilespmem:s22+$0x1C740] =	vst v0  }
0x11e: {  	v1 =	vld.idx.msk [tilespmem:v61+s3+$0x0], $0xffff;
	_ =	sdelay $0x3  }
0x11f: {  	v63 =	vld [tilespmem:s22+$0x1B770]  }
0x120: {  	[tilespmem:s22+$0x1C750] =	vst v1  }
0x121: {  	v0 =	vld.idx.msk [tilespmem:v62+s3+$0x0], $0xffff;
	_ =	sdelay $0x4  }
0x122: {  	[tilespmem:s22+$0x1C760] =	vst v0  }
0x123: {  	v0 =	vld.idx.msk [tilespmem:v63+s3+$0x0], $0xffff;
	_ =	sdelay $0x4  }
.Ltmp9:
0x124: {  	s19 =	sadd.s32 s19, s9;
	[tilespmem:s22+$0x1C770] =	vst v0;
	(pc) =	sbr.rel .LBB2_12-.Ltmp9, $4  }
0x125: {  	[hbm4b:s19+s3] =	stream.linear.scatter [tilespmem:s14], [sflag:$0x3], $0x1000, $0x38;
	[tilespmem:$0x1D700] =	vst v63  }
0x126: {  	_ =	swait.ge [sflag:s16], $0x1000  }
0x127: {  	[sflag:s16] =	ssyncset.done $0x0  }
0x128: {  	[sflag:s16] =	ssyncadd.s32 $0xFFFFF000  }
.LBB2_14:
0x129: {  	_ =	sfence.sel $0x180000  }
0x12a: {  	[bflag:$0x0] =	sbarrier.arrive $0xFFFF  }
0x12b: {  	p0 =	sne.s32 s2, $0x0;
	_ =	strace $0x9000004A  }
0x12c: {  	s0 =	sadd.s32 @!p0 $0x100000, s0;
	[bflag:$0x2] =	sbarrier.arrive $0xFFFF  }
0x12d: {  	[sflag:s0] =	ssyncadd.tile.s32 @!p0 $0x1;
	_ =	shalt  }
.Lfunc_end2:
_tile_overlayer_lowered:
.L_overlay_start_2:
0x12e: {  	(tag) =	ssettag $0x2  }
0x12f: {  	s0 =	rddreg [dreg:$0x0];
	s2 =	stileid.u32  }
0x130: {  	s1 =	rddreg [dreg:$0x1];
	p0 =	sne.s32 s2, $0x0  }
0x131: {  	s3 =	rddreg [dreg:$0x2];
	[bflag:$0x3] =	sbarrier.arrive $0xFFFF;
	s2 =	simm.s32 @!p0 $0x1C03  }
0x132: {  	[timem:s3], [sflag:s2] =	dma.local @!p0 [hbm:s0], s1  }
0x133: {  	s0 =	simm.s32 @!p0 $0x3  }
0x134: {  	_ =	swait.ge @!p0 [sflag:s0], s1  }
0x135: {  	s1 =	ssub.s32 @!p0 $0x0, s1;
	[sflag:s0] =	ssyncset.done @!p0 $0x0  }
0x136: {  	[sflag:s0] =	ssyncadd.s32 @!p0 s1  }
0x137: {  	[bflag:$0x3] =	sbarrier.arrive $0xFFFF  }
0x138: {  	_ =	shalt  }

// kernel: kernel.14.cloned.1.call-start
scs
__scs_entry_jumppad:
0x0: {  	(pc) =	sbr.rel $0x88, $3  }
0x1: {  	(tag) =	ssettag $0x0;
	lr =	simm.s32 $0x1  }
0x2: {  	[smem:$0x3F9B] =	sst lr;
	_ =	strace $0xD0000000  }
0x3: {  	_ = 	snop  }
0x4: {  	_ = 	snop  }
0x5: {  	_ = 	snop  }
0x6: {  	_ = 	snop  }
0x7: {  	_ = 	snop  }
__scs_overlays_trampoline_lowered:
0x8: {  	[smem:$0x3FAA] =	sst s0  }
0x9: {  	[smem:$0x3FAB] =	sst s1  }
0xa: {  	[smem:$0x3FAC] =	sst s2  }
0xb: {  	[smem:$0x3FAD] =	sst s3  }
0xc: {  	[smem:$0x3FAE] =	sst s4  }
0xd: {  	[smem:$0x3FAF] =	sst s5  }
0xe: {  	[smem:$0x3FB0] =	sst s6  }
0xf: {  	[smem:$0x3FB1] =	sst s7  }
0x10: {  	[smem:$0x3FB2] =	sst s8  }
0x11: {  	[smem:$0x3FB3] =	sst s9;
	s0 =	simm.s32 @!p0 $0x0  }
0x12: {  	s1 =	sld [smem:$0x3F99];
	s0 =	simm.s32 @p0 $0x1  }
0x13: {  	[smem:$0x3FB4] =	sst s0;
	s0 =	simm.s32 @!p1 $0x0  }
0x14: {  	s2 =	sld [smem:$0x3F98];
	s0 =	simm.s32 @p1 $0x1  }
0x15: {  	[smem:$0x3FB5] =	sst s0;
	s0 =	simm.s32 @!p2 $0x0  }
0x16: {  	s3 =	sld [smem:$0x3FDB];
	s0 =	simm.s32 @p2 $0x1  }
0x17: {  	s4 =	simm.s32 $0x1BF5;
	[smem:$0x3FB7] =	sst s0  }
0x18: {  	s0 =	sld [smem:$0x3F9A];
	_ =	swait.ge [sflag:s4], $0x0  }
0x19: {  	s7 =	sld [smem:$0x3F9B]  }
0x1a: {  	s8 =	sadd.s32 $0xFFFFE003, lr  }
0x1b: {  	s9 =	sadd.s32 $0xFFFFFEF7, lr;
	s5 =	simm.s32 $0xFFFFFFFF;
	p2 =	slt.u32 s8, $0xFFFFF086  }
0x1c: {  	p1 =	slt.u32 s9, $0xF7A;
	s5 =	simm.s32 @!p2 $0x0  }
0x1d: {  	s5 =	simm.s32 @p1 $0x1;
	p0 =	seq.s32 s7, s2  }
0x1e: {  	s7 =	smul.u32 @!p0 $0xF7A, s2;
	p2 =	seq.s32 @!p0 s5, $0x0  }
0x1f: {  	s9 =	smul.u32 $0xF7A, s1;
	s8 =	simm.s32 @!p0 $0x1BF5;
	p2 =	por !p2, p0  }
0x20: {  	[sflag:s8] =	ssyncset.s32 @!p0 $0xFFFFF086;
	s6 =	sadd.s32 @!p0 s3, s7;
	s7 =	simm.s32 @!p0 $0x108  }
0x21: {  	s3 =	sadd.s32 s3, s9;
	s6 =	sadd.s32 @!p0 $0x88, s6;
	s7 =	simm.s32 @p2 $0x1082  }
0x22: {  	[simem:s7], [sflag:s8] =	dma.local @!p0 [hbm:s6], $0xF7A  }
0x23: {  	s9 =	sor.u32 $0xD0000000, s2;
	s6 =	simm.s32 $0x108;
	_ =	swait.ge @!p0 [sflag:s8], $0x0  }
0x24: {  	s3 =	sadd.s32 $0x88, s3;
	s6 =	simm.s32 @!p1 $0x1082;
	[sflag:s4] =	ssyncset.s32 $0xFFFFF086  }
0x25: {  	[simem:s6], [sflag:s4] =	dma.local [hbm:s3], $0xF7A  }
0x26: {  	[smem:$0x3F9B] =	sst s1;
	(tag) =	ssettag s2;
	_ =	strace s9  }
0x27: {  	s1 =	sld [smem:$0x3FAB]  }
0x28: {  	s2 =	sld [smem:$0x3FAC]  }
0x29: {  	s4 =	sld [smem:$0x3FAE]  }
0x2a: {  	p0 =	seq.s32 s5, $0x0;
	s5 =	sld [smem:$0x3FAF]  }
0x2b: {  	s6 =	sld [smem:$0x3FB0]  }
0x2c: {  	s7 =	sld [smem:$0x3FB1]  }
0x2d: {  	s3 =	simm.s32 $0x108;
	s8 =	sld [smem:$0x3FB2]  }
0x2e: {  	s3 =	simm.s32 @!p0 $0x1082;
	s9 =	sld [smem:$0x3FB3]  }
0x2f: {  	lr =	sadd.s32 s0, s3;
	s0 =	sld [smem:$0x3FAA]  }
0x30: {  	s3 =	sld [smem:$0x3FAD]  }
0x31: {  	[smem:$0x3FB6] =	sst s10  }
0x32: {  	s10 =	sld [smem:$0x3FB4];
	_ =	sdelay $0x3  }
0x33: {  	p0 =	seq.s32 s10, $0x1;
	s10 =	sld [smem:$0x3FB6];
	_ =	sdelay $0x3  }
0x34: {  	[smem:$0x3FB6] =	sst s10  }
0x35: {  	s10 =	sld [smem:$0x3FB5];
	_ =	sdelay $0x3  }
0x36: {  	p1 =	seq.s32 s10, $0x1;
	s10 =	sld [smem:$0x3FB6];
	_ =	sdelay $0x3  }
0x37: {  	[smem:$0x3FB6] =	sst s10  }
0x38: {  	s10 =	sld [smem:$0x3FB7]  }
0x39: {  	_ = 	snop;
	(pc) =	sbr.ind lr, $3  }
0x3a: {  	_ = 	snop  }
0x3b: {  	_ = 	snop  }
0x3c: {  	p2 =	seq.s32 s10, $0x1;
	s10 =	sld [smem:$0x3FB6]  }
0x3d: {  	_ =	shalt  }
0x3e: {  	_ =	shalt  }
0x3f: {  	_ =	shalt  }
0x40: {  	_ =	shalt  }
0x41: {  	_ =	shalt  }
0x42: {  	_ =	shalt  }
0x43: {  	_ =	shalt  }
0x44: {  	_ =	shalt  }
0x45: {  	_ =	shalt  }
0x46: {  	_ =	shalt  }
0x47: {  	_ =	shalt  }
0x48: {  	_ =	shalt  }
0x49: {  	_ =	shalt  }
0x4a: {  	_ =	shalt  }
0x4b: {  	_ =	shalt  }
0x4c: {  	_ =	shalt  }
0x4d: {  	_ =	shalt  }
0x4e: {  	_ =	shalt  }
0x4f: {  	_ =	shalt  }
0x50: {  	_ =	shalt  }
0x51: {  	_ =	shalt  }
0x52: {  	_ =	shalt  }
0x53: {  	_ =	shalt  }
0x54: {  	_ =	shalt  }
0x55: {  	_ =	shalt  }
0x56: {  	_ =	shalt  }
0x57: {  	_ =	shalt  }
0x58: {  	_ =	shalt  }
0x59: {  	_ =	shalt  }
0x5a: {  	_ =	shalt  }
0x5b: {  	_ =	shalt  }
0x5c: {  	_ =	shalt  }
0x5d: {  	_ =	shalt  }
0x5e: {  	_ =	shalt  }
0x5f: {  	_ =	shalt  }
0x60: {  	_ =	shalt  }
0x61: {  	_ =	shalt  }
0x62: {  	_ =	shalt  }
0x63: {  	_ =	shalt  }
0x64: {  	_ =	shalt  }
0x65: {  	_ =	shalt  }
0x66: {  	_ =	shalt  }
0x67: {  	_ =	shalt  }
0x68: {  	_ =	shalt  }
0x69: {  	_ =	shalt  }
0x6a: {  	_ =	shalt  }
0x6b: {  	_ =	shalt  }
0x6c: {  	_ =	shalt  }
0x6d: {  	_ =	shalt  }
0x6e: {  	_ =	shalt  }
0x6f: {  	_ =	shalt  }
0x70: {  	_ =	shalt  }
0x71: {  	_ =	shalt  }
0x72: {  	_ =	shalt  }
0x73: {  	_ =	shalt  }
0x74: {  	_ =	shalt  }
0x75: {  	_ =	shalt  }
0x76: {  	_ =	shalt  }
0x77: {  	_ =	shalt  }
0x78: {  	_ =	shalt  }
0x79: {  	_ =	shalt  }
0x7a: {  	_ =	shalt  }
0x7b: {  	_ =	shalt  }
0x7c: {  	_ =	shalt  }
0x7d: {  	_ =	shalt  }
0x7e: {  	_ =	shalt  }
0x7f: {  	_ =	shalt  }
0x80: {  	_ =	shalt  }
0x81: {  	_ =	shalt  }
0x82: {  	_ =	shalt  }
0x83: {  	_ =	shalt  }
0x84: {  	_ =	shalt  }
0x85: {  	_ =	shalt  }
0x86: {  	_ =	shalt  }
0x87: {  	_ =	shalt  }
.Lfunc_end0:
.L_simem_size_0:
called_computation.2_lowered:
.L_overlay_start_0:
0x88: {  	s2 =	sld [smem:$0x3FD9]  }
0x89: {  	s3 =	sld [smem:$0x3FFE];
	_ =	sdelay $0x1  }
0x8a: {  	s1 =	srdreg.scid  }
0x8b: {  	s0 =	sand.u32 $0x1, s1  }
0x8c: {  	s17 =	sshll.u32 s0, $0xA;
	s2 =	sadd.s32 s3, s2  }
0x8d: {  	s2 =	sadd.s32 s2, s17  }
0x8e: {  	[smem:$0x3FC2] =	sst s2  }
0x8f: {  	_ = 	snop  }
0x90: {  	s18 =	sld [smem:$0x3FC4]  }
0x91: {  	s4 =	sld [smem:$0x3FD0];
	(tm) =	ssettm $0x1  }
0x92: {  	s19 =	sld [smem:$0x3FFB];
	_ =	sdelay $0x3  }
0x93: {  	_ =	strace s19  }
0x94: {  	s2 =	sld [smem:$0x3FFC];
	_ =	sdelay $0x3  }
0x95: {  	_ =	strace s2  }
0x96: {  	s2 =	sld [smem:$0x3FFD];
	_ =	sdelay $0x3  }
0x97: {  	_ =	strace s2  }
0x98: {  	_ =	strace $0x8FFFFFFF  }
0x99: {  	s20 =	sld [smem:$0x3FDB];
	_ =	sdelay $0x1  }
0x9a: {  	s5 =	simm.s32 $_scs_section_size  }
0x9b: {  	s6 =	simm.s32 $_size__tile_overlayer_lowered;
	s7 =	simm.s32 $_tile_overlayer_lowered  }
0x9c: {  	s8 =	simm.s32 $0x1BFF;
	s21 =	sshll.u32 s7, $0x1;
	s5 =	sadd.s32 s5, s20  }
0x9d: {  	s22 =	simm.s32 $0x0;
	s6 =	sshll.u32 s6, $0x1;
	s7 =	sadd.s32 s21, s5  }
0x9e: {  	[timem:s22], [sflag:s8] =	dma.local [hbm:s7], s6  }
0x9f: {  	_ =	swait.ge [sflag:s8], s6  }
0xa0: {  	s6 =	ssub.s32 $0x0, s6;
	[sflag:s8] =	ssyncset.done $0x0  }
0xa1: {  	[sflag:s8] =	ssyncadd.s32 s6;
	_ =	sdelay $0x1  }
0xa2: {  	s23 =	simm.s32 $0x1B8B  }
0xa3: {  	_ =	swait.ge [sflag:s23], $0x1  }
0xa4: {  	[sflag:s23] =	ssyncset.done $0x0  }
0xa5: {  	[sflag:s23] =	ssyncadd.s32 $0xFFFFFFFF  }
0xa6: {  	s6 =	sld [smem:$0x0]  }
0xa7: {  	s7 =	sand.u32 $0xFFFFFFFE, s1  }
0xa8: {  	p0 =	sne.s32 s1, s7  }
0xa9: {  	s7 =	sshll.u32 @p0 s7, $0xE  }
0xaa: {  	s7 =	sadd.s32 @p0 $0x11B8D, s7;
	s8 =	sshll.u32 @p0 s6, $0x11  }
0xab: {  	s7 =	sor.u32 @p0 s8, s7  }
0xac: {  	[sflag:s7] =	ssyncadd.remote.s32 @p0 $0x1;
	_ =	sdelay $0x1  }
0xad: {  	s7 =	simm.s32 @p0 $0x1B8D  }
0xae: {  	_ =	swait.eq @p0 [sflag:s7], $0x1  }
0xaf: {  	[sflag:s7] =	ssyncadd.s32 @p0 $0xFFFFFFFF  }
0xb0: {  	s8 =	sshll.u32 @!p0 s1, $0xE  }
0xb1: {  	s8 =	sor.u32 @!p0 $0x4000, s8;
	s7 =	simm.s32 @!p0 $0x1B8D  }
0xb2: {  	s6 =	sshll.u32 @!p0 s6, $0x11;
	s8 =	sadd.s32 @!p0 $0x11B8D, s8;
	_ =	swait.eq @!p0 [sflag:s7], $0x1  }
0xb3: {  	s6 =	sor.u32 @!p0 s6, s8;
	[sflag:s7] =	ssyncadd.s32 @!p0 $0xFFFFFFFF  }
0xb4: {  	s25 =	simm.s32 $0x1B8E;
	s24 =	sld [smem:$0x3FFE];
	[sflag:s6] =	ssyncadd.remote.s32 @!p0 $0x1  }
0xb5: {  	s26 =	simm.s32 $execute0_lowered;
	[smem:$0x3FD2] =	sst s25  }
0xb6: {  	s7 =	sshll.u32 s26, $0x1;
	_ =	strace $0x8000004C;
	[dreg:$0x1] =	wrdreg $0xFFFFFFFF  }
0xb7: {  	s28 =	simm.s32 $_size_execute0_lowered;
	s5 =	sadd.s32 s5, s7;
	[dreg:$0x0] =	wrdreg $0x0  }
0xb8: {  	s7 =	sshll.u32 s28, $0x1;
	[dreg:$0x2] =	wrdreg s5  }
0xb9: {  	[dreg:$0x3] =	wrdreg s7  }
0xba: {  	[dreg:$0x4] =	wrdreg $0xC0  }
0xbb: {  	_ =	task [dreg:s22], $0x5FFFF  }
0xbc: {  	[dreg:$0x1] =	wrdreg $0xFFFFFFFF  }
0xbd: {  	[dreg:$0x0] =	wrdreg $0x60  }
0xbe: {  	[dreg:$0x2] =	wrdreg s24  }
0xbf: {  	[dreg:$0x3] =	wrdreg s4  }
0xc0: {  	[dreg:$0x4] =	wrdreg s18  }
0xc1: {  	[dreg:$0x5] =	wrdreg $0xA  }
0xc2: {  	_ =	task.clear_ibuf [dreg:s22], $0x6FFFF;
	_ =	strace $0x9000004C  }
0xc3: {  	s29 =	simm.s32 $0xA;
	_ =	strace $0x8000004E  }
0xc4: {  	_ =	swait.ge [sflag:s29], $0x1  }
0xc5: {  	[sflag:s29] =	ssyncadd.s32 $0xFFFFFFFF  }
0xc6: {  	_ =	strace $0x9000004E  }
0xc7: {  	_ =	sfence  }
0xc8: {  	s30 =	sld [smem:$0x0];
	_ =	sdelay $0x2  }
0xc9: {  	s31 =	sshll.u32 s1, $0xD;
	s1 =	sshrl.u32 s1, $0x2  }
0xca: {  	s4 =	sand.u32 $0x4000, s31;
	s1 =	sadd.s32 s1, s30  }
0xcb: {  	s0 =	sor.u32 s4, s0;
	s1 =	sshll.u32 s1, $0x11  }
0xcc: {  	s0 =	sor.u32 s1, s0  }
0xcd: {  	s0 =	sadd.s32 $0x8F2B, s0  }
0xce: {  	[sflag:s0] =	ssyncadd.remote.s32 $0x1  }
0xcf: {  	_ =	sfence.sel $0xFFFF  }
0xd0: {  	[dreg:$0x0] =	wrdreg $0xFFFFFFFF;
	(pc) =	sbr.abs _section_cstart, $3  }
0xd1: {  	[dreg:$0x1] =	wrdreg $0xFFFFFFFF  }
0xd2: {  	_ =	task.clear_ibuf [dreg:s22], $0x2FFFF;
	_ =	strace $0x9FFFFFFF  }
0xd3: {  	(tm) =	ssettm $0x7FFFFFFF  }
tec
execute0_lowered:
.L_overlay_start_1:
0x0: {  	(tag) =	ssettag $0x1  }
0x1: {  	s10 =	rddreg [dreg:$0x0]  }
0x2: {  	s1 =	srdreg.scid;
	s2 =	rddreg [dreg:$0x1]  }
0x3: {  	s0 =	stileid.u32;
	s4 =	rddreg [dreg:$0x2]  }
0x4: {  	s5 =	simm.s32 $0x0;
	s17 =	simm.s32 $0x18700;
	s18 =	simm.s32 $0x1  }
0x5: {  	s19 =	simm.s32 $0x2;
	s20 =	simm.s32 $0x1C700;
	s21 =	simm.s32 $0x4  }
0x6: {  	s22 =	simm.s32 $0x3;
	s6 =	sand.u32 $0x1, s1;
	s31 =	sshll.u32 s0, $0x1  }
0x7: {  	s23 =	simm.s32 $0x0;
	s1 =	rddreg [dreg:$0x3];
	s3 =	sor.u32 s6, s31  }
0x8: {  	[smem:$0x7FF] =	sst s5;
	s8 =	ssub.s32 $0x2, s6;
	s7 =	smul.u32 $0x186A0, s3  }
0x9: {  	_ =	strace $0x8000004D;
	s6 =	sadd.s32 $0x350600, s10;
	s9 =	sshrl.u32 s8, $0x1  }
0xa: {  	s12 =	sshll.u32 s3, $0xB;
	p0 =	slt.u32 s3, $0x13;
	s7 =	sadd.s32 $0xFFE30220, s7  }
.Ltmp0:
0xb: {  	s16 =	ssub.s32 s8, s9;
	s7 =	sshrl.u32 s7, $0x3;
	(pc) =	sbr.rel .LBB2_1-.Ltmp0, $4  }
0xc: {  	s8 =	sadd.s32 $0x5B3800, s10;
	s11 =	sadd.s32 s7, s10;
	s7 =	sadd.s32 $0x5B3600, s10  }
0xd: {  	s9 =	sadd.s32 $0x5B3A00, s10;
	s16 =	smax.u32 s16, $0x1;
	s15 =	sadd.s32 s7, s12  }
0xe: {  	s10 =	sadd.s32 $0x5B3C00, s10;
	s11 =	sadd.s32 $0x1200, s11;
	s12 =	sadd.s32 $0x5A800, s15  }
0xf: {  	s13 =	sadd.s32 $0x5AA00, s15;
	s14 =	sadd.s32 $0x5AC00, s15;
	s15 =	sadd.s32 $0x5AE00, s15  }
.LBB2_23:
0x10: {  	s23 =	sadd.s32 $0x1, s23  }
0x11: {  	p1 =	sne.s32 s23, s16  }
.Ltmp1:
0x12: {  	_ = 	snop;
	(pc) =	sbr.rel @!p1 .LBB2_24-.Ltmp1, $1  }
0x13: {  	_ =	sdelay $0x3  }
.LBB2_1:
.Ltmp2:
0x14: {  	(pc) =	sbr.rel .LBB2_2-.Ltmp2, $2  }
0x15: {  	_ =	sdelay $0x2  }
0x16: {  	s24 =	simm.s32 $0x0  }
.LBB2_12:
0x17: {  	s24 =	sadd.s32 $0x1, s24  }
0x18: {  	p1 =	sne.s32 s24, $0x7  }
.Ltmp3:
0x19: {  	_ = 	snop;
	(pc) =	sbr.rel @!p1 .LBB2_13-.Ltmp3, $1  }
0x1a: {  	_ =	sdelay $0x3  }
.LBB2_2:
0x1b: {  	s25 =	sshll.u32 s24, $0x5  }
0x1c: {  	s25 =	sor.u32 s3, s25  }
0x1d: {  	p1 =	sgt.u32 s25, $0xC7  }
.Ltmp4:
0x1e: {  	_ = 	snop;
	(pc) =	sbr.rel @p1 .LBB2_12-.Ltmp4, $1  }
0x1f: {  	_ =	sdelay $0x3  }
0x20: {  	s26 =	sshll.u32 s25, $0x7  }
0x21: {  	s26 =	sadd.s32 $0x6C00, s26  }
0x22: {  	s26 =	sand.u32 $0xF800, s26  }
0x23: {  	s28 =	simm.s32 $0x0;
	s29 =	smul.u32 $0x30E0, s25;
	s26 =	sadd.s32 s2, s26  }
0x24: {  	[tilespmem:s17], [sflag:$0x1] =	stream.linear.gather [hbm4b:s26+s28], $0x4000, $0x38;
	[tilespmem:$0x1D700] =	vst v63  }
0x25: {  	s31 =	sadd.s32 s6, s29  }
0x26: {  	[tilespmem:s28], [sflag:$0x2] =	stream.linear.gather [hbm4b:s31+s28], $0x18700, $0x38;
	[tilespmem:$0x1D700] =	vst v63  }
0x27: {  	_ =	swait.ge [sflag:s18], $0x4000  }
0x28: {  	[sflag:s18] =	ssyncset.done $0x0  }
0x29: {  	[sflag:s18] =	ssyncadd.s32 $0xFFFFC000  }
0x2a: {  	_ =	swait.ge [sflag:s19], $0x18700  }
0x2b: {  	[sflag:s19] =	ssyncset.done $0x0  }
0x2c: {  	s26 =	simm.s32 $0x0;
	[sflag:s19] =	ssyncadd.s32 $0xFFFE7900  }
0x2d: {  	v0 =	vld [tilespmem:s26+$0x18700];
	_ =	sdelay $0x5  }
0x2e: {  	v1 =	vld [tilespmem:s26+$0x18710];
	_ =	sdelay $0x1  }
0x2f: {  	v0 =	vld.idx.msk [tilespmem:v0+s5+$0x0], $0xffff;
	_ =	sdelay $0x4  }
0x30: {  	[tilespmem:s26+$0x1C700] =	vst v0;
	v0 =	vld [tilespmem:s26+$0x18720]  }
0x31: {  	v1 =	vld.idx.msk [tilespmem:v1+s5+$0x0], $0xffff;
	_ =	sdelay $0x4  }
0x32: {  	[tilespmem:s26+$0x1C710] =	vst v1;
	v1 =	vld [tilespmem:s26+$0x18730];
	_ =	sdelay $0x1  }
0x33: {  	v0 =	vld.idx.msk [tilespmem:v0+s5+$0x0], $0xffff;
	_ =	sdelay $0x4  }
0x34: {  	[tilespmem:s26+$0x1C720] =	vst v0;
	v0 =	vld [tilespmem:s26+$0x18740]  }
0x35: {  	v1 =	vld.idx.msk [tilespmem:v1+s5+$0x0], $0xffff;
	_ =	sdelay $0x4  }
0x36: {  	[tilespmem:s26+$0x1C730] =	vst v1;
	v1 =	vld [tilespmem:s26+$0x18750];
	_ =	sdelay $0x1  }
0x37: {  	v0 =	vld.idx.msk [tilespmem:v0+s5+$0x0], $0xffff;
	_ =	sdelay $0x4  }
0x38: {  	v2 =	vld [tilespmem:s26+$0x18760];
	[tilespmem:s26+$0x1C740] =	vst v0  }
0x39: {  	v0 =	vld.idx.msk [tilespmem:v1+s5+$0x0], $0xffff;
	_ =	sdelay $0x4  }
0x3a: {  	[tilespmem:s26+$0x1C750] =	vst v0;
	v0 =	vld [tilespmem:s26+$0x18770];
	_ =	sdelay $0x1  }
0x3b: {  	v1 =	vld.idx.msk [tilespmem:v2+s5+$0x0], $0xffff;
	_ =	sdelay $0x3  }
0x3c: {  	s29 =	simm.s32 $0x80;
	s28 =	simm.s32 $0x400  }
.LBB2_4:
0x3d: {  	p1 =	sne.s32 s28, $0x3E00;
	v2 =	vld [tilespmem:s29+$0x18700];
	[tilespmem:s26+$0x1C760] =	vst v1  }
0x3e: {  	v0 =	vld.idx.msk [tilespmem:v0+s5+$0x0], $0xffff;
	_ =	sdelay $0x5  }
0x3f: {  	v1 =	vld [tilespmem:s29+$0x18710];
	[tilespmem:s26+$0x1C770] =	vst v0;
	s26 =	smov.u32 s29  }
0x40: {  	v0 =	vld.idx.msk [tilespmem:v2+s5+$0x0], $0xffff;
	_ =	sdelay $0x5  }
0x41: {  	[tilespmem:s26+$0x1C700] =	vst v0;
	v0 =	vld [tilespmem:s26+$0x18720]  }
0x42: {  	v1 =	vld.idx.msk [tilespmem:v1+s5+$0x0], $0xffff;
	_ =	sdelay $0x5  }
0x43: {  	[tilespmem:s26+$0x1C710] =	vst v1;
	v1 =	vld [tilespmem:s26+$0x18730]  }
0x44: {  	v0 =	vld.idx.msk [tilespmem:v0+s5+$0x0], $0xffff;
	_ =	sdelay $0x5  }
0x45: {  	[tilespmem:s26+$0x1C720] =	vst v0;
	v0 =	vld [tilespmem:s26+$0x18740]  }
0x46: {  	v1 =	vld.idx.msk [tilespmem:v1+s5+$0x0], $0xffff;
	_ =	sdelay $0x5  }
0x47: {  	[tilespmem:s26+$0x1C730] =	vst v1;
	v1 =	vld [tilespmem:s26+$0x18750]  }
0x48: {  	v0 =	vld.idx.msk [tilespmem:v0+s5+$0x0], $0xffff;
	_ =	sdelay $0x5  }
0x49: {  	[tilespmem:s26+$0x1C740] =	vst v0;
	v2 =	vld [tilespmem:s26+$0x18760]  }
0x4a: {  	v0 =	vld.idx.msk [tilespmem:v1+s5+$0x0], $0xffff;
	_ =	sdelay $0x5  }
0x4b: {  	[tilespmem:s26+$0x1C750] =	vst v0;
	v0 =	vld [tilespmem:s26+$0x18770]  }
0x4c: {  	v1 =	vld.idx.msk [tilespmem:v2+s5+$0x0], $0xffff  }
.Ltmp5:
0x4d: {  	(pc) =	sbr.rel @p1 .LBB2_4-.Ltmp5, $2  }
0x4e: {  	_ =	sdelay $0x2  }
0x4f: {  	s29 =	sshra.s32 s28, $0x2;
	s28 =	sadd.s32 $0x200, s28  }
0x50: {  	_ =	sdelay $0x1  }
0x51: {  	v2 =	vld [tilespmem:s29+$0x18700]  }
0x52: {  	[tilespmem:s26+$0x1C760] =	vst v1  }
0x53: {  	v0 =	vld.idx.msk [tilespmem:v0+s5+$0x0], $0xffff;
	_ =	sdelay $0x3  }
0x54: {  	v1 =	vld [tilespmem:s29+$0x18710]  }
0x55: {  	[tilespmem:s26+$0x1C770] =	vst v0  }
0x56: {  	v0 =	vld.idx.msk [tilespmem:v2+s5+$0x0], $0xffff;
	_ =	sdelay $0x4  }
0x57: {  	[tilespmem:s29+$0x1C700] =	vst v0;
	v0 =	vld [tilespmem:s29+$0x18720]  }
0x58: {  	v1 =	vld.idx.msk [tilespmem:v1+s5+$0x0], $0xffff;
	_ =	sdelay $0x4  }
0x59: {  	[tilespmem:s29+$0x1C710] =	vst v1;
	v1 =	vld [tilespmem:s29+$0x18730];
	_ =	sdelay $0x1  }
0x5a: {  	v0 =	vld.idx.msk [tilespmem:v0+s5+$0x0], $0xffff;
	_ =	sdelay $0x4  }
0x5b: {  	[tilespmem:s29+$0x1C720] =	vst v0;
	v0 =	vld [tilespmem:s29+$0x18740]  }
0x5c: {  	v1 =	vld.idx.msk [tilespmem:v1+s5+$0x0], $0xffff;
	_ =	sdelay $0x4  }
0x5d: {  	[tilespmem:s29+$0x1C730] =	vst v1;
	v1 =	vld [tilespmem:s29+$0x18750];
	_ =	sdelay $0x1  }
0x5e: {  	v0 =	vld.idx.msk [tilespmem:v0+s5+$0x0], $0xffff;
	_ =	sdelay $0x4  }
0x5f: {  	[tilespmem:s29+$0x1C740] =	vst v0;
	v0 =	vld [tilespmem:s29+$0x18760]  }
0x60: {  	v1 =	vld.idx.msk [tilespmem:v1+s5+$0x0], $0xffff;
	_ =	sdelay $0x4  }
0x61: {  	[tilespmem:s29+$0x1C750] =	vst v1;
	v1 =	vld [tilespmem:s29+$0x18770];
	_ =	sdelay $0x1  }
0x62: {  	v0 =	vld.idx.msk [tilespmem:v0+s5+$0x0], $0xffff;
	_ =	sdelay $0x4  }
0x63: {  	[tilespmem:s29+$0x1C760] =	vst v0  }
0x64: {  	v0 =	vld.idx.msk [tilespmem:v1+s5+$0x0], $0xffff;
	_ =	sdelay $0x3  }
0x65: {  	s25 =	sshll.u32 s25, $0xB  }
0x66: {  	s28 =	simm.s32 $0x0;
	s31 =	sadd.s32 s7, s25;
	[tilespmem:s29+$0x1C770] =	vst v0  }
0x67: {  	[hbm4b:s31+s28] =	stream.linear.scatter [tilespmem:s20], [sflag:$0x4], $0x1000, $0x38;
	[tilespmem:$0x1D700] =	vst v63  }
0x68: {  	_ =	swait.ge [sflag:s21], $0x1000  }
0x69: {  	[sflag:s21] =	ssyncset.done $0x0  }
0x6a: {  	s26 =	simm.s32 $0x0;
	[sflag:s21] =	ssyncadd.s32 $0xFFFFF000  }
0x6b: {  	v0 =	vld [tilespmem:s26+$0x19700];
	_ =	sdelay $0x5  }
0x6c: {  	v1 =	vld [tilespmem:s26+$0x19710];
	_ =	sdelay $0x1  }
0x6d: {  	v0 =	vld.idx.msk [tilespmem:v0+s5+$0x0], $0xffff;
	_ =	sdelay $0x4  }
0x6e: {  	[tilespmem:s26+$0x1C700] =	vst v0;
	v0 =	vld [tilespmem:s26+$0x19720]  }
0x6f: {  	v1 =	vld.idx.msk [tilespmem:v1+s5+$0x0], $0xffff;
	_ =	sdelay $0x4  }
0x70: {  	[tilespmem:s26+$0x1C710] =	vst v1;
	v1 =	vld [tilespmem:s26+$0x19730];
	_ =	sdelay $0x1  }
0x71: {  	v0 =	vld.idx.msk [tilespmem:v0+s5+$0x0], $0xffff;
	_ =	sdelay $0x4  }
0x72: {  	[tilespmem:s26+$0x1C720] =	vst v0;
	v0 =	vld [tilespmem:s26+$0x19740]  }
0x73: {  	v1 =	vld.idx.msk [tilespmem:v1+s5+$0x0], $0xffff;
	_ =	sdelay $0x4  }
0x74: {  	[tilespmem:s26+$0x1C730] =	vst v1;
	v1 =	vld [tilespmem:s26+$0x19750];
	_ =	sdelay $0x1  }
0x75: {  	v0 =	vld.idx.msk [tilespmem:v0+s5+$0x0], $0xffff;
	_ =	sdelay $0x4  }
0x76: {  	v2 =	vld [tilespmem:s26+$0x19760];
	[tilespmem:s26+$0x1C740] =	vst v0  }
0x77: {  	v0 =	vld.idx.msk [tilespmem:v1+s5+$0x0], $0xffff;
	_ =	sdelay $0x4  }
0x78: {  	[tilespmem:s26+$0x1C750] =	vst v0;
	v0 =	vld [tilespmem:s26+$0x19770];
	_ =	sdelay $0x1  }
0x79: {  	v1 =	vld.idx.msk [tilespmem:v2+s5+$0x0], $0xffff;
	_ =	sdelay $0x3  }
0x7a: {  	s29 =	simm.s32 $0x80;
	s28 =	simm.s32 $0x400  }
.LBB2_6:
0x7b: {  	p1 =	sne.s32 s28, $0x3E00;
	v2 =	vld [tilespmem:s29+$0x19700];
	[tilespmem:s26+$0x1C760] =	vst v1  }
0x7c: {  	v0 =	vld.idx.msk [tilespmem:v0+s5+$0x0], $0xffff;
	_ =	sdelay $0x5  }
0x7d: {  	v1 =	vld [tilespmem:s29+$0x19710];
	[tilespmem:s26+$0x1C770] =	vst v0;
	s26 =	smov.u32 s29  }
0x7e: {  	v0 =	vld.idx.msk [tilespmem:v2+s5+$0x0], $0xffff;
	_ =	sdelay $0x5  }
0x7f: {  	[tilespmem:s26+$0x1C700] =	vst v0;
	v0 =	vld [tilespmem:s26+$0x19720]  }
0x80: {  	v1 =	vld.idx.msk [tilespmem:v1+s5+$0x0], $0xffff;
	_ =	sdelay $0x5  }
0x81: {  	[tilespmem:s26+$0x1C710] =	vst v1;
	v1 =	vld [tilespmem:s26+$0x19730]  }
0x82: {  	v0 =	vld.idx.msk [tilespmem:v0+s5+$0x0], $0xffff;
	_ =	sdelay $0x5  }
0x83: {  	[tilespmem:s26+$0x1C720] =	vst v0;
	v0 =	vld [tilespmem:s26+$0x19740]  }
0x84: {  	v1 =	vld.idx.msk [tilespmem:v1+s5+$0x0], $0xffff;
	_ =	sdelay $0x5  }
0x85: {  	[tilespmem:s26+$0x1C730] =	vst v1;
	v1 =	vld [tilespmem:s26+$0x19750]  }
0x86: {  	v0 =	vld.idx.msk [tilespmem:v0+s5+$0x0], $0xffff;
	_ =	sdelay $0x5  }
0x87: {  	[tilespmem:s26+$0x1C740] =	vst v0;
	v2 =	vld [tilespmem:s26+$0x19760]  }
0x88: {  	v0 =	vld.idx.msk [tilespmem:v1+s5+$0x0], $0xffff;
	_ =	sdelay $0x5  }
0x89: {  	[tilespmem:s26+$0x1C750] =	vst v0;
	v0 =	vld [tilespmem:s26+$0x19770]  }
0x8a: {  	v1 =	vld.idx.msk [tilespmem:v2+s5+$0x0], $0xffff  }
.Ltmp6:
0x8b: {  	(pc) =	sbr.rel @p1 .LBB2_6-.Ltmp6, $2  }
0x8c: {  	_ =	sdelay $0x2  }
0x8d: {  	s29 =	sshra.s32 s28, $0x2;
	s28 =	sadd.s32 $0x200, s28  }
0x8e: {  	_ =	sdelay $0x1  }
0x8f: {  	v2 =	vld [tilespmem:s29+$0x19700]  }
0x90: {  	[tilespmem:s26+$0x1C760] =	vst v1  }
0x91: {  	v0 =	vld.idx.msk [tilespmem:v0+s5+$0x0], $0xffff;
	_ =	sdelay $0x3  }
0x92: {  	v1 =	vld [tilespmem:s29+$0x19710]  }
0x93: {  	[tilespmem:s26+$0x1C770] =	vst v0  }
0x94: {  	v0 =	vld.idx.msk [tilespmem:v2+s5+$0x0], $0xffff;
	_ =	sdelay $0x4  }
0x95: {  	[tilespmem:s29+$0x1C700] =	vst v0;
	v0 =	vld [tilespmem:s29+$0x19720]  }
0x96: {  	v1 =	vld.idx.msk [tilespmem:v1+s5+$0x0], $0xffff;
	_ =	sdelay $0x4  }
0x97: {  	[tilespmem:s29+$0x1C710] =	vst v1;
	v1 =	vld [tilespmem:s29+$0x19730];
	_ =	sdelay $0x1  }
0x98: {  	v0 =	vld.idx.msk [tilespmem:v0+s5+$0x0], $0xffff;
	_ =	sdelay $0x4  }
0x99: {  	[tilespmem:s29+$0x1C720] =	vst v0;
	v0 =	vld [tilespmem:s29+$0x19740]  }
0x9a: {  	v1 =	vld.idx.msk [tilespmem:v1+s5+$0x0], $0xffff;
	_ =	sdelay $0x4  }
0x9b: {  	[tilespmem:s29+$0x1C730] =	vst v1;
	v1 =	vld [tilespmem:s29+$0x19750];
	_ =	sdelay $0x1  }
0x9c: {  	v0 =	vld.idx.msk [tilespmem:v0+s5+$0x0], $0xffff;
	_ =	sdelay $0x4  }
0x9d: {  	[tilespmem:s29+$0x1C740] =	vst v0;
	v0 =	vld [tilespmem:s29+$0x19760]  }
0x9e: {  	v1 =	vld.idx.msk [tilespmem:v1+s5+$0x0], $0xffff;
	_ =	sdelay $0x4  }
0x9f: {  	[tilespmem:s29+$0x1C750] =	vst v1;
	v1 =	vld [tilespmem:s29+$0x19770];
	_ =	sdelay $0x1  }
0xa0: {  	v0 =	vld.idx.msk [tilespmem:v0+s5+$0x0], $0xffff;
	_ =	sdelay $0x4  }
0xa1: {  	[tilespmem:s29+$0x1C760] =	vst v0  }
0xa2: {  	v0 =	vld.idx.msk [tilespmem:v1+s5+$0x0], $0xffff;
	_ =	sdelay $0x4  }
0xa3: {  	s31 =	sadd.s32 s25, s8;
	s28 =	simm.s32 $0x0;
	[tilespmem:s29+$0x1C770] =	vst v0  }
0xa4: {  	[hbm4b:s31+s28] =	stream.linear.scatter [tilespmem:s20], [sflag:$0x4], $0x1000, $0x38;
	[tilespmem:$0x1D700] =	vst v63  }
0xa5: {  	_ =	swait.ge [sflag:s21], $0x1000  }
0xa6: {  	[sflag:s21] =	ssyncset.done $0x0  }
0xa7: {  	s26 =	simm.s32 $0x0;
	[sflag:s21] =	ssyncadd.s32 $0xFFFFF000  }
0xa8: {  	v0 =	vld [tilespmem:s26+$0x1A700];
	_ =	sdelay $0x5  }
0xa9: {  	v1 =	vld [tilespmem:s26+$0x1A710];
	_ =	sdelay $0x1  }
0xaa: {  	v0 =	vld.idx.msk [tilespmem:v0+s5+$0x0], $0xffff;
	_ =	sdelay $0x4  }
0xab: {  	[tilespmem:s26+$0x1C700] =	vst v0;
	v0 =	vld [tilespmem:s26+$0x1A720]  }
0xac: {  	v1 =	vld.idx.msk [tilespmem:v1+s5+$0x0], $0xffff;
	_ =	sdelay $0x4  }
0xad: {  	[tilespmem:s26+$0x1C710] =	vst v1;
	v1 =	vld [tilespmem:s26+$0x1A730];
	_ =	sdelay $0x1  }
0xae: {  	v0 =	vld.idx.msk [tilespmem:v0+s5+$0x0], $0xffff;
	_ =	sdelay $0x4  }
0xaf: {  	[tilespmem:s26+$0x1C720] =	vst v0;
	v0 =	vld [tilespmem:s26+$0x1A740]  }
0xb0: {  	v1 =	vld.idx.msk [tilespmem:v1+s5+$0x0], $0xffff;
	_ =	sdelay $0x4  }
0xb1: {  	[tilespmem:s26+$0x1C730] =	vst v1;
	v1 =	vld [tilespmem:s26+$0x1A750];
	_ =	sdelay $0x1  }
0xb2: {  	v0 =	vld.idx.msk [tilespmem:v0+s5+$0x0], $0xffff;
	_ =	sdelay $0x4  }
0xb3: {  	v2 =	vld [tilespmem:s26+$0x1A760];
	[tilespmem:s26+$0x1C740] =	vst v0  }
0xb4: {  	v0 =	vld.idx.msk [tilespmem:v1+s5+$0x0], $0xffff;
	_ =	sdelay $0x4  }
0xb5: {  	[tilespmem:s26+$0x1C750] =	vst v0;
	v0 =	vld [tilespmem:s26+$0x1A770];
	_ =	sdelay $0x1  }
0xb6: {  	v1 =	vld.idx.msk [tilespmem:v2+s5+$0x0], $0xffff;
	_ =	sdelay $0x3  }
0xb7: {  	s29 =	simm.s32 $0x80;
	s28 =	simm.s32 $0x400  }
.LBB2_8:
0xb8: {  	p1 =	sne.s32 s28, $0x3E00;
	v2 =	vld [tilespmem:s29+$0x1A700];
	[tilespmem:s26+$0x1C760] =	vst v1  }
0xb9: {  	v0 =	vld.idx.msk [tilespmem:v0+s5+$0x0], $0xffff;
	_ =	sdelay $0x5  }
0xba: {  	v1 =	vld [tilespmem:s29+$0x1A710];
	[tilespmem:s26+$0x1C770] =	vst v0;
	s26 =	smov.u32 s29  }
0xbb: {  	v0 =	vld.idx.msk [tilespmem:v2+s5+$0x0], $0xffff;
	_ =	sdelay $0x5  }
0xbc: {  	[tilespmem:s26+$0x1C700] =	vst v0;
	v0 =	vld [tilespmem:s26+$0x1A720]  }
0xbd: {  	v1 =	vld.idx.msk [tilespmem:v1+s5+$0x0], $0xffff;
	_ =	sdelay $0x5  }
0xbe: {  	[tilespmem:s26+$0x1C710] =	vst v1;
	v1 =	vld [tilespmem:s26+$0x1A730]  }
0xbf: {  	v0 =	vld.idx.msk [tilespmem:v0+s5+$0x0], $0xffff;
	_ =	sdelay $0x5  }
0xc0: {  	[tilespmem:s26+$0x1C720] =	vst v0;
	v0 =	vld [tilespmem:s26+$0x1A740]  }
0xc1: {  	v1 =	vld.idx.msk [tilespmem:v1+s5+$0x0], $0xffff;
	_ =	sdelay $0x5  }
0xc2: {  	[tilespmem:s26+$0x1C730] =	vst v1;
	v1 =	vld [tilespmem:s26+$0x1A750]  }
0xc3: {  	v0 =	vld.idx.msk [tilespmem:v0+s5+$0x0], $0xffff;
	_ =	sdelay $0x5  }
0xc4: {  	[tilespmem:s26+$0x1C740] =	vst v0;
	v2 =	vld [tilespmem:s26+$0x1A760]  }
0xc5: {  	v0 =	vld.idx.msk [tilespmem:v1+s5+$0x0], $0xffff;
	_ =	sdelay $0x5  }
0xc6: {  	[tilespmem:s26+$0x1C750] =	vst v0;
	v0 =	vld [tilespmem:s26+$0x1A770]  }
0xc7: {  	v1 =	vld.idx.msk [tilespmem:v2+s5+$0x0], $0xffff  }
.Ltmp7:
0xc8: {  	(pc) =	sbr.rel @p1 .LBB2_8-.Ltmp7, $2  }
0xc9: {  	_ =	sdelay $0x2  }
0xca: {  	s29 =	sshra.s32 s28, $0x2;
	s28 =	sadd.s32 $0x200, s28  }
0xcb: {  	_ =	sdelay $0x1  }
0xcc: {  	v2 =	vld [tilespmem:s29+$0x1A700]  }
0xcd: {  	[tilespmem:s26+$0x1C760] =	vst v1  }
0xce: {  	v0 =	vld.idx.msk [tilespmem:v0+s5+$0x0], $0xffff;
	_ =	sdelay $0x3  }
0xcf: {  	v1 =	vld [tilespmem:s29+$0x1A710]  }
0xd0: {  	[tilespmem:s26+$0x1C770] =	vst v0  }
0xd1: {  	v0 =	vld.idx.msk [tilespmem:v2+s5+$0x0], $0xffff;
	_ =	sdelay $0x4  }
0xd2: {  	[tilespmem:s29+$0x1C700] =	vst v0;
	v0 =	vld [tilespmem:s29+$0x1A720]  }
0xd3: {  	v1 =	vld.idx.msk [tilespmem:v1+s5+$0x0], $0xffff;
	_ =	sdelay $0x4  }
0xd4: {  	[tilespmem:s29+$0x1C710] =	vst v1;
	v1 =	vld [tilespmem:s29+$0x1A730];
	_ =	sdelay $0x1  }
0xd5: {  	v0 =	vld.idx.msk [tilespmem:v0+s5+$0x0], $0xffff;
	_ =	sdelay $0x4  }
0xd6: {  	[tilespmem:s29+$0x1C720] =	vst v0;
	v0 =	vld [tilespmem:s29+$0x1A740]  }
0xd7: {  	v1 =	vld.idx.msk [tilespmem:v1+s5+$0x0], $0xffff;
	_ =	sdelay $0x4  }
0xd8: {  	[tilespmem:s29+$0x1C730] =	vst v1;
	v1 =	vld [tilespmem:s29+$0x1A750];
	_ =	sdelay $0x1  }
0xd9: {  	v0 =	vld.idx.msk [tilespmem:v0+s5+$0x0], $0xffff;
	_ =	sdelay $0x4  }
0xda: {  	[tilespmem:s29+$0x1C740] =	vst v0;
	v0 =	vld [tilespmem:s29+$0x1A760]  }
0xdb: {  	v1 =	vld.idx.msk [tilespmem:v1+s5+$0x0], $0xffff;
	_ =	sdelay $0x4  }
0xdc: {  	[tilespmem:s29+$0x1C750] =	vst v1;
	v1 =	vld [tilespmem:s29+$0x1A770];
	_ =	sdelay $0x1  }
0xdd: {  	v0 =	vld.idx.msk [tilespmem:v0+s5+$0x0], $0xffff;
	_ =	sdelay $0x4  }
0xde: {  	[tilespmem:s29+$0x1C760] =	vst v0  }
0xdf: {  	v0 =	vld.idx.msk [tilespmem:v1+s5+$0x0], $0xffff;
	_ =	sdelay $0x4  }
0xe0: {  	s31 =	sadd.s32 s25, s9;
	s28 =	simm.s32 $0x0;
	[tilespmem:s29+$0x1C770] =	vst v0  }
0xe1: {  	[hbm4b:s31+s28] =	stream.linear.scatter [tilespmem:s20], [sflag:$0x4], $0x1000, $0x38;
	[tilespmem:$0x1D700] =	vst v63  }
0xe2: {  	_ =	swait.ge [sflag:s21], $0x1000  }
0xe3: {  	[sflag:s21] =	ssyncset.done $0x0  }
0xe4: {  	s26 =	simm.s32 $0x0;
	[sflag:s21] =	ssyncadd.s32 $0xFFFFF000  }
0xe5: {  	v0 =	vld [tilespmem:s26+$0x1B700];
	_ =	sdelay $0x5  }
0xe6: {  	v1 =	vld [tilespmem:s26+$0x1B710];
	_ =	sdelay $0x1  }
0xe7: {  	v0 =	vld.idx.msk [tilespmem:v0+s5+$0x0], $0xffff;
	_ =	sdelay $0x4  }
0xe8: {  	[tilespmem:s26+$0x1C700] =	vst v0;
	v0 =	vld [tilespmem:s26+$0x1B720]  }
0xe9: {  	v1 =	vld.idx.msk [tilespmem:v1+s5+$0x0], $0xffff;
	_ =	sdelay $0x4  }
0xea: {  	[tilespmem:s26+$0x1C710] =	vst v1;
	v1 =	vld [tilespmem:s26+$0x1B730];
	_ =	sdelay $0x1  }
0xeb: {  	v0 =	vld.idx.msk [tilespmem:v0+s5+$0x0], $0xffff;
	_ =	sdelay $0x4  }
0xec: {  	[tilespmem:s26+$0x1C720] =	vst v0;
	v0 =	vld [tilespmem:s26+$0x1B740]  }
0xed: {  	v1 =	vld.idx.msk [tilespmem:v1+s5+$0x0], $0xffff;
	_ =	sdelay $0x4  }
0xee: {  	[tilespmem:s26+$0x1C730] =	vst v1;
	v1 =	vld [tilespmem:s26+$0x1B750];
	_ =	sdelay $0x1  }
0xef: {  	v0 =	vld.idx.msk [tilespmem:v0+s5+$0x0], $0xffff;
	_ =	sdelay $0x4  }
0xf0: {  	v2 =	vld [tilespmem:s26+$0x1B760];
	[tilespmem:s26+$0x1C740] =	vst v0  }
0xf1: {  	v0 =	vld.idx.msk [tilespmem:v1+s5+$0x0], $0xffff;
	_ =	sdelay $0x4  }
0xf2: {  	[tilespmem:s26+$0x1C750] =	vst v0;
	v0 =	vld [tilespmem:s26+$0x1B770];
	_ =	sdelay $0x1  }
0xf3: {  	v1 =	vld.idx.msk [tilespmem:v2+s5+$0x0], $0xffff;
	_ =	sdelay $0x3  }
0xf4: {  	s29 =	simm.s32 $0x80;
	s28 =	simm.s32 $0x400  }
.LBB2_10:
0xf5: {  	p1 =	sne.s32 s28, $0x3E00;
	v2 =	vld [tilespmem:s29+$0x1B700];
	[tilespmem:s26+$0x1C760] =	vst v1  }
0xf6: {  	v0 =	vld.idx.msk [tilespmem:v0+s5+$0x0], $0xffff;
	_ =	sdelay $0x5  }
0xf7: {  	v1 =	vld [tilespmem:s29+$0x1B710];
	[tilespmem:s26+$0x1C770] =	vst v0;
	s26 =	smov.u32 s29  }
0xf8: {  	v0 =	vld.idx.msk [tilespmem:v2+s5+$0x0], $0xffff;
	_ =	sdelay $0x5  }
0xf9: {  	[tilespmem:s26+$0x1C700] =	vst v0;
	v0 =	vld [tilespmem:s26+$0x1B720]  }
0xfa: {  	v1 =	vld.idx.msk [tilespmem:v1+s5+$0x0], $0xffff;
	_ =	sdelay $0x5  }
0xfb: {  	[tilespmem:s26+$0x1C710] =	vst v1;
	v1 =	vld [tilespmem:s26+$0x1B730]  }
0xfc: {  	v0 =	vld.idx.msk [tilespmem:v0+s5+$0x0], $0xffff;
	_ =	sdelay $0x5  }
0xfd: {  	[tilespmem:s26+$0x1C720] =	vst v0;
	v0 =	vld [tilespmem:s26+$0x1B740]  }
0xfe: {  	v1 =	vld.idx.msk [tilespmem:v1+s5+$0x0], $0xffff;
	_ =	sdelay $0x5  }
0xff: {  	[tilespmem:s26+$0x1C730] =	vst v1;
	v1 =	vld [tilespmem:s26+$0x1B750]  }
0x100: {  	v0 =	vld.idx.msk [tilespmem:v0+s5+$0x0], $0xffff;
	_ =	sdelay $0x5  }
0x101: {  	[tilespmem:s26+$0x1C740] =	vst v0;
	v2 =	vld [tilespmem:s26+$0x1B760]  }
0x102: {  	v0 =	vld.idx.msk [tilespmem:v1+s5+$0x0], $0xffff;
	_ =	sdelay $0x5  }
0x103: {  	[tilespmem:s26+$0x1C750] =	vst v0;
	v0 =	vld [tilespmem:s26+$0x1B770]  }
0x104: {  	v1 =	vld.idx.msk [tilespmem:v2+s5+$0x0], $0xffff  }
.Ltmp8:
0x105: {  	(pc) =	sbr.rel @p1 .LBB2_10-.Ltmp8, $2  }
0x106: {  	_ =	sdelay $0x2  }
0x107: {  	s29 =	sshra.s32 s28, $0x2;
	s28 =	sadd.s32 $0x200, s28  }
0x108: {  	_ =	sdelay $0x1  }
0x109: {  	v2 =	vld [tilespmem:s29+$0x1B700]  }
0x10a: {  	[tilespmem:s26+$0x1C760] =	vst v1  }
0x10b: {  	v0 =	vld.idx.msk [tilespmem:v0+s5+$0x0], $0xffff;
	_ =	sdelay $0x3  }
0x10c: {  	v1 =	vld [tilespmem:s29+$0x1B710]  }
0x10d: {  	[tilespmem:s26+$0x1C770] =	vst v0  }
0x10e: {  	v0 =	vld.idx.msk [tilespmem:v2+s5+$0x0], $0xffff;
	_ =	sdelay $0x3  }
0x10f: {  	v58 =	vld [tilespmem:s29+$0x1B720]  }
0x110: {  	[tilespmem:s29+$0x1C700] =	vst v0  }
0x111: {  	v1 =	vld.idx.msk [tilespmem:v1+s5+$0x0], $0xffff;
	_ =	sdelay $0x3  }
0x112: {  	v59 =	vld [tilespmem:s29+$0x1B730]  }
0x113: {  	[tilespmem:s29+$0x1C710] =	vst v1  }
0x114: {  	v0 =	vld.idx.msk [tilespmem:v58+s5+$0x0], $0xffff;
	_ =	sdelay $0x3  }
0x115: {  	v60 =	vld [tilespmem:s29+$0x1B740]  }
0x116: {  	[tilespmem:s29+$0x1C720] =	vst v0  }
0x117: {  	v1 =	vld.idx.msk [tilespmem:v59+s5+$0x0], $0xffff;
	_ =	sdelay $0x3  }
0x118: {  	v61 =	vld [tilespmem:s29+$0x1B750]  }
0x119: {  	[tilespmem:s29+$0x1C730] =	vst v1  }
0x11a: {  	v0 =	vld.idx.msk [tilespmem:v60+s5+$0x0], $0xffff;
	_ =	sdelay $0x3  }
0x11b: {  	v62 =	vld [tilespmem:s29+$0x1B760]  }
0x11c: {  	[tilespmem:s29+$0x1C740] =	vst v0  }
0x11d: {  	v1 =	vld.idx.msk [tilespmem:v61+s5+$0x0], $0xffff;
	_ =	sdelay $0x3  }
0x11e: {  	v63 =	vld [tilespmem:s29+$0x1B770]  }
0x11f: {  	[tilespmem:s29+$0x1C750] =	vst v1  }
0x120: {  	v0 =	vld.idx.msk [tilespmem:v62+s5+$0x0], $0xffff;
	_ =	sdelay $0x4  }
0x121: {  	[tilespmem:s29+$0x1C760] =	vst v0  }
0x122: {  	v0 =	vld.idx.msk [tilespmem:v63+s5+$0x0], $0xffff;
	_ =	sdelay $0x4  }
.Ltmp9:
0x123: {  	s25 =	sadd.s32 s25, s10;
	[tilespmem:s29+$0x1C770] =	vst v0;
	(pc) =	sbr.rel .LBB2_12-.Ltmp9, $4  }
0x124: {  	[hbm4b:s25+s5] =	stream.linear.scatter [tilespmem:s20], [sflag:$0x3], $0x1000, $0x38;
	[tilespmem:$0x1D700] =	vst v63  }
0x125: {  	_ =	swait.ge [sflag:s22], $0x1000  }
0x126: {  	[sflag:s22] =	ssyncset.done $0x0  }
0x127: {  	[sflag:s22] =	ssyncadd.s32 $0xFFFFF000  }
.LBB2_13:
.Ltmp10:
0x128: {  	(pc) =	sbr.rel @p0 .LBB2_23-.Ltmp10, $1  }
0x129: {  	_ =	sdelay $0x3  }
0x12a: {  	s24 =	simm.s32 $0x0  }
0x12b: {  	[tilespmem:s17], [sflag:$0x3] =	stream.linear.gather [hbm4b:s4+s24], $0x4000, $0x38;
	[tilespmem:$0x1D700] =	vst v63  }
0x12c: {  	_ =	swait.ge [sflag:s22], $0x4000  }
0x12d: {  	[sflag:s22] =	ssyncset.done $0x0  }
0x12e: {  	[sflag:s22] =	ssyncadd.s32 $0xFFFFC000  }
0x12f: {  	[tilespmem:s24], [sflag:$0x3] =	stream.linear.gather [hbm4b:s11+s24], $0x18700, $0x38;
	[tilespmem:$0x1D700] =	vst v63  }
0x130: {  	_ =	swait.ge [sflag:s22], $0x18700  }
0x131: {  	[sflag:s22] =	ssyncset.done $0x0  }
0x132: {  	s24 =	simm.s32 $0x0;
	[sflag:s22] =	ssyncadd.s32 $0xFFFE7900  }
0x133: {  	v0 =	vld [tilespmem:s24+$0x18700];
	_ =	sdelay $0x5  }
0x134: {  	v1 =	vld [tilespmem:s24+$0x18710];
	_ =	sdelay $0x1  }
0x135: {  	v0 =	vld.idx.msk [tilespmem:v0+s5+$0x0], $0xffff;
	_ =	sdelay $0x4  }
0x136: {  	[tilespmem:s24+$0x1C700] =	vst v0;
	v0 =	vld [tilespmem:s24+$0x18720]  }
0x137: {  	v1 =	vld.idx.msk [tilespmem:v1+s5+$0x0], $0xffff;
	_ =	sdelay $0x4  }
0x138: {  	[tilespmem:s24+$0x1C710] =	vst v1;
	v1 =	vld [tilespmem:s24+$0x18730];
	_ =	sdelay $0x1  }
0x139: {  	v0 =	vld.idx.msk [tilespmem:v0+s5+$0x0], $0xffff;
	_ =	sdelay $0x4  }
0x13a: {  	[tilespmem:s24+$0x1C720] =	vst v0;
	v0 =	vld [tilespmem:s24+$0x18740]  }
0x13b: {  	v1 =	vld.idx.msk [tilespmem:v1+s5+$0x0], $0xffff;
	_ =	sdelay $0x4  }
0x13c: {  	[tilespmem:s24+$0x1C730] =	vst v1;
	v1 =	vld [tilespmem:s24+$0x18750];
	_ =	sdelay $0x1  }
0x13d: {  	v0 =	vld.idx.msk [tilespmem:v0+s5+$0x0], $0xffff;
	_ =	sdelay $0x4  }
0x13e: {  	v2 =	vld [tilespmem:s24+$0x18760];
	[tilespmem:s24+$0x1C740] =	vst v0  }
0x13f: {  	v0 =	vld.idx.msk [tilespmem:v1+s5+$0x0], $0xffff;
	_ =	sdelay $0x4  }
0x140: {  	[tilespmem:s24+$0x1C750] =	vst v0;
	v0 =	vld [tilespmem:s24+$0x18770];
	_ =	sdelay $0x1  }
0x141: {  	v1 =	vld.idx.msk [tilespmem:v2+s5+$0x0], $0xffff;
	_ =	sdelay $0x3  }
0x142: {  	s26 =	simm.s32 $0x80;
	s25 =	simm.s32 $0x400  }
.LBB2_15:
0x143: {  	p1 =	sne.s32 s25, $0x3E00;
	v2 =	vld [tilespmem:s26+$0x18700];
	[tilespmem:s24+$0x1C760] =	vst v1  }
0x144: {  	v0 =	vld.idx.msk [tilespmem:v0+s5+$0x0], $0xffff;
	_ =	sdelay $0x5  }
0x145: {  	v1 =	vld [tilespmem:s26+$0x18710];
	[tilespmem:s24+$0x1C770] =	vst v0;
	s24 =	smov.u32 s26  }
0x146: {  	v0 =	vld.idx.msk [tilespmem:v2+s5+$0x0], $0xffff;
	_ =	sdelay $0x5  }
0x147: {  	[tilespmem:s24+$0x1C700] =	vst v0;
	v0 =	vld [tilespmem:s24+$0x18720]  }
0x148: {  	v1 =	vld.idx.msk [tilespmem:v1+s5+$0x0], $0xffff;
	_ =	sdelay $0x5  }
0x149: {  	[tilespmem:s24+$0x1C710] =	vst v1;
	v1 =	vld [tilespmem:s24+$0x18730]  }
0x14a: {  	v0 =	vld.idx.msk [tilespmem:v0+s5+$0x0], $0xffff;
	_ =	sdelay $0x5  }
0x14b: {  	[tilespmem:s24+$0x1C720] =	vst v0;
	v0 =	vld [tilespmem:s24+$0x18740]  }
0x14c: {  	v1 =	vld.idx.msk [tilespmem:v1+s5+$0x0], $0xffff;
	_ =	sdelay $0x5  }
0x14d: {  	[tilespmem:s24+$0x1C730] =	vst v1;
	v1 =	vld [tilespmem:s24+$0x18750]  }
0x14e: {  	v0 =	vld.idx.msk [tilespmem:v0+s5+$0x0], $0xffff;
	_ =	sdelay $0x5  }
0x14f: {  	[tilespmem:s24+$0x1C740] =	vst v0;
	v2 =	vld [tilespmem:s24+$0x18760]  }
0x150: {  	v0 =	vld.idx.msk [tilespmem:v1+s5+$0x0], $0xffff;
	_ =	sdelay $0x5  }
0x151: {  	[tilespmem:s24+$0x1C750] =	vst v0;
	v0 =	vld [tilespmem:s24+$0x18770]  }
0x152: {  	v1 =	vld.idx.msk [tilespmem:v2+s5+$0x0], $0xffff  }
.Ltmp11:
0x153: {  	(pc) =	sbr.rel @p1 .LBB2_15-.Ltmp11, $2  }
0x154: {  	_ =	sdelay $0x2  }
0x155: {  	s26 =	sshra.s32 s25, $0x2;
	s25 =	sadd.s32 $0x200, s25  }
0x156: {  	_ =	sdelay $0x1  }
0x157: {  	v2 =	vld [tilespmem:s26+$0x18700]  }
0x158: {  	[tilespmem:s24+$0x1C760] =	vst v1  }
0x159: {  	v0 =	vld.idx.msk [tilespmem:v0+s5+$0x0], $0xffff;
	_ =	sdelay $0x3  }
0x15a: {  	v1 =	vld [tilespmem:s26+$0x18710]  }
0x15b: {  	[tilespmem:s24+$0x1C770] =	vst v0  }
0x15c: {  	v0 =	vld.idx.msk [tilespmem:v2+s5+$0x0], $0xffff;
	_ =	sdelay $0x4  }
0x15d: {  	[tilespmem:s26+$0x1C700] =	vst v0;
	v0 =	vld [tilespmem:s26+$0x18720]  }
0x15e: {  	v1 =	vld.idx.msk [tilespmem:v1+s5+$0x0], $0xffff;
	_ =	sdelay $0x4  }
0x15f: {  	[tilespmem:s26+$0x1C710] =	vst v1;
	v1 =	vld [tilespmem:s26+$0x18730];
	_ =	sdelay $0x1  }
0x160: {  	v0 =	vld.idx.msk [tilespmem:v0+s5+$0x0], $0xffff;
	_ =	sdelay $0x4  }
0x161: {  	[tilespmem:s26+$0x1C720] =	vst v0;
	v0 =	vld [tilespmem:s26+$0x18740]  }
0x162: {  	v1 =	vld.idx.msk [tilespmem:v1+s5+$0x0], $0xffff;
	_ =	sdelay $0x4  }
0x163: {  	[tilespmem:s26+$0x1C730] =	vst v1;
	v1 =	vld [tilespmem:s26+$0x18750];
	_ =	sdelay $0x1  }
0x164: {  	v0 =	vld.idx.msk [tilespmem:v0+s5+$0x0], $0xffff;
	_ =	sdelay $0x4  }
0x165: {  	[tilespmem:s26+$0x1C740] =	vst v0;
	v0 =	vld [tilespmem:s26+$0x18760]  }
0x166: {  	v1 =	vld.idx.msk [tilespmem:v1+s5+$0x0], $0xffff;
	_ =	sdelay $0x4  }
0x167: {  	[tilespmem:s26+$0x1C750] =	vst v1;
	v1 =	vld [tilespmem:s26+$0x18770];
	_ =	sdelay $0x1  }
0x168: {  	v0 =	vld.idx.msk [tilespmem:v0+s5+$0x0], $0xffff;
	_ =	sdelay $0x4  }
0x169: {  	[tilespmem:s26+$0x1C760] =	vst v0  }
0x16a: {  	v0 =	vld.idx.msk [tilespmem:v1+s5+$0x0], $0xffff;
	_ =	sdelay $0x4  }
0x16b: {  	s31 =	simm.s32 $0x0;
	[tilespmem:s26+$0x1C770] =	vst v0  }
0x16c: {  	[hbm4b:s12+s31] =	stream.linear.scatter [tilespmem:s20], [sflag:$0x3], $0x1000, $0x38;
	[tilespmem:$0x1D700] =	vst v63  }
0x16d: {  	_ =	swait.ge [sflag:s22], $0x1000  }
0x16e: {  	[sflag:s22] =	ssyncset.done $0x0  }
0x16f: {  	s24 =	simm.s32 $0x0;
	[sflag:s22] =	ssyncadd.s32 $0xFFFFF000  }
0x170: {  	v0 =	vld [tilespmem:s24+$0x19700];
	_ =	sdelay $0x5  }
0x171: {  	v1 =	vld [tilespmem:s24+$0x19710];
	_ =	sdelay $0x1  }
0x172: {  	v0 =	vld.idx.msk [tilespmem:v0+s5+$0x0], $0xffff;
	_ =	sdelay $0x4  }
0x173: {  	[tilespmem:s24+$0x1C700] =	vst v0;
	v0 =	vld [tilespmem:s24+$0x19720]  }
0x174: {  	v1 =	vld.idx.msk [tilespmem:v1+s5+$0x0], $0xffff;
	_ =	sdelay $0x4  }
0x175: {  	[tilespmem:s24+$0x1C710] =	vst v1;
	v1 =	vld [tilespmem:s24+$0x19730];
	_ =	sdelay $0x1  }
0x176: {  	v0 =	vld.idx.msk [tilespmem:v0+s5+$0x0], $0xffff;
	_ =	sdelay $0x4  }
0x177: {  	[tilespmem:s24+$0x1C720] =	vst v0;
	v0 =	vld [tilespmem:s24+$0x19740]  }
0x178: {  	v1 =	vld.idx.msk [tilespmem:v1+s5+$0x0], $0xffff;
	_ =	sdelay $0x4  }
0x179: {  	[tilespmem:s24+$0x1C730] =	vst v1;
	v1 =	vld [tilespmem:s24+$0x19750];
	_ =	sdelay $0x1  }
0x17a: {  	v0 =	vld.idx.msk [tilespmem:v0+s5+$0x0], $0xffff;
	_ =	sdelay $0x4  }
0x17b: {  	v2 =	vld [tilespmem:s24+$0x19760];
	[tilespmem:s24+$0x1C740] =	vst v0  }
0x17c: {  	v0 =	vld.idx.msk [tilespmem:v1+s5+$0x0], $0xffff;
	_ =	sdelay $0x4  }
0x17d: {  	[tilespmem:s24+$0x1C750] =	vst v0;
	v0 =	vld [tilespmem:s24+$0x19770];
	_ =	sdelay $0x1  }
0x17e: {  	v1 =	vld.idx.msk [tilespmem:v2+s5+$0x0], $0xffff;
	_ =	sdelay $0x3  }
0x17f: {  	s25 =	simm.s32 $0x400;
	s26 =	simm.s32 $0x80  }
.LBB2_17:
0x180: {  	p1 =	sne.s32 s25, $0x3E00;
	v2 =	vld [tilespmem:s26+$0x19700];
	[tilespmem:s24+$0x1C760] =	vst v1  }
0x181: {  	v0 =	vld.idx.msk [tilespmem:v0+s5+$0x0], $0xffff;
	_ =	sdelay $0x5  }
0x182: {  	v1 =	vld [tilespmem:s26+$0x19710];
	[tilespmem:s24+$0x1C770] =	vst v0;
	s24 =	smov.u32 s26  }
0x183: {  	v0 =	vld.idx.msk [tilespmem:v2+s5+$0x0], $0xffff;
	_ =	sdelay $0x5  }
0x184: {  	[tilespmem:s24+$0x1C700] =	vst v0;
	v0 =	vld [tilespmem:s24+$0x19720]  }
0x185: {  	v1 =	vld.idx.msk [tilespmem:v1+s5+$0x0], $0xffff;
	_ =	sdelay $0x5  }
0x186: {  	[tilespmem:s24+$0x1C710] =	vst v1;
	v1 =	vld [tilespmem:s24+$0x19730]  }
0x187: {  	v0 =	vld.idx.msk [tilespmem:v0+s5+$0x0], $0xffff;
	_ =	sdelay $0x5  }
0x188: {  	[tilespmem:s24+$0x1C720] =	vst v0;
	v0 =	vld [tilespmem:s24+$0x19740]  }
0x189: {  	v1 =	vld.idx.msk [tilespmem:v1+s5+$0x0], $0xffff;
	_ =	sdelay $0x5  }
0x18a: {  	[tilespmem:s24+$0x1C730] =	vst v1;
	v1 =	vld [tilespmem:s24+$0x19750]  }
0x18b: {  	v0 =	vld.idx.msk [tilespmem:v0+s5+$0x0], $0xffff;
	_ =	sdelay $0x5  }
0x18c: {  	[tilespmem:s24+$0x1C740] =	vst v0;
	v2 =	vld [tilespmem:s24+$0x19760]  }
0x18d: {  	v0 =	vld.idx.msk [tilespmem:v1+s5+$0x0], $0xffff;
	_ =	sdelay $0x5  }
0x18e: {  	[tilespmem:s24+$0x1C750] =	vst v0;
	v0 =	vld [tilespmem:s24+$0x19770]  }
0x18f: {  	v1 =	vld.idx.msk [tilespmem:v2+s5+$0x0], $0xffff  }
.Ltmp12:
0x190: {  	(pc) =	sbr.rel @p1 .LBB2_17-.Ltmp12, $2  }
0x191: {  	_ =	sdelay $0x2  }
0x192: {  	s26 =	sshra.s32 s25, $0x2;
	s25 =	sadd.s32 $0x200, s25  }
0x193: {  	_ =	sdelay $0x1  }
0x194: {  	v2 =	vld [tilespmem:s26+$0x19700]  }
0x195: {  	[tilespmem:s24+$0x1C760] =	vst v1  }
0x196: {  	v0 =	vld.idx.msk [tilespmem:v0+s5+$0x0], $0xffff;
	_ =	sdelay $0x3  }
0x197: {  	v1 =	vld [tilespmem:s26+$0x19710]  }
0x198: {  	[tilespmem:s24+$0x1C770] =	vst v0  }
0x199: {  	v0 =	vld.idx.msk [tilespmem:v2+s5+$0x0], $0xffff;
	_ =	sdelay $0x4  }
0x19a: {  	[tilespmem:s26+$0x1C700] =	vst v0;
	v0 =	vld [tilespmem:s26+$0x19720]  }
0x19b: {  	v1 =	vld.idx.msk [tilespmem:v1+s5+$0x0], $0xffff;
	_ =	sdelay $0x4  }
0x19c: {  	[tilespmem:s26+$0x1C710] =	vst v1;
	v1 =	vld [tilespmem:s26+$0x19730];
	_ =	sdelay $0x1  }
0x19d: {  	v0 =	vld.idx.msk [tilespmem:v0+s5+$0x0], $0xffff;
	_ =	sdelay $0x4  }
0x19e: {  	[tilespmem:s26+$0x1C720] =	vst v0;
	v0 =	vld [tilespmem:s26+$0x19740]  }
0x19f: {  	v1 =	vld.idx.msk [tilespmem:v1+s5+$0x0], $0xffff;
	_ =	sdelay $0x4  }
0x1a0: {  	[tilespmem:s26+$0x1C730] =	vst v1;
	v1 =	vld [tilespmem:s26+$0x19750];
	_ =	sdelay $0x1  }
0x1a1: {  	v0 =	vld.idx.msk [tilespmem:v0+s5+$0x0], $0xffff;
	_ =	sdelay $0x4  }
0x1a2: {  	[tilespmem:s26+$0x1C740] =	vst v0;
	v0 =	vld [tilespmem:s26+$0x19760]  }
0x1a3: {  	v1 =	vld.idx.msk [tilespmem:v1+s5+$0x0], $0xffff;
	_ =	sdelay $0x4  }
0x1a4: {  	[tilespmem:s26+$0x1C750] =	vst v1;
	v1 =	vld [tilespmem:s26+$0x19770];
	_ =	sdelay $0x1  }
0x1a5: {  	v0 =	vld.idx.msk [tilespmem:v0+s5+$0x0], $0xffff;
	_ =	sdelay $0x4  }
0x1a6: {  	[tilespmem:s26+$0x1C760] =	vst v0  }
0x1a7: {  	v0 =	vld.idx.msk [tilespmem:v1+s5+$0x0], $0xffff;
	_ =	sdelay $0x4  }
0x1a8: {  	s31 =	simm.s32 $0x0;
	[tilespmem:s26+$0x1C770] =	vst v0  }
0x1a9: {  	[hbm4b:s13+s31] =	stream.linear.scatter [tilespmem:s20], [sflag:$0x3], $0x1000, $0x38;
	[tilespmem:$0x1D700] =	vst v63  }
0x1aa: {  	_ =	swait.ge [sflag:s22], $0x1000  }
0x1ab: {  	[sflag:s22] =	ssyncset.done $0x0  }
0x1ac: {  	s24 =	simm.s32 $0x0;
	[sflag:s22] =	ssyncadd.s32 $0xFFFFF000  }
0x1ad: {  	v0 =	vld [tilespmem:s24+$0x1A700];
	_ =	sdelay $0x5  }
0x1ae: {  	v1 =	vld [tilespmem:s24+$0x1A710];
	_ =	sdelay $0x1  }
0x1af: {  	v0 =	vld.idx.msk [tilespmem:v0+s5+$0x0], $0xffff;
	_ =	sdelay $0x4  }
0x1b0: {  	[tilespmem:s24+$0x1C700] =	vst v0;
	v0 =	vld [tilespmem:s24+$0x1A720]  }
0x1b1: {  	v1 =	vld.idx.msk [tilespmem:v1+s5+$0x0], $0xffff;
	_ =	sdelay $0x4  }
0x1b2: {  	[tilespmem:s24+$0x1C710] =	vst v1;
	v1 =	vld [tilespmem:s24+$0x1A730];
	_ =	sdelay $0x1  }
0x1b3: {  	v0 =	vld.idx.msk [tilespmem:v0+s5+$0x0], $0xffff;
	_ =	sdelay $0x4  }
0x1b4: {  	[tilespmem:s24+$0x1C720] =	vst v0;
	v0 =	vld [tilespmem:s24+$0x1A740]  }
0x1b5: {  	v1 =	vld.idx.msk [tilespmem:v1+s5+$0x0], $0xffff;
	_ =	sdelay $0x4  }
0x1b6: {  	[tilespmem:s24+$0x1C730] =	vst v1;
	v1 =	vld [tilespmem:s24+$0x1A750];
	_ =	sdelay $0x1  }
0x1b7: {  	v0 =	vld.idx.msk [tilespmem:v0+s5+$0x0], $0xffff;
	_ =	sdelay $0x4  }
0x1b8: {  	v2 =	vld [tilespmem:s24+$0x1A760];
	[tilespmem:s24+$0x1C740] =	vst v0  }
0x1b9: {  	v0 =	vld.idx.msk [tilespmem:v1+s5+$0x0], $0xffff;
	_ =	sdelay $0x4  }
0x1ba: {  	[tilespmem:s24+$0x1C750] =	vst v0;
	v0 =	vld [tilespmem:s24+$0x1A770];
	_ =	sdelay $0x1  }
0x1bb: {  	v1 =	vld.idx.msk [tilespmem:v2+s5+$0x0], $0xffff;
	_ =	sdelay $0x3  }
0x1bc: {  	s25 =	simm.s32 $0x400;
	s26 =	simm.s32 $0x80  }
.LBB2_19:
0x1bd: {  	p1 =	sne.s32 s25, $0x3E00;
	v2 =	vld [tilespmem:s26+$0x1A700];
	[tilespmem:s24+$0x1C760] =	vst v1  }
0x1be: {  	v0 =	vld.idx.msk [tilespmem:v0+s5+$0x0], $0xffff;
	_ =	sdelay $0x5  }
0x1bf: {  	v1 =	vld [tilespmem:s26+$0x1A710];
	[tilespmem:s24+$0x1C770] =	vst v0;
	s24 =	smov.u32 s26  }
0x1c0: {  	v0 =	vld.idx.msk [tilespmem:v2+s5+$0x0], $0xffff;
	_ =	sdelay $0x5  }
0x1c1: {  	[tilespmem:s24+$0x1C700] =	vst v0;
	v0 =	vld [tilespmem:s24+$0x1A720]  }
0x1c2: {  	v1 =	vld.idx.msk [tilespmem:v1+s5+$0x0], $0xffff;
	_ =	sdelay $0x5  }
0x1c3: {  	[tilespmem:s24+$0x1C710] =	vst v1;
	v1 =	vld [tilespmem:s24+$0x1A730]  }
0x1c4: {  	v0 =	vld.idx.msk [tilespmem:v0+s5+$0x0], $0xffff;
	_ =	sdelay $0x5  }
0x1c5: {  	[tilespmem:s24+$0x1C720] =	vst v0;
	v0 =	vld [tilespmem:s24+$0x1A740]  }
0x1c6: {  	v1 =	vld.idx.msk [tilespmem:v1+s5+$0x0], $0xffff;
	_ =	sdelay $0x5  }
0x1c7: {  	[tilespmem:s24+$0x1C730] =	vst v1;
	v1 =	vld [tilespmem:s24+$0x1A750]  }
0x1c8: {  	v0 =	vld.idx.msk [tilespmem:v0+s5+$0x0], $0xffff;
	_ =	sdelay $0x5  }
0x1c9: {  	[tilespmem:s24+$0x1C740] =	vst v0;
	v2 =	vld [tilespmem:s24+$0x1A760]  }
0x1ca: {  	v0 =	vld.idx.msk [tilespmem:v1+s5+$0x0], $0xffff;
	_ =	sdelay $0x5  }
0x1cb: {  	[tilespmem:s24+$0x1C750] =	vst v0;
	v0 =	vld [tilespmem:s24+$0x1A770]  }
0x1cc: {  	v1 =	vld.idx.msk [tilespmem:v2+s5+$0x0], $0xffff  }
.Ltmp13:
0x1cd: {  	(pc) =	sbr.rel @p1 .LBB2_19-.Ltmp13, $2  }
0x1ce: {  	_ =	sdelay $0x2  }
0x1cf: {  	s26 =	sshra.s32 s25, $0x2;
	s25 =	sadd.s32 $0x200, s25  }
0x1d0: {  	_ =	sdelay $0x1  }
0x1d1: {  	v2 =	vld [tilespmem:s26+$0x1A700]  }
0x1d2: {  	[tilespmem:s24+$0x1C760] =	vst v1  }
0x1d3: {  	v0 =	vld.idx.msk [tilespmem:v0+s5+$0x0], $0xffff;
	_ =	sdelay $0x3  }
0x1d4: {  	v1 =	vld [tilespmem:s26+$0x1A710]  }
0x1d5: {  	[tilespmem:s24+$0x1C770] =	vst v0  }
0x1d6: {  	v0 =	vld.idx.msk [tilespmem:v2+s5+$0x0], $0xffff;
	_ =	sdelay $0x4  }
0x1d7: {  	[tilespmem:s26+$0x1C700] =	vst v0;
	v0 =	vld [tilespmem:s26+$0x1A720]  }
0x1d8: {  	v1 =	vld.idx.msk [tilespmem:v1+s5+$0x0], $0xffff;
	_ =	sdelay $0x4  }
0x1d9: {  	[tilespmem:s26+$0x1C710] =	vst v1;
	v1 =	vld [tilespmem:s26+$0x1A730];
	_ =	sdelay $0x1  }
0x1da: {  	v0 =	vld.idx.msk [tilespmem:v0+s5+$0x0], $0xffff;
	_ =	sdelay $0x4  }
0x1db: {  	[tilespmem:s26+$0x1C720] =	vst v0;
	v0 =	vld [tilespmem:s26+$0x1A740]  }
0x1dc: {  	v1 =	vld.idx.msk [tilespmem:v1+s5+$0x0], $0xffff;
	_ =	sdelay $0x4  }
0x1dd: {  	[tilespmem:s26+$0x1C730] =	vst v1;
	v1 =	vld [tilespmem:s26+$0x1A750];
	_ =	sdelay $0x1  }
0x1de: {  	v0 =	vld.idx.msk [tilespmem:v0+s5+$0x0], $0xffff;
	_ =	sdelay $0x4  }
0x1df: {  	[tilespmem:s26+$0x1C740] =	vst v0;
	v0 =	vld [tilespmem:s26+$0x1A760]  }
0x1e0: {  	v1 =	vld.idx.msk [tilespmem:v1+s5+$0x0], $0xffff;
	_ =	sdelay $0x4  }
0x1e1: {  	[tilespmem:s26+$0x1C750] =	vst v1;
	v1 =	vld [tilespmem:s26+$0x1A770];
	_ =	sdelay $0x1  }
0x1e2: {  	v0 =	vld.idx.msk [tilespmem:v0+s5+$0x0], $0xffff;
	_ =	sdelay $0x4  }
0x1e3: {  	[tilespmem:s26+$0x1C760] =	vst v0  }
0x1e4: {  	v0 =	vld.idx.msk [tilespmem:v1+s5+$0x0], $0xffff;
	_ =	sdelay $0x4  }
0x1e5: {  	s31 =	simm.s32 $0x0;
	[tilespmem:s26+$0x1C770] =	vst v0  }
0x1e6: {  	[hbm4b:s14+s31] =	stream.linear.scatter [tilespmem:s20], [sflag:$0x3], $0x1000, $0x38;
	[tilespmem:$0x1D700] =	vst v63  }
0x1e7: {  	_ =	swait.ge [sflag:s22], $0x1000  }
0x1e8: {  	[sflag:s22] =	ssyncset.done $0x0  }
0x1e9: {  	s24 =	simm.s32 $0x0;
	[sflag:s22] =	ssyncadd.s32 $0xFFFFF000  }
0x1ea: {  	v0 =	vld [tilespmem:s24+$0x1B700];
	_ =	sdelay $0x5  }
0x1eb: {  	v1 =	vld [tilespmem:s24+$0x1B710];
	_ =	sdelay $0x1  }
0x1ec: {  	v0 =	vld.idx.msk [tilespmem:v0+s5+$0x0], $0xffff;
	_ =	sdelay $0x4  }
0x1ed: {  	[tilespmem:s24+$0x1C700] =	vst v0;
	v0 =	vld [tilespmem:s24+$0x1B720]  }
0x1ee: {  	v1 =	vld.idx.msk [tilespmem:v1+s5+$0x0], $0xffff;
	_ =	sdelay $0x4  }
0x1ef: {  	[tilespmem:s24+$0x1C710] =	vst v1;
	v1 =	vld [tilespmem:s24+$0x1B730];
	_ =	sdelay $0x1  }
0x1f0: {  	v0 =	vld.idx.msk [tilespmem:v0+s5+$0x0], $0xffff;
	_ =	sdelay $0x4  }
0x1f1: {  	[tilespmem:s24+$0x1C720] =	vst v0;
	v0 =	vld [tilespmem:s24+$0x1B740]  }
0x1f2: {  	v1 =	vld.idx.msk [tilespmem:v1+s5+$0x0], $0xffff;
	_ =	sdelay $0x4  }
0x1f3: {  	[tilespmem:s24+$0x1C730] =	vst v1;
	v1 =	vld [tilespmem:s24+$0x1B750];
	_ =	sdelay $0x1  }
0x1f4: {  	v0 =	vld.idx.msk [tilespmem:v0+s5+$0x0], $0xffff;
	_ =	sdelay $0x4  }
0x1f5: {  	v2 =	vld [tilespmem:s24+$0x1B760];
	[tilespmem:s24+$0x1C740] =	vst v0  }
0x1f6: {  	v0 =	vld.idx.msk [tilespmem:v1+s5+$0x0], $0xffff;
	_ =	sdelay $0x4  }
0x1f7: {  	[tilespmem:s24+$0x1C750] =	vst v0;
	v0 =	vld [tilespmem:s24+$0x1B770];
	_ =	sdelay $0x1  }
0x1f8: {  	v1 =	vld.idx.msk [tilespmem:v2+s5+$0x0], $0xffff;
	_ =	sdelay $0x3  }
0x1f9: {  	s25 =	simm.s32 $0x400;
	s26 =	simm.s32 $0x80  }
.LBB2_21:
0x1fa: {  	p1 =	sne.s32 s25, $0x3E00;
	v2 =	vld [tilespmem:s26+$0x1B700];
	[tilespmem:s24+$0x1C760] =	vst v1  }
0x1fb: {  	v0 =	vld.idx.msk [tilespmem:v0+s5+$0x0], $0xffff;
	_ =	sdelay $0x5  }
0x1fc: {  	v1 =	vld [tilespmem:s26+$0x1B710];
	[tilespmem:s24+$0x1C770] =	vst v0;
	s24 =	smov.u32 s26  }
0x1fd: {  	v0 =	vld.idx.msk [tilespmem:v2+s5+$0x0], $0xffff;
	_ =	sdelay $0x5  }
0x1fe: {  	[tilespmem:s24+$0x1C700] =	vst v0;
	v0 =	vld [tilespmem:s24+$0x1B720]  }
0x1ff: {  	v1 =	vld.idx.msk [tilespmem:v1+s5+$0x0], $0xffff;
	_ =	sdelay $0x5  }
0x200: {  	[tilespmem:s24+$0x1C710] =	vst v1;
	v1 =	vld [tilespmem:s24+$0x1B730]  }
0x201: {  	v0 =	vld.idx.msk [tilespmem:v0+s5+$0x0], $0xffff;
	_ =	sdelay $0x5  }
0x202: {  	[tilespmem:s24+$0x1C720] =	vst v0;
	v0 =	vld [tilespmem:s24+$0x1B740]  }
0x203: {  	v1 =	vld.idx.msk [tilespmem:v1+s5+$0x0], $0xffff;
	_ =	sdelay $0x5  }
0x204: {  	[tilespmem:s24+$0x1C730] =	vst v1;
	v1 =	vld [tilespmem:s24+$0x1B750]  }
0x205: {  	v0 =	vld.idx.msk [tilespmem:v0+s5+$0x0], $0xffff;
	_ =	sdelay $0x5  }
0x206: {  	[tilespmem:s24+$0x1C740] =	vst v0;
	v2 =	vld [tilespmem:s24+$0x1B760]  }
0x207: {  	v0 =	vld.idx.msk [tilespmem:v1+s5+$0x0], $0xffff;
	_ =	sdelay $0x5  }
0x208: {  	[tilespmem:s24+$0x1C750] =	vst v0;
	v0 =	vld [tilespmem:s24+$0x1B770]  }
0x209: {  	v1 =	vld.idx.msk [tilespmem:v2+s5+$0x0], $0xffff  }
.Ltmp14:
0x20a: {  	(pc) =	sbr.rel @p1 .LBB2_21-.Ltmp14, $2  }
0x20b: {  	_ =	sdelay $0x2  }
0x20c: {  	s26 =	sshra.s32 s25, $0x2;
	s25 =	sadd.s32 $0x200, s25  }
0x20d: {  	_ =	sdelay $0x1  }
0x20e: {  	v2 =	vld [tilespmem:s26+$0x1B700]  }
0x20f: {  	[tilespmem:s24+$0x1C760] =	vst v1  }
0x210: {  	v0 =	vld.idx.msk [tilespmem:v0+s5+$0x0], $0xffff;
	_ =	sdelay $0x3  }
0x211: {  	v1 =	vld [tilespmem:s26+$0x1B710]  }
0x212: {  	[tilespmem:s24+$0x1C770] =	vst v0  }
0x213: {  	v0 =	vld.idx.msk [tilespmem:v2+s5+$0x0], $0xffff;
	_ =	sdelay $0x3  }
0x214: {  	v58 =	vld [tilespmem:s26+$0x1B720]  }
0x215: {  	[tilespmem:s26+$0x1C700] =	vst v0  }
0x216: {  	v1 =	vld.idx.msk [tilespmem:v1+s5+$0x0], $0xffff;
	_ =	sdelay $0x3  }
0x217: {  	v59 =	vld [tilespmem:s26+$0x1B730]  }
0x218: {  	[tilespmem:s26+$0x1C710] =	vst v1  }
0x219: {  	v0 =	vld.idx.msk [tilespmem:v58+s5+$0x0], $0xffff;
	_ =	sdelay $0x3  }
0x21a: {  	v60 =	vld [tilespmem:s26+$0x1B740]  }
0x21b: {  	[tilespmem:s26+$0x1C720] =	vst v0  }
0x21c: {  	v1 =	vld.idx.msk [tilespmem:v59+s5+$0x0], $0xffff;
	_ =	sdelay $0x3  }
0x21d: {  	v61 =	vld [tilespmem:s26+$0x1B750]  }
0x21e: {  	[tilespmem:s26+$0x1C730] =	vst v1  }
0x21f: {  	v0 =	vld.idx.msk [tilespmem:v60+s5+$0x0], $0xffff;
	_ =	sdelay $0x3  }
0x220: {  	v62 =	vld [tilespmem:s26+$0x1B760]  }
0x221: {  	[tilespmem:s26+$0x1C740] =	vst v0  }
0x222: {  	v1 =	vld.idx.msk [tilespmem:v61+s5+$0x0], $0xffff;
	_ =	sdelay $0x3  }
0x223: {  	v63 =	vld [tilespmem:s26+$0x1B770]  }
0x224: {  	[tilespmem:s26+$0x1C750] =	vst v1  }
0x225: {  	v0 =	vld.idx.msk [tilespmem:v62+s5+$0x0], $0xffff;
	_ =	sdelay $0x4  }
0x226: {  	[tilespmem:s26+$0x1C760] =	vst v0  }
0x227: {  	v0 =	vld.idx.msk [tilespmem:v63+s5+$0x0], $0xffff;
	_ =	sdelay $0x4  }
.Ltmp15:
0x228: {  	[tilespmem:s26+$0x1C770] =	vst v0;
	(pc) =	sbr.rel .LBB2_23-.Ltmp15, $4  }
0x229: {  	[hbm4b:s15+s5] =	stream.linear.scatter [tilespmem:s20], [sflag:$0x3], $0x1000, $0x38;
	[tilespmem:$0x1D700] =	vst v63  }
0x22a: {  	_ =	swait.ge [sflag:s22], $0x1000  }
0x22b: {  	[sflag:s22] =	ssyncset.done $0x0  }
0x22c: {  	[sflag:s22] =	ssyncadd.s32 $0xFFFFF000  }
.LBB2_24:
0x22d: {  	_ =	sfence.sel $0x180000  }
0x22e: {  	[bflag:$0x0] =	sbarrier.arrive $0xFFFF  }
0x22f: {  	p0 =	sne.s32 s0, $0x0;
	_ =	strace $0x9000004D  }
0x230: {  	s0 =	sadd.s32 @!p0 $0x100000, s1;
	[bflag:$0x2] =	sbarrier.arrive $0xFFFF  }
0x231: {  	[sflag:s0] =	ssyncadd.tile.s32 @!p0 $0x1;
	_ =	shalt  }
.Lfunc_end2:
_tile_overlayer_lowered:
.L_overlay_start_2:
0x232: {  	(tag) =	ssettag $0x2  }
0x233: {  	s0 =	rddreg [dreg:$0x0];
	s2 =	stileid.u32  }
0x234: {  	s1 =	rddreg [dreg:$0x1];
	p0 =	sne.s32 s2, $0x0  }
0x235: {  	s3 =	rddreg [dreg:$0x2];
	[bflag:$0x3] =	sbarrier.arrive $0xFFFF;
	s2 =	simm.s32 @!p0 $0x1C03  }
0x236: {  	[timem:s3], [sflag:s2] =	dma.local @!p0 [hbm:s0], s1  }
0x237: {  	s0 =	simm.s32 @!p0 $0x3  }
0x238: {  	_ =	swait.ge @!p0 [sflag:s0], s1  }
0x239: {  	s1 =	ssub.s32 @!p0 $0x0, s1;
	[sflag:s0] =	ssyncset.done @!p0 $0x0  }
0x23a: {  	[sflag:s0] =	ssyncadd.s32 @!p0 s1  }
0x23b: {  	[bflag:$0x3] =	sbarrier.arrive $0xFFFF  }
0x23c: {  	_ =	shalt  }

// kernel: kernel.8.cloned.1.call-start
scs
__scs_entry_jumppad:
0x0: {  	(pc) =	sbr.rel $0x88, $3  }
0x1: {  	(tag) =	ssettag $0x0;
	lr =	simm.s32 $0x1  }
0x2: {  	[smem:$0x3F9B] =	sst lr;
	_ =	strace $0xD0000000  }
0x3: {  	_ = 	snop  }
0x4: {  	_ = 	snop  }
0x5: {  	_ = 	snop  }
0x6: {  	_ = 	snop  }
0x7: {  	_ = 	snop  }
__scs_overlays_trampoline_lowered:
0x8: {  	[smem:$0x3FAA] =	sst s0  }
0x9: {  	[smem:$0x3FAB] =	sst s1  }
0xa: {  	[smem:$0x3FAC] =	sst s2  }
0xb: {  	[smem:$0x3FAD] =	sst s3  }
0xc: {  	[smem:$0x3FAE] =	sst s4  }
0xd: {  	[smem:$0x3FAF] =	sst s5  }
0xe: {  	[smem:$0x3FB0] =	sst s6  }
0xf: {  	[smem:$0x3FB1] =	sst s7  }
0x10: {  	[smem:$0x3FB2] =	sst s8  }
0x11: {  	[smem:$0x3FB3] =	sst s9;
	s0 =	simm.s32 @!p0 $0x0  }
0x12: {  	s1 =	sld [smem:$0x3F99];
	s0 =	simm.s32 @p0 $0x1  }
0x13: {  	[smem:$0x3FB4] =	sst s0;
	s0 =	simm.s32 @!p1 $0x0  }
0x14: {  	s2 =	sld [smem:$0x3F98];
	s0 =	simm.s32 @p1 $0x1  }
0x15: {  	[smem:$0x3FB5] =	sst s0;
	s0 =	simm.s32 @!p2 $0x0  }
0x16: {  	s3 =	sld [smem:$0x3FDB];
	s0 =	simm.s32 @p2 $0x1  }
0x17: {  	s4 =	simm.s32 $0x1BF5;
	[smem:$0x3FB7] =	sst s0  }
0x18: {  	s0 =	sld [smem:$0x3F9A];
	_ =	swait.ge [sflag:s4], $0x0  }
0x19: {  	s7 =	sld [smem:$0x3F9B]  }
0x1a: {  	s8 =	sadd.s32 $0xFFFFE003, lr  }
0x1b: {  	s9 =	sadd.s32 $0xFFFFFEF7, lr;
	s5 =	simm.s32 $0xFFFFFFFF;
	p2 =	slt.u32 s8, $0xFFFFF086  }
0x1c: {  	p1 =	slt.u32 s9, $0xF7A;
	s5 =	simm.s32 @!p2 $0x0  }
0x1d: {  	s5 =	simm.s32 @p1 $0x1;
	p0 =	seq.s32 s7, s2  }
0x1e: {  	s7 =	smul.u32 @!p0 $0xF7A, s2;
	p2 =	seq.s32 @!p0 s5, $0x0  }
0x1f: {  	s9 =	smul.u32 $0xF7A, s1;
	s8 =	simm.s32 @!p0 $0x1BF5;
	p2 =	por !p2, p0  }
0x20: {  	[sflag:s8] =	ssyncset.s32 @!p0 $0xFFFFF086;
	s6 =	sadd.s32 @!p0 s3, s7;
	s7 =	simm.s32 @!p0 $0x108  }
0x21: {  	s3 =	sadd.s32 s3, s9;
	s6 =	sadd.s32 @!p0 $0x88, s6;
	s7 =	simm.s32 @p2 $0x1082  }
0x22: {  	[simem:s7], [sflag:s8] =	dma.local @!p0 [hbm:s6], $0xF7A  }
0x23: {  	s9 =	sor.u32 $0xD0000000, s2;
	s6 =	simm.s32 $0x108;
	_ =	swait.ge @!p0 [sflag:s8], $0x0  }
0x24: {  	s3 =	sadd.s32 $0x88, s3;
	s6 =	simm.s32 @!p1 $0x1082;
	[sflag:s4] =	ssyncset.s32 $0xFFFFF086  }
0x25: {  	[simem:s6], [sflag:s4] =	dma.local [hbm:s3], $0xF7A  }
0x26: {  	[smem:$0x3F9B] =	sst s1;
	(tag) =	ssettag s2;
	_ =	strace s9  }
0x27: {  	s1 =	sld [smem:$0x3FAB]  }
0x28: {  	s2 =	sld [smem:$0x3FAC]  }
0x29: {  	s4 =	sld [smem:$0x3FAE]  }
0x2a: {  	p0 =	seq.s32 s5, $0x0;
	s5 =	sld [smem:$0x3FAF]  }
0x2b: {  	s6 =	sld [smem:$0x3FB0]  }
0x2c: {  	s7 =	sld [smem:$0x3FB1]  }
0x2d: {  	s3 =	simm.s32 $0x108;
	s8 =	sld [smem:$0x3FB2]  }
0x2e: {  	s3 =	simm.s32 @!p0 $0x1082;
	s9 =	sld [smem:$0x3FB3]  }
0x2f: {  	lr =	sadd.s32 s0, s3;
	s0 =	sld [smem:$0x3FAA]  }
0x30: {  	s3 =	sld [smem:$0x3FAD]  }
0x31: {  	[smem:$0x3FB6] =	sst s10  }
0x32: {  	s10 =	sld [smem:$0x3FB4];
	_ =	sdelay $0x3  }
0x33: {  	p0 =	seq.s32 s10, $0x1;
	s10 =	sld [smem:$0x3FB6];
	_ =	sdelay $0x3  }
0x34: {  	[smem:$0x3FB6] =	sst s10  }
0x35: {  	s10 =	sld [smem:$0x3FB5];
	_ =	sdelay $0x3  }
0x36: {  	p1 =	seq.s32 s10, $0x1;
	s10 =	sld [smem:$0x3FB6];
	_ =	sdelay $0x3  }
0x37: {  	[smem:$0x3FB6] =	sst s10  }
0x38: {  	s10 =	sld [smem:$0x3FB7]  }
0x39: {  	_ = 	snop;
	(pc) =	sbr.ind lr, $3  }
0x3a: {  	_ = 	snop  }
0x3b: {  	_ = 	snop  }
0x3c: {  	p2 =	seq.s32 s10, $0x1;
	s10 =	sld [smem:$0x3FB6]  }
0x3d: {  	_ =	shalt  }
0x3e: {  	_ =	shalt  }
0x3f: {  	_ =	shalt  }
0x40: {  	_ =	shalt  }
0x41: {  	_ =	shalt  }
0x42: {  	_ =	shalt  }
0x43: {  	_ =	shalt  }
0x44: {  	_ =	shalt  }
0x45: {  	_ =	shalt  }
0x46: {  	_ =	shalt  }
0x47: {  	_ =	shalt  }
0x48: {  	_ =	shalt  }
0x49: {  	_ =	shalt  }
0x4a: {  	_ =	shalt  }
0x4b: {  	_ =	shalt  }
0x4c: {  	_ =	shalt  }
0x4d: {  	_ =	shalt  }
0x4e: {  	_ =	shalt  }
0x4f: {  	_ =	shalt  }
0x50: {  	_ =	shalt  }
0x51: {  	_ =	shalt  }
0x52: {  	_ =	shalt  }
0x53: {  	_ =	shalt  }
0x54: {  	_ =	shalt  }
0x55: {  	_ =	shalt  }
0x56: {  	_ =	shalt  }
0x57: {  	_ =	shalt  }
0x58: {  	_ =	shalt  }
0x59: {  	_ =	shalt  }
0x5a: {  	_ =	shalt  }
0x5b: {  	_ =	shalt  }
0x5c: {  	_ =	shalt  }
0x5d: {  	_ =	shalt  }
0x5e: {  	_ =	shalt  }
0x5f: {  	_ =	shalt  }
0x60: {  	_ =	shalt  }
0x61: {  	_ =	shalt  }
0x62: {  	_ =	shalt  }
0x63: {  	_ =	shalt  }
0x64: {  	_ =	shalt  }
0x65: {  	_ =	shalt  }
0x66: {  	_ =	shalt  }
0x67: {  	_ =	shalt  }
0x68: {  	_ =	shalt  }
0x69: {  	_ =	shalt  }
0x6a: {  	_ =	shalt  }
0x6b: {  	_ =	shalt  }
0x6c: {  	_ =	shalt  }
0x6d: {  	_ =	shalt  }
0x6e: {  	_ =	shalt  }
0x6f: {  	_ =	shalt  }
0x70: {  	_ =	shalt  }
0x71: {  	_ =	shalt  }
0x72: {  	_ =	shalt  }
0x73: {  	_ =	shalt  }
0x74: {  	_ =	shalt  }
0x75: {  	_ =	shalt  }
0x76: {  	_ =	shalt  }
0x77: {  	_ =	shalt  }
0x78: {  	_ =	shalt  }
0x79: {  	_ =	shalt  }
0x7a: {  	_ =	shalt  }
0x7b: {  	_ =	shalt  }
0x7c: {  	_ =	shalt  }
0x7d: {  	_ =	shalt  }
0x7e: {  	_ =	shalt  }
0x7f: {  	_ =	shalt  }
0x80: {  	_ =	shalt  }
0x81: {  	_ =	shalt  }
0x82: {  	_ =	shalt  }
0x83: {  	_ =	shalt  }
0x84: {  	_ =	shalt  }
0x85: {  	_ =	shalt  }
0x86: {  	_ =	shalt  }
0x87: {  	_ =	shalt  }
.Lfunc_end0:
.L_simem_size_0:
called_computation_lowered:
.L_overlay_start_0:
0x88: {  	s2 =	sld [smem:$0x3FD9]  }
0x89: {  	s3 =	sld [smem:$0x3FFE];
	_ =	sdelay $0x1  }
0x8a: {  	s1 =	srdreg.scid  }
0x8b: {  	s0 =	sand.u32 $0x1, s1  }
0x8c: {  	s17 =	sshll.u32 s0, $0xA;
	s2 =	sadd.s32 s3, s2  }
0x8d: {  	s2 =	sadd.s32 s2, s17  }
0x8e: {  	[smem:$0x3FC2] =	sst s2  }
0x8f: {  	_ = 	snop  }
0x90: {  	s2 =	sld [smem:$0x3FC4]  }
0x91: {  	s18 =	sld [smem:$0x3FD0];
	(tm) =	ssettm $0x1  }
0x92: {  	s4 =	sld [smem:$0x3FFB];
	_ =	sdelay $0x3  }
0x93: {  	_ =	strace s4  }
0x94: {  	s4 =	sld [smem:$0x3FFC];
	_ =	sdelay $0x3  }
0x95: {  	_ =	strace s4  }
0x96: {  	s4 =	sld [smem:$0x3FFD];
	_ =	sdelay $0x3  }
0x97: {  	_ =	strace s4  }
0x98: {  	_ =	strace $0x8FFFFFFF  }
0x99: {  	s19 =	sld [smem:$0x3FDB];
	_ =	sdelay $0x1  }
0x9a: {  	s5 =	simm.s32 $_scs_section_size  }
0x9b: {  	s6 =	simm.s32 $_size__tile_overlayer_lowered;
	s7 =	simm.s32 $_tile_overlayer_lowered  }
0x9c: {  	s22 =	simm.s32 $0x1BFF;
	s21 =	sshll.u32 s7, $0x1;
	s4 =	sadd.s32 s5, s19  }
0x9d: {  	s8 =	simm.s32 $0x0;
	s20 =	sshll.u32 s6, $0x1;
	s6 =	sadd.s32 s21, s4  }
0x9e: {  	[timem:s8], [sflag:s22] =	dma.local [hbm:s6], s20  }
0x9f: {  	_ =	swait.ge [sflag:s22], s20  }
0xa0: {  	s5 =	ssub.s32 $0x0, s20;
	[sflag:s22] =	ssyncset.done $0x0  }
0xa1: {  	[sflag:s22] =	ssyncadd.s32 s5;
	_ =	sdelay $0x1  }
0xa2: {  	s23 =	simm.s32 $0x1B8B  }
0xa3: {  	_ =	swait.ge [sflag:s23], $0x1  }
0xa4: {  	[sflag:s23] =	ssyncset.done $0x0  }
0xa5: {  	s25 =	simm.s32 $0x1B8E;
	s24 =	sld [smem:$0x3FFE];
	[sflag:s23] =	ssyncadd.s32 $0xFFFFFFFF  }
0xa6: {  	s26 =	simm.s32 $execute0_lowered;
	[smem:$0x3FD2] =	sst s25  }
0xa7: {  	s6 =	sshll.u32 s26, $0x1;
	_ =	strace $0x80000046;
	[dreg:$0x1] =	wrdreg $0xFFFFFFFF  }
0xa8: {  	s28 =	simm.s32 $_size_execute0_lowered;
	s4 =	sadd.s32 s4, s6;
	[dreg:$0x0] =	wrdreg $0x0  }
0xa9: {  	s6 =	sshll.u32 s28, $0x1;
	[dreg:$0x2] =	wrdreg s4  }
0xaa: {  	[dreg:$0x3] =	wrdreg s6  }
0xab: {  	[dreg:$0x4] =	wrdreg $0xC0  }
0xac: {  	_ =	task [dreg:s8], $0x5FFFF  }
0xad: {  	[dreg:$0x1] =	wrdreg $0xFFFFFFFF  }
0xae: {  	[dreg:$0x0] =	wrdreg $0x60  }
0xaf: {  	[dreg:$0x2] =	wrdreg s24  }
0xb0: {  	[dreg:$0x3] =	wrdreg s2  }
0xb1: {  	[dreg:$0x4] =	wrdreg s18  }
0xb2: {  	[dreg:$0x5] =	wrdreg $0x9  }
0xb3: {  	_ =	task.clear_ibuf [dreg:s8], $0x6FFFF;
	_ =	strace $0x90000046  }
0xb4: {  	s29 =	simm.s32 $0x9;
	_ =	strace $0x80000048  }
0xb5: {  	_ =	swait.ge [sflag:s29], $0x1  }
0xb6: {  	[sflag:s29] =	ssyncadd.s32 $0xFFFFFFFF  }
0xb7: {  	_ =	strace $0x90000048  }
0xb8: {  	_ =	sfence  }
0xb9: {  	s30 =	sld [smem:$0x0];
	_ =	sdelay $0x2  }
0xba: {  	s31 =	sshll.u32 s1, $0xD;
	s1 =	sshrl.u32 s1, $0x2  }
0xbb: {  	s3 =	sand.u32 $0x4000, s31;
	s1 =	sadd.s32 s1, s30  }
0xbc: {  	s0 =	sor.u32 s3, s0;
	s1 =	sshll.u32 s1, $0x11  }
0xbd: {  	s0 =	sor.u32 s1, s0  }
0xbe: {  	s0 =	sadd.s32 $0x8F2B, s0  }
0xbf: {  	[sflag:s0] =	ssyncadd.remote.s32 $0x1  }
0xc0: {  	_ =	sfence.sel $0xFFFF  }
0xc1: {  	[dreg:$0x0] =	wrdreg $0xFFFFFFFF;
	(pc) =	sbr.abs _section_cstart, $3  }
0xc2: {  	[dreg:$0x1] =	wrdreg $0xFFFFFFFF  }
0xc3: {  	_ =	task.clear_ibuf [dreg:s8], $0x2FFFF;
	_ =	strace $0x9FFFFFFF  }
0xc4: {  	(tm) =	ssettm $0x7FFFFFFF  }
0xc5: {  	_ =	shalt  }
tec
execute0_lowered:
.L_overlay_start_1:
0x0: {  	(tag) =	ssettag $0x1  }
0x1: {  	s1 =	stileid.u32  }
0x2: {  	p0 =	sgt.u32 s1, $0xC  }
.Ltmp0:
0x3: {  	s4 =	rddreg [dreg:$0x0];
	(pc) =	sbr.rel @p0 .LBB2_11-.Ltmp0, $4  }
0x4: {  	s2 =	rddreg [dreg:$0x1]  }
0x5: {  	s5 =	rddreg [dreg:$0x2];
	s3 =	simm.s32 $0x0  }
0x6: {  	[smem:$0x7FF] =	sst s3  }
0x7: {  	s0 =	rddreg [dreg:$0x3];
	_ =	strace $0x80000047  }
0x8: {  	s6 =	srdreg.scid;
	s31 =	sshll.u32 s1, $0x1  }
0x9: {  	s11 =	sadd.s32 $0x1200, s4;
	s7 =	sadd.s32 $0x400, s2;
	s8 =	sand.u32 $0x1, s6  }
0xa: {  	s15 =	simm.s32 $0x19700;
	s9 =	sor.u32 s8, s31;
	s12 =	ssub.s32 $0x2, s8  }
0xb: {  	s16 =	simm.s32 $0x0;
	s6 =	sshll.u32 s9, $0xB;
	s13 =	sshrl.u32 s12, $0x1  }
0xc: {  	s14 =	smul.u32 $0x30D4, s9;
	s9 =	sadd.s32 $0x600, s2;
	s4 =	sadd.s32 s5, s6  }
0xd: {  	s5 =	sadd.s32 $0x200, s2;
	s12 =	ssub.s32 s12, s13;
	s13 =	simm.s32 $0x1  }
0xe: {  	s6 =	sadd.s32 $0x200, s4;
	s8 =	sadd.s32 $0x400, s4;
	s10 =	sadd.s32 $0x600, s4  }
0xf: {  	s11 =	sadd.s32 s11, s14;
	s12 =	smax.u32 s12, $0x1;
	s14 =	simm.s32 $0x18700  }
.LBB2_2:
0x10: {  	s17 =	simm.s32 $0x0  }
0x11: {  	[tilespmem:s17], [sflag:$0x1] =	stream.linear.gather [hbm4b:s11+s17], $0x186A0, $0x38;
	[tilespmem:$0x1A700] =	vst v63  }
0x12: {  	_ =	swait.ge [sflag:s13], $0x186A0  }
0x13: {  	[sflag:s13] =	ssyncset.done $0x0  }
0x14: {  	[sflag:s13] =	ssyncadd.s32 $0xFFFE7960  }
0x15: {  	[tilespmem:s14], [sflag:$0x1] =	stream.linear.gather [hbm4b:s2+s17], $0x1000, $0x38;
	[tilespmem:$0x1A700] =	vst v63  }
0x16: {  	_ =	swait.ge [sflag:s13], $0x1000  }
0x17: {  	[sflag:s13] =	ssyncset.done $0x0  }
0x18: {  	s17 =	simm.s32 $0x0;
	[sflag:s13] =	ssyncadd.s32 $0xFFFFF000  }
0x19: {  	v0 =	vld [tilespmem:s17+$0x18700];
	_ =	sdelay $0x5  }
0x1a: {  	v1 =	vld [tilespmem:s17+$0x18710];
	_ =	sdelay $0x1  }
0x1b: {  	v0 =	vld.idx.msk [tilespmem:v0+s3+$0x0], $0xffff;
	_ =	sdelay $0x4  }
0x1c: {  	[tilespmem:s17+$0x19700] =	vst v0;
	v0 =	vld [tilespmem:s17+$0x18720]  }
0x1d: {  	v1 =	vld.idx.msk [tilespmem:v1+s3+$0x0], $0xffff;
	_ =	sdelay $0x4  }
0x1e: {  	[tilespmem:s17+$0x19710] =	vst v1;
	v1 =	vld [tilespmem:s17+$0x18730];
	_ =	sdelay $0x1  }
0x1f: {  	v0 =	vld.idx.msk [tilespmem:v0+s3+$0x0], $0xffff;
	_ =	sdelay $0x4  }
0x20: {  	[tilespmem:s17+$0x19720] =	vst v0;
	v0 =	vld [tilespmem:s17+$0x18740]  }
0x21: {  	v1 =	vld.idx.msk [tilespmem:v1+s3+$0x0], $0xffff;
	_ =	sdelay $0x4  }
0x22: {  	[tilespmem:s17+$0x19730] =	vst v1;
	v1 =	vld [tilespmem:s17+$0x18750];
	_ =	sdelay $0x1  }
0x23: {  	v0 =	vld.idx.msk [tilespmem:v0+s3+$0x0], $0xffff;
	_ =	sdelay $0x4  }
0x24: {  	v2 =	vld [tilespmem:s17+$0x18760];
	[tilespmem:s17+$0x19740] =	vst v0  }
0x25: {  	v0 =	vld.idx.msk [tilespmem:v1+s3+$0x0], $0xffff;
	_ =	sdelay $0x4  }
0x26: {  	[tilespmem:s17+$0x19750] =	vst v0;
	v0 =	vld [tilespmem:s17+$0x18770];
	_ =	sdelay $0x1  }
0x27: {  	v1 =	vld.idx.msk [tilespmem:v2+s3+$0x0], $0xffff;
	_ =	sdelay $0x3  }
0x28: {  	s19 =	simm.s32 $0x80;
	s18 =	simm.s32 $0x400  }
.LBB2_3:
0x29: {  	p0 =	sne.s32 s18, $0x3E00;
	v2 =	vld [tilespmem:s19+$0x18700];
	[tilespmem:s17+$0x19760] =	vst v1  }
0x2a: {  	v0 =	vld.idx.msk [tilespmem:v0+s3+$0x0], $0xffff;
	_ =	sdelay $0x5  }
0x2b: {  	v1 =	vld [tilespmem:s19+$0x18710];
	[tilespmem:s17+$0x19770] =	vst v0;
	s17 =	smov.u32 s19  }
0x2c: {  	v0 =	vld.idx.msk [tilespmem:v2+s3+$0x0], $0xffff;
	_ =	sdelay $0x5  }
0x2d: {  	[tilespmem:s17+$0x19700] =	vst v0;
	v0 =	vld [tilespmem:s17+$0x18720]  }
0x2e: {  	v1 =	vld.idx.msk [tilespmem:v1+s3+$0x0], $0xffff;
	_ =	sdelay $0x5  }
0x2f: {  	[tilespmem:s17+$0x19710] =	vst v1;
	v1 =	vld [tilespmem:s17+$0x18730]  }
0x30: {  	v0 =	vld.idx.msk [tilespmem:v0+s3+$0x0], $0xffff;
	_ =	sdelay $0x5  }
0x31: {  	[tilespmem:s17+$0x19720] =	vst v0;
	v0 =	vld [tilespmem:s17+$0x18740]  }
0x32: {  	v1 =	vld.idx.msk [tilespmem:v1+s3+$0x0], $0xffff;
	_ =	sdelay $0x5  }
0x33: {  	[tilespmem:s17+$0x19730] =	vst v1;
	v1 =	vld [tilespmem:s17+$0x18750]  }
0x34: {  	v0 =	vld.idx.msk [tilespmem:v0+s3+$0x0], $0xffff;
	_ =	sdelay $0x5  }
0x35: {  	[tilespmem:s17+$0x19740] =	vst v0;
	v2 =	vld [tilespmem:s17+$0x18760]  }
0x36: {  	v0 =	vld.idx.msk [tilespmem:v1+s3+$0x0], $0xffff;
	_ =	sdelay $0x5  }
0x37: {  	[tilespmem:s17+$0x19750] =	vst v0;
	v0 =	vld [tilespmem:s17+$0x18770]  }
0x38: {  	v1 =	vld.idx.msk [tilespmem:v2+s3+$0x0], $0xffff  }
.Ltmp1:
0x39: {  	(pc) =	sbr.rel @p0 .LBB2_3-.Ltmp1, $2  }
0x3a: {  	_ =	sdelay $0x2  }
0x3b: {  	s19 =	sshra.s32 s18, $0x2;
	s18 =	sadd.s32 $0x200, s18  }
0x3c: {  	_ =	sdelay $0x1  }
0x3d: {  	v2 =	vld [tilespmem:s19+$0x18700]  }
0x3e: {  	[tilespmem:s17+$0x19760] =	vst v1  }
0x3f: {  	v0 =	vld.idx.msk [tilespmem:v0+s3+$0x0], $0xffff;
	_ =	sdelay $0x3  }
0x40: {  	v1 =	vld [tilespmem:s19+$0x18710]  }
0x41: {  	[tilespmem:s17+$0x19770] =	vst v0  }
0x42: {  	v0 =	vld.idx.msk [tilespmem:v2+s3+$0x0], $0xffff;
	_ =	sdelay $0x4  }
0x43: {  	[tilespmem:s19+$0x19700] =	vst v0;
	v0 =	vld [tilespmem:s19+$0x18720]  }
0x44: {  	v1 =	vld.idx.msk [tilespmem:v1+s3+$0x0], $0xffff;
	_ =	sdelay $0x4  }
0x45: {  	[tilespmem:s19+$0x19710] =	vst v1;
	v1 =	vld [tilespmem:s19+$0x18730];
	_ =	sdelay $0x1  }
0x46: {  	v0 =	vld.idx.msk [tilespmem:v0+s3+$0x0], $0xffff;
	_ =	sdelay $0x4  }
0x47: {  	[tilespmem:s19+$0x19720] =	vst v0;
	v0 =	vld [tilespmem:s19+$0x18740]  }
0x48: {  	v1 =	vld.idx.msk [tilespmem:v1+s3+$0x0], $0xffff;
	_ =	sdelay $0x4  }
0x49: {  	[tilespmem:s19+$0x19730] =	vst v1;
	v1 =	vld [tilespmem:s19+$0x18750];
	_ =	sdelay $0x1  }
0x4a: {  	v0 =	vld.idx.msk [tilespmem:v0+s3+$0x0], $0xffff;
	_ =	sdelay $0x4  }
0x4b: {  	[tilespmem:s19+$0x19740] =	vst v0;
	v0 =	vld [tilespmem:s19+$0x18760]  }
0x4c: {  	v1 =	vld.idx.msk [tilespmem:v1+s3+$0x0], $0xffff;
	_ =	sdelay $0x4  }
0x4d: {  	[tilespmem:s19+$0x19750] =	vst v1;
	v1 =	vld [tilespmem:s19+$0x18770];
	_ =	sdelay $0x1  }
0x4e: {  	v0 =	vld.idx.msk [tilespmem:v0+s3+$0x0], $0xffff;
	_ =	sdelay $0x4  }
0x4f: {  	[tilespmem:s19+$0x19760] =	vst v0  }
0x50: {  	v0 =	vld.idx.msk [tilespmem:v1+s3+$0x0], $0xffff;
	_ =	sdelay $0x4  }
0x51: {  	s31 =	simm.s32 $0x0;
	[tilespmem:s19+$0x19770] =	vst v0  }
0x52: {  	[hbm4b:s4+s31] =	stream.linear.scatter [tilespmem:s15], [sflag:$0x1], $0x1000, $0x38;
	[tilespmem:$0x1A700] =	vst v63  }
0x53: {  	_ =	swait.ge [sflag:s13], $0x1000  }
0x54: {  	[sflag:s13] =	ssyncset.done $0x0  }
0x55: {  	[sflag:s13] =	ssyncadd.s32 $0xFFFFF000  }
0x56: {  	[tilespmem:s14], [sflag:$0x1] =	stream.linear.gather [hbm4b:s5+s31], $0x1000, $0x38;
	[tilespmem:$0x1A700] =	vst v63  }
0x57: {  	_ =	swait.ge [sflag:s13], $0x1000  }
0x58: {  	[sflag:s13] =	ssyncset.done $0x0  }
0x59: {  	s17 =	simm.s32 $0x0;
	[sflag:s13] =	ssyncadd.s32 $0xFFFFF000  }
0x5a: {  	v0 =	vld [tilespmem:s17+$0x18700];
	_ =	sdelay $0x5  }
0x5b: {  	v1 =	vld [tilespmem:s17+$0x18710];
	_ =	sdelay $0x1  }
0x5c: {  	v0 =	vld.idx.msk [tilespmem:v0+s3+$0x0], $0xffff;
	_ =	sdelay $0x4  }
0x5d: {  	[tilespmem:s17+$0x19700] =	vst v0;
	v0 =	vld [tilespmem:s17+$0x18720]  }
0x5e: {  	v1 =	vld.idx.msk [tilespmem:v1+s3+$0x0], $0xffff;
	_ =	sdelay $0x4  }
0x5f: {  	[tilespmem:s17+$0x19710] =	vst v1;
	v1 =	vld [tilespmem:s17+$0x18730];
	_ =	sdelay $0x1  }
0x60: {  	v0 =	vld.idx.msk [tilespmem:v0+s3+$0x0], $0xffff;
	_ =	sdelay $0x4  }
0x61: {  	[tilespmem:s17+$0x19720] =	vst v0;
	v0 =	vld [tilespmem:s17+$0x18740]  }
0x62: {  	v1 =	vld.idx.msk [tilespmem:v1+s3+$0x0], $0xffff;
	_ =	sdelay $0x4  }
0x63: {  	[tilespmem:s17+$0x19730] =	vst v1;
	v1 =	vld [tilespmem:s17+$0x18750];
	_ =	sdelay $0x1  }
0x64: {  	v0 =	vld.idx.msk [tilespmem:v0+s3+$0x0], $0xffff;
	_ =	sdelay $0x4  }
0x65: {  	v2 =	vld [tilespmem:s17+$0x18760];
	[tilespmem:s17+$0x19740] =	vst v0  }
0x66: {  	v0 =	vld.idx.msk [tilespmem:v1+s3+$0x0], $0xffff;
	_ =	sdelay $0x4  }
0x67: {  	[tilespmem:s17+$0x19750] =	vst v0;
	v0 =	vld [tilespmem:s17+$0x18770];
	_ =	sdelay $0x1  }
0x68: {  	v1 =	vld.idx.msk [tilespmem:v2+s3+$0x0], $0xffff;
	_ =	sdelay $0x3  }
0x69: {  	s18 =	simm.s32 $0x400;
	s19 =	simm.s32 $0x80  }
.LBB2_5:
0x6a: {  	p0 =	sne.s32 s18, $0x3E00;
	v2 =	vld [tilespmem:s19+$0x18700];
	[tilespmem:s17+$0x19760] =	vst v1  }
0x6b: {  	v0 =	vld.idx.msk [tilespmem:v0+s3+$0x0], $0xffff;
	_ =	sdelay $0x5  }
0x6c: {  	v1 =	vld [tilespmem:s19+$0x18710];
	[tilespmem:s17+$0x19770] =	vst v0;
	s17 =	smov.u32 s19  }
0x6d: {  	v0 =	vld.idx.msk [tilespmem:v2+s3+$0x0], $0xffff;
	_ =	sdelay $0x5  }
0x6e: {  	[tilespmem:s17+$0x19700] =	vst v0;
	v0 =	vld [tilespmem:s17+$0x18720]  }
0x6f: {  	v1 =	vld.idx.msk [tilespmem:v1+s3+$0x0], $0xffff;
	_ =	sdelay $0x5  }
0x70: {  	[tilespmem:s17+$0x19710] =	vst v1;
	v1 =	vld [tilespmem:s17+$0x18730]  }
0x71: {  	v0 =	vld.idx.msk [tilespmem:v0+s3+$0x0], $0xffff;
	_ =	sdelay $0x5  }
0x72: {  	[tilespmem:s17+$0x19720] =	vst v0;
	v0 =	vld [tilespmem:s17+$0x18740]  }
0x73: {  	v1 =	vld.idx.msk [tilespmem:v1+s3+$0x0], $0xffff;
	_ =	sdelay $0x5  }
0x74: {  	[tilespmem:s17+$0x19730] =	vst v1;
	v1 =	vld [tilespmem:s17+$0x18750]  }
0x75: {  	v0 =	vld.idx.msk [tilespmem:v0+s3+$0x0], $0xffff;
	_ =	sdelay $0x5  }
0x76: {  	[tilespmem:s17+$0x19740] =	vst v0;
	v2 =	vld [tilespmem:s17+$0x18760]  }
0x77: {  	v0 =	vld.idx.msk [tilespmem:v1+s3+$0x0], $0xffff;
	_ =	sdelay $0x5  }
0x78: {  	[tilespmem:s17+$0x19750] =	vst v0;
	v0 =	vld [tilespmem:s17+$0x18770]  }
0x79: {  	v1 =	vld.idx.msk [tilespmem:v2+s3+$0x0], $0xffff  }
.Ltmp2:
0x7a: {  	(pc) =	sbr.rel @p0 .LBB2_5-.Ltmp2, $2  }
0x7b: {  	_ =	sdelay $0x2  }
0x7c: {  	s19 =	sshra.s32 s18, $0x2;
	s18 =	sadd.s32 $0x200, s18  }
0x7d: {  	_ =	sdelay $0x1  }
0x7e: {  	v2 =	vld [tilespmem:s19+$0x18700]  }
0x7f: {  	[tilespmem:s17+$0x19760] =	vst v1  }
0x80: {  	v0 =	vld.idx.msk [tilespmem:v0+s3+$0x0], $0xffff;
	_ =	sdelay $0x3  }
0x81: {  	v1 =	vld [tilespmem:s19+$0x18710]  }
0x82: {  	[tilespmem:s17+$0x19770] =	vst v0  }
0x83: {  	v0 =	vld.idx.msk [tilespmem:v2+s3+$0x0], $0xffff;
	_ =	sdelay $0x4  }
0x84: {  	[tilespmem:s19+$0x19700] =	vst v0;
	v0 =	vld [tilespmem:s19+$0x18720]  }
0x85: {  	v1 =	vld.idx.msk [tilespmem:v1+s3+$0x0], $0xffff;
	_ =	sdelay $0x4  }
0x86: {  	[tilespmem:s19+$0x19710] =	vst v1;
	v1 =	vld [tilespmem:s19+$0x18730];
	_ =	sdelay $0x1  }
0x87: {  	v0 =	vld.idx.msk [tilespmem:v0+s3+$0x0], $0xffff;
	_ =	sdelay $0x4  }
0x88: {  	[tilespmem:s19+$0x19720] =	vst v0;
	v0 =	vld [tilespmem:s19+$0x18740]  }
0x89: {  	v1 =	vld.idx.msk [tilespmem:v1+s3+$0x0], $0xffff;
	_ =	sdelay $0x4  }
0x8a: {  	[tilespmem:s19+$0x19730] =	vst v1;
	v1 =	vld [tilespmem:s19+$0x18750];
	_ =	sdelay $0x1  }
0x8b: {  	v0 =	vld.idx.msk [tilespmem:v0+s3+$0x0], $0xffff;
	_ =	sdelay $0x4  }
0x8c: {  	[tilespmem:s19+$0x19740] =	vst v0;
	v0 =	vld [tilespmem:s19+$0x18760]  }
0x8d: {  	v1 =	vld.idx.msk [tilespmem:v1+s3+$0x0], $0xffff;
	_ =	sdelay $0x4  }
0x8e: {  	[tilespmem:s19+$0x19750] =	vst v1;
	v1 =	vld [tilespmem:s19+$0x18770];
	_ =	sdelay $0x1  }
0x8f: {  	v0 =	vld.idx.msk [tilespmem:v0+s3+$0x0], $0xffff;
	_ =	sdelay $0x4  }
0x90: {  	[tilespmem:s19+$0x19760] =	vst v0  }
0x91: {  	v0 =	vld.idx.msk [tilespmem:v1+s3+$0x0], $0xffff;
	_ =	sdelay $0x4  }
0x92: {  	s31 =	simm.s32 $0x0;
	[tilespmem:s19+$0x19770] =	vst v0  }
0x93: {  	[hbm4b:s6+s31] =	stream.linear.scatter [tilespmem:s15], [sflag:$0x1], $0x1000, $0x38;
	[tilespmem:$0x1A700] =	vst v63  }
0x94: {  	_ =	swait.ge [sflag:s13], $0x1000  }
0x95: {  	[sflag:s13] =	ssyncset.done $0x0  }
0x96: {  	[sflag:s13] =	ssyncadd.s32 $0xFFFFF000  }
0x97: {  	[tilespmem:s14], [sflag:$0x1] =	stream.linear.gather [hbm4b:s7+s31], $0x1000, $0x38;
	[tilespmem:$0x1A700] =	vst v63  }
0x98: {  	_ =	swait.ge [sflag:s13], $0x1000  }
0x99: {  	[sflag:s13] =	ssyncset.done $0x0  }
0x9a: {  	s17 =	simm.s32 $0x0;
	[sflag:s13] =	ssyncadd.s32 $0xFFFFF000  }
0x9b: {  	v0 =	vld [tilespmem:s17+$0x18700];
	_ =	sdelay $0x5  }
0x9c: {  	v1 =	vld [tilespmem:s17+$0x18710];
	_ =	sdelay $0x1  }
0x9d: {  	v0 =	vld.idx.msk [tilespmem:v0+s3+$0x0], $0xffff;
	_ =	sdelay $0x4  }
0x9e: {  	[tilespmem:s17+$0x19700] =	vst v0;
	v0 =	vld [tilespmem:s17+$0x18720]  }
0x9f: {  	v1 =	vld.idx.msk [tilespmem:v1+s3+$0x0], $0xffff;
	_ =	sdelay $0x4  }
0xa0: {  	[tilespmem:s17+$0x19710] =	vst v1;
	v1 =	vld [tilespmem:s17+$0x18730];
	_ =	sdelay $0x1  }
0xa1: {  	v0 =	vld.idx.msk [tilespmem:v0+s3+$0x0], $0xffff;
	_ =	sdelay $0x4  }
0xa2: {  	[tilespmem:s17+$0x19720] =	vst v0;
	v0 =	vld [tilespmem:s17+$0x18740]  }
0xa3: {  	v1 =	vld.idx.msk [tilespmem:v1+s3+$0x0], $0xffff;
	_ =	sdelay $0x4  }
0xa4: {  	[tilespmem:s17+$0x19730] =	vst v1;
	v1 =	vld [tilespmem:s17+$0x18750];
	_ =	sdelay $0x1  }
0xa5: {  	v0 =	vld.idx.msk [tilespmem:v0+s3+$0x0], $0xffff;
	_ =	sdelay $0x4  }
0xa6: {  	v2 =	vld [tilespmem:s17+$0x18760];
	[tilespmem:s17+$0x19740] =	vst v0  }
0xa7: {  	v0 =	vld.idx.msk [tilespmem:v1+s3+$0x0], $0xffff;
	_ =	sdelay $0x4  }
0xa8: {  	[tilespmem:s17+$0x19750] =	vst v0;
	v0 =	vld [tilespmem:s17+$0x18770];
	_ =	sdelay $0x1  }
0xa9: {  	v1 =	vld.idx.msk [tilespmem:v2+s3+$0x0], $0xffff;
	_ =	sdelay $0x3  }
0xaa: {  	s18 =	simm.s32 $0x400;
	s19 =	simm.s32 $0x80  }
.LBB2_7:
0xab: {  	p0 =	sne.s32 s18, $0x3E00;
	v2 =	vld [tilespmem:s19+$0x18700];
	[tilespmem:s17+$0x19760] =	vst v1  }
0xac: {  	v0 =	vld.idx.msk [tilespmem:v0+s3+$0x0], $0xffff;
	_ =	sdelay $0x5  }
0xad: {  	v1 =	vld [tilespmem:s19+$0x18710];
	[tilespmem:s17+$0x19770] =	vst v0;
	s17 =	smov.u32 s19  }
0xae: {  	v0 =	vld.idx.msk [tilespmem:v2+s3+$0x0], $0xffff;
	_ =	sdelay $0x5  }
0xaf: {  	[tilespmem:s17+$0x19700] =	vst v0;
	v0 =	vld [tilespmem:s17+$0x18720]  }
0xb0: {  	v1 =	vld.idx.msk [tilespmem:v1+s3+$0x0], $0xffff;
	_ =	sdelay $0x5  }
0xb1: {  	[tilespmem:s17+$0x19710] =	vst v1;
	v1 =	vld [tilespmem:s17+$0x18730]  }
0xb2: {  	v0 =	vld.idx.msk [tilespmem:v0+s3+$0x0], $0xffff;
	_ =	sdelay $0x5  }
0xb3: {  	[tilespmem:s17+$0x19720] =	vst v0;
	v0 =	vld [tilespmem:s17+$0x18740]  }
0xb4: {  	v1 =	vld.idx.msk [tilespmem:v1+s3+$0x0], $0xffff;
	_ =	sdelay $0x5  }
0xb5: {  	[tilespmem:s17+$0x19730] =	vst v1;
	v1 =	vld [tilespmem:s17+$0x18750]  }
0xb6: {  	v0 =	vld.idx.msk [tilespmem:v0+s3+$0x0], $0xffff;
	_ =	sdelay $0x5  }
0xb7: {  	[tilespmem:s17+$0x19740] =	vst v0;
	v2 =	vld [tilespmem:s17+$0x18760]  }
0xb8: {  	v0 =	vld.idx.msk [tilespmem:v1+s3+$0x0], $0xffff;
	_ =	sdelay $0x5  }
0xb9: {  	[tilespmem:s17+$0x19750] =	vst v0;
	v0 =	vld [tilespmem:s17+$0x18770]  }
0xba: {  	v1 =	vld.idx.msk [tilespmem:v2+s3+$0x0], $0xffff  }
.Ltmp3:
0xbb: {  	(pc) =	sbr.rel @p0 .LBB2_7-.Ltmp3, $2  }
0xbc: {  	_ =	sdelay $0x2  }
0xbd: {  	s19 =	sshra.s32 s18, $0x2;
	s18 =	sadd.s32 $0x200, s18  }
0xbe: {  	_ =	sdelay $0x1  }
0xbf: {  	v2 =	vld [tilespmem:s19+$0x18700]  }
0xc0: {  	[tilespmem:s17+$0x19760] =	vst v1  }
0xc1: {  	v0 =	vld.idx.msk [tilespmem:v0+s3+$0x0], $0xffff;
	_ =	sdelay $0x3  }
0xc2: {  	v1 =	vld [tilespmem:s19+$0x18710]  }
0xc3: {  	[tilespmem:s17+$0x19770] =	vst v0  }
0xc4: {  	v0 =	vld.idx.msk [tilespmem:v2+s3+$0x0], $0xffff;
	_ =	sdelay $0x4  }
0xc5: {  	[tilespmem:s19+$0x19700] =	vst v0;
	v0 =	vld [tilespmem:s19+$0x18720]  }
0xc6: {  	v1 =	vld.idx.msk [tilespmem:v1+s3+$0x0], $0xffff;
	_ =	sdelay $0x4  }
0xc7: {  	[tilespmem:s19+$0x19710] =	vst v1;
	v1 =	vld [tilespmem:s19+$0x18730];
	_ =	sdelay $0x1  }
0xc8: {  	v0 =	vld.idx.msk [tilespmem:v0+s3+$0x0], $0xffff;
	_ =	sdelay $0x4  }
0xc9: {  	[tilespmem:s19+$0x19720] =	vst v0;
	v0 =	vld [tilespmem:s19+$0x18740]  }
0xca: {  	v1 =	vld.idx.msk [tilespmem:v1+s3+$0x0], $0xffff;
	_ =	sdelay $0x4  }
0xcb: {  	[tilespmem:s19+$0x19730] =	vst v1;
	v1 =	vld [tilespmem:s19+$0x18750];
	_ =	sdelay $0x1  }
0xcc: {  	v0 =	vld.idx.msk [tilespmem:v0+s3+$0x0], $0xffff;
	_ =	sdelay $0x4  }
0xcd: {  	[tilespmem:s19+$0x19740] =	vst v0;
	v0 =	vld [tilespmem:s19+$0x18760]  }
0xce: {  	v1 =	vld.idx.msk [tilespmem:v1+s3+$0x0], $0xffff;
	_ =	sdelay $0x4  }
0xcf: {  	[tilespmem:s19+$0x19750] =	vst v1;
	v1 =	vld [tilespmem:s19+$0x18770];
	_ =	sdelay $0x1  }
0xd0: {  	v0 =	vld.idx.msk [tilespmem:v0+s3+$0x0], $0xffff;
	_ =	sdelay $0x4  }
0xd1: {  	[tilespmem:s19+$0x19760] =	vst v0  }
0xd2: {  	v0 =	vld.idx.msk [tilespmem:v1+s3+$0x0], $0xffff;
	_ =	sdelay $0x4  }
0xd3: {  	s31 =	simm.s32 $0x0;
	[tilespmem:s19+$0x19770] =	vst v0  }
0xd4: {  	[hbm4b:s8+s31] =	stream.linear.scatter [tilespmem:s15], [sflag:$0x1], $0x1000, $0x38;
	[tilespmem:$0x1A700] =	vst v63  }
0xd5: {  	_ =	swait.ge [sflag:s13], $0x1000  }
0xd6: {  	[sflag:s13] =	ssyncset.done $0x0  }
0xd7: {  	[sflag:s13] =	ssyncadd.s32 $0xFFFFF000  }
0xd8: {  	[tilespmem:s14], [sflag:$0x1] =	stream.linear.gather [hbm4b:s9+s31], $0x1000, $0x38;
	[tilespmem:$0x1A700] =	vst v63  }
0xd9: {  	_ =	swait.ge [sflag:s13], $0x1000  }
0xda: {  	[sflag:s13] =	ssyncset.done $0x0  }
0xdb: {  	s17 =	simm.s32 $0x0;
	[sflag:s13] =	ssyncadd.s32 $0xFFFFF000  }
0xdc: {  	v0 =	vld [tilespmem:s17+$0x18700];
	_ =	sdelay $0x5  }
0xdd: {  	v1 =	vld [tilespmem:s17+$0x18710];
	_ =	sdelay $0x1  }
0xde: {  	v0 =	vld.idx.msk [tilespmem:v0+s3+$0x0], $0xffff;
	_ =	sdelay $0x4  }
0xdf: {  	[tilespmem:s17+$0x19700] =	vst v0;
	v0 =	vld [tilespmem:s17+$0x18720]  }
0xe0: {  	v1 =	vld.idx.msk [tilespmem:v1+s3+$0x0], $0xffff;
	_ =	sdelay $0x4  }
0xe1: {  	[tilespmem:s17+$0x19710] =	vst v1;
	v1 =	vld [tilespmem:s17+$0x18730];
	_ =	sdelay $0x1  }
0xe2: {  	v0 =	vld.idx.msk [tilespmem:v0+s3+$0x0], $0xffff;
	_ =	sdelay $0x4  }
0xe3: {  	[tilespmem:s17+$0x19720] =	vst v0;
	v0 =	vld [tilespmem:s17+$0x18740]  }
0xe4: {  	v1 =	vld.idx.msk [tilespmem:v1+s3+$0x0], $0xffff;
	_ =	sdelay $0x4  }
0xe5: {  	[tilespmem:s17+$0x19730] =	vst v1;
	v1 =	vld [tilespmem:s17+$0x18750];
	_ =	sdelay $0x1  }
0xe6: {  	v0 =	vld.idx.msk [tilespmem:v0+s3+$0x0], $0xffff;
	_ =	sdelay $0x4  }
0xe7: {  	v2 =	vld [tilespmem:s17+$0x18760];
	[tilespmem:s17+$0x19740] =	vst v0  }
0xe8: {  	v0 =	vld.idx.msk [tilespmem:v1+s3+$0x0], $0xffff;
	_ =	sdelay $0x4  }
0xe9: {  	[tilespmem:s17+$0x19750] =	vst v0;
	v0 =	vld [tilespmem:s17+$0x18770];
	_ =	sdelay $0x1  }
0xea: {  	v1 =	vld.idx.msk [tilespmem:v2+s3+$0x0], $0xffff;
	_ =	sdelay $0x3  }
0xeb: {  	s18 =	simm.s32 $0x400;
	s19 =	simm.s32 $0x80  }
.LBB2_9:
0xec: {  	p0 =	sne.s32 s18, $0x3E00;
	v2 =	vld [tilespmem:s19+$0x18700];
	[tilespmem:s17+$0x19760] =	vst v1  }
0xed: {  	v0 =	vld.idx.msk [tilespmem:v0+s3+$0x0], $0xffff;
	_ =	sdelay $0x5  }
0xee: {  	v1 =	vld [tilespmem:s19+$0x18710];
	[tilespmem:s17+$0x19770] =	vst v0;
	s17 =	smov.u32 s19  }
0xef: {  	v0 =	vld.idx.msk [tilespmem:v2+s3+$0x0], $0xffff;
	_ =	sdelay $0x5  }
0xf0: {  	[tilespmem:s17+$0x19700] =	vst v0;
	v0 =	vld [tilespmem:s17+$0x18720]  }
0xf1: {  	v1 =	vld.idx.msk [tilespmem:v1+s3+$0x0], $0xffff;
	_ =	sdelay $0x5  }
0xf2: {  	[tilespmem:s17+$0x19710] =	vst v1;
	v1 =	vld [tilespmem:s17+$0x18730]  }
0xf3: {  	v0 =	vld.idx.msk [tilespmem:v0+s3+$0x0], $0xffff;
	_ =	sdelay $0x5  }
0xf4: {  	[tilespmem:s17+$0x19720] =	vst v0;
	v0 =	vld [tilespmem:s17+$0x18740]  }
0xf5: {  	v1 =	vld.idx.msk [tilespmem:v1+s3+$0x0], $0xffff;
	_ =	sdelay $0x5  }
0xf6: {  	[tilespmem:s17+$0x19730] =	vst v1;
	v1 =	vld [tilespmem:s17+$0x18750]  }
0xf7: {  	v0 =	vld.idx.msk [tilespmem:v0+s3+$0x0], $0xffff;
	_ =	sdelay $0x5  }
0xf8: {  	[tilespmem:s17+$0x19740] =	vst v0;
	v2 =	vld [tilespmem:s17+$0x18760]  }
0xf9: {  	v0 =	vld.idx.msk [tilespmem:v1+s3+$0x0], $0xffff;
	_ =	sdelay $0x5  }
0xfa: {  	[tilespmem:s17+$0x19750] =	vst v0;
	v0 =	vld [tilespmem:s17+$0x18770]  }
0xfb: {  	v1 =	vld.idx.msk [tilespmem:v2+s3+$0x0], $0xffff  }
.Ltmp4:
0xfc: {  	(pc) =	sbr.rel @p0 .LBB2_9-.Ltmp4, $2  }
0xfd: {  	_ =	sdelay $0x2  }
0xfe: {  	s19 =	sshra.s32 s18, $0x2;
	s18 =	sadd.s32 $0x200, s18  }
0xff: {  	_ =	sdelay $0x1  }
0x100: {  	v2 =	vld [tilespmem:s19+$0x18700]  }
0x101: {  	[tilespmem:s17+$0x19760] =	vst v1  }
0x102: {  	v0 =	vld.idx.msk [tilespmem:v0+s3+$0x0], $0xffff;
	_ =	sdelay $0x3  }
0x103: {  	v1 =	vld [tilespmem:s19+$0x18710]  }
0x104: {  	[tilespmem:s17+$0x19770] =	vst v0  }
0x105: {  	v0 =	vld.idx.msk [tilespmem:v2+s3+$0x0], $0xffff;
	_ =	sdelay $0x3  }
0x106: {  	v58 =	vld [tilespmem:s19+$0x18720]  }
0x107: {  	[tilespmem:s19+$0x19700] =	vst v0  }
0x108: {  	v1 =	vld.idx.msk [tilespmem:v1+s3+$0x0], $0xffff;
	_ =	sdelay $0x3  }
0x109: {  	v59 =	vld [tilespmem:s19+$0x18730]  }
0x10a: {  	[tilespmem:s19+$0x19710] =	vst v1  }
0x10b: {  	v0 =	vld.idx.msk [tilespmem:v58+s3+$0x0], $0xffff;
	_ =	sdelay $0x3  }
0x10c: {  	v60 =	vld [tilespmem:s19+$0x18740]  }
0x10d: {  	[tilespmem:s19+$0x19720] =	vst v0  }
0x10e: {  	v1 =	vld.idx.msk [tilespmem:v59+s3+$0x0], $0xffff;
	_ =	sdelay $0x3  }
0x10f: {  	v61 =	vld [tilespmem:s19+$0x18750]  }
0x110: {  	[tilespmem:s19+$0x19730] =	vst v1  }
0x111: {  	v0 =	vld.idx.msk [tilespmem:v60+s3+$0x0], $0xffff;
	_ =	sdelay $0x3  }
0x112: {  	v62 =	vld [tilespmem:s19+$0x18760]  }
0x113: {  	[tilespmem:s19+$0x19740] =	vst v0  }
0x114: {  	v1 =	vld.idx.msk [tilespmem:v61+s3+$0x0], $0xffff;
	_ =	sdelay $0x3  }
0x115: {  	v63 =	vld [tilespmem:s19+$0x18770]  }
0x116: {  	[tilespmem:s19+$0x19750] =	vst v1  }
0x117: {  	v0 =	vld.idx.msk [tilespmem:v62+s3+$0x0], $0xffff;
	_ =	sdelay $0x4  }
0x118: {  	[tilespmem:s19+$0x19760] =	vst v0  }
0x119: {  	v0 =	vld.idx.msk [tilespmem:v63+s3+$0x0], $0xffff;
	_ =	sdelay $0x2  }
0x11a: {  	s16 =	sadd.s32 $0x1, s16  }
0x11b: {  	p0 =	sne.s32 s16, s12  }
.Ltmp5:
0x11c: {  	[tilespmem:s19+$0x19770] =	vst v0;
	(pc) =	sbr.rel @p0 .LBB2_2-.Ltmp5, $4  }
0x11d: {  	[hbm4b:s10+s3] =	stream.linear.scatter [tilespmem:s15], [sflag:$0x1], $0x1000, $0x38;
	[tilespmem:$0x1A700] =	vst v63  }
0x11e: {  	_ =	swait.ge [sflag:s13], $0x1000  }
0x11f: {  	[sflag:s13] =	ssyncset.done $0x0  }
0x120: {  	[sflag:s13] =	ssyncadd.s32 $0xFFFFF000  }
.LBB2_11:
0x121: {  	_ =	sfence.sel $0x180000  }
0x122: {  	[bflag:$0x0] =	sbarrier.arrive $0xFFFF  }
0x123: {  	p0 =	sne.s32 s1, $0x0;
	_ =	strace $0x90000047  }
0x124: {  	s0 =	sadd.s32 @!p0 $0x100000, s0;
	[bflag:$0x2] =	sbarrier.arrive $0xFFFF  }
0x125: {  	[sflag:s0] =	ssyncadd.tile.s32 @!p0 $0x1;
	_ =	shalt  }
.Lfunc_end2:
_tile_overlayer_lowered:
.L_overlay_start_2:
0x126: {  	(tag) =	ssettag $0x2  }
0x127: {  	s0 =	rddreg [dreg:$0x0];
	s2 =	stileid.u32  }
0x128: {  	s1 =	rddreg [dreg:$0x1];
	p0 =	sne.s32 s2, $0x0  }
0x129: {  	s3 =	rddreg [dreg:$0x2];
	[bflag:$0x3] =	sbarrier.arrive $0xFFFF;
	s2 =	simm.s32 @!p0 $0x1C01  }
0x12a: {  	[timem:s3], [sflag:s2] =	dma.local @!p0 [hbm:s0], s1  }
0x12b: {  	s0 =	simm.s32 @!p0 $0x1  }
0x12c: {  	_ =	swait.ge @!p0 [sflag:s0], s1  }
0x12d: {  	s1 =	ssub.s32 @!p0 $0x0, s1;
	[sflag:s0] =	ssyncset.done @!p0 $0x0  }
0x12e: {  	[sflag:s0] =	ssyncadd.s32 @!p0 s1  }
0x12f: {  	[bflag:$0x3] =	sbarrier.arrive $0xFFFF  }
0x130: {  	_ =	shalt  }

</sc_bundles>
